<compile_context>
chip_gen: v7x
topology: tpu7x:2x2x1
jax: 0.10.2.dev20260603
libtpu: 0.0.44.dev20260713+nightly
codegen_flags: <defaults>
</compile_context>

<pallas_src>
import functools

import jax
import jax.numpy as jnp
from jax import lax
from jax.experimental import pallas as pl
from jax.experimental.pallas import tpu as pltpu
from jax.experimental.pallas import tpu_sc as plsc

B, L, D, C = 4096, 200, 64, 7
NC, NS, LANES = 2, 16, 16
NW = NC * NS
ROWS_PER_W = B // NW
STAGE = 32
NCHUNK = 13
IDXN = 224
GMAX = NCHUNK * 16

_mesh = plsc.VectorSubcoreMesh(core_axis_name="c", subcore_axis_name="s")


def _pool_body(mids_hbm, table_hbm, out_hbm,
               mids_v, idx0_v, idx1_v, rows0_v, rows1_v, out_v, emb0_v,
               sem0, sem1):
    wid = lax.axis_index("s") * NC + lax.axis_index("c")
    w_base = wid * ROWS_PER_W
    iota = lax.iota(jnp.int32, LANES)

    def stage(s):
        sl = pl.ds(pl.multiple_of(w_base + s, STAGE), STAGE)
        pltpu.sync_copy(mids_hbm.at[sl, :], mids_v)

    def build_issue(r, idx_v, rows_ref, sem):
        rl = lax.rem(r, STAGE)
        off = jnp.int32(0)
        for j in range(NCHUNK):
            woff = j * 16 if j < NCHUNK - 1 else L - 16
            ids16 = mids_v[rl, pl.ds(woff, 16)]
            m = ids16 > 0
            if j == NCHUNK - 1:
                m = jnp.logical_and(m, iota >= NCHUNK * 16 - L)
            plsc.store_compressed(idx_v.at[pl.ds(off, 16)], ids16, mask=m)
            off = off + jnp.sum(m.astype(jnp.int32))
        nz = off
        idx_v[pl.ds(nz, 16)] = jnp.zeros((16,), jnp.int32)
        nc = (nz + 15) >> 4

        def issue(c, _):
            idx16 = idx_v[pl.ds(c * 16, 16)]
            pltpu.make_async_copy(
                table_hbm.at[idx16],
                rows_ref.at[pl.ds(c * 16, 16), :],
                sem).start()
            return _

        lax.fori_loop(0, nc, issue, jnp.int32(0))
        return nc

    def wait_acc(r, nc, rows_ref, sem):

        def drain(c, _):
            pltpu.make_async_copy(
                table_hbm.at[pl.ds(0, 16), :],
                rows_ref.at[pl.ds(c * 16, 16), :],
                sem).wait()
            return _

        lax.fori_loop(0, nc, drain, jnp.int32(0))

        def acc_chunk(c, acc):
            a0, a1, a2, a3 = acc
            for t in range(16):
                row = c * 16 + t
                a0 = a0 + rows_ref[row, pl.ds(0, 16)]
                a1 = a1 + rows_ref[row, pl.ds(16, 16)]
                a2 = a2 + rows_ref[row, pl.ds(32, 16)]
                a3 = a3 + rows_ref[row, pl.ds(48, 16)]
            return (a0, a1, a2, a3)

        z = jnp.zeros((LANES,), jnp.float32)
        acc = lax.fori_loop(0, nc, acc_chunk, (z, z, z, z))
        coef = (jnp.int32(L) - nc * 16).astype(jnp.float32)
        rl = lax.rem(r, STAGE)
        for d in range(4):
            out_v[rl, pl.ds(d * 16, 16)] = (
                acc[d] + coef * emb0_v[0, pl.ds(d * 16, 16)])

    def flush(r):
        s = r - (STAGE - 1)
        pltpu.sync_copy(
            out_v, out_hbm.at[pl.ds(pl.multiple_of(w_base + s, STAGE), STAGE), :])

    pltpu.sync_copy(table_hbm.at[pl.ds(0, 1), :], emb0_v)
    stage(jnp.int32(0))
    nc0 = build_issue(jnp.int32(0), idx0_v, rows0_v, sem0)

    def two_rows(rr, nc_even):
        r_odd = 2 * rr + 1
        r_even = 2 * rr + 2
        nc_odd = build_issue(r_odd, idx1_v, rows1_v, sem1)
        wait_acc(2 * rr, nc_even, rows0_v, sem0)

        @pl.when(lax.rem(r_even, STAGE) == 0)
        def _():
            stage(r_even)

        nc_even = build_issue(r_even, idx0_v, rows0_v, sem0)
        wait_acc(r_odd, nc_odd, rows1_v, sem1)

        @pl.when(lax.rem(r_odd, STAGE) == STAGE - 1)
        def _():
            flush(r_odd)

        return nc_even

    nc_last = lax.fori_loop(0, ROWS_PER_W // 2 - 1, two_rows, nc0)
    nc_odd = build_issue(jnp.int32(ROWS_PER_W - 1), idx1_v, rows1_v, sem1)
    wait_acc(jnp.int32(ROWS_PER_W - 2), nc_last, rows0_v, sem0)
    wait_acc(jnp.int32(ROWS_PER_W - 1), nc_odd, rows1_v, sem1)
    flush(jnp.int32(ROWS_PER_W - 1))


_pool = functools.partial(
    pl.kernel,
    out_type=jax.ShapeDtypeStruct((B, D), jnp.float32),
    mesh=_mesh,
    compiler_params=pltpu.CompilerParams(needs_layout_passes=False,
                                         use_tc_tiling_on_sc=False),
    scratch_types=[
        pltpu.VMEM((STAGE, L), jnp.int32),
        pltpu.VMEM((IDXN,), jnp.int32),
        pltpu.VMEM((IDXN,), jnp.int32),
        pltpu.VMEM((GMAX, D), jnp.float32),
        pltpu.VMEM((GMAX, D), jnp.float32),
        pltpu.VMEM((STAGE, D), jnp.float32),
        pltpu.VMEM((1, D), jnp.float32),
        pltpu.SemaphoreType.DMA,
        pltpu.SemaphoreType.DMA,
    ],
)(_pool_body)


def _mlp_body(sums_ref, att_ref, drop_ref, lab_ref, W1_ref, b1_ref, W2_ref,
              b2_ref, W3_ref, b3_ref, loss_ref, logits_ref):
    nz = jnp.sum((att_ref[...] * drop_ref[...]).astype(jnp.float32), axis=1,
                 keepdims=True)
    x = sums_ref[...] / nz
    h = jnp.maximum(jnp.dot(x, W1_ref[...],
                            preferred_element_type=jnp.float32,
                            precision=lax.Precision.HIGHEST) + b1_ref[...], 0.0)
    h = jnp.maximum(jnp.dot(h, W2_ref[...],
                            preferred_element_type=jnp.float32,
                            precision=lax.Precision.HIGHEST) + b2_ref[...], 0.0)
    logits = jnp.dot(h, W3_ref[...],
                     preferred_element_type=jnp.float32,
                            precision=lax.Precision.HIGHEST) + b3_ref[...]
    col = lax.broadcasted_iota(jnp.int32, logits.shape, 1)
    valid = col < C
    neg = jnp.where(valid, logits, -1e30)
    m = jnp.max(neg, axis=1, keepdims=True)
    e = jnp.where(valid, jnp.exp(logits - m), 0.0)
    s = jnp.sum(e, axis=1, keepdims=True)
    logp = logits - m - jnp.log(s)
    pick = jnp.where(col == lab_ref[...], logp, 0.0)
    loss_ref[0, 0] = -jnp.sum(pick) / jnp.float32(B)
    logits_ref[...] = logits[:, :C]


def _mlp(sums, att, drop, lab2, W1, b1, W2, b2, W3p, b3p):
    return pl.pallas_call(
        _mlp_body,
        out_shape=(jax.ShapeDtypeStruct((1, 1), jnp.float32),
                   jax.ShapeDtypeStruct((B, C), jnp.float32)),
        out_specs=(pl.BlockSpec(memory_space=pltpu.SMEM),
                   pl.BlockSpec(memory_space=pltpu.VMEM)),
    )(sums, att, drop, lab2, W1, b1, W2, b2, W3p, b3p)


def kernel(input_ids, attention_masks, labels, dropout_mask, emb_table,
           W1, b1, W2, b2, W3, b3):
    att = attention_masks.astype(jnp.int32)
    drop = dropout_mask.astype(jnp.int32)
    mids = input_ids.astype(jnp.int32) * att * drop
    sums = _pool(mids, emb_table)

    W3p = jnp.zeros((D, 128), jnp.float32).at[:, :C].set(W3)
    b3p = jnp.zeros((128,), jnp.float32).at[:C].set(b3)
    lab2 = labels.astype(jnp.int32).reshape(B, 1)
    loss2, logits = _mlp(sums, att, drop, lab2, W1, b1.reshape(1, D),
                         W2, b2.reshape(1, D), W3p, b3p.reshape(1, 128))
    return loss2[0, 0], logits

# --- scband reference (transcript-rebuilt; emitter-appended) ---
"""Pipeline reference for scband-dan-39908836115064 (READ-ONLY COPY).

The authoritative reference and input builder live on the scoring server;
editing this copy changes nothing except your own understanding.
"""

import jax, jax.numpy as jnp
import numpy as np

B, L, V, D, C = 4096, 200, 1000000, 64, 7

def setup_inputs(seed: int = 0) -> dict:
    key = jax.random.key(seed)
    ks = jax.random.split(key, 12)
    input_ids = jax.random.randint(ks[0], (B, L), 0, V, dtype=jnp.int64) if jax.config.jax_enable_x64 else jax.random.randint(ks[0], (B, L), 0, V)
    attention_masks = jax.random.randint(ks[1], (B, L), 0, 2)
    labels = jax.random.randint(ks[2], (B,), 0, C)
    # torch code builds a Bernoulli(1-p) keep-mask via Dropout(p=0.3) on ones -> bool -> int
    dropout_mask = (jax.random.uniform(ks[3], (B, L)) > 0.3).astype(jnp.int32)
    emb_table = jax.random.normal(ks[4], (V, D), dtype=jnp.float32)
    W1 = jax.random.normal(ks[5], (D, D), dtype=jnp.float32) * 0.05
    b1 = jnp.zeros((D,), jnp.float32)
    W2 = jax.random.normal(ks[6], (D, D), dtype=jnp.float32) * 0.05
    b2 = jnp.zeros((D,), jnp.float32)
    W3 = jax.random.normal(ks[7], (D, C), dtype=jnp.float32) * 0.05
    b3 = jnp.zeros((C,), jnp.float32)
    return {"input_ids": input_ids, "attention_masks": attention_masks, "labels": labels,
            "dropout_mask": dropout_mask, "emb_table": emb_table,
            "W1": W1, "b1": b1, "W2": W2, "b2": b2, "W3": W3, "b3": b3}

def reference(input_ids, attention_masks, labels, dropout_mask, emb_table, W1, b1, W2, b2, W3, b3):
    # attention_masks = attention_masks * dropout_mask
    am = attention_masks.astype(jnp.int32) * dropout_mask
    # masked = input_ids * attention_masks
    masked = input_ids * am.astype(input_ids.dtype)
    # embs = self.embeddings(masked)  -> gather from table
    embs = jnp.take(emb_table, masked, axis=0)  # [B, L, D]
    # nonzeros per row of the combined mask
    nz = jnp.count_nonzero(am, axis=1).astype(jnp.float32)  # [B]
    avg = jnp.sum(embs, axis=1)  # [B, D]
    avg = avg * (1.0 / nz)[:, None]
    # classifier: Linear -> ReLU -> Linear -> ReLU -> Linear
    h = jax.nn.relu(avg @ W1 + b1)
    h = jax.nn.relu(h @ W2 + b2)
    logits = h @ W3 + b3  # [B, C]
    # CrossEntropyLoss (mean reduction)
    logp = jax.nn.log_softmax(logits, axis=-1)
    loss = -jnp.mean(jnp.take_along_axis(logp, labels[:, None], axis=1))
    return loss, logits

if __name__ == "__main__":
    import jax
    _d = setup_inputs()
    print(jax.jit(kernel)(*tuple(_d.values())))

</pallas_src>

<mosaic_0001>
#map = affine_map<(d0, d1) -> (0, 0)>
module attributes {stable_mosaic.version = 14 : i64} {
  func.func @_pool_body(%arg0: i32, %arg1: i32, %arg2: memref<4096x200xi32, #tpu.memory_space<hbm>>, %arg3: memref<1000000x64xf32, #tpu.memory_space<hbm>>, %arg4: memref<4096x64xf32, #tpu.memory_space<hbm>>, %arg5: memref<32x200xi32, #tpu.memory_space<vmem>>, %arg6: memref<224xi32, #tpu.memory_space<vmem>>, %arg7: memref<224xi32, #tpu.memory_space<vmem>>, %arg8: memref<208x64xf32, #tpu.memory_space<vmem>>, %arg9: memref<208x64xf32, #tpu.memory_space<vmem>>, %arg10: memref<32x64xf32, #tpu.memory_space<vmem>>, %arg11: memref<1x64xf32, #tpu.memory_space<vmem>>, %arg12: memref<!tpu.dma_semaphore, #tpu.memory_space<semaphore_mem>>, %arg13: memref<!tpu.dma_semaphore, #tpu.memory_space<semaphore_mem>>) attributes {dimension_semantics = [#tpu.dimension_semantics<core_parallel>, #tpu.dimension_semantics<subcore_parallel>], iteration_bounds = array<i64: 2, 16>, scalar_prefetch = 0 : i64, scratch_operands = 9 : i64, tpu.core_type = #tpu.core_type<sc_vector_subcore>, window_params = [{transform_indices = #map}, {transform_indices = #map}, {transform_indices = #map}]} {
    %mul3A = arith.constant 2 : i32
    %mul3A_0 = arith.muli %arg1, %mul3A : i32
    %add3A = arith.addi %mul3A_0, %arg0 : i32
    %mul3A_1 = arith.constant 128 : i32
    %mul3A_2 = arith.muli %add3A, %mul3A_1 : i32
    %iota3A = tpu.iota {dimensions = array<i32: 0>} : vector<16xi32>
    "tpu.region"() ({
      %run_scoped3A = tpu.sem_alloc : memref<!tpu.dma_semaphore, #tpu.memory_space<semaphore_mem>>
      %dma_start3A = arith.constant 0 : i32
      %dma_start3A_563 = arith.constant 0 : i32
      %dma_start3A_564 = tpu.memref_slice %arg3[%dma_start3A, %dma_start3A_563] : memref<1000000x64xf32, #tpu.memory_space<hbm>> -> memref<1x64xf32, #tpu.memory_space<hbm>>
      %dma_start3A_565 = arith.constant 0 : i32
      %dma_start3A_566 = arith.constant 0 : i32
      %dma_start3A_567 = tpu.memref_slice %arg3[%dma_start3A_565, %dma_start3A_566] : memref<1000000x64xf32, #tpu.memory_space<hbm>> -> memref<1x64xf32, #tpu.memory_space<hbm>>
      tpu.enqueue_dma source(%dma_start3A_567 : memref<1x64xf32, #tpu.memory_space<hbm>>) target(%arg11 : memref<1x64xf32, #tpu.memory_space<vmem>>) target_semaphore(%run_scoped3A : memref<!tpu.dma_semaphore, #tpu.memory_space<semaphore_mem>>)
      %dma_wait3A = arith.constant 0 : i32
      %dma_wait3A_568 = arith.constant 0 : i32
      %dma_wait3A_569 = tpu.memref_slice %arg3[%dma_wait3A, %dma_wait3A_568] : memref<1000000x64xf32, #tpu.memory_space<hbm>> -> memref<1x64xf32, #tpu.memory_space<hbm>>
      %dma_wait3A_570 = arith.constant 0 : i32
      %dma_wait3A_571 = arith.constant 0 : i32
      %dma_wait3A_572 = tpu.memref_slice %arg3[%dma_wait3A_570, %dma_wait3A_571] : memref<1000000x64xf32, #tpu.memory_space<hbm>> -> memref<1x64xf32, #tpu.memory_space<hbm>>
      tpu.wait_dma2 semaphore(%run_scoped3A : memref<!tpu.dma_semaphore, #tpu.memory_space<semaphore_mem>>) src(%dma_wait3A_572 : memref<1x64xf32, #tpu.memory_space<hbm>>) dst(%arg11 : memref<1x64xf32, #tpu.memory_space<vmem>>)
      tpu.yield
    }) : () -> ()
    %add3A_3 = arith.constant 0 : i32
    %add3A_4 = arith.addi %mul3A_2, %add3A_3 : i32
    %multiple_of3A = tpu.assume_multiple %add3A_4, 32 : i32
    "tpu.region"() ({
      %run_scoped3A = tpu.sem_alloc : memref<!tpu.dma_semaphore, #tpu.memory_space<semaphore_mem>>
      %dma_start3A = arith.constant 0 : i32
      %dma_start3A_563 = tpu.memref_slice %arg2[%multiple_of3A, %dma_start3A] : memref<4096x200xi32, #tpu.memory_space<hbm>> -> memref<32x200xi32, #tpu.memory_space<hbm>>
      %dma_start3A_564 = arith.constant 0 : i32
      %dma_start3A_565 = tpu.memref_slice %arg2[%multiple_of3A, %dma_start3A_564] : memref<4096x200xi32, #tpu.memory_space<hbm>> -> memref<32x200xi32, #tpu.memory_space<hbm>>
      tpu.enqueue_dma source(%dma_start3A_565 : memref<32x200xi32, #tpu.memory_space<hbm>>) target(%arg5 : memref<32x200xi32, #tpu.memory_space<vmem>>) target_semaphore(%run_scoped3A : memref<!tpu.dma_semaphore, #tpu.memory_space<semaphore_mem>>)
      %dma_wait3A = arith.constant 0 : i32
      %dma_wait3A_566 = tpu.memref_slice %arg2[%multiple_of3A, %dma_wait3A] : memref<4096x200xi32, #tpu.memory_space<hbm>> -> memref<32x200xi32, #tpu.memory_space<hbm>>
      %dma_wait3A_567 = arith.constant 0 : i32
      %dma_wait3A_568 = tpu.memref_slice %arg2[%multiple_of3A, %dma_wait3A_567] : memref<4096x200xi32, #tpu.memory_space<hbm>> -> memref<32x200xi32, #tpu.memory_space<hbm>>
      tpu.wait_dma2 semaphore(%run_scoped3A : memref<!tpu.dma_semaphore, #tpu.memory_space<semaphore_mem>>) src(%dma_wait3A_568 : memref<32x200xi32, #tpu.memory_space<hbm>>) dst(%arg5 : memref<32x200xi32, #tpu.memory_space<vmem>>)
      tpu.yield
    }) : () -> ()
    %rem3A = arith.constant 0 : i32
    %rem3A_5 = arith.constant 32 : i32
    %rem3A_6 = arith.remsi %rem3A, %rem3A_5 : i32
    %get3A = arith.index_cast %rem3A_6 : i32 to index
    %get3A_7 = arith.constant 0 : index
    %get3A_8 = tpu.vector_load %arg5[%get3A, %get3A_7] {strides = array<i32>} : memref<32x200xi32, #tpu.memory_space<vmem>>, vector<16xi32>,
    %gt3A = arith.constant 0 : i32
    %gt3A_9 = vector.broadcast %gt3A : i32 to vector<16xi32>
    %gt3A_10 = arith.cmpi sgt, %get3A_8, %gt3A_9 : vector<16xi32>
    %swap3A = arith.constant 0 : i32
    %swap3A_11 = arith.index_cast %swap3A : i32 to index
    %swap3A_12 = tpu.vector_load %arg6[%swap3A_11] masked %gt3A_10 {strides = array<i32>} : memref<224xi32, #tpu.memory_space<vmem>>, vector<16xi32>, vector<16xi1>
    tpu.vector_store %arg6[%swap3A_11], %get3A_8 masked %gt3A_10 {strides = array<i32>} : memref<224xi32, #tpu.memory_space<vmem>>, vector<16xi32>, vector<16xi1>
    %convert_element_type3A = arith.extui %gt3A_10 : vector<16xi1> to vector<16xi32>
    %reduce_sum3A = arith.constant true
    %reduce_sum3A_13 = vector.broadcast %reduce_sum3A : i1 to vector<16xi1>
    %reduce_sum3A_14 = tpu.scan <sum>, %convert_element_type3A masked %reduce_sum3A_13 : vector<16xi32>, vector<16xi1> -> vector<16xi32>
    %reduce_sum3A_15 = vector.extract %reduce_sum3A_14[15] : i32 from vector<16xi32>
    %add3A_16 = arith.constant 0 : i32
    %add3A_17 = arith.addi %add3A_16, %reduce_sum3A_15 : i32
    %get3A_18 = arith.index_cast %rem3A_6 : i32 to index
    %get3A_19 = arith.constant 16 : index
    %get3A_20 = tpu.vector_load %arg5[%get3A_18, %get3A_19] {strides = array<i32>} : memref<32x200xi32, #tpu.memory_space<vmem>>, vector<16xi32>,
    %gt3A_21 = arith.constant 0 : i32
    %gt3A_22 = vector.broadcast %gt3A_21 : i32 to vector<16xi32>
    %gt3A_23 = arith.cmpi sgt, %get3A_20, %gt3A_22 : vector<16xi32>
    %swap3A_24 = arith.index_cast %add3A_17 : i32 to index
    %swap3A_25 = tpu.vector_load %arg6[%swap3A_24] masked %gt3A_23 {strides = array<i32>} : memref<224xi32, #tpu.memory_space<vmem>>, vector<16xi32>, vector<16xi1>
    tpu.vector_store %arg6[%swap3A_24], %get3A_20 masked %gt3A_23 {strides = array<i32>} : memref<224xi32, #tpu.memory_space<vmem>>, vector<16xi32>, vector<16xi1>
    %convert_element_type3A_26 = arith.extui %gt3A_23 : vector<16xi1> to vector<16xi32>
    %reduce_sum3A_27 = arith.constant true
    %reduce_sum3A_28 = vector.broadcast %reduce_sum3A_27 : i1 to vector<16xi1>
    %reduce_sum3A_29 = tpu.scan <sum>, %convert_element_type3A_26 masked %reduce_sum3A_28 : vector<16xi32>, vector<16xi1> -> vector<16xi32>
    %reduce_sum3A_30 = vector.extract %reduce_sum3A_29[15] : i32 from vector<16xi32>
    %add3A_31 = arith.addi %add3A_17, %reduce_sum3A_30 : i32
    %get3A_32 = arith.index_cast %rem3A_6 : i32 to index
    %get3A_33 = arith.constant 32 : index
    %get3A_34 = tpu.vector_load %arg5[%get3A_32, %get3A_33] {strides = array<i32>} : memref<32x200xi32, #tpu.memory_space<vmem>>, vector<16xi32>,
    %gt3A_35 = arith.constant 0 : i32
    %gt3A_36 = vector.broadcast %gt3A_35 : i32 to vector<16xi32>
    %gt3A_37 = arith.cmpi sgt, %get3A_34, %gt3A_36 : vector<16xi32>
    %swap3A_38 = arith.index_cast %add3A_31 : i32 to index
    %swap3A_39 = tpu.vector_load %arg6[%swap3A_38] masked %gt3A_37 {strides = array<i32>} : memref<224xi32, #tpu.memory_space<vmem>>, vector<16xi32>, vector<16xi1>
    tpu.vector_store %arg6[%swap3A_38], %get3A_34 masked %gt3A_37 {strides = array<i32>} : memref<224xi32, #tpu.memory_space<vmem>>, vector<16xi32>, vector<16xi1>
    %convert_element_type3A_40 = arith.extui %gt3A_37 : vector<16xi1> to vector<16xi32>
    %reduce_sum3A_41 = arith.constant true
    %reduce_sum3A_42 = vector.broadcast %reduce_sum3A_41 : i1 to vector<16xi1>
    %reduce_sum3A_43 = tpu.scan <sum>, %convert_element_type3A_40 masked %reduce_sum3A_42 : vector<16xi32>, vector<16xi1> -> vector<16xi32>
    %reduce_sum3A_44 = vector.extract %reduce_sum3A_43[15] : i32 from vector<16xi32>
    %add3A_45 = arith.addi %add3A_31, %reduce_sum3A_44 : i32
    %get3A_46 = arith.index_cast %rem3A_6 : i32 to index
    %get3A_47 = arith.constant 48 : index
    %get3A_48 = tpu.vector_load %arg5[%get3A_46, %get3A_47] {strides = array<i32>} : memref<32x200xi32, #tpu.memory_space<vmem>>, vector<16xi32>,
    %gt3A_49 = arith.constant 0 : i32
    %gt3A_50 = vector.broadcast %gt3A_49 : i32 to vector<16xi32>
    %gt3A_51 = arith.cmpi sgt, %get3A_48, %gt3A_50 : vector<16xi32>
    %swap3A_52 = arith.index_cast %add3A_45 : i32 to index
    %swap3A_53 = tpu.vector_load %arg6[%swap3A_52] masked %gt3A_51 {strides = array<i32>} : memref<224xi32, #tpu.memory_space<vmem>>, vector<16xi32>, vector<16xi1>
    tpu.vector_store %arg6[%swap3A_52], %get3A_48 masked %gt3A_51 {strides = array<i32>} : memref<224xi32, #tpu.memory_space<vmem>>, vector<16xi32>, vector<16xi1>
    %convert_element_type3A_54 = arith.extui %gt3A_51 : vector<16xi1> to vector<16xi32>
    %reduce_sum3A_55 = arith.constant true
    %reduce_sum3A_56 = vector.broadcast %reduce_sum3A_55 : i1 to vector<16xi1>
    %reduce_sum3A_57 = tpu.scan <sum>, %convert_element_type3A_54 masked %reduce_sum3A_56 : vector<16xi32>, vector<16xi1> -> vector<16xi32>
    %reduce_sum3A_58 = vector.extract %reduce_sum3A_57[15] : i32 from vector<16xi32>
    %add3A_59 = arith.addi %add3A_45, %reduce_sum3A_58 : i32
    %get3A_60 = arith.index_cast %rem3A_6 : i32 to index
    %get3A_61 = arith.constant 64 : index
    %get3A_62 = tpu.vector_load %arg5[%get3A_60, %get3A_61] {strides = array<i32>} : memref<32x200xi32, #tpu.memory_space<vmem>>, vector<16xi32>,
    %gt3A_63 = arith.constant 0 : i32
    %gt3A_64 = vector.broadcast %gt3A_63 : i32 to vector<16xi32>
    %gt3A_65 = arith.cmpi sgt, %get3A_62, %gt3A_64 : vector<16xi32>
    %swap3A_66 = arith.index_cast %add3A_59 : i32 to index
    %swap3A_67 = tpu.vector_load %arg6[%swap3A_66] masked %gt3A_65 {strides = array<i32>} : memref<224xi32, #tpu.memory_space<vmem>>, vector<16xi32>, vector<16xi1>
    tpu.vector_store %arg6[%swap3A_66], %get3A_62 masked %gt3A_65 {strides = array<i32>} : memref<224xi32, #tpu.memory_space<vmem>>, vector<16xi32>, vector<16xi1>
    %convert_element_type3A_68 = arith.extui %gt3A_65 : vector<16xi1> to vector<16xi32>
    %reduce_sum3A_69 = arith.constant true
    %reduce_sum3A_70 = vector.broadcast %reduce_sum3A_69 : i1 to vector<16xi1>
    %reduce_sum3A_71 = tpu.scan <sum>, %convert_element_type3A_68 masked %reduce_sum3A_70 : vector<16xi32>, vector<16xi1> -> vector<16xi32>
    %reduce_sum3A_72 = vector.extract %reduce_sum3A_71[15] : i32 from vector<16xi32>
    %add3A_73 = arith.addi %add3A_59, %reduce_sum3A_72 : i32
    %get3A_74 = arith.index_cast %rem3A_6 : i32 to index
    %get3A_75 = arith.constant 80 : index
    %get3A_76 = tpu.vector_load %arg5[%get3A_74, %get3A_75] {strides = array<i32>} : memref<32x200xi32, #tpu.memory_space<vmem>>, vector<16xi32>,
    %gt3A_77 = arith.constant 0 : i32
    %gt3A_78 = vector.broadcast %gt3A_77 : i32 to vector<16xi32>
    %gt3A_79 = arith.cmpi sgt, %get3A_76, %gt3A_78 : vector<16xi32>
    %swap3A_80 = arith.index_cast %add3A_73 : i32 to index
    %swap3A_81 = tpu.vector_load %arg6[%swap3A_80] masked %gt3A_79 {strides = array<i32>} : memref<224xi32, #tpu.memory_space<vmem>>, vector<16xi32>, vector<16xi1>
    tpu.vector_store %arg6[%swap3A_80], %get3A_76 masked %gt3A_79 {strides = array<i32>} : memref<224xi32, #tpu.memory_space<vmem>>, vector<16xi32>, vector<16xi1>
    %convert_element_type3A_82 = arith.extui %gt3A_79 : vector<16xi1> to vector<16xi32>
    %reduce_sum3A_83 = arith.constant true
    %reduce_sum3A_84 = vector.broadcast %reduce_sum3A_83 : i1 to vector<16xi1>
    %reduce_sum3A_85 = tpu.scan <sum>, %convert_element_type3A_82 masked %reduce_sum3A_84 : vector<16xi32>, vector<16xi1> -> vector<16xi32>
    %reduce_sum3A_86 = vector.extract %reduce_sum3A_85[15] : i32 from vector<16xi32>
    %add3A_87 = arith.addi %add3A_73, %reduce_sum3A_86 : i32
    %get3A_88 = arith.index_cast %rem3A_6 : i32 to index
    %get3A_89 = arith.constant 96 : index
    %get3A_90 = tpu.vector_load %arg5[%get3A_88, %get3A_89] {strides = array<i32>} : memref<32x200xi32, #tpu.memory_space<vmem>>, vector<16xi32>,
    %gt3A_91 = arith.constant 0 : i32
    %gt3A_92 = vector.broadcast %gt3A_91 : i32 to vector<16xi32>
    %gt3A_93 = arith.cmpi sgt, %get3A_90, %gt3A_92 : vector<16xi32>
    %swap3A_94 = arith.index_cast %add3A_87 : i32 to index
    %swap3A_95 = tpu.vector_load %arg6[%swap3A_94] masked %gt3A_93 {strides = array<i32>} : memref<224xi32, #tpu.memory_space<vmem>>, vector<16xi32>, vector<16xi1>
    tpu.vector_store %arg6[%swap3A_94], %get3A_90 masked %gt3A_93 {strides = array<i32>} : memref<224xi32, #tpu.memory_space<vmem>>, vector<16xi32>, vector<16xi1>
    %convert_element_type3A_96 = arith.extui %gt3A_93 : vector<16xi1> to vector<16xi32>
    %reduce_sum3A_97 = arith.constant true
    %reduce_sum3A_98 = vector.broadcast %reduce_sum3A_97 : i1 to vector<16xi1>
    %reduce_sum3A_99 = tpu.scan <sum>, %convert_element_type3A_96 masked %reduce_sum3A_98 : vector<16xi32>, vector<16xi1> -> vector<16xi32>
    %reduce_sum3A_100 = vector.extract %reduce_sum3A_99[15] : i32 from vector<16xi32>
    %add3A_101 = arith.addi %add3A_87, %reduce_sum3A_100 : i32
    %get3A_102 = arith.index_cast %rem3A_6 : i32 to index
    %get3A_103 = arith.constant 112 : index
    %get3A_104 = tpu.vector_load %arg5[%get3A_102, %get3A_103] {strides = array<i32>} : memref<32x200xi32, #tpu.memory_space<vmem>>, vector<16xi32>,
    %gt3A_105 = arith.constant 0 : i32
    %gt3A_106 = vector.broadcast %gt3A_105 : i32 to vector<16xi32>
    %gt3A_107 = arith.cmpi sgt, %get3A_104, %gt3A_106 : vector<16xi32>
    %swap3A_108 = arith.index_cast %add3A_101 : i32 to index
    %swap3A_109 = tpu.vector_load %arg6[%swap3A_108] masked %gt3A_107 {strides = array<i32>} : memref<224xi32, #tpu.memory_space<vmem>>, vector<16xi32>, vector<16xi1>
    tpu.vector_store %arg6[%swap3A_108], %get3A_104 masked %gt3A_107 {strides = array<i32>} : memref<224xi32, #tpu.memory_space<vmem>>, vector<16xi32>, vector<16xi1>
    %convert_element_type3A_110 = arith.extui %gt3A_107 : vector<16xi1> to vector<16xi32>
    %reduce_sum3A_111 = arith.constant true
    %reduce_sum3A_112 = vector.broadcast %reduce_sum3A_111 : i1 to vector<16xi1>
    %reduce_sum3A_113 = tpu.scan <sum>, %convert_element_type3A_110 masked %reduce_sum3A_112 : vector<16xi32>, vector<16xi1> -> vector<16xi32>
    %reduce_sum3A_114 = vector.extract %reduce_sum3A_113[15] : i32 from vector<16xi32>
    %add3A_115 = arith.addi %add3A_101, %reduce_sum3A_114 : i32
    %get3A_116 = arith.index_cast %rem3A_6 : i32 to index
    %get3A_117 = arith.constant 128 : index
    %get3A_118 = tpu.vector_load %arg5[%get3A_116, %get3A_117] {strides = array<i32>} : memref<32x200xi32, #tpu.memory_space<vmem>>, vector<16xi32>,
    %gt3A_119 = arith.constant 0 : i32
    %gt3A_120 = vector.broadcast %gt3A_119 : i32 to vector<16xi32>
    %gt3A_121 = arith.cmpi sgt, %get3A_118, %gt3A_120 : vector<16xi32>
    %swap3A_122 = arith.index_cast %add3A_115 : i32 to index
    %swap3A_123 = tpu.vector_load %arg6[%swap3A_122] masked %gt3A_121 {strides = array<i32>} : memref<224xi32, #tpu.memory_space<vmem>>, vector<16xi32>, vector<16xi1>
    tpu.vector_store %arg6[%swap3A_122], %get3A_118 masked %gt3A_121 {strides = array<i32>} : memref<224xi32, #tpu.memory_space<vmem>>, vector<16xi32>, vector<16xi1>
    %convert_element_type3A_124 = arith.extui %gt3A_121 : vector<16xi1> to vector<16xi32>
    %reduce_sum3A_125 = arith.constant true
    %reduce_sum3A_126 = vector.broadcast %reduce_sum3A_125 : i1 to vector<16xi1>
    %reduce_sum3A_127 = tpu.scan <sum>, %convert_element_type3A_124 masked %reduce_sum3A_126 : vector<16xi32>, vector<16xi1> -> vector<16xi32>
    %reduce_sum3A_128 = vector.extract %reduce_sum3A_127[15] : i32 from vector<16xi32>
    %add3A_129 = arith.addi %add3A_115, %reduce_sum3A_128 : i32
    %get3A_130 = arith.index_cast %rem3A_6 : i32 to index
    %get3A_131 = arith.constant 144 : index
    %get3A_132 = tpu.vector_load %arg5[%get3A_130, %get3A_131] {strides = array<i32>} : memref<32x200xi32, #tpu.memory_space<vmem>>, vector<16xi32>,
    %gt3A_133 = arith.constant 0 : i32
    %gt3A_134 = vector.broadcast %gt3A_133 : i32 to vector<16xi32>
    %gt3A_135 = arith.cmpi sgt, %get3A_132, %gt3A_134 : vector<16xi32>
    %swap3A_136 = arith.index_cast %add3A_129 : i32 to index
    %swap3A_137 = tpu.vector_load %arg6[%swap3A_136] masked %gt3A_135 {strides = array<i32>} : memref<224xi32, #tpu.memory_space<vmem>>, vector<16xi32>, vector<16xi1>
    tpu.vector_store %arg6[%swap3A_136], %get3A_132 masked %gt3A_135 {strides = array<i32>} : memref<224xi32, #tpu.memory_space<vmem>>, vector<16xi32>, vector<16xi1>
    %convert_element_type3A_138 = arith.extui %gt3A_135 : vector<16xi1> to vector<16xi32>
    %reduce_sum3A_139 = arith.constant true
    %reduce_sum3A_140 = vector.broadcast %reduce_sum3A_139 : i1 to vector<16xi1>
    %reduce_sum3A_141 = tpu.scan <sum>, %convert_element_type3A_138 masked %reduce_sum3A_140 : vector<16xi32>, vector<16xi1> -> vector<16xi32>
    %reduce_sum3A_142 = vector.extract %reduce_sum3A_141[15] : i32 from vector<16xi32>
    %add3A_143 = arith.addi %add3A_129, %reduce_sum3A_142 : i32
    %get3A_144 = arith.index_cast %rem3A_6 : i32 to index
    %get3A_145 = arith.constant 160 : index
    %get3A_146 = tpu.vector_load %arg5[%get3A_144, %get3A_145] {strides = array<i32>} : memref<32x200xi32, #tpu.memory_space<vmem>>, vector<16xi32>,
    %gt3A_147 = arith.constant 0 : i32
    %gt3A_148 = vector.broadcast %gt3A_147 : i32 to vector<16xi32>
    %gt3A_149 = arith.cmpi sgt, %get3A_146, %gt3A_148 : vector<16xi32>
    %swap3A_150 = arith.index_cast %add3A_143 : i32 to index
    %swap3A_151 = tpu.vector_load %arg6[%swap3A_150] masked %gt3A_149 {strides = array<i32>} : memref<224xi32, #tpu.memory_space<vmem>>, vector<16xi32>, vector<16xi1>
    tpu.vector_store %arg6[%swap3A_150], %get3A_146 masked %gt3A_149 {strides = array<i32>} : memref<224xi32, #tpu.memory_space<vmem>>, vector<16xi32>, vector<16xi1>
    %convert_element_type3A_152 = arith.extui %gt3A_149 : vector<16xi1> to vector<16xi32>
    %reduce_sum3A_153 = arith.constant true
    %reduce_sum3A_154 = vector.broadcast %reduce_sum3A_153 : i1 to vector<16xi1>
    %reduce_sum3A_155 = tpu.scan <sum>, %convert_element_type3A_152 masked %reduce_sum3A_154 : vector<16xi32>, vector<16xi1> -> vector<16xi32>
    %reduce_sum3A_156 = vector.extract %reduce_sum3A_155[15] : i32 from vector<16xi32>
    %add3A_157 = arith.addi %add3A_143, %reduce_sum3A_156 : i32
    %get3A_158 = arith.index_cast %rem3A_6 : i32 to index
    %get3A_159 = arith.constant 176 : index
    %get3A_160 = tpu.vector_load %arg5[%get3A_158, %get3A_159] {strides = array<i32>} : memref<32x200xi32, #tpu.memory_space<vmem>>, vector<16xi32>,
    %gt3A_161 = arith.constant 0 : i32
    %gt3A_162 = vector.broadcast %gt3A_161 : i32 to vector<16xi32>
    %gt3A_163 = arith.cmpi sgt, %get3A_160, %gt3A_162 : vector<16xi32>
    %swap3A_164 = arith.index_cast %add3A_157 : i32 to index
    %swap3A_165 = tpu.vector_load %arg6[%swap3A_164] masked %gt3A_163 {strides = array<i32>} : memref<224xi32, #tpu.memory_space<vmem>>, vector<16xi32>, vector<16xi1>
    tpu.vector_store %arg6[%swap3A_164], %get3A_160 masked %gt3A_163 {strides = array<i32>} : memref<224xi32, #tpu.memory_space<vmem>>, vector<16xi32>, vector<16xi1>
    %convert_element_type3A_166 = arith.extui %gt3A_163 : vector<16xi1> to vector<16xi32>
    %reduce_sum3A_167 = arith.constant true
    %reduce_sum3A_168 = vector.broadcast %reduce_sum3A_167 : i1 to vector<16xi1>
    %reduce_sum3A_169 = tpu.scan <sum>, %convert_element_type3A_166 masked %reduce_sum3A_168 : vector<16xi32>, vector<16xi1> -> vector<16xi32>
    %reduce_sum3A_170 = vector.extract %reduce_sum3A_169[15] : i32 from vector<16xi32>
    %add3A_171 = arith.addi %add3A_157, %reduce_sum3A_170 : i32
    %get3A_172 = arith.index_cast %rem3A_6 : i32 to index
    %get3A_173 = arith.constant 184 : index
    %get3A_174 = tpu.vector_load %arg5[%get3A_172, %get3A_173] {strides = array<i32>} : memref<32x200xi32, #tpu.memory_space<vmem>>, vector<16xi32>,
    %gt3A_175 = arith.constant 0 : i32
    %gt3A_176 = vector.broadcast %gt3A_175 : i32 to vector<16xi32>
    %gt3A_177 = arith.cmpi sgt, %get3A_174, %gt3A_176 : vector<16xi32>
    %ge3A = arith.constant 8 : i32
    %ge3A_178 = vector.broadcast %ge3A : i32 to vector<16xi32>
    %ge3A_179 = arith.cmpi sge, %iota3A, %ge3A_178 : vector<16xi32>
    %and3A = arith.andi %gt3A_177, %ge3A_179 : vector<16xi1>
    %swap3A_180 = arith.index_cast %add3A_171 : i32 to index
    %swap3A_181 = tpu.vector_load %arg6[%swap3A_180] masked %and3A {strides = array<i32>} : memref<224xi32, #tpu.memory_space<vmem>>, vector<16xi32>, vector<16xi1>
    tpu.vector_store %arg6[%swap3A_180], %get3A_174 masked %and3A {strides = array<i32>} : memref<224xi32, #tpu.memory_space<vmem>>, vector<16xi32>, vector<16xi1>
    %convert_element_type3A_182 = arith.extui %and3A : vector<16xi1> to vector<16xi32>
    %reduce_sum3A_183 = arith.constant true
    %reduce_sum3A_184 = vector.broadcast %reduce_sum3A_183 : i1 to vector<16xi1>
    %reduce_sum3A_185 = tpu.scan <sum>, %convert_element_type3A_182 masked %reduce_sum3A_184 : vector<16xi32>, vector<16xi1> -> vector<16xi32>
    %reduce_sum3A_186 = vector.extract %reduce_sum3A_185[15] : i32 from vector<16xi32>
    %add3A_187 = arith.addi %add3A_171, %reduce_sum3A_186 : i32
    %broadcast_in_dim3A = arith.constant 0 : i32
    %broadcast_in_dim3A_188 = vector.broadcast %broadcast_in_dim3A : i32 to vector<16xi32>
    %swap3A_189 = arith.index_cast %add3A_187 : i32 to index
    %swap3A_190 = tpu.vector_load %arg6[%swap3A_189] {strides = array<i32>} : memref<224xi32, #tpu.memory_space<vmem>>, vector<16xi32>,
    tpu.vector_store %arg6[%swap3A_189], %broadcast_in_dim3A_188 {strides = array<i32>} : memref<224xi32, #tpu.memory_space<vmem>>, vector<16xi32>,
    %add3A_191 = arith.constant 15 : i32
    %add3A_192 = arith.addi %add3A_187, %add3A_191 : i32
    %shift_right_arithmetic3A = arith.constant 4 : i32
    %shift_right_arithmetic3A_193 = arith.shrsi %add3A_192, %shift_right_arithmetic3A : i32
    %while3A = arith.constant 0 : i32
    %while3A_194 = arith.constant 0 : i32
    %while3A_195 = arith.subi %shift_right_arithmetic3A_193, %while3A_194 : i32
    %while3A_196 = arith.addi %while3A_194, %while3A_195 : i32
    %while3A_197 = arith.constant 1 : i32
    %while3A_198 = arith.divsi %while3A_195, %while3A_197 : i32
    %while3A_199 = arith.muli %while3A_198, %while3A_197 : i32
    %while3A_200 = arith.addi %while3A_194, %while3A_199 : i32
    %while3A_201 = arith.constant 1 : i32
    scf.for %while3A_563 = %while3A_194 to %while3A_200 step %while3A_201  : i32 {
      %mul3A_564 = arith.constant 16 : i32
      %mul3A_565 = arith.muli %while3A_563, %mul3A_564 : i32
      %get3A_566 = arith.index_cast %mul3A_565 : i32 to index
      %get3A_567 = tpu.vector_load %arg6[%get3A_566] {strides = array<i32>} : memref<224xi32, #tpu.memory_space<vmem>>, vector<16xi32>,
      %mul3A_568 = arith.constant 16 : i32
      %mul3A_569 = arith.muli %while3A_563, %mul3A_568 : i32
      %dma_start3A = arith.constant 0 : i32
      %dma_start3A_570 = tpu.memref_slice %arg8[%mul3A_569, %dma_start3A] : memref<208x64xf32, #tpu.memory_space<vmem>> -> memref<16x64xf32, #tpu.memory_space<vmem>>
      %dma_start3A_571 = arith.constant 0 : i32
      %dma_start3A_572 = arith.constant 0 : i32
      %dma_start3A_573 = tpu.memref_slice %arg3[%dma_start3A_571, %dma_start3A_572] : memref<1000000x64xf32, #tpu.memory_space<hbm>> -> memref<1000000x64xf32, #tpu.memory_space<hbm>>
      tpu.enqueue_indirect_dma source(%dma_start3A_573 : memref<1000000x64xf32, #tpu.memory_space<hbm>>) target(%dma_start3A_570 : memref<16x64xf32, #tpu.memory_space<vmem>>) offsets(%get3A_567 : vector<16xi32>) semaphore(%arg12 : memref<!tpu.dma_semaphore, #tpu.memory_space<semaphore_mem>>)
    }
    %while3A_202 = arith.constant 1 : i32
    scf.for %while3A_563 = %while3A_200 to %while3A_196 step %while3A_202  : i32 {
      %mul3A_564 = arith.constant 16 : i32
      %mul3A_565 = arith.muli %while3A_563, %mul3A_564 : i32
      %get3A_566 = arith.index_cast %mul3A_565 : i32 to index
      %get3A_567 = tpu.vector_load %arg6[%get3A_566] {strides = array<i32>} : memref<224xi32, #tpu.memory_space<vmem>>, vector<16xi32>,
      %mul3A_568 = arith.constant 16 : i32
      %mul3A_569 = arith.muli %while3A_563, %mul3A_568 : i32
      %dma_start3A = arith.constant 0 : i32
      %dma_start3A_570 = tpu.memref_slice %arg8[%mul3A_569, %dma_start3A] : memref<208x64xf32, #tpu.memory_space<vmem>> -> memref<16x64xf32, #tpu.memory_space<vmem>>
      %dma_start3A_571 = arith.constant 0 : i32
      %dma_start3A_572 = arith.constant 0 : i32
      %dma_start3A_573 = tpu.memref_slice %arg3[%dma_start3A_571, %dma_start3A_572] : memref<1000000x64xf32, #tpu.memory_space<hbm>> -> memref<1000000x64xf32, #tpu.memory_space<hbm>>
      tpu.enqueue_indirect_dma source(%dma_start3A_573 : memref<1000000x64xf32, #tpu.memory_space<hbm>>) target(%dma_start3A_570 : memref<16x64xf32, #tpu.memory_space<vmem>>) offsets(%get3A_567 : vector<16xi32>) semaphore(%arg12 : memref<!tpu.dma_semaphore, #tpu.memory_space<semaphore_mem>>)
    }
    %scan3A = arith.constant 0 : i32
    %scan3A_203 = arith.constant 63 : i32
    %scan3A_204 = arith.addi %scan3A, %scan3A_203 : i32
    %scan3A_205 = arith.constant 1 : i32
    %scan3A_206 = scf.for %scan3A_563 = %scan3A to %scan3A_204 step %scan3A_205 iter_args(%scan3A_564 = %shift_right_arithmetic3A_193) -> (i32)  : i32 {
      %mul3A_565 = arith.constant 2 : i32
      %mul3A_566 = arith.muli %mul3A_565, %scan3A_563 : i32
      %add3A_567 = arith.constant 1 : i32
      %add3A_568 = arith.addi %mul3A_566, %add3A_567 : i32
      %mul3A_569 = arith.constant 2 : i32
      %mul3A_570 = arith.muli %mul3A_569, %scan3A_563 : i32
      %add3A_571 = arith.constant 2 : i32
      %add3A_572 = arith.addi %mul3A_570, %add3A_571 : i32
      %rem3A_573 = arith.constant 32 : i32
      %rem3A_574 = arith.remsi %add3A_568, %rem3A_573 : i32
      %get3A_575 = arith.index_cast %rem3A_574 : i32 to index
      %get3A_576 = arith.constant 0 : index
      %get3A_577 = tpu.vector_load %arg5[%get3A_575, %get3A_576] {strides = array<i32>} : memref<32x200xi32, #tpu.memory_space<vmem>>, vector<16xi32>,
      %gt3A_578 = arith.constant 0 : i32
      %gt3A_579 = vector.broadcast %gt3A_578 : i32 to vector<16xi32>
      %gt3A_580 = arith.cmpi sgt, %get3A_577, %gt3A_579 : vector<16xi32>
      %swap3A_581 = arith.constant 0 : i32
      %swap3A_582 = arith.index_cast %swap3A_581 : i32 to index
      %swap3A_583 = tpu.vector_load %arg7[%swap3A_582] masked %gt3A_580 {strides = array<i32>} : memref<224xi32, #tpu.memory_space<vmem>>, vector<16xi32>, vector<16xi1>
      tpu.vector_store %arg7[%swap3A_582], %get3A_577 masked %gt3A_580 {strides = array<i32>} : memref<224xi32, #tpu.memory_space<vmem>>, vector<16xi32>, vector<16xi1>
      %convert_element_type3A_584 = arith.extui %gt3A_580 : vector<16xi1> to vector<16xi32>
      %reduce_sum3A_585 = arith.constant true
      %reduce_sum3A_586 = vector.broadcast %reduce_sum3A_585 : i1 to vector<16xi1>
      %reduce_sum3A_587 = tpu.scan <sum>, %convert_element_type3A_584 masked %reduce_sum3A_586 : vector<16xi32>, vector<16xi1> -> vector<16xi32>
      %reduce_sum3A_588 = vector.extract %reduce_sum3A_587[15] : i32 from vector<16xi32>
      %add3A_589 = arith.constant 0 : i32
      %add3A_590 = arith.addi %add3A_589, %reduce_sum3A_588 : i32
      %get3A_591 = arith.index_cast %rem3A_574 : i32 to index
      %get3A_592 = arith.constant 16 : index
      %get3A_593 = tpu.vector_load %arg5[%get3A_591, %get3A_592] {strides = array<i32>} : memref<32x200xi32, #tpu.memory_space<vmem>>, vector<16xi32>,
      %gt3A_594 = arith.constant 0 : i32
      %gt3A_595 = vector.broadcast %gt3A_594 : i32 to vector<16xi32>
      %gt3A_596 = arith.cmpi sgt, %get3A_593, %gt3A_595 : vector<16xi32>
      %swap3A_597 = arith.index_cast %add3A_590 : i32 to index
      %swap3A_598 = tpu.vector_load %arg7[%swap3A_597] masked %gt3A_596 {strides = array<i32>} : memref<224xi32, #tpu.memory_space<vmem>>, vector<16xi32>, vector<16xi1>
      tpu.vector_store %arg7[%swap3A_597], %get3A_593 masked %gt3A_596 {strides = array<i32>} : memref<224xi32, #tpu.memory_space<vmem>>, vector<16xi32>, vector<16xi1>
      %convert_element_type3A_599 = arith.extui %gt3A_596 : vector<16xi1> to vector<16xi32>
      %reduce_sum3A_600 = arith.constant true
      %reduce_sum3A_601 = vector.broadcast %reduce_sum3A_600 : i1 to vector<16xi1>
      %reduce_sum3A_602 = tpu.scan <sum>, %convert_element_type3A_599 masked %reduce_sum3A_601 : vector<16xi32>, vector<16xi1> -> vector<16xi32>
      %reduce_sum3A_603 = vector.extract %reduce_sum3A_602[15] : i32 from vector<16xi32>
      %add3A_604 = arith.addi %add3A_590, %reduce_sum3A_603 : i32
      %get3A_605 = arith.index_cast %rem3A_574 : i32 to index
      %get3A_606 = arith.constant 32 : index
      %get3A_607 = tpu.vector_load %arg5[%get3A_605, %get3A_606] {strides = array<i32>} : memref<32x200xi32, #tpu.memory_space<vmem>>, vector<16xi32>,
      %gt3A_608 = arith.constant 0 : i32
      %gt3A_609 = vector.broadcast %gt3A_608 : i32 to vector<16xi32>
      %gt3A_610 = arith.cmpi sgt, %get3A_607, %gt3A_609 : vector<16xi32>
      %swap3A_611 = arith.index_cast %add3A_604 : i32 to index
      %swap3A_612 = tpu.vector_load %arg7[%swap3A_611] masked %gt3A_610 {strides = array<i32>} : memref<224xi32, #tpu.memory_space<vmem>>, vector<16xi32>, vector<16xi1>
      tpu.vector_store %arg7[%swap3A_611], %get3A_607 masked %gt3A_610 {strides = array<i32>} : memref<224xi32, #tpu.memory_space<vmem>>, vector<16xi32>, vector<16xi1>
      %convert_element_type3A_613 = arith.extui %gt3A_610 : vector<16xi1> to vector<16xi32>
      %reduce_sum3A_614 = arith.constant true
      %reduce_sum3A_615 = vector.broadcast %reduce_sum3A_614 : i1 to vector<16xi1>
      %reduce_sum3A_616 = tpu.scan <sum>, %convert_element_type3A_613 masked %reduce_sum3A_615 : vector<16xi32>, vector<16xi1> -> vector<16xi32>
      %reduce_sum3A_617 = vector.extract %reduce_sum3A_616[15] : i32 from vector<16xi32>
      %add3A_618 = arith.addi %add3A_604, %reduce_sum3A_617 : i32
      %get3A_619 = arith.index_cast %rem3A_574 : i32 to index
      %get3A_620 = arith.constant 48 : index
      %get3A_621 = tpu.vector_load %arg5[%get3A_619, %get3A_620] {strides = array<i32>} : memref<32x200xi32, #tpu.memory_space<vmem>>, vector<16xi32>,
      %gt3A_622 = arith.constant 0 : i32
      %gt3A_623 = vector.broadcast %gt3A_622 : i32 to vector<16xi32>
      %gt3A_624 = arith.cmpi sgt, %get3A_621, %gt3A_623 : vector<16xi32>
      %swap3A_625 = arith.index_cast %add3A_618 : i32 to index
      %swap3A_626 = tpu.vector_load %arg7[%swap3A_625] masked %gt3A_624 {strides = array<i32>} : memref<224xi32, #tpu.memory_space<vmem>>, vector<16xi32>, vector<16xi1>
      tpu.vector_store %arg7[%swap3A_625], %get3A_621 masked %gt3A_624 {strides = array<i32>} : memref<224xi32, #tpu.memory_space<vmem>>, vector<16xi32>, vector<16xi1>
      %convert_element_type3A_627 = arith.extui %gt3A_624 : vector<16xi1> to vector<16xi32>
      %reduce_sum3A_628 = arith.constant true
      %reduce_sum3A_629 = vector.broadcast %reduce_sum3A_628 : i1 to vector<16xi1>
      %reduce_sum3A_630 = tpu.scan <sum>, %convert_element_type3A_627 masked %reduce_sum3A_629 : vector<16xi32>, vector<16xi1> -> vector<16xi32>
      %reduce_sum3A_631 = vector.extract %reduce_sum3A_630[15] : i32 from vector<16xi32>
      %add3A_632 = arith.addi %add3A_618, %reduce_sum3A_631 : i32
      %get3A_633 = arith.index_cast %rem3A_574 : i32 to index
      %get3A_634 = arith.constant 64 : index
      %get3A_635 = tpu.vector_load %arg5[%get3A_633, %get3A_634] {strides = array<i32>} : memref<32x200xi32, #tpu.memory_space<vmem>>, vector<16xi32>,
      %gt3A_636 = arith.constant 0 : i32
      %gt3A_637 = vector.broadcast %gt3A_636 : i32 to vector<16xi32>
      %gt3A_638 = arith.cmpi sgt, %get3A_635, %gt3A_637 : vector<16xi32>
      %swap3A_639 = arith.index_cast %add3A_632 : i32 to index
      %swap3A_640 = tpu.vector_load %arg7[%swap3A_639] masked %gt3A_638 {strides = array<i32>} : memref<224xi32, #tpu.memory_space<vmem>>, vector<16xi32>, vector<16xi1>
      tpu.vector_store %arg7[%swap3A_639], %get3A_635 masked %gt3A_638 {strides = array<i32>} : memref<224xi32, #tpu.memory_space<vmem>>, vector<16xi32>, vector<16xi1>
      %convert_element_type3A_641 = arith.extui %gt3A_638 : vector<16xi1> to vector<16xi32>
      %reduce_sum3A_642 = arith.constant true
      %reduce_sum3A_643 = vector.broadcast %reduce_sum3A_642 : i1 to vector<16xi1>
      %reduce_sum3A_644 = tpu.scan <sum>, %convert_element_type3A_641 masked %reduce_sum3A_643 : vector<16xi32>, vector<16xi1> -> vector<16xi32>
      %reduce_sum3A_645 = vector.extract %reduce_sum3A_644[15] : i32 from vector<16xi32>
      %add3A_646 = arith.addi %add3A_632, %reduce_sum3A_645 : i32
      %get3A_647 = arith.index_cast %rem3A_574 : i32 to index
      %get3A_648 = arith.constant 80 : index
      %get3A_649 = tpu.vector_load %arg5[%get3A_647, %get3A_648] {strides = array<i32>} : memref<32x200xi32, #tpu.memory_space<vmem>>, vector<16xi32>,
      %gt3A_650 = arith.constant 0 : i32
      %gt3A_651 = vector.broadcast %gt3A_650 : i32 to vector<16xi32>
      %gt3A_652 = arith.cmpi sgt, %get3A_649, %gt3A_651 : vector<16xi32>
      %swap3A_653 = arith.index_cast %add3A_646 : i32 to index
      %swap3A_654 = tpu.vector_load %arg7[%swap3A_653] masked %gt3A_652 {strides = array<i32>} : memref<224xi32, #tpu.memory_space<vmem>>, vector<16xi32>, vector<16xi1>
      tpu.vector_store %arg7[%swap3A_653], %get3A_649 masked %gt3A_652 {strides = array<i32>} : memref<224xi32, #tpu.memory_space<vmem>>, vector<16xi32>, vector<16xi1>
      %convert_element_type3A_655 = arith.extui %gt3A_652 : vector<16xi1> to vector<16xi32>
      %reduce_sum3A_656 = arith.constant true
      %reduce_sum3A_657 = vector.broadcast %reduce_sum3A_656 : i1 to vector<16xi1>
      %reduce_sum3A_658 = tpu.scan <sum>, %convert_element_type3A_655 masked %reduce_sum3A_657 : vector<16xi32>, vector<16xi1> -> vector<16xi32>
      %reduce_sum3A_659 = vector.extract %reduce_sum3A_658[15] : i32 from vector<16xi32>
      %add3A_660 = arith.addi %add3A_646, %reduce_sum3A_659 : i32
      %get3A_661 = arith.index_cast %rem3A_574 : i32 to index
      %get3A_662 = arith.constant 96 : index
      %get3A_663 = tpu.vector_load %arg5[%get3A_661, %get3A_662] {strides = array<i32>} : memref<32x200xi32, #tpu.memory_space<vmem>>, vector<16xi32>,
      %gt3A_664 = arith.constant 0 : i32
      %gt3A_665 = vector.broadcast %gt3A_664 : i32 to vector<16xi32>
      %gt3A_666 = arith.cmpi sgt, %get3A_663, %gt3A_665 : vector<16xi32>
      %swap3A_667 = arith.index_cast %add3A_660 : i32 to index
      %swap3A_668 = tpu.vector_load %arg7[%swap3A_667] masked %gt3A_666 {strides = array<i32>} : memref<224xi32, #tpu.memory_space<vmem>>, vector<16xi32>, vector<16xi1>
      tpu.vector_store %arg7[%swap3A_667], %get3A_663 masked %gt3A_666 {strides = array<i32>} : memref<224xi32, #tpu.memory_space<vmem>>, vector<16xi32>, vector<16xi1>
      %convert_element_type3A_669 = arith.extui %gt3A_666 : vector<16xi1> to vector<16xi32>
      %reduce_sum3A_670 = arith.constant true
      %reduce_sum3A_671 = vector.broadcast %reduce_sum3A_670 : i1 to vector<16xi1>
      %reduce_sum3A_672 = tpu.scan <sum>, %convert_element_type3A_669 masked %reduce_sum3A_671 : vector<16xi32>, vector<16xi1> -> vector<16xi32>
      %reduce_sum3A_673 = vector.extract %reduce_sum3A_672[15] : i32 from vector<16xi32>
      %add3A_674 = arith.addi %add3A_660, %reduce_sum3A_673 : i32
      %get3A_675 = arith.index_cast %rem3A_574 : i32 to index
      %get3A_676 = arith.constant 112 : index
      %get3A_677 = tpu.vector_load %arg5[%get3A_675, %get3A_676] {strides = array<i32>} : memref<32x200xi32, #tpu.memory_space<vmem>>, vector<16xi32>,
      %gt3A_678 = arith.constant 0 : i32
      %gt3A_679 = vector.broadcast %gt3A_678 : i32 to vector<16xi32>
      %gt3A_680 = arith.cmpi sgt, %get3A_677, %gt3A_679 : vector<16xi32>
      %swap3A_681 = arith.index_cast %add3A_674 : i32 to index
      %swap3A_682 = tpu.vector_load %arg7[%swap3A_681] masked %gt3A_680 {strides = array<i32>} : memref<224xi32, #tpu.memory_space<vmem>>, vector<16xi32>, vector<16xi1>
      tpu.vector_store %arg7[%swap3A_681], %get3A_677 masked %gt3A_680 {strides = array<i32>} : memref<224xi32, #tpu.memory_space<vmem>>, vector<16xi32>, vector<16xi1>
      %convert_element_type3A_683 = arith.extui %gt3A_680 : vector<16xi1> to vector<16xi32>
      %reduce_sum3A_684 = arith.constant true
      %reduce_sum3A_685 = vector.broadcast %reduce_sum3A_684 : i1 to vector<16xi1>
      %reduce_sum3A_686 = tpu.scan <sum>, %convert_element_type3A_683 masked %reduce_sum3A_685 : vector<16xi32>, vector<16xi1> -> vector<16xi32>
      %reduce_sum3A_687 = vector.extract %reduce_sum3A_686[15] : i32 from vector<16xi32>
      %add3A_688 = arith.addi %add3A_674, %reduce_sum3A_687 : i32
      %get3A_689 = arith.index_cast %rem3A_574 : i32 to index
      %get3A_690 = arith.constant 128 : index
      %get3A_691 = tpu.vector_load %arg5[%get3A_689, %get3A_690] {strides = array<i32>} : memref<32x200xi32, #tpu.memory_space<vmem>>, vector<16xi32>,
      %gt3A_692 = arith.constant 0 : i32
      %gt3A_693 = vector.broadcast %gt3A_692 : i32 to vector<16xi32>
      %gt3A_694 = arith.cmpi sgt, %get3A_691, %gt3A_693 : vector<16xi32>
      %swap3A_695 = arith.index_cast %add3A_688 : i32 to index
      %swap3A_696 = tpu.vector_load %arg7[%swap3A_695] masked %gt3A_694 {strides = array<i32>} : memref<224xi32, #tpu.memory_space<vmem>>, vector<16xi32>, vector<16xi1>
      tpu.vector_store %arg7[%swap3A_695], %get3A_691 masked %gt3A_694 {strides = array<i32>} : memref<224xi32, #tpu.memory_space<vmem>>, vector<16xi32>, vector<16xi1>
      %convert_element_type3A_697 = arith.extui %gt3A_694 : vector<16xi1> to vector<16xi32>
      %reduce_sum3A_698 = arith.constant true
      %reduce_sum3A_699 = vector.broadcast %reduce_sum3A_698 : i1 to vector<16xi1>
      %reduce_sum3A_700 = tpu.scan <sum>, %convert_element_type3A_697 masked %reduce_sum3A_699 : vector<16xi32>, vector<16xi1> -> vector<16xi32>
      %reduce_sum3A_701 = vector.extract %reduce_sum3A_700[15] : i32 from vector<16xi32>
      %add3A_702 = arith.addi %add3A_688, %reduce_sum3A_701 : i32
      %get3A_703 = arith.index_cast %rem3A_574 : i32 to index
      %get3A_704 = arith.constant 144 : index
      %get3A_705 = tpu.vector_load %arg5[%get3A_703, %get3A_704] {strides = array<i32>} : memref<32x200xi32, #tpu.memory_space<vmem>>, vector<16xi32>,
      %gt3A_706 = arith.constant 0 : i32
      %gt3A_707 = vector.broadcast %gt3A_706 : i32 to vector<16xi32>
      %gt3A_708 = arith.cmpi sgt, %get3A_705, %gt3A_707 : vector<16xi32>
      %swap3A_709 = arith.index_cast %add3A_702 : i32 to index
      %swap3A_710 = tpu.vector_load %arg7[%swap3A_709] masked %gt3A_708 {strides = array<i32>} : memref<224xi32, #tpu.memory_space<vmem>>, vector<16xi32>, vector<16xi1>
      tpu.vector_store %arg7[%swap3A_709], %get3A_705 masked %gt3A_708 {strides = array<i32>} : memref<224xi32, #tpu.memory_space<vmem>>, vector<16xi32>, vector<16xi1>
      %convert_element_type3A_711 = arith.extui %gt3A_708 : vector<16xi1> to vector<16xi32>
      %reduce_sum3A_712 = arith.constant true
      %reduce_sum3A_713 = vector.broadcast %reduce_sum3A_712 : i1 to vector<16xi1>
      %reduce_sum3A_714 = tpu.scan <sum>, %convert_element_type3A_711 masked %reduce_sum3A_713 : vector<16xi32>, vector<16xi1> -> vector<16xi32>
      %reduce_sum3A_715 = vector.extract %reduce_sum3A_714[15] : i32 from vector<16xi32>
      %add3A_716 = arith.addi %add3A_702, %reduce_sum3A_715 : i32
      %get3A_717 = arith.index_cast %rem3A_574 : i32 to index
      %get3A_718 = arith.constant 160 : index
      %get3A_719 = tpu.vector_load %arg5[%get3A_717, %get3A_718] {strides = array<i32>} : memref<32x200xi32, #tpu.memory_space<vmem>>, vector<16xi32>,
      %gt3A_720 = arith.constant 0 : i32
      %gt3A_721 = vector.broadcast %gt3A_720 : i32 to vector<16xi32>
      %gt3A_722 = arith.cmpi sgt, %get3A_719, %gt3A_721 : vector<16xi32>
      %swap3A_723 = arith.index_cast %add3A_716 : i32 to index
      %swap3A_724 = tpu.vector_load %arg7[%swap3A_723] masked %gt3A_722 {strides = array<i32>} : memref<224xi32, #tpu.memory_space<vmem>>, vector<16xi32>, vector<16xi1>
      tpu.vector_store %arg7[%swap3A_723], %get3A_719 masked %gt3A_722 {strides = array<i32>} : memref<224xi32, #tpu.memory_space<vmem>>, vector<16xi32>, vector<16xi1>
      %convert_element_type3A_725 = arith.extui %gt3A_722 : vector<16xi1> to vector<16xi32>
      %reduce_sum3A_726 = arith.constant true
      %reduce_sum3A_727 = vector.broadcast %reduce_sum3A_726 : i1 to vector<16xi1>
      %reduce_sum3A_728 = tpu.scan <sum>, %convert_element_type3A_725 masked %reduce_sum3A_727 : vector<16xi32>, vector<16xi1> -> vector<16xi32>
      %reduce_sum3A_729 = vector.extract %reduce_sum3A_728[15] : i32 from vector<16xi32>
      %add3A_730 = arith.addi %add3A_716, %reduce_sum3A_729 : i32
      %get3A_731 = arith.index_cast %rem3A_574 : i32 to index
      %get3A_732 = arith.constant 176 : index
      %get3A_733 = tpu.vector_load %arg5[%get3A_731, %get3A_732] {strides = array<i32>} : memref<32x200xi32, #tpu.memory_space<vmem>>, vector<16xi32>,
      %gt3A_734 = arith.constant 0 : i32
      %gt3A_735 = vector.broadcast %gt3A_734 : i32 to vector<16xi32>
      %gt3A_736 = arith.cmpi sgt, %get3A_733, %gt3A_735 : vector<16xi32>
      %swap3A_737 = arith.index_cast %add3A_730 : i32 to index
      %swap3A_738 = tpu.vector_load %arg7[%swap3A_737] masked %gt3A_736 {strides = array<i32>} : memref<224xi32, #tpu.memory_space<vmem>>, vector<16xi32>, vector<16xi1>
      tpu.vector_store %arg7[%swap3A_737], %get3A_733 masked %gt3A_736 {strides = array<i32>} : memref<224xi32, #tpu.memory_space<vmem>>, vector<16xi32>, vector<16xi1>
      %convert_element_type3A_739 = arith.extui %gt3A_736 : vector<16xi1> to vector<16xi32>
      %reduce_sum3A_740 = arith.constant true
      %reduce_sum3A_741 = vector.broadcast %reduce_sum3A_740 : i1 to vector<16xi1>
      %reduce_sum3A_742 = tpu.scan <sum>, %convert_element_type3A_739 masked %reduce_sum3A_741 : vector<16xi32>, vector<16xi1> -> vector<16xi32>
      %reduce_sum3A_743 = vector.extract %reduce_sum3A_742[15] : i32 from vector<16xi32>
      %add3A_744 = arith.addi %add3A_730, %reduce_sum3A_743 : i32
      %get3A_745 = arith.index_cast %rem3A_574 : i32 to index
      %get3A_746 = arith.constant 184 : index
      %get3A_747 = tpu.vector_load %arg5[%get3A_745, %get3A_746] {strides = array<i32>} : memref<32x200xi32, #tpu.memory_space<vmem>>, vector<16xi32>,
      %gt3A_748 = arith.constant 0 : i32
      %gt3A_749 = vector.broadcast %gt3A_748 : i32 to vector<16xi32>
      %gt3A_750 = arith.cmpi sgt, %get3A_747, %gt3A_749 : vector<16xi32>
      %ge3A_751 = arith.constant 8 : i32
      %ge3A_752 = vector.broadcast %ge3A_751 : i32 to vector<16xi32>
      %ge3A_753 = arith.cmpi sge, %iota3A, %ge3A_752 : vector<16xi32>
      %and3A_754 = arith.andi %gt3A_750, %ge3A_753 : vector<16xi1>
      %swap3A_755 = arith.index_cast %add3A_744 : i32 to index
      %swap3A_756 = tpu.vector_load %arg7[%swap3A_755] masked %and3A_754 {strides = array<i32>} : memref<224xi32, #tpu.memory_space<vmem>>, vector<16xi32>, vector<16xi1>
      tpu.vector_store %arg7[%swap3A_755], %get3A_747 masked %and3A_754 {strides = array<i32>} : memref<224xi32, #tpu.memory_space<vmem>>, vector<16xi32>, vector<16xi1>
      %convert_element_type3A_757 = arith.extui %and3A_754 : vector<16xi1> to vector<16xi32>
      %reduce_sum3A_758 = arith.constant true
      %reduce_sum3A_759 = vector.broadcast %reduce_sum3A_758 : i1 to vector<16xi1>
      %reduce_sum3A_760 = tpu.scan <sum>, %convert_element_type3A_757 masked %reduce_sum3A_759 : vector<16xi32>, vector<16xi1> -> vector<16xi32>
      %reduce_sum3A_761 = vector.extract %reduce_sum3A_760[15] : i32 from vector<16xi32>
      %add3A_762 = arith.addi %add3A_744, %reduce_sum3A_761 : i32
      %broadcast_in_dim3A_763 = arith.constant 0 : i32
      %broadcast_in_dim3A_764 = vector.broadcast %broadcast_in_dim3A_763 : i32 to vector<16xi32>
      %swap3A_765 = arith.index_cast %add3A_762 : i32 to index
      %swap3A_766 = tpu.vector_load %arg7[%swap3A_765] {strides = array<i32>} : memref<224xi32, #tpu.memory_space<vmem>>, vector<16xi32>,
      tpu.vector_store %arg7[%swap3A_765], %broadcast_in_dim3A_764 {strides = array<i32>} : memref<224xi32, #tpu.memory_space<vmem>>, vector<16xi32>,
      %add3A_767 = arith.constant 15 : i32
      %add3A_768 = arith.addi %add3A_762, %add3A_767 : i32
      %shift_right_arithmetic3A_769 = arith.constant 4 : i32
      %shift_right_arithmetic3A_770 = arith.shrsi %add3A_768, %shift_right_arithmetic3A_769 : i32
      %while3A_771 = arith.constant 0 : i32
      %while3A_772 = arith.constant 0 : i32
      %while3A_773 = arith.subi %shift_right_arithmetic3A_770, %while3A_772 : i32
      %while3A_774 = arith.addi %while3A_772, %while3A_773 : i32
      %while3A_775 = arith.constant 1 : i32
      %while3A_776 = arith.divsi %while3A_773, %while3A_775 : i32
      %while3A_777 = arith.muli %while3A_776, %while3A_775 : i32
      %while3A_778 = arith.addi %while3A_772, %while3A_777 : i32
      %while3A_779 = arith.constant 1 : i32
      scf.for %while3A_1143 = %while3A_772 to %while3A_778 step %while3A_779  : i32 {
        %mul3A_1144 = arith.constant 16 : i32
        %mul3A_1145 = arith.muli %while3A_1143, %mul3A_1144 : i32
        %get3A_1146 = arith.index_cast %mul3A_1145 : i32 to index
        %get3A_1147 = tpu.vector_load %arg7[%get3A_1146] {strides = array<i32>} : memref<224xi32, #tpu.memory_space<vmem>>, vector<16xi32>,
        %mul3A_1148 = arith.constant 16 : i32
        %mul3A_1149 = arith.muli %while3A_1143, %mul3A_1148 : i32
        %dma_start3A = arith.constant 0 : i32
        %dma_start3A_1150 = tpu.memref_slice %arg9[%mul3A_1149, %dma_start3A] : memref<208x64xf32, #tpu.memory_space<vmem>> -> memref<16x64xf32, #tpu.memory_space<vmem>>
        %dma_start3A_1151 = arith.constant 0 : i32
        %dma_start3A_1152 = arith.constant 0 : i32
        %dma_start3A_1153 = tpu.memref_slice %arg3[%dma_start3A_1151, %dma_start3A_1152] : memref<1000000x64xf32, #tpu.memory_space<hbm>> -> memref<1000000x64xf32, #tpu.memory_space<hbm>>
        tpu.enqueue_indirect_dma source(%dma_start3A_1153 : memref<1000000x64xf32, #tpu.memory_space<hbm>>) target(%dma_start3A_1150 : memref<16x64xf32, #tpu.memory_space<vmem>>) offsets(%get3A_1147 : vector<16xi32>) semaphore(%arg13 : memref<!tpu.dma_semaphore, #tpu.memory_space<semaphore_mem>>)
      }
      %while3A_780 = arith.constant 1 : i32
      scf.for %while3A_1143 = %while3A_778 to %while3A_774 step %while3A_780  : i32 {
        %mul3A_1144 = arith.constant 16 : i32
        %mul3A_1145 = arith.muli %while3A_1143, %mul3A_1144 : i32
        %get3A_1146 = arith.index_cast %mul3A_1145 : i32 to index
        %get3A_1147 = tpu.vector_load %arg7[%get3A_1146] {strides = array<i32>} : memref<224xi32, #tpu.memory_space<vmem>>, vector<16xi32>,
        %mul3A_1148 = arith.constant 16 : i32
        %mul3A_1149 = arith.muli %while3A_1143, %mul3A_1148 : i32
        %dma_start3A = arith.constant 0 : i32
        %dma_start3A_1150 = tpu.memref_slice %arg9[%mul3A_1149, %dma_start3A] : memref<208x64xf32, #tpu.memory_space<vmem>> -> memref<16x64xf32, #tpu.memory_space<vmem>>
        %dma_start3A_1151 = arith.constant 0 : i32
        %dma_start3A_1152 = arith.constant 0 : i32
        %dma_start3A_1153 = tpu.memref_slice %arg3[%dma_start3A_1151, %dma_start3A_1152] : memref<1000000x64xf32, #tpu.memory_space<hbm>> -> memref<1000000x64xf32, #tpu.memory_space<hbm>>
        tpu.enqueue_indirect_dma source(%dma_start3A_1153 : memref<1000000x64xf32, #tpu.memory_space<hbm>>) target(%dma_start3A_1150 : memref<16x64xf32, #tpu.memory_space<vmem>>) offsets(%get3A_1147 : vector<16xi32>) semaphore(%arg13 : memref<!tpu.dma_semaphore, #tpu.memory_space<semaphore_mem>>)
      }
      %mul3A_781 = arith.constant 2 : i32
      %mul3A_782 = arith.muli %mul3A_781, %scan3A_563 : i32
      %while3A_783 = arith.constant 0 : i32
      %while3A_784 = arith.constant 0 : i32
      %while3A_785 = arith.subi %scan3A_564, %while3A_784 : i32
      %while3A_786 = arith.addi %while3A_784, %while3A_785 : i32
      %while3A_787 = arith.constant 1 : i32
      %while3A_788 = arith.divsi %while3A_785, %while3A_787 : i32
      %while3A_789 = arith.muli %while3A_788, %while3A_787 : i32
      %while3A_790 = arith.addi %while3A_784, %while3A_789 : i32
      %while3A_791 = arith.constant 1 : i32
      scf.for %while3A_1143 = %while3A_784 to %while3A_790 step %while3A_791  : i32 {
        %mul3A_1144 = arith.constant 16 : i32
        %mul3A_1145 = arith.muli %while3A_1143, %mul3A_1144 : i32
        %dma_wait3A = arith.constant 0 : i32
        %dma_wait3A_1146 = tpu.memref_slice %arg8[%mul3A_1145, %dma_wait3A] : memref<208x64xf32, #tpu.memory_space<vmem>> -> memref<16x64xf32, #tpu.memory_space<vmem>>
        %dma_wait3A_1147 = arith.constant 0 : i32
        %dma_wait3A_1148 = arith.constant 0 : i32
        %dma_wait3A_1149 = tpu.memref_slice %arg3[%dma_wait3A_1147, %dma_wait3A_1148] : memref<1000000x64xf32, #tpu.memory_space<hbm>> -> memref<16x64xf32, #tpu.memory_space<hbm>>
        %dma_wait3A_1150 = arith.constant 0 : i32
        %dma_wait3A_1151 = tpu.memref_slice %arg8[%mul3A_1145, %dma_wait3A_1150] : memref<208x64xf32, #tpu.memory_space<vmem>> -> memref<16x64xf32, #tpu.memory_space<vmem>>
        %dma_wait3A_1152 = arith.constant 0 : i32
        %dma_wait3A_1153 = arith.constant 0 : i32
        %dma_wait3A_1154 = tpu.memref_slice %arg3[%dma_wait3A_1152, %dma_wait3A_1153] : memref<1000000x64xf32, #tpu.memory_space<hbm>> -> memref<16x64xf32, #tpu.memory_space<hbm>>
        tpu.wait_dma2 semaphore(%arg12 : memref<!tpu.dma_semaphore, #tpu.memory_space<semaphore_mem>>) src(%dma_wait3A_1154 : memref<16x64xf32, #tpu.memory_space<hbm>>) dst(%dma_wait3A_1151 : memref<16x64xf32, #tpu.memory_space<vmem>>)
      }
      %while3A_792 = arith.constant 1 : i32
      scf.for %while3A_1143 = %while3A_790 to %while3A_786 step %while3A_792  : i32 {
        %mul3A_1144 = arith.constant 16 : i32
        %mul3A_1145 = arith.muli %while3A_1143, %mul3A_1144 : i32
        %dma_wait3A = arith.constant 0 : i32
        %dma_wait3A_1146 = tpu.memref_slice %arg8[%mul3A_1145, %dma_wait3A] : memref<208x64xf32, #tpu.memory_space<vmem>> -> memref<16x64xf32, #tpu.memory_space<vmem>>
        %dma_wait3A_1147 = arith.constant 0 : i32
        %dma_wait3A_1148 = arith.constant 0 : i32
        %dma_wait3A_1149 = tpu.memref_slice %arg3[%dma_wait3A_1147, %dma_wait3A_1148] : memref<1000000x64xf32, #tpu.memory_space<hbm>> -> memref<16x64xf32, #tpu.memory_space<hbm>>
        %dma_wait3A_1150 = arith.constant 0 : i32
        %dma_wait3A_1151 = tpu.memref_slice %arg8[%mul3A_1145, %dma_wait3A_1150] : memref<208x64xf32, #tpu.memory_space<vmem>> -> memref<16x64xf32, #tpu.memory_space<vmem>>
        %dma_wait3A_1152 = arith.constant 0 : i32
        %dma_wait3A_1153 = arith.constant 0 : i32
        %dma_wait3A_1154 = tpu.memref_slice %arg3[%dma_wait3A_1152, %dma_wait3A_1153] : memref<1000000x64xf32, #tpu.memory_space<hbm>> -> memref<16x64xf32, #tpu.memory_space<hbm>>
        tpu.wait_dma2 semaphore(%arg12 : memref<!tpu.dma_semaphore, #tpu.memory_space<semaphore_mem>>) src(%dma_wait3A_1154 : memref<16x64xf32, #tpu.memory_space<hbm>>) dst(%dma_wait3A_1151 : memref<16x64xf32, #tpu.memory_space<vmem>>)
      }
      %broadcast_in_dim3A_793 = arith.constant 0.000000e+00 : f32
      %broadcast_in_dim3A_794 = vector.broadcast %broadcast_in_dim3A_793 : f32 to vector<16xf32>
      %while3A_795 = arith.constant 0 : i32
      %while3A_796 = arith.subi %scan3A_564, %while3A_795 : i32
      %while3A_797 = arith.addi %while3A_795, %while3A_796 : i32
      %while3A_798 = arith.constant 1 : i32
      %while3A_799 = arith.divsi %while3A_796, %while3A_798 : i32
      %while3A_800 = arith.muli %while3A_799, %while3A_798 : i32
      %while3A_801 = arith.addi %while3A_795, %while3A_800 : i32
      %while3A_802 = arith.constant 1 : i32
      %while3A_803:4 = scf.for %while3A_1143 = %while3A_795 to %while3A_801 step %while3A_802 iter_args(%while3A_1144 = %broadcast_in_dim3A_794, %while3A_1145 = %broadcast_in_dim3A_794, %while3A_1146 = %broadcast_in_dim3A_794, %while3A_1147 = %broadcast_in_dim3A_794) -> (vector<16xf32>, vector<16xf32>, vector<16xf32>, vector<16xf32>)  : i32 {
        %mul3A_1148 = arith.constant 16 : i32
        %mul3A_1149 = arith.muli %while3A_1143, %mul3A_1148 : i32
        %add3A_1150 = arith.constant 0 : i32
        %add3A_1151 = arith.addi %mul3A_1149, %add3A_1150 : i32
        %get3A_1152 = arith.index_cast %add3A_1151 : i32 to index
        %get3A_1153 = arith.constant 0 : index
        %get3A_1154 = tpu.vector_load %arg8[%get3A_1152, %get3A_1153] {strides = array<i32>} : memref<208x64xf32, #tpu.memory_space<vmem>>, vector<16xf32>,
        %add3A_1155 = arith.addf %while3A_1144, %get3A_1154 : vector<16xf32>
        %get3A_1156 = arith.index_cast %add3A_1151 : i32 to index
        %get3A_1157 = arith.constant 16 : index
        %get3A_1158 = tpu.vector_load %arg8[%get3A_1156, %get3A_1157] {strides = array<i32>} : memref<208x64xf32, #tpu.memory_space<vmem>>, vector<16xf32>,
        %add3A_1159 = arith.addf %while3A_1145, %get3A_1158 : vector<16xf32>
        %get3A_1160 = arith.index_cast %add3A_1151 : i32 to index
        %get3A_1161 = arith.constant 32 : index
        %get3A_1162 = tpu.vector_load %arg8[%get3A_1160, %get3A_1161] {strides = array<i32>} : memref<208x64xf32, #tpu.memory_space<vmem>>, vector<16xf32>,
        %add3A_1163 = arith.addf %while3A_1146, %get3A_1162 : vector<16xf32>
        %get3A_1164 = arith.index_cast %add3A_1151 : i32 to index
        %get3A_1165 = arith.constant 48 : index
        %get3A_1166 = tpu.vector_load %arg8[%get3A_1164, %get3A_1165] {strides = array<i32>} : memref<208x64xf32, #tpu.memory_space<vmem>>, vector<16xf32>,
        %add3A_1167 = arith.addf %while3A_1147, %get3A_1166 : vector<16xf32>
        %mul3A_1168 = arith.constant 16 : i32
        %mul3A_1169 = arith.muli %while3A_1143, %mul3A_1168 : i32
        %add3A_1170 = arith.constant 1 : i32
        %add3A_1171 = arith.addi %mul3A_1169, %add3A_1170 : i32
        %get3A_1172 = arith.index_cast %add3A_1171 : i32 to index
        %get3A_1173 = arith.constant 0 : index
        %get3A_1174 = tpu.vector_load %arg8[%get3A_1172, %get3A_1173] {strides = array<i32>} : memref<208x64xf32, #tpu.memory_space<vmem>>, vector<16xf32>,
        %add3A_1175 = arith.addf %add3A_1155, %get3A_1174 : vector<16xf32>
        %get3A_1176 = arith.index_cast %add3A_1171 : i32 to index
        %get3A_1177 = arith.constant 16 : index
        %get3A_1178 = tpu.vector_load %arg8[%get3A_1176, %get3A_1177] {strides = array<i32>} : memref<208x64xf32, #tpu.memory_space<vmem>>, vector<16xf32>,
        %add3A_1179 = arith.addf %add3A_1159, %get3A_1178 : vector<16xf32>
        %get3A_1180 = arith.index_cast %add3A_1171 : i32 to index
        %get3A_1181 = arith.constant 32 : index
        %get3A_1182 = tpu.vector_load %arg8[%get3A_1180, %get3A_1181] {strides = array<i32>} : memref<208x64xf32, #tpu.memory_space<vmem>>, vector<16xf32>,
        %add3A_1183 = arith.addf %add3A_1163, %get3A_1182 : vector<16xf32>
        %get3A_1184 = arith.index_cast %add3A_1171 : i32 to index
        %get3A_1185 = arith.constant 48 : index
        %get3A_1186 = tpu.vector_load %arg8[%get3A_1184, %get3A_1185] {strides = array<i32>} : memref<208x64xf32, #tpu.memory_space<vmem>>, vector<16xf32>,
        %add3A_1187 = arith.addf %add3A_1167, %get3A_1186 : vector<16xf32>
        %mul3A_1188 = arith.constant 16 : i32
        %mul3A_1189 = arith.muli %while3A_1143, %mul3A_1188 : i32
        %add3A_1190 = arith.constant 2 : i32
        %add3A_1191 = arith.addi %mul3A_1189, %add3A_1190 : i32
        %get3A_1192 = arith.index_cast %add3A_1191 : i32 to index
        %get3A_1193 = arith.constant 0 : index
        %get3A_1194 = tpu.vector_load %arg8[%get3A_1192, %get3A_1193] {strides = array<i32>} : memref<208x64xf32, #tpu.memory_space<vmem>>, vector<16xf32>,
        %add3A_1195 = arith.addf %add3A_1175, %get3A_1194 : vector<16xf32>
        %get3A_1196 = arith.index_cast %add3A_1191 : i32 to index
        %get3A_1197 = arith.constant 16 : index
        %get3A_1198 = tpu.vector_load %arg8[%get3A_1196, %get3A_1197] {strides = array<i32>} : memref<208x64xf32, #tpu.memory_space<vmem>>, vector<16xf32>,
        %add3A_1199 = arith.addf %add3A_1179, %get3A_1198 : vector<16xf32>
        %get3A_1200 = arith.index_cast %add3A_1191 : i32 to index
        %get3A_1201 = arith.constant 32 : index
        %get3A_1202 = tpu.vector_load %arg8[%get3A_1200, %get3A_1201] {strides = array<i32>} : memref<208x64xf32, #tpu.memory_space<vmem>>, vector<16xf32>,
        %add3A_1203 = arith.addf %add3A_1183, %get3A_1202 : vector<16xf32>
        %get3A_1204 = arith.index_cast %add3A_1191 : i32 to index
        %get3A_1205 = arith.constant 48 : index
        %get3A_1206 = tpu.vector_load %arg8[%get3A_1204, %get3A_1205] {strides = array<i32>} : memref<208x64xf32, #tpu.memory_space<vmem>>, vector<16xf32>,
        %add3A_1207 = arith.addf %add3A_1187, %get3A_1206 : vector<16xf32>
        %mul3A_1208 = arith.constant 16 : i32
        %mul3A_1209 = arith.muli %while3A_1143, %mul3A_1208 : i32
        %add3A_1210 = arith.constant 3 : i32
        %add3A_1211 = arith.addi %mul3A_1209, %add3A_1210 : i32
        %get3A_1212 = arith.index_cast %add3A_1211 : i32 to index
        %get3A_1213 = arith.constant 0 : index
        %get3A_1214 = tpu.vector_load %arg8[%get3A_1212, %get3A_1213] {strides = array<i32>} : memref<208x64xf32, #tpu.memory_space<vmem>>, vector<16xf32>,
        %add3A_1215 = arith.addf %add3A_1195, %get3A_1214 : vector<16xf32>
        %get3A_1216 = arith.index_cast %add3A_1211 : i32 to index
        %get3A_1217 = arith.constant 16 : index
        %get3A_1218 = tpu.vector_load %arg8[%get3A_1216, %get3A_1217] {strides = array<i32>} : memref<208x64xf32, #tpu.memory_space<vmem>>, vector<16xf32>,
        %add3A_1219 = arith.addf %add3A_1199, %get3A_1218 : vector<16xf32>
        %get3A_1220 = arith.index_cast %add3A_1211 : i32 to index
        %get3A_1221 = arith.constant 32 : index
        %get3A_1222 = tpu.vector_load %arg8[%get3A_1220, %get3A_1221] {strides = array<i32>} : memref<208x64xf32, #tpu.memory_space<vmem>>, vector<16xf32>,
        %add3A_1223 = arith.addf %add3A_1203, %get3A_1222 : vector<16xf32>
        %get3A_1224 = arith.index_cast %add3A_1211 : i32 to index
        %get3A_1225 = arith.constant 48 : index
        %get3A_1226 = tpu.vector_load %arg8[%get3A_1224, %get3A_1225] {strides = array<i32>} : memref<208x64xf32, #tpu.memory_space<vmem>>, vector<16xf32>,
        %add3A_1227 = arith.addf %add3A_1207, %get3A_1226 : vector<16xf32>
        %mul3A_1228 = arith.constant 16 : i32
        %mul3A_1229 = arith.muli %while3A_1143, %mul3A_1228 : i32
        %add3A_1230 = arith.constant 4 : i32
        %add3A_1231 = arith.addi %mul3A_1229, %add3A_1230 : i32
        %get3A_1232 = arith.index_cast %add3A_1231 : i32 to index
        %get3A_1233 = arith.constant 0 : index
        %get3A_1234 = tpu.vector_load %arg8[%get3A_1232, %get3A_1233] {strides = array<i32>} : memref<208x64xf32, #tpu.memory_space<vmem>>, vector<16xf32>,
        %add3A_1235 = arith.addf %add3A_1215, %get3A_1234 : vector<16xf32>
        %get3A_1236 = arith.index_cast %add3A_1231 : i32 to index
        %get3A_1237 = arith.constant 16 : index
        %get3A_1238 = tpu.vector_load %arg8[%get3A_1236, %get3A_1237] {strides = array<i32>} : memref<208x64xf32, #tpu.memory_space<vmem>>, vector<16xf32>,
        %add3A_1239 = arith.addf %add3A_1219, %get3A_1238 : vector<16xf32>
        %get3A_1240 = arith.index_cast %add3A_1231 : i32 to index
        %get3A_1241 = arith.constant 32 : index
        %get3A_1242 = tpu.vector_load %arg8[%get3A_1240, %get3A_1241] {strides = array<i32>} : memref<208x64xf32, #tpu.memory_space<vmem>>, vector<16xf32>,
        %add3A_1243 = arith.addf %add3A_1223, %get3A_1242 : vector<16xf32>
        %get3A_1244 = arith.index_cast %add3A_1231 : i32 to index
        %get3A_1245 = arith.constant 48 : index
        %get3A_1246 = tpu.vector_load %arg8[%get3A_1244, %get3A_1245] {strides = array<i32>} : memref<208x64xf32, #tpu.memory_space<vmem>>, vector<16xf32>,
        %add3A_1247 = arith.addf %add3A_1227, %get3A_1246 : vector<16xf32>
        %mul3A_1248 = arith.constant 16 : i32
        %mul3A_1249 = arith.muli %while3A_1143, %mul3A_1248 : i32
        %add3A_1250 = arith.constant 5 : i32
        %add3A_1251 = arith.addi %mul3A_1249, %add3A_1250 : i32
        %get3A_1252 = arith.index_cast %add3A_1251 : i32 to index
        %get3A_1253 = arith.constant 0 : index
        %get3A_1254 = tpu.vector_load %arg8[%get3A_1252, %get3A_1253] {strides = array<i32>} : memref<208x64xf32, #tpu.memory_space<vmem>>, vector<16xf32>,
        %add3A_1255 = arith.addf %add3A_1235, %get3A_1254 : vector<16xf32>
        %get3A_1256 = arith.index_cast %add3A_1251 : i32 to index
        %get3A_1257 = arith.constant 16 : index
        %get3A_1258 = tpu.vector_load %arg8[%get3A_1256, %get3A_1257] {strides = array<i32>} : memref<208x64xf32, #tpu.memory_space<vmem>>, vector<16xf32>,
        %add3A_1259 = arith.addf %add3A_1239, %get3A_1258 : vector<16xf32>
        %get3A_1260 = arith.index_cast %add3A_1251 : i32 to index
        %get3A_1261 = arith.constant 32 : index
        %get3A_1262 = tpu.vector_load %arg8[%get3A_1260, %get3A_1261] {strides = array<i32>} : memref<208x64xf32, #tpu.memory_space<vmem>>, vector<16xf32>,
        %add3A_1263 = arith.addf %add3A_1243, %get3A_1262 : vector<16xf32>
        %get3A_1264 = arith.index_cast %add3A_1251 : i32 to index
        %get3A_1265 = arith.constant 48 : index
        %get3A_1266 = tpu.vector_load %arg8[%get3A_1264, %get3A_1265] {strides = array<i32>} : memref<208x64xf32, #tpu.memory_space<vmem>>, vector<16xf32>,
        %add3A_1267 = arith.addf %add3A_1247, %get3A_1266 : vector<16xf32>
        %mul3A_1268 = arith.constant 16 : i32
        %mul3A_1269 = arith.muli %while3A_1143, %mul3A_1268 : i32
        %add3A_1270 = arith.constant 6 : i32
        %add3A_1271 = arith.addi %mul3A_1269, %add3A_1270 : i32
        %get3A_1272 = arith.index_cast %add3A_1271 : i32 to index
        %get3A_1273 = arith.constant 0 : index
        %get3A_1274 = tpu.vector_load %arg8[%get3A_1272, %get3A_1273] {strides = array<i32>} : memref<208x64xf32, #tpu.memory_space<vmem>>, vector<16xf32>,
        %add3A_1275 = arith.addf %add3A_1255, %get3A_1274 : vector<16xf32>
        %get3A_1276 = arith.index_cast %add3A_1271 : i32 to index
        %get3A_1277 = arith.constant 16 : index
        %get3A_1278 = tpu.vector_load %arg8[%get3A_1276, %get3A_1277] {strides = array<i32>} : memref<208x64xf32, #tpu.memory_space<vmem>>, vector<16xf32>,
        %add3A_1279 = arith.addf %add3A_1259, %get3A_1278 : vector<16xf32>
        %get3A_1280 = arith.index_cast %add3A_1271 : i32 to index
        %get3A_1281 = arith.constant 32 : index
        %get3A_1282 = tpu.vector_load %arg8[%get3A_1280, %get3A_1281] {strides = array<i32>} : memref<208x64xf32, #tpu.memory_space<vmem>>, vector<16xf32>,
        %add3A_1283 = arith.addf %add3A_1263, %get3A_1282 : vector<16xf32>
        %get3A_1284 = arith.index_cast %add3A_1271 : i32 to index
        %get3A_1285 = arith.constant 48 : index
        %get3A_1286 = tpu.vector_load %arg8[%get3A_1284, %get3A_1285] {strides = array<i32>} : memref<208x64xf32, #tpu.memory_space<vmem>>, vector<16xf32>,
        %add3A_1287 = arith.addf %add3A_1267, %get3A_1286 : vector<16xf32>
        %mul3A_1288 = arith.constant 16 : i32
        %mul3A_1289 = arith.muli %while3A_1143, %mul3A_1288 : i32
        %add3A_1290 = arith.constant 7 : i32
        %add3A_1291 = arith.addi %mul3A_1289, %add3A_1290 : i32
        %get3A_1292 = arith.index_cast %add3A_1291 : i32 to index
        %get3A_1293 = arith.constant 0 : index
        %get3A_1294 = tpu.vector_load %arg8[%get3A_1292, %get3A_1293] {strides = array<i32>} : memref<208x64xf32, #tpu.memory_space<vmem>>, vector<16xf32>,
        %add3A_1295 = arith.addf %add3A_1275, %get3A_1294 : vector<16xf32>
        %get3A_1296 = arith.index_cast %add3A_1291 : i32 to index
        %get3A_1297 = arith.constant 16 : index
        %get3A_1298 = tpu.vector_load %arg8[%get3A_1296, %get3A_1297] {strides = array<i32>} : memref<208x64xf32, #tpu.memory_space<vmem>>, vector<16xf32>,
        %add3A_1299 = arith.addf %add3A_1279, %get3A_1298 : vector<16xf32>
        %get3A_1300 = arith.index_cast %add3A_1291 : i32 to index
        %get3A_1301 = arith.constant 32 : index
        %get3A_1302 = tpu.vector_load %arg8[%get3A_1300, %get3A_1301] {strides = array<i32>} : memref<208x64xf32, #tpu.memory_space<vmem>>, vector<16xf32>,
        %add3A_1303 = arith.addf %add3A_1283, %get3A_1302 : vector<16xf32>
        %get3A_1304 = arith.index_cast %add3A_1291 : i32 to index
        %get3A_1305 = arith.constant 48 : index
        %get3A_1306 = tpu.vector_load %arg8[%get3A_1304, %get3A_1305] {strides = array<i32>} : memref<208x64xf32, #tpu.memory_space<vmem>>, vector<16xf32>,
        %add3A_1307 = arith.addf %add3A_1287, %get3A_1306 : vector<16xf32>
        %mul3A_1308 = arith.constant 16 : i32
        %mul3A_1309 = arith.muli %while3A_1143, %mul3A_1308 : i32
        %add3A_1310 = arith.constant 8 : i32
        %add3A_1311 = arith.addi %mul3A_1309, %add3A_1310 : i32
        %get3A_1312 = arith.index_cast %add3A_1311 : i32 to index
        %get3A_1313 = arith.constant 0 : index
        %get3A_1314 = tpu.vector_load %arg8[%get3A_1312, %get3A_1313] {strides = array<i32>} : memref<208x64xf32, #tpu.memory_space<vmem>>, vector<16xf32>,
        %add3A_1315 = arith.addf %add3A_1295, %get3A_1314 : vector<16xf32>
        %get3A_1316 = arith.index_cast %add3A_1311 : i32 to index
        %get3A_1317 = arith.constant 16 : index
        %get3A_1318 = tpu.vector_load %arg8[%get3A_1316, %get3A_1317] {strides = array<i32>} : memref<208x64xf32, #tpu.memory_space<vmem>>, vector<16xf32>,
        %add3A_1319 = arith.addf %add3A_1299, %get3A_1318 : vector<16xf32>
        %get3A_1320 = arith.index_cast %add3A_1311 : i32 to index
        %get3A_1321 = arith.constant 32 : index
        %get3A_1322 = tpu.vector_load %arg8[%get3A_1320, %get3A_1321] {strides = array<i32>} : memref<208x64xf32, #tpu.memory_space<vmem>>, vector<16xf32>,
        %add3A_1323 = arith.addf %add3A_1303, %get3A_1322 : vector<16xf32>
        %get3A_1324 = arith.index_cast %add3A_1311 : i32 to index
        %get3A_1325 = arith.constant 48 : index
        %get3A_1326 = tpu.vector_load %arg8[%get3A_1324, %get3A_1325] {strides = array<i32>} : memref<208x64xf32, #tpu.memory_space<vmem>>, vector<16xf32>,
        %add3A_1327 = arith.addf %add3A_1307, %get3A_1326 : vector<16xf32>
        %mul3A_1328 = arith.constant 16 : i32
        %mul3A_1329 = arith.muli %while3A_1143, %mul3A_1328 : i32
        %add3A_1330 = arith.constant 9 : i32
        %add3A_1331 = arith.addi %mul3A_1329, %add3A_1330 : i32
        %get3A_1332 = arith.index_cast %add3A_1331 : i32 to index
        %get3A_1333 = arith.constant 0 : index
        %get3A_1334 = tpu.vector_load %arg8[%get3A_1332, %get3A_1333] {strides = array<i32>} : memref<208x64xf32, #tpu.memory_space<vmem>>, vector<16xf32>,
        %add3A_1335 = arith.addf %add3A_1315, %get3A_1334 : vector<16xf32>
        %get3A_1336 = arith.index_cast %add3A_1331 : i32 to index
        %get3A_1337 = arith.constant 16 : index
        %get3A_1338 = tpu.vector_load %arg8[%get3A_1336, %get3A_1337] {strides = array<i32>} : memref<208x64xf32, #tpu.memory_space<vmem>>, vector<16xf32>,
        %add3A_1339 = arith.addf %add3A_1319, %get3A_1338 : vector<16xf32>
        %get3A_1340 = arith.index_cast %add3A_1331 : i32 to index
        %get3A_1341 = arith.constant 32 : index
        %get3A_1342 = tpu.vector_load %arg8[%get3A_1340, %get3A_1341] {strides = array<i32>} : memref<208x64xf32, #tpu.memory_space<vmem>>, vector<16xf32>,
        %add3A_1343 = arith.addf %add3A_1323, %get3A_1342 : vector<16xf32>
        %get3A_1344 = arith.index_cast %add3A_1331 : i32 to index
        %get3A_1345 = arith.constant 48 : index
        %get3A_1346 = tpu.vector_load %arg8[%get3A_1344, %get3A_1345] {strides = array<i32>} : memref<208x64xf32, #tpu.memory_space<vmem>>, vector<16xf32>,
        %add3A_1347 = arith.addf %add3A_1327, %get3A_1346 : vector<16xf32>
        %mul3A_1348 = arith.constant 16 : i32
        %mul3A_1349 = arith.muli %while3A_1143, %mul3A_1348 : i32
        %add3A_1350 = arith.constant 10 : i32
        %add3A_1351 = arith.addi %mul3A_1349, %add3A_1350 : i32
        %get3A_1352 = arith.index_cast %add3A_1351 : i32 to index
        %get3A_1353 = arith.constant 0 : index
        %get3A_1354 = tpu.vector_load %arg8[%get3A_1352, %get3A_1353] {strides = array<i32>} : memref<208x64xf32, #tpu.memory_space<vmem>>, vector<16xf32>,
        %add3A_1355 = arith.addf %add3A_1335, %get3A_1354 : vector<16xf32>
        %get3A_1356 = arith.index_cast %add3A_1351 : i32 to index
        %get3A_1357 = arith.constant 16 : index
        %get3A_1358 = tpu.vector_load %arg8[%get3A_1356, %get3A_1357] {strides = array<i32>} : memref<208x64xf32, #tpu.memory_space<vmem>>, vector<16xf32>,
        %add3A_1359 = arith.addf %add3A_1339, %get3A_1358 : vector<16xf32>
        %get3A_1360 = arith.index_cast %add3A_1351 : i32 to index
        %get3A_1361 = arith.constant 32 : index
        %get3A_1362 = tpu.vector_load %arg8[%get3A_1360, %get3A_1361] {strides = array<i32>} : memref<208x64xf32, #tpu.memory_space<vmem>>, vector<16xf32>,
        %add3A_1363 = arith.addf %add3A_1343, %get3A_1362 : vector<16xf32>
        %get3A_1364 = arith.index_cast %add3A_1351 : i32 to index
        %get3A_1365 = arith.constant 48 : index
        %get3A_1366 = tpu.vector_load %arg8[%get3A_1364, %get3A_1365] {strides = array<i32>} : memref<208x64xf32, #tpu.memory_space<vmem>>, vector<16xf32>,
        %add3A_1367 = arith.addf %add3A_1347, %get3A_1366 : vector<16xf32>
        %mul3A_1368 = arith.constant 16 : i32
        %mul3A_1369 = arith.muli %while3A_1143, %mul3A_1368 : i32
        %add3A_1370 = arith.constant 11 : i32
        %add3A_1371 = arith.addi %mul3A_1369, %add3A_1370 : i32
        %get3A_1372 = arith.index_cast %add3A_1371 : i32 to index
        %get3A_1373 = arith.constant 0 : index
        %get3A_1374 = tpu.vector_load %arg8[%get3A_1372, %get3A_1373] {strides = array<i32>} : memref<208x64xf32, #tpu.memory_space<vmem>>, vector<16xf32>,
        %add3A_1375 = arith.addf %add3A_1355, %get3A_1374 : vector<16xf32>
        %get3A_1376 = arith.index_cast %add3A_1371 : i32 to index
        %get3A_1377 = arith.constant 16 : index
        %get3A_1378 = tpu.vector_load %arg8[%get3A_1376, %get3A_1377] {strides = array<i32>} : memref<208x64xf32, #tpu.memory_space<vmem>>, vector<16xf32>,
        %add3A_1379 = arith.addf %add3A_1359, %get3A_1378 : vector<16xf32>
        %get3A_1380 = arith.index_cast %add3A_1371 : i32 to index
        %get3A_1381 = arith.constant 32 : index
        %get3A_1382 = tpu.vector_load %arg8[%get3A_1380, %get3A_1381] {strides = array<i32>} : memref<208x64xf32, #tpu.memory_space<vmem>>, vector<16xf32>,
        %add3A_1383 = arith.addf %add3A_1363, %get3A_1382 : vector<16xf32>
        %get3A_1384 = arith.index_cast %add3A_1371 : i32 to index
        %get3A_1385 = arith.constant 48 : index
        %get3A_1386 = tpu.vector_load %arg8[%get3A_1384, %get3A_1385] {strides = array<i32>} : memref<208x64xf32, #tpu.memory_space<vmem>>, vector<16xf32>,
        %add3A_1387 = arith.addf %add3A_1367, %get3A_1386 : vector<16xf32>
        %mul3A_1388 = arith.constant 16 : i32
        %mul3A_1389 = arith.muli %while3A_1143, %mul3A_1388 : i32
        %add3A_1390 = arith.constant 12 : i32
        %add3A_1391 = arith.addi %mul3A_1389, %add3A_1390 : i32
        %get3A_1392 = arith.index_cast %add3A_1391 : i32 to index
        %get3A_1393 = arith.constant 0 : index
        %get3A_1394 = tpu.vector_load %arg8[%get3A_1392, %get3A_1393] {strides = array<i32>} : memref<208x64xf32, #tpu.memory_space<vmem>>, vector<16xf32>,
        %add3A_1395 = arith.addf %add3A_1375, %get3A_1394 : vector<16xf32>
        %get3A_1396 = arith.index_cast %add3A_1391 : i32 to index
        %get3A_1397 = arith.constant 16 : index
        %get3A_1398 = tpu.vector_load %arg8[%get3A_1396, %get3A_1397] {strides = array<i32>} : memref<208x64xf32, #tpu.memory_space<vmem>>, vector<16xf32>,
        %add3A_1399 = arith.addf %add3A_1379, %get3A_1398 : vector<16xf32>
        %get3A_1400 = arith.index_cast %add3A_1391 : i32 to index
        %get3A_1401 = arith.constant 32 : index
        %get3A_1402 = tpu.vector_load %arg8[%get3A_1400, %get3A_1401] {strides = array<i32>} : memref<208x64xf32, #tpu.memory_space<vmem>>, vector<16xf32>,
        %add3A_1403 = arith.addf %add3A_1383, %get3A_1402 : vector<16xf32>
        %get3A_1404 = arith.index_cast %add3A_1391 : i32 to index
        %get3A_1405 = arith.constant 48 : index
        %get3A_1406 = tpu.vector_load %arg8[%get3A_1404, %get3A_1405] {strides = array<i32>} : memref<208x64xf32, #tpu.memory_space<vmem>>, vector<16xf32>,
        %add3A_1407 = arith.addf %add3A_1387, %get3A_1406 : vector<16xf32>
        %mul3A_1408 = arith.constant 16 : i32
        %mul3A_1409 = arith.muli %while3A_1143, %mul3A_1408 : i32
        %add3A_1410 = arith.constant 13 : i32
        %add3A_1411 = arith.addi %mul3A_1409, %add3A_1410 : i32
        %get3A_1412 = arith.index_cast %add3A_1411 : i32 to index
        %get3A_1413 = arith.constant 0 : index
        %get3A_1414 = tpu.vector_load %arg8[%get3A_1412, %get3A_1413] {strides = array<i32>} : memref<208x64xf32, #tpu.memory_space<vmem>>, vector<16xf32>,
        %add3A_1415 = arith.addf %add3A_1395, %get3A_1414 : vector<16xf32>
        %get3A_1416 = arith.index_cast %add3A_1411 : i32 to index
        %get3A_1417 = arith.constant 16 : index
        %get3A_1418 = tpu.vector_load %arg8[%get3A_1416, %get3A_1417] {strides = array<i32>} : memref<208x64xf32, #tpu.memory_space<vmem>>, vector<16xf32>,
        %add3A_1419 = arith.addf %add3A_1399, %get3A_1418 : vector<16xf32>
        %get3A_1420 = arith.index_cast %add3A_1411 : i32 to index
        %get3A_1421 = arith.constant 32 : index
        %get3A_1422 = tpu.vector_load %arg8[%get3A_1420, %get3A_1421] {strides = array<i32>} : memref<208x64xf32, #tpu.memory_space<vmem>>, vector<16xf32>,
        %add3A_1423 = arith.addf %add3A_1403, %get3A_1422 : vector<16xf32>
        %get3A_1424 = arith.index_cast %add3A_1411 : i32 to index
        %get3A_1425 = arith.constant 48 : index
        %get3A_1426 = tpu.vector_load %arg8[%get3A_1424, %get3A_1425] {strides = array<i32>} : memref<208x64xf32, #tpu.memory_space<vmem>>, vector<16xf32>,
        %add3A_1427 = arith.addf %add3A_1407, %get3A_1426 : vector<16xf32>
        %mul3A_1428 = arith.constant 16 : i32
        %mul3A_1429 = arith.muli %while3A_1143, %mul3A_1428 : i32
        %add3A_1430 = arith.constant 14 : i32
        %add3A_1431 = arith.addi %mul3A_1429, %add3A_1430 : i32
        %get3A_1432 = arith.index_cast %add3A_1431 : i32 to index
        %get3A_1433 = arith.constant 0 : index
        %get3A_1434 = tpu.vector_load %arg8[%get3A_1432, %get3A_1433] {strides = array<i32>} : memref<208x64xf32, #tpu.memory_space<vmem>>, vector<16xf32>,
        %add3A_1435 = arith.addf %add3A_1415, %get3A_1434 : vector<16xf32>
        %get3A_1436 = arith.index_cast %add3A_1431 : i32 to index
        %get3A_1437 = arith.constant 16 : index
        %get3A_1438 = tpu.vector_load %arg8[%get3A_1436, %get3A_1437] {strides = array<i32>} : memref<208x64xf32, #tpu.memory_space<vmem>>, vector<16xf32>,
        %add3A_1439 = arith.addf %add3A_1419, %get3A_1438 : vector<16xf32>
        %get3A_1440 = arith.index_cast %add3A_1431 : i32 to index
        %get3A_1441 = arith.constant 32 : index
        %get3A_1442 = tpu.vector_load %arg8[%get3A_1440, %get3A_1441] {strides = array<i32>} : memref<208x64xf32, #tpu.memory_space<vmem>>, vector<16xf32>,
        %add3A_1443 = arith.addf %add3A_1423, %get3A_1442 : vector<16xf32>
        %get3A_1444 = arith.index_cast %add3A_1431 : i32 to index
        %get3A_1445 = arith.constant 48 : index
        %get3A_1446 = tpu.vector_load %arg8[%get3A_1444, %get3A_1445] {strides = array<i32>} : memref<208x64xf32, #tpu.memory_space<vmem>>, vector<16xf32>,
        %add3A_1447 = arith.addf %add3A_1427, %get3A_1446 : vector<16xf32>
        %mul3A_1448 = arith.constant 16 : i32
        %mul3A_1449 = arith.muli %while3A_1143, %mul3A_1448 : i32
        %add3A_1450 = arith.constant 15 : i32
        %add3A_1451 = arith.addi %mul3A_1449, %add3A_1450 : i32
        %get3A_1452 = arith.index_cast %add3A_1451 : i32 to index
        %get3A_1453 = arith.constant 0 : index
        %get3A_1454 = tpu.vector_load %arg8[%get3A_1452, %get3A_1453] {strides = array<i32>} : memref<208x64xf32, #tpu.memory_space<vmem>>, vector<16xf32>,
        %add3A_1455 = arith.addf %add3A_1435, %get3A_1454 : vector<16xf32>
        %get3A_1456 = arith.index_cast %add3A_1451 : i32 to index
        %get3A_1457 = arith.constant 16 : index
        %get3A_1458 = tpu.vector_load %arg8[%get3A_1456, %get3A_1457] {strides = array<i32>} : memref<208x64xf32, #tpu.memory_space<vmem>>, vector<16xf32>,
        %add3A_1459 = arith.addf %add3A_1439, %get3A_1458 : vector<16xf32>
        %get3A_1460 = arith.index_cast %add3A_1451 : i32 to index
        %get3A_1461 = arith.constant 32 : index
        %get3A_1462 = tpu.vector_load %arg8[%get3A_1460, %get3A_1461] {strides = array<i32>} : memref<208x64xf32, #tpu.memory_space<vmem>>, vector<16xf32>,
        %add3A_1463 = arith.addf %add3A_1443, %get3A_1462 : vector<16xf32>
        %get3A_1464 = arith.index_cast %add3A_1451 : i32 to index
        %get3A_1465 = arith.constant 48 : index
        %get3A_1466 = tpu.vector_load %arg8[%get3A_1464, %get3A_1465] {strides = array<i32>} : memref<208x64xf32, #tpu.memory_space<vmem>>, vector<16xf32>,
        %add3A_1467 = arith.addf %add3A_1447, %get3A_1466 : vector<16xf32>
        scf.yield %add3A_1455, %add3A_1459, %add3A_1463, %add3A_1467 : vector<16xf32>, vector<16xf32>, vector<16xf32>, vector<16xf32>
      }
      %while3A_804 = arith.constant 1 : i32
      %while3A_805:4 = scf.for %while3A_1143 = %while3A_801 to %while3A_797 step %while3A_804 iter_args(%while3A_1144 = %while3A_803#0, %while3A_1145 = %while3A_803#1, %while3A_1146 = %while3A_803#2, %while3A_1147 = %while3A_803#3) -> (vector<16xf32>, vector<16xf32>, vector<16xf32>, vector<16xf32>)  : i32 {
        %mul3A_1148 = arith.constant 16 : i32
        %mul3A_1149 = arith.muli %while3A_1143, %mul3A_1148 : i32
        %add3A_1150 = arith.constant 0 : i32
        %add3A_1151 = arith.addi %mul3A_1149, %add3A_1150 : i32
        %get3A_1152 = arith.index_cast %add3A_1151 : i32 to index
        %get3A_1153 = arith.constant 0 : index
        %get3A_1154 = tpu.vector_load %arg8[%get3A_1152, %get3A_1153] {strides = array<i32>} : memref<208x64xf32, #tpu.memory_space<vmem>>, vector<16xf32>,
        %add3A_1155 = arith.addf %while3A_1144, %get3A_1154 : vector<16xf32>
        %get3A_1156 = arith.index_cast %add3A_1151 : i32 to index
        %get3A_1157 = arith.constant 16 : index
        %get3A_1158 = tpu.vector_load %arg8[%get3A_1156, %get3A_1157] {strides = array<i32>} : memref<208x64xf32, #tpu.memory_space<vmem>>, vector<16xf32>,
        %add3A_1159 = arith.addf %while3A_1145, %get3A_1158 : vector<16xf32>
        %get3A_1160 = arith.index_cast %add3A_1151 : i32 to index
        %get3A_1161 = arith.constant 32 : index
        %get3A_1162 = tpu.vector_load %arg8[%get3A_1160, %get3A_1161] {strides = array<i32>} : memref<208x64xf32, #tpu.memory_space<vmem>>, vector<16xf32>,
        %add3A_1163 = arith.addf %while3A_1146, %get3A_1162 : vector<16xf32>
        %get3A_1164 = arith.index_cast %add3A_1151 : i32 to index
        %get3A_1165 = arith.constant 48 : index
        %get3A_1166 = tpu.vector_load %arg8[%get3A_1164, %get3A_1165] {strides = array<i32>} : memref<208x64xf32, #tpu.memory_space<vmem>>, vector<16xf32>,
        %add3A_1167 = arith.addf %while3A_1147, %get3A_1166 : vector<16xf32>
        %mul3A_1168 = arith.constant 16 : i32
        %mul3A_1169 = arith.muli %while3A_1143, %mul3A_1168 : i32
        %add3A_1170 = arith.constant 1 : i32
        %add3A_1171 = arith.addi %mul3A_1169, %add3A_1170 : i32
        %get3A_1172 = arith.index_cast %add3A_1171 : i32 to index
        %get3A_1173 = arith.constant 0 : index
        %get3A_1174 = tpu.vector_load %arg8[%get3A_1172, %get3A_1173] {strides = array<i32>} : memref<208x64xf32, #tpu.memory_space<vmem>>, vector<16xf32>,
        %add3A_1175 = arith.addf %add3A_1155, %get3A_1174 : vector<16xf32>
        %get3A_1176 = arith.index_cast %add3A_1171 : i32 to index
        %get3A_1177 = arith.constant 16 : index
        %get3A_1178 = tpu.vector_load %arg8[%get3A_1176, %get3A_1177] {strides = array<i32>} : memref<208x64xf32, #tpu.memory_space<vmem>>, vector<16xf32>,
        %add3A_1179 = arith.addf %add3A_1159, %get3A_1178 : vector<16xf32>
        %get3A_1180 = arith.index_cast %add3A_1171 : i32 to index
        %get3A_1181 = arith.constant 32 : index
        %get3A_1182 = tpu.vector_load %arg8[%get3A_1180, %get3A_1181] {strides = array<i32>} : memref<208x64xf32, #tpu.memory_space<vmem>>, vector<16xf32>,
        %add3A_1183 = arith.addf %add3A_1163, %get3A_1182 : vector<16xf32>
        %get3A_1184 = arith.index_cast %add3A_1171 : i32 to index
        %get3A_1185 = arith.constant 48 : index
        %get3A_1186 = tpu.vector_load %arg8[%get3A_1184, %get3A_1185] {strides = array<i32>} : memref<208x64xf32, #tpu.memory_space<vmem>>, vector<16xf32>,
        %add3A_1187 = arith.addf %add3A_1167, %get3A_1186 : vector<16xf32>
        %mul3A_1188 = arith.constant 16 : i32
        %mul3A_1189 = arith.muli %while3A_1143, %mul3A_1188 : i32
        %add3A_1190 = arith.constant 2 : i32
        %add3A_1191 = arith.addi %mul3A_1189, %add3A_1190 : i32
        %get3A_1192 = arith.index_cast %add3A_1191 : i32 to index
        %get3A_1193 = arith.constant 0 : index
        %get3A_1194 = tpu.vector_load %arg8[%get3A_1192, %get3A_1193] {strides = array<i32>} : memref<208x64xf32, #tpu.memory_space<vmem>>, vector<16xf32>,
        %add3A_1195 = arith.addf %add3A_1175, %get3A_1194 : vector<16xf32>
        %get3A_1196 = arith.index_cast %add3A_1191 : i32 to index
        %get3A_1197 = arith.constant 16 : index
        %get3A_1198 = tpu.vector_load %arg8[%get3A_1196, %get3A_1197] {strides = array<i32>} : memref<208x64xf32, #tpu.memory_space<vmem>>, vector<16xf32>,
        %add3A_1199 = arith.addf %add3A_1179, %get3A_1198 : vector<16xf32>
        %get3A_1200 = arith.index_cast %add3A_1191 : i32 to index
        %get3A_1201 = arith.constant 32 : index
        %get3A_1202 = tpu.vector_load %arg8[%get3A_1200, %get3A_1201] {strides = array<i32>} : memref<208x64xf32, #tpu.memory_space<vmem>>, vector<16xf32>,
        %add3A_1203 = arith.addf %add3A_1183, %get3A_1202 : vector<16xf32>
        %get3A_1204 = arith.index_cast %add3A_1191 : i32 to index
        %get3A_1205 = arith.constant 48 : index
        %get3A_1206 = tpu.vector_load %arg8[%get3A_1204, %get3A_1205] {strides = array<i32>} : memref<208x64xf32, #tpu.memory_space<vmem>>, vector<16xf32>,
        %add3A_1207 = arith.addf %add3A_1187, %get3A_1206 : vector<16xf32>
        %mul3A_1208 = arith.constant 16 : i32
        %mul3A_1209 = arith.muli %while3A_1143, %mul3A_1208 : i32
        %add3A_1210 = arith.constant 3 : i32
        %add3A_1211 = arith.addi %mul3A_1209, %add3A_1210 : i32
        %get3A_1212 = arith.index_cast %add3A_1211 : i32 to index
        %get3A_1213 = arith.constant 0 : index
        %get3A_1214 = tpu.vector_load %arg8[%get3A_1212, %get3A_1213] {strides = array<i32>} : memref<208x64xf32, #tpu.memory_space<vmem>>, vector<16xf32>,
        %add3A_1215 = arith.addf %add3A_1195, %get3A_1214 : vector<16xf32>
        %get3A_1216 = arith.index_cast %add3A_1211 : i32 to index
        %get3A_1217 = arith.constant 16 : index
        %get3A_1218 = tpu.vector_load %arg8[%get3A_1216, %get3A_1217] {strides = array<i32>} : memref<208x64xf32, #tpu.memory_space<vmem>>, vector<16xf32>,
        %add3A_1219 = arith.addf %add3A_1199, %get3A_1218 : vector<16xf32>
        %get3A_1220 = arith.index_cast %add3A_1211 : i32 to index
        %get3A_1221 = arith.constant 32 : index
        %get3A_1222 = tpu.vector_load %arg8[%get3A_1220, %get3A_1221] {strides = array<i32>} : memref<208x64xf32, #tpu.memory_space<vmem>>, vector<16xf32>,
        %add3A_1223 = arith.addf %add3A_1203, %get3A_1222 : vector<16xf32>
        %get3A_1224 = arith.index_cast %add3A_1211 : i32 to index
        %get3A_1225 = arith.constant 48 : index
        %get3A_1226 = tpu.vector_load %arg8[%get3A_1224, %get3A_1225] {strides = array<i32>} : memref<208x64xf32, #tpu.memory_space<vmem>>, vector<16xf32>,
        %add3A_1227 = arith.addf %add3A_1207, %get3A_1226 : vector<16xf32>
        %mul3A_1228 = arith.constant 16 : i32
        %mul3A_1229 = arith.muli %while3A_1143, %mul3A_1228 : i32
        %add3A_1230 = arith.constant 4 : i32
        %add3A_1231 = arith.addi %mul3A_1229, %add3A_1230 : i32
        %get3A_1232 = arith.index_cast %add3A_1231 : i32 to index
        %get3A_1233 = arith.constant 0 : index
        %get3A_1234 = tpu.vector_load %arg8[%get3A_1232, %get3A_1233] {strides = array<i32>} : memref<208x64xf32, #tpu.memory_space<vmem>>, vector<16xf32>,
        %add3A_1235 = arith.addf %add3A_1215, %get3A_1234 : vector<16xf32>
        %get3A_1236 = arith.index_cast %add3A_1231 : i32 to index
        %get3A_1237 = arith.constant 16 : index
        %get3A_1238 = tpu.vector_load %arg8[%get3A_1236, %get3A_1237] {strides = array<i32>} : memref<208x64xf32, #tpu.memory_space<vmem>>, vector<16xf32>,
        %add3A_1239 = arith.addf %add3A_1219, %get3A_1238 : vector<16xf32>
        %get3A_1240 = arith.index_cast %add3A_1231 : i32 to index
        %get3A_1241 = arith.constant 32 : index
        %get3A_1242 = tpu.vector_load %arg8[%get3A_1240, %get3A_1241] {strides = array<i32>} : memref<208x64xf32, #tpu.memory_space<vmem>>, vector<16xf32>,
        %add3A_1243 = arith.addf %add3A_1223, %get3A_1242 : vector<16xf32>
        %get3A_1244 = arith.index_cast %add3A_1231 : i32 to index
        %get3A_1245 = arith.constant 48 : index
        %get3A_1246 = tpu.vector_load %arg8[%get3A_1244, %get3A_1245] {strides = array<i32>} : memref<208x64xf32, #tpu.memory_space<vmem>>, vector<16xf32>,
        %add3A_1247 = arith.addf %add3A_1227, %get3A_1246 : vector<16xf32>
        %mul3A_1248 = arith.constant 16 : i32
        %mul3A_1249 = arith.muli %while3A_1143, %mul3A_1248 : i32
        %add3A_1250 = arith.constant 5 : i32
        %add3A_1251 = arith.addi %mul3A_1249, %add3A_1250 : i32
        %get3A_1252 = arith.index_cast %add3A_1251 : i32 to index
        %get3A_1253 = arith.constant 0 : index
        %get3A_1254 = tpu.vector_load %arg8[%get3A_1252, %get3A_1253] {strides = array<i32>} : memref<208x64xf32, #tpu.memory_space<vmem>>, vector<16xf32>,
        %add3A_1255 = arith.addf %add3A_1235, %get3A_1254 : vector<16xf32>
        %get3A_1256 = arith.index_cast %add3A_1251 : i32 to index
        %get3A_1257 = arith.constant 16 : index
        %get3A_1258 = tpu.vector_load %arg8[%get3A_1256, %get3A_1257] {strides = array<i32>} : memref<208x64xf32, #tpu.memory_space<vmem>>, vector<16xf32>,
        %add3A_1259 = arith.addf %add3A_1239, %get3A_1258 : vector<16xf32>
        %get3A_1260 = arith.index_cast %add3A_1251 : i32 to index
        %get3A_1261 = arith.constant 32 : index
        %get3A_1262 = tpu.vector_load %arg8[%get3A_1260, %get3A_1261] {strides = array<i32>} : memref<208x64xf32, #tpu.memory_space<vmem>>, vector<16xf32>,
        %add3A_1263 = arith.addf %add3A_1243, %get3A_1262 : vector<16xf32>
        %get3A_1264 = arith.index_cast %add3A_1251 : i32 to index
        %get3A_1265 = arith.constant 48 : index
        %get3A_1266 = tpu.vector_load %arg8[%get3A_1264, %get3A_1265] {strides = array<i32>} : memref<208x64xf32, #tpu.memory_space<vmem>>, vector<16xf32>,
        %add3A_1267 = arith.addf %add3A_1247, %get3A_1266 : vector<16xf32>
        %mul3A_1268 = arith.constant 16 : i32
        %mul3A_1269 = arith.muli %while3A_1143, %mul3A_1268 : i32
        %add3A_1270 = arith.constant 6 : i32
        %add3A_1271 = arith.addi %mul3A_1269, %add3A_1270 : i32
        %get3A_1272 = arith.index_cast %add3A_1271 : i32 to index
        %get3A_1273 = arith.constant 0 : index
        %get3A_1274 = tpu.vector_load %arg8[%get3A_1272, %get3A_1273] {strides = array<i32>} : memref<208x64xf32, #tpu.memory_space<vmem>>, vector<16xf32>,
        %add3A_1275 = arith.addf %add3A_1255, %get3A_1274 : vector<16xf32>
        %get3A_1276 = arith.index_cast %add3A_1271 : i32 to index
        %get3A_1277 = arith.constant 16 : index
        %get3A_1278 = tpu.vector_load %arg8[%get3A_1276, %get3A_1277] {strides = array<i32>} : memref<208x64xf32, #tpu.memory_space<vmem>>, vector<16xf32>,
        %add3A_1279 = arith.addf %add3A_1259, %get3A_1278 : vector<16xf32>
        %get3A_1280 = arith.index_cast %add3A_1271 : i32 to index
        %get3A_1281 = arith.constant 32 : index
        %get3A_1282 = tpu.vector_load %arg8[%get3A_1280, %get3A_1281] {strides = array<i32>} : memref<208x64xf32, #tpu.memory_space<vmem>>, vector<16xf32>,
        %add3A_1283 = arith.addf %add3A_1263, %get3A_1282 : vector<16xf32>
        %get3A_1284 = arith.index_cast %add3A_1271 : i32 to index
        %get3A_1285 = arith.constant 48 : index
        %get3A_1286 = tpu.vector_load %arg8[%get3A_1284, %get3A_1285] {strides = array<i32>} : memref<208x64xf32, #tpu.memory_space<vmem>>, vector<16xf32>,
        %add3A_1287 = arith.addf %add3A_1267, %get3A_1286 : vector<16xf32>
        %mul3A_1288 = arith.constant 16 : i32
        %mul3A_1289 = arith.muli %while3A_1143, %mul3A_1288 : i32
        %add3A_1290 = arith.constant 7 : i32
        %add3A_1291 = arith.addi %mul3A_1289, %add3A_1290 : i32
        %get3A_1292 = arith.index_cast %add3A_1291 : i32 to index
        %get3A_1293 = arith.constant 0 : index
        %get3A_1294 = tpu.vector_load %arg8[%get3A_1292, %get3A_1293] {strides = array<i32>} : memref<208x64xf32, #tpu.memory_space<vmem>>, vector<16xf32>,
        %add3A_1295 = arith.addf %add3A_1275, %get3A_1294 : vector<16xf32>
        %get3A_1296 = arith.index_cast %add3A_1291 : i32 to index
        %get3A_1297 = arith.constant 16 : index
        %get3A_1298 = tpu.vector_load %arg8[%get3A_1296, %get3A_1297] {strides = array<i32>} : memref<208x64xf32, #tpu.memory_space<vmem>>, vector<16xf32>,
        %add3A_1299 = arith.addf %add3A_1279, %get3A_1298 : vector<16xf32>
        %get3A_1300 = arith.index_cast %add3A_1291 : i32 to index
        %get3A_1301 = arith.constant 32 : index
        %get3A_1302 = tpu.vector_load %arg8[%get3A_1300, %get3A_1301] {strides = array<i32>} : memref<208x64xf32, #tpu.memory_space<vmem>>, vector<16xf32>,
        %add3A_1303 = arith.addf %add3A_1283, %get3A_1302 : vector<16xf32>
        %get3A_1304 = arith.index_cast %add3A_1291 : i32 to index
        %get3A_1305 = arith.constant 48 : index
        %get3A_1306 = tpu.vector_load %arg8[%get3A_1304, %get3A_1305] {strides = array<i32>} : memref<208x64xf32, #tpu.memory_space<vmem>>, vector<16xf32>,
        %add3A_1307 = arith.addf %add3A_1287, %get3A_1306 : vector<16xf32>
        %mul3A_1308 = arith.constant 16 : i32
        %mul3A_1309 = arith.muli %while3A_1143, %mul3A_1308 : i32
        %add3A_1310 = arith.constant 8 : i32
        %add3A_1311 = arith.addi %mul3A_1309, %add3A_1310 : i32
        %get3A_1312 = arith.index_cast %add3A_1311 : i32 to index
        %get3A_1313 = arith.constant 0 : index
        %get3A_1314 = tpu.vector_load %arg8[%get3A_1312, %get3A_1313] {strides = array<i32>} : memref<208x64xf32, #tpu.memory_space<vmem>>, vector<16xf32>,
        %add3A_1315 = arith.addf %add3A_1295, %get3A_1314 : vector<16xf32>
        %get3A_1316 = arith.index_cast %add3A_1311 : i32 to index
        %get3A_1317 = arith.constant 16 : index
        %get3A_1318 = tpu.vector_load %arg8[%get3A_1316, %get3A_1317] {strides = array<i32>} : memref<208x64xf32, #tpu.memory_space<vmem>>, vector<16xf32>,
        %add3A_1319 = arith.addf %add3A_1299, %get3A_1318 : vector<16xf32>
        %get3A_1320 = arith.index_cast %add3A_1311 : i32 to index
        %get3A_1321 = arith.constant 32 : index
        %get3A_1322 = tpu.vector_load %arg8[%get3A_1320, %get3A_1321] {strides = array<i32>} : memref<208x64xf32, #tpu.memory_space<vmem>>, vector<16xf32>,
        %add3A_1323 = arith.addf %add3A_1303, %get3A_1322 : vector<16xf32>
        %get3A_1324 = arith.index_cast %add3A_1311 : i32 to index
        %get3A_1325 = arith.constant 48 : index
        %get3A_1326 = tpu.vector_load %arg8[%get3A_1324, %get3A_1325] {strides = array<i32>} : memref<208x64xf32, #tpu.memory_space<vmem>>, vector<16xf32>,
        %add3A_1327 = arith.addf %add3A_1307, %get3A_1326 : vector<16xf32>
        %mul3A_1328 = arith.constant 16 : i32
        %mul3A_1329 = arith.muli %while3A_1143, %mul3A_1328 : i32
        %add3A_1330 = arith.constant 9 : i32
        %add3A_1331 = arith.addi %mul3A_1329, %add3A_1330 : i32
        %get3A_1332 = arith.index_cast %add3A_1331 : i32 to index
        %get3A_1333 = arith.constant 0 : index
        %get3A_1334 = tpu.vector_load %arg8[%get3A_1332, %get3A_1333] {strides = array<i32>} : memref<208x64xf32, #tpu.memory_space<vmem>>, vector<16xf32>,
        %add3A_1335 = arith.addf %add3A_1315, %get3A_1334 : vector<16xf32>
        %get3A_1336 = arith.index_cast %add3A_1331 : i32 to index
        %get3A_1337 = arith.constant 16 : index
        %get3A_1338 = tpu.vector_load %arg8[%get3A_1336, %get3A_1337] {strides = array<i32>} : memref<208x64xf32, #tpu.memory_space<vmem>>, vector<16xf32>,
        %add3A_1339 = arith.addf %add3A_1319, %get3A_1338 : vector<16xf32>
        %get3A_1340 = arith.index_cast %add3A_1331 : i32 to index
        %get3A_1341 = arith.constant 32 : index
        %get3A_1342 = tpu.vector_load %arg8[%get3A_1340, %get3A_1341] {strides = array<i32>} : memref<208x64xf32, #tpu.memory_space<vmem>>, vector<16xf32>,
        %add3A_1343 = arith.addf %add3A_1323, %get3A_1342 : vector<16xf32>
        %get3A_1344 = arith.index_cast %add3A_1331 : i32 to index
        %get3A_1345 = arith.constant 48 : index
        %get3A_1346 = tpu.vector_load %arg8[%get3A_1344, %get3A_1345] {strides = array<i32>} : memref<208x64xf32, #tpu.memory_space<vmem>>, vector<16xf32>,
        %add3A_1347 = arith.addf %add3A_1327, %get3A_1346 : vector<16xf32>
        %mul3A_1348 = arith.constant 16 : i32
        %mul3A_1349 = arith.muli %while3A_1143, %mul3A_1348 : i32
        %add3A_1350 = arith.constant 10 : i32
        %add3A_1351 = arith.addi %mul3A_1349, %add3A_1350 : i32
        %get3A_1352 = arith.index_cast %add3A_1351 : i32 to index
        %get3A_1353 = arith.constant 0 : index
        %get3A_1354 = tpu.vector_load %arg8[%get3A_1352, %get3A_1353] {strides = array<i32>} : memref<208x64xf32, #tpu.memory_space<vmem>>, vector<16xf32>,
        %add3A_1355 = arith.addf %add3A_1335, %get3A_1354 : vector<16xf32>
        %get3A_1356 = arith.index_cast %add3A_1351 : i32 to index
        %get3A_1357 = arith.constant 16 : index
        %get3A_1358 = tpu.vector_load %arg8[%get3A_1356, %get3A_1357] {strides = array<i32>} : memref<208x64xf32, #tpu.memory_space<vmem>>, vector<16xf32>,
        %add3A_1359 = arith.addf %add3A_1339, %get3A_1358 : vector<16xf32>
        %get3A_1360 = arith.index_cast %add3A_1351 : i32 to index
        %get3A_1361 = arith.constant 32 : index
        %get3A_1362 = tpu.vector_load %arg8[%get3A_1360, %get3A_1361] {strides = array<i32>} : memref<208x64xf32, #tpu.memory_space<vmem>>, vector<16xf32>,
        %add3A_1363 = arith.addf %add3A_1343, %get3A_1362 : vector<16xf32>
        %get3A_1364 = arith.index_cast %add3A_1351 : i32 to index
        %get3A_1365 = arith.constant 48 : index
        %get3A_1366 = tpu.vector_load %arg8[%get3A_1364, %get3A_1365] {strides = array<i32>} : memref<208x64xf32, #tpu.memory_space<vmem>>, vector<16xf32>,
        %add3A_1367 = arith.addf %add3A_1347, %get3A_1366 : vector<16xf32>
        %mul3A_1368 = arith.constant 16 : i32
        %mul3A_1369 = arith.muli %while3A_1143, %mul3A_1368 : i32
        %add3A_1370 = arith.constant 11 : i32
        %add3A_1371 = arith.addi %mul3A_1369, %add3A_1370 : i32
        %get3A_1372 = arith.index_cast %add3A_1371 : i32 to index
        %get3A_1373 = arith.constant 0 : index
        %get3A_1374 = tpu.vector_load %arg8[%get3A_1372, %get3A_1373] {strides = array<i32>} : memref<208x64xf32, #tpu.memory_space<vmem>>, vector<16xf32>,
        %add3A_1375 = arith.addf %add3A_1355, %get3A_1374 : vector<16xf32>
        %get3A_1376 = arith.index_cast %add3A_1371 : i32 to index
        %get3A_1377 = arith.constant 16 : index
        %get3A_1378 = tpu.vector_load %arg8[%get3A_1376, %get3A_1377] {strides = array<i32>} : memref<208x64xf32, #tpu.memory_space<vmem>>, vector<16xf32>,
        %add3A_1379 = arith.addf %add3A_1359, %get3A_1378 : vector<16xf32>
        %get3A_1380 = arith.index_cast %add3A_1371 : i32 to index
        %get3A_1381 = arith.constant 32 : index
        %get3A_1382 = tpu.vector_load %arg8[%get3A_1380, %get3A_1381] {strides = array<i32>} : memref<208x64xf32, #tpu.memory_space<vmem>>, vector<16xf32>,
        %add3A_1383 = arith.addf %add3A_1363, %get3A_1382 : vector<16xf32>
        %get3A_1384 = arith.index_cast %add3A_1371 : i32 to index
        %get3A_1385 = arith.constant 48 : index
        %get3A_1386 = tpu.vector_load %arg8[%get3A_1384, %get3A_1385] {strides = array<i32>} : memref<208x64xf32, #tpu.memory_space<vmem>>, vector<16xf32>,
        %add3A_1387 = arith.addf %add3A_1367, %get3A_1386 : vector<16xf32>
        %mul3A_1388 = arith.constant 16 : i32
        %mul3A_1389 = arith.muli %while3A_1143, %mul3A_1388 : i32
        %add3A_1390 = arith.constant 12 : i32
        %add3A_1391 = arith.addi %mul3A_1389, %add3A_1390 : i32
        %get3A_1392 = arith.index_cast %add3A_1391 : i32 to index
        %get3A_1393 = arith.constant 0 : index
        %get3A_1394 = tpu.vector_load %arg8[%get3A_1392, %get3A_1393] {strides = array<i32>} : memref<208x64xf32, #tpu.memory_space<vmem>>, vector<16xf32>,
        %add3A_1395 = arith.addf %add3A_1375, %get3A_1394 : vector<16xf32>
        %get3A_1396 = arith.index_cast %add3A_1391 : i32 to index
        %get3A_1397 = arith.constant 16 : index
        %get3A_1398 = tpu.vector_load %arg8[%get3A_1396, %get3A_1397] {strides = array<i32>} : memref<208x64xf32, #tpu.memory_space<vmem>>, vector<16xf32>,
        %add3A_1399 = arith.addf %add3A_1379, %get3A_1398 : vector<16xf32>
        %get3A_1400 = arith.index_cast %add3A_1391 : i32 to index
        %get3A_1401 = arith.constant 32 : index
        %get3A_1402 = tpu.vector_load %arg8[%get3A_1400, %get3A_1401] {strides = array<i32>} : memref<208x64xf32, #tpu.memory_space<vmem>>, vector<16xf32>,
        %add3A_1403 = arith.addf %add3A_1383, %get3A_1402 : vector<16xf32>
        %get3A_1404 = arith.index_cast %add3A_1391 : i32 to index
        %get3A_1405 = arith.constant 48 : index
        %get3A_1406 = tpu.vector_load %arg8[%get3A_1404, %get3A_1405] {strides = array<i32>} : memref<208x64xf32, #tpu.memory_space<vmem>>, vector<16xf32>,
        %add3A_1407 = arith.addf %add3A_1387, %get3A_1406 : vector<16xf32>
        %mul3A_1408 = arith.constant 16 : i32
        %mul3A_1409 = arith.muli %while3A_1143, %mul3A_1408 : i32
        %add3A_1410 = arith.constant 13 : i32
        %add3A_1411 = arith.addi %mul3A_1409, %add3A_1410 : i32
        %get3A_1412 = arith.index_cast %add3A_1411 : i32 to index
        %get3A_1413 = arith.constant 0 : index
        %get3A_1414 = tpu.vector_load %arg8[%get3A_1412, %get3A_1413] {strides = array<i32>} : memref<208x64xf32, #tpu.memory_space<vmem>>, vector<16xf32>,
        %add3A_1415 = arith.addf %add3A_1395, %get3A_1414 : vector<16xf32>
        %get3A_1416 = arith.index_cast %add3A_1411 : i32 to index
        %get3A_1417 = arith.constant 16 : index
        %get3A_1418 = tpu.vector_load %arg8[%get3A_1416, %get3A_1417] {strides = array<i32>} : memref<208x64xf32, #tpu.memory_space<vmem>>, vector<16xf32>,
        %add3A_1419 = arith.addf %add3A_1399, %get3A_1418 : vector<16xf32>
        %get3A_1420 = arith.index_cast %add3A_1411 : i32 to index
        %get3A_1421 = arith.constant 32 : index
        %get3A_1422 = tpu.vector_load %arg8[%get3A_1420, %get3A_1421] {strides = array<i32>} : memref<208x64xf32, #tpu.memory_space<vmem>>, vector<16xf32>,
        %add3A_1423 = arith.addf %add3A_1403, %get3A_1422 : vector<16xf32>
        %get3A_1424 = arith.index_cast %add3A_1411 : i32 to index
        %get3A_1425 = arith.constant 48 : index
        %get3A_1426 = tpu.vector_load %arg8[%get3A_1424, %get3A_1425] {strides = array<i32>} : memref<208x64xf32, #tpu.memory_space<vmem>>, vector<16xf32>,
        %add3A_1427 = arith.addf %add3A_1407, %get3A_1426 : vector<16xf32>
        %mul3A_1428 = arith.constant 16 : i32
        %mul3A_1429 = arith.muli %while3A_1143, %mul3A_1428 : i32
        %add3A_1430 = arith.constant 14 : i32
        %add3A_1431 = arith.addi %mul3A_1429, %add3A_1430 : i32
        %get3A_1432 = arith.index_cast %add3A_1431 : i32 to index
        %get3A_1433 = arith.constant 0 : index
        %get3A_1434 = tpu.vector_load %arg8[%get3A_1432, %get3A_1433] {strides = array<i32>} : memref<208x64xf32, #tpu.memory_space<vmem>>, vector<16xf32>,
        %add3A_1435 = arith.addf %add3A_1415, %get3A_1434 : vector<16xf32>
        %get3A_1436 = arith.index_cast %add3A_1431 : i32 to index
        %get3A_1437 = arith.constant 16 : index
        %get3A_1438 = tpu.vector_load %arg8[%get3A_1436, %get3A_1437] {strides = array<i32>} : memref<208x64xf32, #tpu.memory_space<vmem>>, vector<16xf32>,
        %add3A_1439 = arith.addf %add3A_1419, %get3A_1438 : vector<16xf32>
        %get3A_1440 = arith.index_cast %add3A_1431 : i32 to index
        %get3A_1441 = arith.constant 32 : index
        %get3A_1442 = tpu.vector_load %arg8[%get3A_1440, %get3A_1441] {strides = array<i32>} : memref<208x64xf32, #tpu.memory_space<vmem>>, vector<16xf32>,
        %add3A_1443 = arith.addf %add3A_1423, %get3A_1442 : vector<16xf32>
        %get3A_1444 = arith.index_cast %add3A_1431 : i32 to index
        %get3A_1445 = arith.constant 48 : index
        %get3A_1446 = tpu.vector_load %arg8[%get3A_1444, %get3A_1445] {strides = array<i32>} : memref<208x64xf32, #tpu.memory_space<vmem>>, vector<16xf32>,
        %add3A_1447 = arith.addf %add3A_1427, %get3A_1446 : vector<16xf32>
        %mul3A_1448 = arith.constant 16 : i32
        %mul3A_1449 = arith.muli %while3A_1143, %mul3A_1448 : i32
        %add3A_1450 = arith.constant 15 : i32
        %add3A_1451 = arith.addi %mul3A_1449, %add3A_1450 : i32
        %get3A_1452 = arith.index_cast %add3A_1451 : i32 to index
        %get3A_1453 = arith.constant 0 : index
        %get3A_1454 = tpu.vector_load %arg8[%get3A_1452, %get3A_1453] {strides = array<i32>} : memref<208x64xf32, #tpu.memory_space<vmem>>, vector<16xf32>,
        %add3A_1455 = arith.addf %add3A_1435, %get3A_1454 : vector<16xf32>
        %get3A_1456 = arith.index_cast %add3A_1451 : i32 to index
        %get3A_1457 = arith.constant 16 : index
        %get3A_1458 = tpu.vector_load %arg8[%get3A_1456, %get3A_1457] {strides = array<i32>} : memref<208x64xf32, #tpu.memory_space<vmem>>, vector<16xf32>,
        %add3A_1459 = arith.addf %add3A_1439, %get3A_1458 : vector<16xf32>
        %get3A_1460 = arith.index_cast %add3A_1451 : i32 to index
        %get3A_1461 = arith.constant 32 : index
        %get3A_1462 = tpu.vector_load %arg8[%get3A_1460, %get3A_1461] {strides = array<i32>} : memref<208x64xf32, #tpu.memory_space<vmem>>, vector<16xf32>,
        %add3A_1463 = arith.addf %add3A_1443, %get3A_1462 : vector<16xf32>
        %get3A_1464 = arith.index_cast %add3A_1451 : i32 to index
        %get3A_1465 = arith.constant 48 : index
        %get3A_1466 = tpu.vector_load %arg8[%get3A_1464, %get3A_1465] {strides = array<i32>} : memref<208x64xf32, #tpu.memory_space<vmem>>, vector<16xf32>,
        %add3A_1467 = arith.addf %add3A_1447, %get3A_1466 : vector<16xf32>
        scf.yield %add3A_1455, %add3A_1459, %add3A_1463, %add3A_1467 : vector<16xf32>, vector<16xf32>, vector<16xf32>, vector<16xf32>
      }
      %mul3A_806 = arith.constant 16 : i32
      %mul3A_807 = arith.muli %scan3A_564, %mul3A_806 : i32
      %sub3A_808 = arith.constant 200 : i32
      %sub3A_809 = arith.subi %sub3A_808, %mul3A_807 : i32
      %convert_element_type3A_810 = arith.sitofp %sub3A_809 : i32 to f32
      %rem3A_811 = arith.constant 32 : i32
      %rem3A_812 = arith.remsi %mul3A_782, %rem3A_811 : i32
      %get3A_813 = arith.constant 0 : i32
      %get3A_814 = arith.index_cast %get3A_813 : i32 to index
      %get3A_815 = arith.constant 0 : index
      %get3A_816 = tpu.vector_load %arg11[%get3A_814, %get3A_815] {strides = array<i32>} : memref<1x64xf32, #tpu.memory_space<vmem>>, vector<16xf32>,
      %mul3A_817 = vector.broadcast %convert_element_type3A_810 : f32 to vector<16xf32>
      %mul3A_818 = arith.mulf %mul3A_817, %get3A_816 : vector<16xf32>
      %add3A_819 = arith.addf %while3A_805#0, %mul3A_818 : vector<16xf32>
      %swap3A_820 = arith.index_cast %rem3A_812 : i32 to index
      %swap3A_821 = arith.constant 0 : index
      %swap3A_822 = tpu.vector_load %arg10[%swap3A_820, %swap3A_821] {strides = array<i32>} : memref<32x64xf32, #tpu.memory_space<vmem>>, vector<16xf32>,
      tpu.vector_store %arg10[%swap3A_820, %swap3A_821], %add3A_819 {strides = array<i32>} : memref<32x64xf32, #tpu.memory_space<vmem>>, vector<16xf32>,
      %get3A_823 = arith.constant 0 : i32
      %get3A_824 = arith.index_cast %get3A_823 : i32 to index
      %get3A_825 = arith.constant 16 : index
      %get3A_826 = tpu.vector_load %arg11[%get3A_824, %get3A_825] {strides = array<i32>} : memref<1x64xf32, #tpu.memory_space<vmem>>, vector<16xf32>,
      %mul3A_827 = vector.broadcast %convert_element_type3A_810 : f32 to vector<16xf32>
      %mul3A_828 = arith.mulf %mul3A_827, %get3A_826 : vector<16xf32>
      %add3A_829 = arith.addf %while3A_805#1, %mul3A_828 : vector<16xf32>
      %swap3A_830 = arith.index_cast %rem3A_812 : i32 to index
      %swap3A_831 = arith.constant 16 : index
      %swap3A_832 = tpu.vector_load %arg10[%swap3A_830, %swap3A_831] {strides = array<i32>} : memref<32x64xf32, #tpu.memory_space<vmem>>, vector<16xf32>,
      tpu.vector_store %arg10[%swap3A_830, %swap3A_831], %add3A_829 {strides = array<i32>} : memref<32x64xf32, #tpu.memory_space<vmem>>, vector<16xf32>,
      %get3A_833 = arith.constant 0 : i32
      %get3A_834 = arith.index_cast %get3A_833 : i32 to index
      %get3A_835 = arith.constant 32 : index
      %get3A_836 = tpu.vector_load %arg11[%get3A_834, %get3A_835] {strides = array<i32>} : memref<1x64xf32, #tpu.memory_space<vmem>>, vector<16xf32>,
      %mul3A_837 = vector.broadcast %convert_element_type3A_810 : f32 to vector<16xf32>
      %mul3A_838 = arith.mulf %mul3A_837, %get3A_836 : vector<16xf32>
      %add3A_839 = arith.addf %while3A_805#2, %mul3A_838 : vector<16xf32>
      %swap3A_840 = arith.index_cast %rem3A_812 : i32 to index
      %swap3A_841 = arith.constant 32 : index
      %swap3A_842 = tpu.vector_load %arg10[%swap3A_840, %swap3A_841] {strides = array<i32>} : memref<32x64xf32, #tpu.memory_space<vmem>>, vector<16xf32>,
      tpu.vector_store %arg10[%swap3A_840, %swap3A_841], %add3A_839 {strides = array<i32>} : memref<32x64xf32, #tpu.memory_space<vmem>>, vector<16xf32>,
      %get3A_843 = arith.constant 0 : i32
      %get3A_844 = arith.index_cast %get3A_843 : i32 to index
      %get3A_845 = arith.constant 48 : index
      %get3A_846 = tpu.vector_load %arg11[%get3A_844, %get3A_845] {strides = array<i32>} : memref<1x64xf32, #tpu.memory_space<vmem>>, vector<16xf32>,
      %mul3A_847 = vector.broadcast %convert_element_type3A_810 : f32 to vector<16xf32>
      %mul3A_848 = arith.mulf %mul3A_847, %get3A_846 : vector<16xf32>
      %add3A_849 = arith.addf %while3A_805#3, %mul3A_848 : vector<16xf32>
      %swap3A_850 = arith.index_cast %rem3A_812 : i32 to index
      %swap3A_851 = arith.constant 48 : index
      %swap3A_852 = tpu.vector_load %arg10[%swap3A_850, %swap3A_851] {strides = array<i32>} : memref<32x64xf32, #tpu.memory_space<vmem>>, vector<16xf32>,
      tpu.vector_store %arg10[%swap3A_850, %swap3A_851], %add3A_849 {strides = array<i32>} : memref<32x64xf32, #tpu.memory_space<vmem>>, vector<16xf32>,
      %rem3A_853 = arith.constant 32 : i32
      %rem3A_854 = arith.remsi %add3A_572, %rem3A_853 : i32
      %eq3A = arith.constant 0 : i32
      %eq3A_855 = arith.cmpi eq, %rem3A_854, %eq3A : i32
      %convert_element_type3A_856 = arith.extui %eq3A_855 : i1 to i32
      %cond3A = arith.constant 0 : i32
      %cond3A_857 = arith.cmpi ne, %convert_element_type3A_856, %cond3A : i32
      scf.if %cond3A_857 {
        %add3A_1143 = arith.addi %mul3A_2, %add3A_572 : i32
        %multiple_of3A_1144 = tpu.assume_multiple %add3A_1143, 32 : i32
        "tpu.region"() ({
          %run_scoped3A = tpu.sem_alloc : memref<!tpu.dma_semaphore, #tpu.memory_space<semaphore_mem>>
          %dma_start3A = arith.constant 0 : i32
          %dma_start3A_1145 = tpu.memref_slice %arg2[%multiple_of3A_1144, %dma_start3A] : memref<4096x200xi32, #tpu.memory_space<hbm>> -> memref<32x200xi32, #tpu.memory_space<hbm>>
          %dma_start3A_1146 = arith.constant 0 : i32
          %dma_start3A_1147 = tpu.memref_slice %arg2[%multiple_of3A_1144, %dma_start3A_1146] : memref<4096x200xi32, #tpu.memory_space<hbm>> -> memref<32x200xi32, #tpu.memory_space<hbm>>
          tpu.enqueue_dma source(%dma_start3A_1147 : memref<32x200xi32, #tpu.memory_space<hbm>>) target(%arg5 : memref<32x200xi32, #tpu.memory_space<vmem>>) target_semaphore(%run_scoped3A : memref<!tpu.dma_semaphore, #tpu.memory_space<semaphore_mem>>)
          %dma_wait3A = arith.constant 0 : i32
          %dma_wait3A_1148 = tpu.memref_slice %arg2[%multiple_of3A_1144, %dma_wait3A] : memref<4096x200xi32, #tpu.memory_space<hbm>> -> memref<32x200xi32, #tpu.memory_space<hbm>>
          %dma_wait3A_1149 = arith.constant 0 : i32
          %dma_wait3A_1150 = tpu.memref_slice %arg2[%multiple_of3A_1144, %dma_wait3A_1149] : memref<4096x200xi32, #tpu.memory_space<hbm>> -> memref<32x200xi32, #tpu.memory_space<hbm>>
          tpu.wait_dma2 semaphore(%run_scoped3A : memref<!tpu.dma_semaphore, #tpu.memory_space<semaphore_mem>>) src(%dma_wait3A_1150 : memref<32x200xi32, #tpu.memory_space<hbm>>) dst(%arg5 : memref<32x200xi32, #tpu.memory_space<vmem>>)
          tpu.yield
        }) : () -> ()
      } else {
      }
      %rem3A_858 = arith.constant 32 : i32
      %rem3A_859 = arith.remsi %add3A_572, %rem3A_858 : i32
      %get3A_860 = arith.index_cast %rem3A_859 : i32 to index
      %get3A_861 = arith.constant 0 : index
      %get3A_862 = tpu.vector_load %arg5[%get3A_860, %get3A_861] {strides = array<i32>} : memref<32x200xi32, #tpu.memory_space<vmem>>, vector<16xi32>,
      %gt3A_863 = arith.constant 0 : i32
      %gt3A_864 = vector.broadcast %gt3A_863 : i32 to vector<16xi32>
      %gt3A_865 = arith.cmpi sgt, %get3A_862, %gt3A_864 : vector<16xi32>
      %swap3A_866 = arith.constant 0 : i32
      %swap3A_867 = arith.index_cast %swap3A_866 : i32 to index
      %swap3A_868 = tpu.vector_load %arg6[%swap3A_867] masked %gt3A_865 {strides = array<i32>} : memref<224xi32, #tpu.memory_space<vmem>>, vector<16xi32>, vector<16xi1>
      tpu.vector_store %arg6[%swap3A_867], %get3A_862 masked %gt3A_865 {strides = array<i32>} : memref<224xi32, #tpu.memory_space<vmem>>, vector<16xi32>, vector<16xi1>
      %convert_element_type3A_869 = arith.extui %gt3A_865 : vector<16xi1> to vector<16xi32>
      %reduce_sum3A_870 = arith.constant true
      %reduce_sum3A_871 = vector.broadcast %reduce_sum3A_870 : i1 to vector<16xi1>
      %reduce_sum3A_872 = tpu.scan <sum>, %convert_element_type3A_869 masked %reduce_sum3A_871 : vector<16xi32>, vector<16xi1> -> vector<16xi32>
      %reduce_sum3A_873 = vector.extract %reduce_sum3A_872[15] : i32 from vector<16xi32>
      %add3A_874 = arith.constant 0 : i32
      %add3A_875 = arith.addi %add3A_874, %reduce_sum3A_873 : i32
      %get3A_876 = arith.index_cast %rem3A_859 : i32 to index
      %get3A_877 = arith.constant 16 : index
      %get3A_878 = tpu.vector_load %arg5[%get3A_876, %get3A_877] {strides = array<i32>} : memref<32x200xi32, #tpu.memory_space<vmem>>, vector<16xi32>,
      %gt3A_879 = arith.constant 0 : i32
      %gt3A_880 = vector.broadcast %gt3A_879 : i32 to vector<16xi32>
      %gt3A_881 = arith.cmpi sgt, %get3A_878, %gt3A_880 : vector<16xi32>
      %swap3A_882 = arith.index_cast %add3A_875 : i32 to index
      %swap3A_883 = tpu.vector_load %arg6[%swap3A_882] masked %gt3A_881 {strides = array<i32>} : memref<224xi32, #tpu.memory_space<vmem>>, vector<16xi32>, vector<16xi1>
      tpu.vector_store %arg6[%swap3A_882], %get3A_878 masked %gt3A_881 {strides = array<i32>} : memref<224xi32, #tpu.memory_space<vmem>>, vector<16xi32>, vector<16xi1>
      %convert_element_type3A_884 = arith.extui %gt3A_881 : vector<16xi1> to vector<16xi32>
      %reduce_sum3A_885 = arith.constant true
      %reduce_sum3A_886 = vector.broadcast %reduce_sum3A_885 : i1 to vector<16xi1>
      %reduce_sum3A_887 = tpu.scan <sum>, %convert_element_type3A_884 masked %reduce_sum3A_886 : vector<16xi32>, vector<16xi1> -> vector<16xi32>
      %reduce_sum3A_888 = vector.extract %reduce_sum3A_887[15] : i32 from vector<16xi32>
      %add3A_889 = arith.addi %add3A_875, %reduce_sum3A_888 : i32
      %get3A_890 = arith.index_cast %rem3A_859 : i32 to index
      %get3A_891 = arith.constant 32 : index
      %get3A_892 = tpu.vector_load %arg5[%get3A_890, %get3A_891] {strides = array<i32>} : memref<32x200xi32, #tpu.memory_space<vmem>>, vector<16xi32>,
      %gt3A_893 = arith.constant 0 : i32
      %gt3A_894 = vector.broadcast %gt3A_893 : i32 to vector<16xi32>
      %gt3A_895 = arith.cmpi sgt, %get3A_892, %gt3A_894 : vector<16xi32>
      %swap3A_896 = arith.index_cast %add3A_889 : i32 to index
      %swap3A_897 = tpu.vector_load %arg6[%swap3A_896] masked %gt3A_895 {strides = array<i32>} : memref<224xi32, #tpu.memory_space<vmem>>, vector<16xi32>, vector<16xi1>
      tpu.vector_store %arg6[%swap3A_896], %get3A_892 masked %gt3A_895 {strides = array<i32>} : memref<224xi32, #tpu.memory_space<vmem>>, vector<16xi32>, vector<16xi1>
      %convert_element_type3A_898 = arith.extui %gt3A_895 : vector<16xi1> to vector<16xi32>
      %reduce_sum3A_899 = arith.constant true
      %reduce_sum3A_900 = vector.broadcast %reduce_sum3A_899 : i1 to vector<16xi1>
      %reduce_sum3A_901 = tpu.scan <sum>, %convert_element_type3A_898 masked %reduce_sum3A_900 : vector<16xi32>, vector<16xi1> -> vector<16xi32>
      %reduce_sum3A_902 = vector.extract %reduce_sum3A_901[15] : i32 from vector<16xi32>
      %add3A_903 = arith.addi %add3A_889, %reduce_sum3A_902 : i32
      %get3A_904 = arith.index_cast %rem3A_859 : i32 to index
      %get3A_905 = arith.constant 48 : index
      %get3A_906 = tpu.vector_load %arg5[%get3A_904, %get3A_905] {strides = array<i32>} : memref<32x200xi32, #tpu.memory_space<vmem>>, vector<16xi32>,
      %gt3A_907 = arith.constant 0 : i32
      %gt3A_908 = vector.broadcast %gt3A_907 : i32 to vector<16xi32>
      %gt3A_909 = arith.cmpi sgt, %get3A_906, %gt3A_908 : vector<16xi32>
      %swap3A_910 = arith.index_cast %add3A_903 : i32 to index
      %swap3A_911 = tpu.vector_load %arg6[%swap3A_910] masked %gt3A_909 {strides = array<i32>} : memref<224xi32, #tpu.memory_space<vmem>>, vector<16xi32>, vector<16xi1>
      tpu.vector_store %arg6[%swap3A_910], %get3A_906 masked %gt3A_909 {strides = array<i32>} : memref<224xi32, #tpu.memory_space<vmem>>, vector<16xi32>, vector<16xi1>
      %convert_element_type3A_912 = arith.extui %gt3A_909 : vector<16xi1> to vector<16xi32>
      %reduce_sum3A_913 = arith.constant true
      %reduce_sum3A_914 = vector.broadcast %reduce_sum3A_913 : i1 to vector<16xi1>
      %reduce_sum3A_915 = tpu.scan <sum>, %convert_element_type3A_912 masked %reduce_sum3A_914 : vector<16xi32>, vector<16xi1> -> vector<16xi32>
      %reduce_sum3A_916 = vector.extract %reduce_sum3A_915[15] : i32 from vector<16xi32>
      %add3A_917 = arith.addi %add3A_903, %reduce_sum3A_916 : i32
      %get3A_918 = arith.index_cast %rem3A_859 : i32 to index
      %get3A_919 = arith.constant 64 : index
      %get3A_920 = tpu.vector_load %arg5[%get3A_918, %get3A_919] {strides = array<i32>} : memref<32x200xi32, #tpu.memory_space<vmem>>, vector<16xi32>,
      %gt3A_921 = arith.constant 0 : i32
      %gt3A_922 = vector.broadcast %gt3A_921 : i32 to vector<16xi32>
      %gt3A_923 = arith.cmpi sgt, %get3A_920, %gt3A_922 : vector<16xi32>
      %swap3A_924 = arith.index_cast %add3A_917 : i32 to index
      %swap3A_925 = tpu.vector_load %arg6[%swap3A_924] masked %gt3A_923 {strides = array<i32>} : memref<224xi32, #tpu.memory_space<vmem>>, vector<16xi32>, vector<16xi1>
      tpu.vector_store %arg6[%swap3A_924], %get3A_920 masked %gt3A_923 {strides = array<i32>} : memref<224xi32, #tpu.memory_space<vmem>>, vector<16xi32>, vector<16xi1>
      %convert_element_type3A_926 = arith.extui %gt3A_923 : vector<16xi1> to vector<16xi32>
      %reduce_sum3A_927 = arith.constant true
      %reduce_sum3A_928 = vector.broadcast %reduce_sum3A_927 : i1 to vector<16xi1>
      %reduce_sum3A_929 = tpu.scan <sum>, %convert_element_type3A_926 masked %reduce_sum3A_928 : vector<16xi32>, vector<16xi1> -> vector<16xi32>
      %reduce_sum3A_930 = vector.extract %reduce_sum3A_929[15] : i32 from vector<16xi32>
      %add3A_931 = arith.addi %add3A_917, %reduce_sum3A_930 : i32
      %get3A_932 = arith.index_cast %rem3A_859 : i32 to index
      %get3A_933 = arith.constant 80 : index
      %get3A_934 = tpu.vector_load %arg5[%get3A_932, %get3A_933] {strides = array<i32>} : memref<32x200xi32, #tpu.memory_space<vmem>>, vector<16xi32>,
      %gt3A_935 = arith.constant 0 : i32
      %gt3A_936 = vector.broadcast %gt3A_935 : i32 to vector<16xi32>
      %gt3A_937 = arith.cmpi sgt, %get3A_934, %gt3A_936 : vector<16xi32>
      %swap3A_938 = arith.index_cast %add3A_931 : i32 to index
      %swap3A_939 = tpu.vector_load %arg6[%swap3A_938] masked %gt3A_937 {strides = array<i32>} : memref<224xi32, #tpu.memory_space<vmem>>, vector<16xi32>, vector<16xi1>
      tpu.vector_store %arg6[%swap3A_938], %get3A_934 masked %gt3A_937 {strides = array<i32>} : memref<224xi32, #tpu.memory_space<vmem>>, vector<16xi32>, vector<16xi1>
      %convert_element_type3A_940 = arith.extui %gt3A_937 : vector<16xi1> to vector<16xi32>
      %reduce_sum3A_941 = arith.constant true
      %reduce_sum3A_942 = vector.broadcast %reduce_sum3A_941 : i1 to vector<16xi1>
      %reduce_sum3A_943 = tpu.scan <sum>, %convert_element_type3A_940 masked %reduce_sum3A_942 : vector<16xi32>, vector<16xi1> -> vector<16xi32>
      %reduce_sum3A_944 = vector.extract %reduce_sum3A_943[15] : i32 from vector<16xi32>
      %add3A_945 = arith.addi %add3A_931, %reduce_sum3A_944 : i32
      %get3A_946 = arith.index_cast %rem3A_859 : i32 to index
      %get3A_947 = arith.constant 96 : index
      %get3A_948 = tpu.vector_load %arg5[%get3A_946, %get3A_947] {strides = array<i32>} : memref<32x200xi32, #tpu.memory_space<vmem>>, vector<16xi32>,
      %gt3A_949 = arith.constant 0 : i32
      %gt3A_950 = vector.broadcast %gt3A_949 : i32 to vector<16xi32>
      %gt3A_951 = arith.cmpi sgt, %get3A_948, %gt3A_950 : vector<16xi32>
      %swap3A_952 = arith.index_cast %add3A_945 : i32 to index
      %swap3A_953 = tpu.vector_load %arg6[%swap3A_952] masked %gt3A_951 {strides = array<i32>} : memref<224xi32, #tpu.memory_space<vmem>>, vector<16xi32>, vector<16xi1>
      tpu.vector_store %arg6[%swap3A_952], %get3A_948 masked %gt3A_951 {strides = array<i32>} : memref<224xi32, #tpu.memory_space<vmem>>, vector<16xi32>, vector<16xi1>
      %convert_element_type3A_954 = arith.extui %gt3A_951 : vector<16xi1> to vector<16xi32>
      %reduce_sum3A_955 = arith.constant true
      %reduce_sum3A_956 = vector.broadcast %reduce_sum3A_955 : i1 to vector<16xi1>
      %reduce_sum3A_957 = tpu.scan <sum>, %convert_element_type3A_954 masked %reduce_sum3A_956 : vector<16xi32>, vector<16xi1> -> vector<16xi32>
      %reduce_sum3A_958 = vector.extract %reduce_sum3A_957[15] : i32 from vector<16xi32>
      %add3A_959 = arith.addi %add3A_945, %reduce_sum3A_958 : i32
      %get3A_960 = arith.index_cast %rem3A_859 : i32 to index
      %get3A_961 = arith.constant 112 : index
      %get3A_962 = tpu.vector_load %arg5[%get3A_960, %get3A_961] {strides = array<i32>} : memref<32x200xi32, #tpu.memory_space<vmem>>, vector<16xi32>,
      %gt3A_963 = arith.constant 0 : i32
      %gt3A_964 = vector.broadcast %gt3A_963 : i32 to vector<16xi32>
      %gt3A_965 = arith.cmpi sgt, %get3A_962, %gt3A_964 : vector<16xi32>
      %swap3A_966 = arith.index_cast %add3A_959 : i32 to index
      %swap3A_967 = tpu.vector_load %arg6[%swap3A_966] masked %gt3A_965 {strides = array<i32>} : memref<224xi32, #tpu.memory_space<vmem>>, vector<16xi32>, vector<16xi1>
      tpu.vector_store %arg6[%swap3A_966], %get3A_962 masked %gt3A_965 {strides = array<i32>} : memref<224xi32, #tpu.memory_space<vmem>>, vector<16xi32>, vector<16xi1>
      %convert_element_type3A_968 = arith.extui %gt3A_965 : vector<16xi1> to vector<16xi32>
      %reduce_sum3A_969 = arith.constant true
      %reduce_sum3A_970 = vector.broadcast %reduce_sum3A_969 : i1 to vector<16xi1>
      %reduce_sum3A_971 = tpu.scan <sum>, %convert_element_type3A_968 masked %reduce_sum3A_970 : vector<16xi32>, vector<16xi1> -> vector<16xi32>
      %reduce_sum3A_972 = vector.extract %reduce_sum3A_971[15] : i32 from vector<16xi32>
      %add3A_973 = arith.addi %add3A_959, %reduce_sum3A_972 : i32
      %get3A_974 = arith.index_cast %rem3A_859 : i32 to index
      %get3A_975 = arith.constant 128 : index
      %get3A_976 = tpu.vector_load %arg5[%get3A_974, %get3A_975] {strides = array<i32>} : memref<32x200xi32, #tpu.memory_space<vmem>>, vector<16xi32>,
      %gt3A_977 = arith.constant 0 : i32
      %gt3A_978 = vector.broadcast %gt3A_977 : i32 to vector<16xi32>
      %gt3A_979 = arith.cmpi sgt, %get3A_976, %gt3A_978 : vector<16xi32>
      %swap3A_980 = arith.index_cast %add3A_973 : i32 to index
      %swap3A_981 = tpu.vector_load %arg6[%swap3A_980] masked %gt3A_979 {strides = array<i32>} : memref<224xi32, #tpu.memory_space<vmem>>, vector<16xi32>, vector<16xi1>
      tpu.vector_store %arg6[%swap3A_980], %get3A_976 masked %gt3A_979 {strides = array<i32>} : memref<224xi32, #tpu.memory_space<vmem>>, vector<16xi32>, vector<16xi1>
      %convert_element_type3A_982 = arith.extui %gt3A_979 : vector<16xi1> to vector<16xi32>
      %reduce_sum3A_983 = arith.constant true
      %reduce_sum3A_984 = vector.broadcast %reduce_sum3A_983 : i1 to vector<16xi1>
      %reduce_sum3A_985 = tpu.scan <sum>, %convert_element_type3A_982 masked %reduce_sum3A_984 : vector<16xi32>, vector<16xi1> -> vector<16xi32>
      %reduce_sum3A_986 = vector.extract %reduce_sum3A_985[15] : i32 from vector<16xi32>
      %add3A_987 = arith.addi %add3A_973, %reduce_sum3A_986 : i32
      %get3A_988 = arith.index_cast %rem3A_859 : i32 to index
      %get3A_989 = arith.constant 144 : index
      %get3A_990 = tpu.vector_load %arg5[%get3A_988, %get3A_989] {strides = array<i32>} : memref<32x200xi32, #tpu.memory_space<vmem>>, vector<16xi32>,
      %gt3A_991 = arith.constant 0 : i32
      %gt3A_992 = vector.broadcast %gt3A_991 : i32 to vector<16xi32>
      %gt3A_993 = arith.cmpi sgt, %get3A_990, %gt3A_992 : vector<16xi32>
      %swap3A_994 = arith.index_cast %add3A_987 : i32 to index
      %swap3A_995 = tpu.vector_load %arg6[%swap3A_994] masked %gt3A_993 {strides = array<i32>} : memref<224xi32, #tpu.memory_space<vmem>>, vector<16xi32>, vector<16xi1>
      tpu.vector_store %arg6[%swap3A_994], %get3A_990 masked %gt3A_993 {strides = array<i32>} : memref<224xi32, #tpu.memory_space<vmem>>, vector<16xi32>, vector<16xi1>
      %convert_element_type3A_996 = arith.extui %gt3A_993 : vector<16xi1> to vector<16xi32>
      %reduce_sum3A_997 = arith.constant true
      %reduce_sum3A_998 = vector.broadcast %reduce_sum3A_997 : i1 to vector<16xi1>
      %reduce_sum3A_999 = tpu.scan <sum>, %convert_element_type3A_996 masked %reduce_sum3A_998 : vector<16xi32>, vector<16xi1> -> vector<16xi32>
      %reduce_sum3A_1000 = vector.extract %reduce_sum3A_999[15] : i32 from vector<16xi32>
      %add3A_1001 = arith.addi %add3A_987, %reduce_sum3A_1000 : i32
      %get3A_1002 = arith.index_cast %rem3A_859 : i32 to index
      %get3A_1003 = arith.constant 160 : index
      %get3A_1004 = tpu.vector_load %arg5[%get3A_1002, %get3A_1003] {strides = array<i32>} : memref<32x200xi32, #tpu.memory_space<vmem>>, vector<16xi32>,
      %gt3A_1005 = arith.constant 0 : i32
      %gt3A_1006 = vector.broadcast %gt3A_1005 : i32 to vector<16xi32>
      %gt3A_1007 = arith.cmpi sgt, %get3A_1004, %gt3A_1006 : vector<16xi32>
      %swap3A_1008 = arith.index_cast %add3A_1001 : i32 to index
      %swap3A_1009 = tpu.vector_load %arg6[%swap3A_1008] masked %gt3A_1007 {strides = array<i32>} : memref<224xi32, #tpu.memory_space<vmem>>, vector<16xi32>, vector<16xi1>
      tpu.vector_store %arg6[%swap3A_1008], %get3A_1004 masked %gt3A_1007 {strides = array<i32>} : memref<224xi32, #tpu.memory_space<vmem>>, vector<16xi32>, vector<16xi1>
      %convert_element_type3A_1010 = arith.extui %gt3A_1007 : vector<16xi1> to vector<16xi32>
      %reduce_sum3A_1011 = arith.constant true
      %reduce_sum3A_1012 = vector.broadcast %reduce_sum3A_1011 : i1 to vector<16xi1>
      %reduce_sum3A_1013 = tpu.scan <sum>, %convert_element_type3A_1010 masked %reduce_sum3A_1012 : vector<16xi32>, vector<16xi1> -> vector<16xi32>
      %reduce_sum3A_1014 = vector.extract %reduce_sum3A_1013[15] : i32 from vector<16xi32>
      %add3A_1015 = arith.addi %add3A_1001, %reduce_sum3A_1014 : i32
      %get3A_1016 = arith.index_cast %rem3A_859 : i32 to index
      %get3A_1017 = arith.constant 176 : index
      %get3A_1018 = tpu.vector_load %arg5[%get3A_1016, %get3A_1017] {strides = array<i32>} : memref<32x200xi32, #tpu.memory_space<vmem>>, vector<16xi32>,
      %gt3A_1019 = arith.constant 0 : i32
      %gt3A_1020 = vector.broadcast %gt3A_1019 : i32 to vector<16xi32>
      %gt3A_1021 = arith.cmpi sgt, %get3A_1018, %gt3A_1020 : vector<16xi32>
      %swap3A_1022 = arith.index_cast %add3A_1015 : i32 to index
      %swap3A_1023 = tpu.vector_load %arg6[%swap3A_1022] masked %gt3A_1021 {strides = array<i32>} : memref<224xi32, #tpu.memory_space<vmem>>, vector<16xi32>, vector<16xi1>
      tpu.vector_store %arg6[%swap3A_1022], %get3A_1018 masked %gt3A_1021 {strides = array<i32>} : memref<224xi32, #tpu.memory_space<vmem>>, vector<16xi32>, vector<16xi1>
      %convert_element_type3A_1024 = arith.extui %gt3A_1021 : vector<16xi1> to vector<16xi32>
      %reduce_sum3A_1025 = arith.constant true
      %reduce_sum3A_1026 = vector.broadcast %reduce_sum3A_1025 : i1 to vector<16xi1>
      %reduce_sum3A_1027 = tpu.scan <sum>, %convert_element_type3A_1024 masked %reduce_sum3A_1026 : vector<16xi32>, vector<16xi1> -> vector<16xi32>
      %reduce_sum3A_1028 = vector.extract %reduce_sum3A_1027[15] : i32 from vector<16xi32>
      %add3A_1029 = arith.addi %add3A_1015, %reduce_sum3A_1028 : i32
      %get3A_1030 = arith.index_cast %rem3A_859 : i32 to index
      %get3A_1031 = arith.constant 184 : index
      %get3A_1032 = tpu.vector_load %arg5[%get3A_1030, %get3A_1031] {strides = array<i32>} : memref<32x200xi32, #tpu.memory_space<vmem>>, vector<16xi32>,
      %gt3A_1033 = arith.constant 0 : i32
      %gt3A_1034 = vector.broadcast %gt3A_1033 : i32 to vector<16xi32>
      %gt3A_1035 = arith.cmpi sgt, %get3A_1032, %gt3A_1034 : vector<16xi32>
      %ge3A_1036 = arith.constant 8 : i32
      %ge3A_1037 = vector.broadcast %ge3A_1036 : i32 to vector<16xi32>
      %ge3A_1038 = arith.cmpi sge, %iota3A, %ge3A_1037 : vector<16xi32>
      %and3A_1039 = arith.andi %gt3A_1035, %ge3A_1038 : vector<16xi1>
      %swap3A_1040 = arith.index_cast %add3A_1029 : i32 to index
      %swap3A_1041 = tpu.vector_load %arg6[%swap3A_1040] masked %and3A_1039 {strides = array<i32>} : memref<224xi32, #tpu.memory_space<vmem>>, vector<16xi32>, vector<16xi1>
      tpu.vector_store %arg6[%swap3A_1040], %get3A_1032 masked %and3A_1039 {strides = array<i32>} : memref<224xi32, #tpu.memory_space<vmem>>, vector<16xi32>, vector<16xi1>
      %convert_element_type3A_1042 = arith.extui %and3A_1039 : vector<16xi1> to vector<16xi32>
      %reduce_sum3A_1043 = arith.constant true
      %reduce_sum3A_1044 = vector.broadcast %reduce_sum3A_1043 : i1 to vector<16xi1>
      %reduce_sum3A_1045 = tpu.scan <sum>, %convert_element_type3A_1042 masked %reduce_sum3A_1044 : vector<16xi32>, vector<16xi1> -> vector<16xi32>
      %reduce_sum3A_1046 = vector.extract %reduce_sum3A_1045[15] : i32 from vector<16xi32>
      %add3A_1047 = arith.addi %add3A_1029, %reduce_sum3A_1046 : i32
      %broadcast_in_dim3A_1048 = arith.constant 0 : i32
      %broadcast_in_dim3A_1049 = vector.broadcast %broadcast_in_dim3A_1048 : i32 to vector<16xi32>
      %swap3A_1050 = arith.index_cast %add3A_1047 : i32 to index
      %swap3A_1051 = tpu.vector_load %arg6[%swap3A_1050] {strides = array<i32>} : memref<224xi32, #tpu.memory_space<vmem>>, vector<16xi32>,
      tpu.vector_store %arg6[%swap3A_1050], %broadcast_in_dim3A_1049 {strides = array<i32>} : memref<224xi32, #tpu.memory_space<vmem>>, vector<16xi32>,
      %add3A_1052 = arith.constant 15 : i32
      %add3A_1053 = arith.addi %add3A_1047, %add3A_1052 : i32
      %shift_right_arithmetic3A_1054 = arith.constant 4 : i32
      %shift_right_arithmetic3A_1055 = arith.shrsi %add3A_1053, %shift_right_arithmetic3A_1054 : i32
      %while3A_1056 = arith.constant 0 : i32
      %while3A_1057 = arith.constant 0 : i32
      %while3A_1058 = arith.subi %shift_right_arithmetic3A_1055, %while3A_1057 : i32
      %while3A_1059 = arith.addi %while3A_1057, %while3A_1058 : i32
      %while3A_1060 = arith.constant 1 : i32
      %while3A_1061 = arith.divsi %while3A_1058, %while3A_1060 : i32
      %while3A_1062 = arith.muli %while3A_1061, %while3A_1060 : i32
      %while3A_1063 = arith.addi %while3A_1057, %while3A_1062 : i32
      %while3A_1064 = arith.constant 1 : i32
      scf.for %while3A_1143 = %while3A_1057 to %while3A_1063 step %while3A_1064  : i32 {
        %mul3A_1144 = arith.constant 16 : i32
        %mul3A_1145 = arith.muli %while3A_1143, %mul3A_1144 : i32
        %get3A_1146 = arith.index_cast %mul3A_1145 : i32 to index
        %get3A_1147 = tpu.vector_load %arg6[%get3A_1146] {strides = array<i32>} : memref<224xi32, #tpu.memory_space<vmem>>, vector<16xi32>,
        %mul3A_1148 = arith.constant 16 : i32
        %mul3A_1149 = arith.muli %while3A_1143, %mul3A_1148 : i32
        %dma_start3A = arith.constant 0 : i32
        %dma_start3A_1150 = tpu.memref_slice %arg8[%mul3A_1149, %dma_start3A] : memref<208x64xf32, #tpu.memory_space<vmem>> -> memref<16x64xf32, #tpu.memory_space<vmem>>
        %dma_start3A_1151 = arith.constant 0 : i32
        %dma_start3A_1152 = arith.constant 0 : i32
        %dma_start3A_1153 = tpu.memref_slice %arg3[%dma_start3A_1151, %dma_start3A_1152] : memref<1000000x64xf32, #tpu.memory_space<hbm>> -> memref<1000000x64xf32, #tpu.memory_space<hbm>>
        tpu.enqueue_indirect_dma source(%dma_start3A_1153 : memref<1000000x64xf32, #tpu.memory_space<hbm>>) target(%dma_start3A_1150 : memref<16x64xf32, #tpu.memory_space<vmem>>) offsets(%get3A_1147 : vector<16xi32>) semaphore(%arg12 : memref<!tpu.dma_semaphore, #tpu.memory_space<semaphore_mem>>)
      }
      %while3A_1065 = arith.constant 1 : i32
      scf.for %while3A_1143 = %while3A_1063 to %while3A_1059 step %while3A_1065  : i32 {
        %mul3A_1144 = arith.constant 16 : i32
        %mul3A_1145 = arith.muli %while3A_1143, %mul3A_1144 : i32
        %get3A_1146 = arith.index_cast %mul3A_1145 : i32 to index
        %get3A_1147 = tpu.vector_load %arg6[%get3A_1146] {strides = array<i32>} : memref<224xi32, #tpu.memory_space<vmem>>, vector<16xi32>,
        %mul3A_1148 = arith.constant 16 : i32
        %mul3A_1149 = arith.muli %while3A_1143, %mul3A_1148 : i32
        %dma_start3A = arith.constant 0 : i32
        %dma_start3A_1150 = tpu.memref_slice %arg8[%mul3A_1149, %dma_start3A] : memref<208x64xf32, #tpu.memory_space<vmem>> -> memref<16x64xf32, #tpu.memory_space<vmem>>
        %dma_start3A_1151 = arith.constant 0 : i32
        %dma_start3A_1152 = arith.constant 0 : i32
        %dma_start3A_1153 = tpu.memref_slice %arg3[%dma_start3A_1151, %dma_start3A_1152] : memref<1000000x64xf32, #tpu.memory_space<hbm>> -> memref<1000000x64xf32, #tpu.memory_space<hbm>>
        tpu.enqueue_indirect_dma source(%dma_start3A_1153 : memref<1000000x64xf32, #tpu.memory_space<hbm>>) target(%dma_start3A_1150 : memref<16x64xf32, #tpu.memory_space<vmem>>) offsets(%get3A_1147 : vector<16xi32>) semaphore(%arg12 : memref<!tpu.dma_semaphore, #tpu.memory_space<semaphore_mem>>)
      }
      %while3A_1066 = arith.constant 0 : i32
      %while3A_1067 = arith.constant 0 : i32
      %while3A_1068 = arith.subi %shift_right_arithmetic3A_770, %while3A_1067 : i32
      %while3A_1069 = arith.addi %while3A_1067, %while3A_1068 : i32
      %while3A_1070 = arith.constant 1 : i32
      %while3A_1071 = arith.divsi %while3A_1068, %while3A_1070 : i32
      %while3A_1072 = arith.muli %while3A_1071, %while3A_1070 : i32
      %while3A_1073 = arith.addi %while3A_1067, %while3A_1072 : i32
      %while3A_1074 = arith.constant 1 : i32
      scf.for %while3A_1143 = %while3A_1067 to %while3A_1073 step %while3A_1074  : i32 {
        %mul3A_1144 = arith.constant 16 : i32
        %mul3A_1145 = arith.muli %while3A_1143, %mul3A_1144 : i32
        %dma_wait3A = arith.constant 0 : i32
        %dma_wait3A_1146 = tpu.memref_slice %arg9[%mul3A_1145, %dma_wait3A] : memref<208x64xf32, #tpu.memory_space<vmem>> -> memref<16x64xf32, #tpu.memory_space<vmem>>
        %dma_wait3A_1147 = arith.constant 0 : i32
        %dma_wait3A_1148 = arith.constant 0 : i32
        %dma_wait3A_1149 = tpu.memref_slice %arg3[%dma_wait3A_1147, %dma_wait3A_1148] : memref<1000000x64xf32, #tpu.memory_space<hbm>> -> memref<16x64xf32, #tpu.memory_space<hbm>>
        %dma_wait3A_1150 = arith.constant 0 : i32
        %dma_wait3A_1151 = tpu.memref_slice %arg9[%mul3A_1145, %dma_wait3A_1150] : memref<208x64xf32, #tpu.memory_space<vmem>> -> memref<16x64xf32, #tpu.memory_space<vmem>>
        %dma_wait3A_1152 = arith.constant 0 : i32
        %dma_wait3A_1153 = arith.constant 0 : i32
        %dma_wait3A_1154 = tpu.memref_slice %arg3[%dma_wait3A_1152, %dma_wait3A_1153] : memref<1000000x64xf32, #tpu.memory_space<hbm>> -> memref<16x64xf32, #tpu.memory_space<hbm>>
        tpu.wait_dma2 semaphore(%arg13 : memref<!tpu.dma_semaphore, #tpu.memory_space<semaphore_mem>>) src(%dma_wait3A_1154 : memref<16x64xf32, #tpu.memory_space<hbm>>) dst(%dma_wait3A_1151 : memref<16x64xf32, #tpu.memory_space<vmem>>)
      }
      %while3A_1075 = arith.constant 1 : i32
      scf.for %while3A_1143 = %while3A_1073 to %while3A_1069 step %while3A_1075  : i32 {
        %mul3A_1144 = arith.constant 16 : i32
        %mul3A_1145 = arith.muli %while3A_1143, %mul3A_1144 : i32
        %dma_wait3A = arith.constant 0 : i32
        %dma_wait3A_1146 = tpu.memref_slice %arg9[%mul3A_1145, %dma_wait3A] : memref<208x64xf32, #tpu.memory_space<vmem>> -> memref<16x64xf32, #tpu.memory_space<vmem>>
        %dma_wait3A_1147 = arith.constant 0 : i32
        %dma_wait3A_1148 = arith.constant 0 : i32
        %dma_wait3A_1149 = tpu.memref_slice %arg3[%dma_wait3A_1147, %dma_wait3A_1148] : memref<1000000x64xf32, #tpu.memory_space<hbm>> -> memref<16x64xf32, #tpu.memory_space<hbm>>
        %dma_wait3A_1150 = arith.constant 0 : i32
        %dma_wait3A_1151 = tpu.memref_slice %arg9[%mul3A_1145, %dma_wait3A_1150] : memref<208x64xf32, #tpu.memory_space<vmem>> -> memref<16x64xf32, #tpu.memory_space<vmem>>
        %dma_wait3A_1152 = arith.constant 0 : i32
        %dma_wait3A_1153 = arith.constant 0 : i32
        %dma_wait3A_1154 = tpu.memref_slice %arg3[%dma_wait3A_1152, %dma_wait3A_1153] : memref<1000000x64xf32, #tpu.memory_space<hbm>> -> memref<16x64xf32, #tpu.memory_space<hbm>>
        tpu.wait_dma2 semaphore(%arg13 : memref<!tpu.dma_semaphore, #tpu.memory_space<semaphore_mem>>) src(%dma_wait3A_1154 : memref<16x64xf32, #tpu.memory_space<hbm>>) dst(%dma_wait3A_1151 : memref<16x64xf32, #tpu.memory_space<vmem>>)
      }
      %broadcast_in_dim3A_1076 = arith.constant 0.000000e+00 : f32
      %broadcast_in_dim3A_1077 = vector.broadcast %broadcast_in_dim3A_1076 : f32 to vector<16xf32>
      %while3A_1078 = arith.constant 0 : i32
      %while3A_1079 = arith.subi %shift_right_arithmetic3A_770, %while3A_1078 : i32
      %while3A_1080 = arith.addi %while3A_1078, %while3A_1079 : i32
      %while3A_1081 = arith.constant 1 : i32
      %while3A_1082 = arith.divsi %while3A_1079, %while3A_1081 : i32
      %while3A_1083 = arith.muli %while3A_1082, %while3A_1081 : i32
      %while3A_1084 = arith.addi %while3A_1078, %while3A_1083 : i32
      %while3A_1085 = arith.constant 1 : i32
      %while3A_1086:4 = scf.for %while3A_1143 = %while3A_1078 to %while3A_1084 step %while3A_1085 iter_args(%while3A_1144 = %broadcast_in_dim3A_1077, %while3A_1145 = %broadcast_in_dim3A_1077, %while3A_1146 = %broadcast_in_dim3A_1077, %while3A_1147 = %broadcast_in_dim3A_1077) -> (vector<16xf32>, vector<16xf32>, vector<16xf32>, vector<16xf32>)  : i32 {
        %mul3A_1148 = arith.constant 16 : i32
        %mul3A_1149 = arith.muli %while3A_1143, %mul3A_1148 : i32
        %add3A_1150 = arith.constant 0 : i32
        %add3A_1151 = arith.addi %mul3A_1149, %add3A_1150 : i32
        %get3A_1152 = arith.index_cast %add3A_1151 : i32 to index
        %get3A_1153 = arith.constant 0 : index
        %get3A_1154 = tpu.vector_load %arg9[%get3A_1152, %get3A_1153] {strides = array<i32>} : memref<208x64xf32, #tpu.memory_space<vmem>>, vector<16xf32>,
        %add3A_1155 = arith.addf %while3A_1144, %get3A_1154 : vector<16xf32>
        %get3A_1156 = arith.index_cast %add3A_1151 : i32 to index
        %get3A_1157 = arith.constant 16 : index
        %get3A_1158 = tpu.vector_load %arg9[%get3A_1156, %get3A_1157] {strides = array<i32>} : memref<208x64xf32, #tpu.memory_space<vmem>>, vector<16xf32>,
        %add3A_1159 = arith.addf %while3A_1145, %get3A_1158 : vector<16xf32>
        %get3A_1160 = arith.index_cast %add3A_1151 : i32 to index
        %get3A_1161 = arith.constant 32 : index
        %get3A_1162 = tpu.vector_load %arg9[%get3A_1160, %get3A_1161] {strides = array<i32>} : memref<208x64xf32, #tpu.memory_space<vmem>>, vector<16xf32>,
        %add3A_1163 = arith.addf %while3A_1146, %get3A_1162 : vector<16xf32>
        %get3A_1164 = arith.index_cast %add3A_1151 : i32 to index
        %get3A_1165 = arith.constant 48 : index
        %get3A_1166 = tpu.vector_load %arg9[%get3A_1164, %get3A_1165] {strides = array<i32>} : memref<208x64xf32, #tpu.memory_space<vmem>>, vector<16xf32>,
        %add3A_1167 = arith.addf %while3A_1147, %get3A_1166 : vector<16xf32>
        %mul3A_1168 = arith.constant 16 : i32
        %mul3A_1169 = arith.muli %while3A_1143, %mul3A_1168 : i32
        %add3A_1170 = arith.constant 1 : i32
        %add3A_1171 = arith.addi %mul3A_1169, %add3A_1170 : i32
        %get3A_1172 = arith.index_cast %add3A_1171 : i32 to index
        %get3A_1173 = arith.constant 0 : index
        %get3A_1174 = tpu.vector_load %arg9[%get3A_1172, %get3A_1173] {strides = array<i32>} : memref<208x64xf32, #tpu.memory_space<vmem>>, vector<16xf32>,
        %add3A_1175 = arith.addf %add3A_1155, %get3A_1174 : vector<16xf32>
        %get3A_1176 = arith.index_cast %add3A_1171 : i32 to index
        %get3A_1177 = arith.constant 16 : index
        %get3A_1178 = tpu.vector_load %arg9[%get3A_1176, %get3A_1177] {strides = array<i32>} : memref<208x64xf32, #tpu.memory_space<vmem>>, vector<16xf32>,
        %add3A_1179 = arith.addf %add3A_1159, %get3A_1178 : vector<16xf32>
        %get3A_1180 = arith.index_cast %add3A_1171 : i32 to index
        %get3A_1181 = arith.constant 32 : index
        %get3A_1182 = tpu.vector_load %arg9[%get3A_1180, %get3A_1181] {strides = array<i32>} : memref<208x64xf32, #tpu.memory_space<vmem>>, vector<16xf32>,
        %add3A_1183 = arith.addf %add3A_1163, %get3A_1182 : vector<16xf32>
        %get3A_1184 = arith.index_cast %add3A_1171 : i32 to index
        %get3A_1185 = arith.constant 48 : index
        %get3A_1186 = tpu.vector_load %arg9[%get3A_1184, %get3A_1185] {strides = array<i32>} : memref<208x64xf32, #tpu.memory_space<vmem>>, vector<16xf32>,
        %add3A_1187 = arith.addf %add3A_1167, %get3A_1186 : vector<16xf32>
        %mul3A_1188 = arith.constant 16 : i32
        %mul3A_1189 = arith.muli %while3A_1143, %mul3A_1188 : i32
        %add3A_1190 = arith.constant 2 : i32
        %add3A_1191 = arith.addi %mul3A_1189, %add3A_1190 : i32
        %get3A_1192 = arith.index_cast %add3A_1191 : i32 to index
        %get3A_1193 = arith.constant 0 : index
        %get3A_1194 = tpu.vector_load %arg9[%get3A_1192, %get3A_1193] {strides = array<i32>} : memref<208x64xf32, #tpu.memory_space<vmem>>, vector<16xf32>,
        %add3A_1195 = arith.addf %add3A_1175, %get3A_1194 : vector<16xf32>
        %get3A_1196 = arith.index_cast %add3A_1191 : i32 to index
        %get3A_1197 = arith.constant 16 : index
        %get3A_1198 = tpu.vector_load %arg9[%get3A_1196, %get3A_1197] {strides = array<i32>} : memref<208x64xf32, #tpu.memory_space<vmem>>, vector<16xf32>,
        %add3A_1199 = arith.addf %add3A_1179, %get3A_1198 : vector<16xf32>
        %get3A_1200 = arith.index_cast %add3A_1191 : i32 to index
        %get3A_1201 = arith.constant 32 : index
        %get3A_1202 = tpu.vector_load %arg9[%get3A_1200, %get3A_1201] {strides = array<i32>} : memref<208x64xf32, #tpu.memory_space<vmem>>, vector<16xf32>,
        %add3A_1203 = arith.addf %add3A_1183, %get3A_1202 : vector<16xf32>
        %get3A_1204 = arith.index_cast %add3A_1191 : i32 to index
        %get3A_1205 = arith.constant 48 : index
        %get3A_1206 = tpu.vector_load %arg9[%get3A_1204, %get3A_1205] {strides = array<i32>} : memref<208x64xf32, #tpu.memory_space<vmem>>, vector<16xf32>,
        %add3A_1207 = arith.addf %add3A_1187, %get3A_1206 : vector<16xf32>
        %mul3A_1208 = arith.constant 16 : i32
        %mul3A_1209 = arith.muli %while3A_1143, %mul3A_1208 : i32
        %add3A_1210 = arith.constant 3 : i32
        %add3A_1211 = arith.addi %mul3A_1209, %add3A_1210 : i32
        %get3A_1212 = arith.index_cast %add3A_1211 : i32 to index
        %get3A_1213 = arith.constant 0 : index
        %get3A_1214 = tpu.vector_load %arg9[%get3A_1212, %get3A_1213] {strides = array<i32>} : memref<208x64xf32, #tpu.memory_space<vmem>>, vector<16xf32>,
        %add3A_1215 = arith.addf %add3A_1195, %get3A_1214 : vector<16xf32>
        %get3A_1216 = arith.index_cast %add3A_1211 : i32 to index
        %get3A_1217 = arith.constant 16 : index
        %get3A_1218 = tpu.vector_load %arg9[%get3A_1216, %get3A_1217] {strides = array<i32>} : memref<208x64xf32, #tpu.memory_space<vmem>>, vector<16xf32>,
        %add3A_1219 = arith.addf %add3A_1199, %get3A_1218 : vector<16xf32>
        %get3A_1220 = arith.index_cast %add3A_1211 : i32 to index
        %get3A_1221 = arith.constant 32 : index
        %get3A_1222 = tpu.vector_load %arg9[%get3A_1220, %get3A_1221] {strides = array<i32>} : memref<208x64xf32, #tpu.memory_space<vmem>>, vector<16xf32>,
        %add3A_1223 = arith.addf %add3A_1203, %get3A_1222 : vector<16xf32>
        %get3A_1224 = arith.index_cast %add3A_1211 : i32 to index
        %get3A_1225 = arith.constant 48 : index
        %get3A_1226 = tpu.vector_load %arg9[%get3A_1224, %get3A_1225] {strides = array<i32>} : memref<208x64xf32, #tpu.memory_space<vmem>>, vector<16xf32>,
        %add3A_1227 = arith.addf %add3A_1207, %get3A_1226 : vector<16xf32>
        %mul3A_1228 = arith.constant 16 : i32
        %mul3A_1229 = arith.muli %while3A_1143, %mul3A_1228 : i32
        %add3A_1230 = arith.constant 4 : i32
        %add3A_1231 = arith.addi %mul3A_1229, %add3A_1230 : i32
        %get3A_1232 = arith.index_cast %add3A_1231 : i32 to index
        %get3A_1233 = arith.constant 0 : index
        %get3A_1234 = tpu.vector_load %arg9[%get3A_1232, %get3A_1233] {strides = array<i32>} : memref<208x64xf32, #tpu.memory_space<vmem>>, vector<16xf32>,
        %add3A_1235 = arith.addf %add3A_1215, %get3A_1234 : vector<16xf32>
        %get3A_1236 = arith.index_cast %add3A_1231 : i32 to index
        %get3A_1237 = arith.constant 16 : index
        %get3A_1238 = tpu.vector_load %arg9[%get3A_1236, %get3A_1237] {strides = array<i32>} : memref<208x64xf32, #tpu.memory_space<vmem>>, vector<16xf32>,
        %add3A_1239 = arith.addf %add3A_1219, %get3A_1238 : vector<16xf32>
        %get3A_1240 = arith.index_cast %add3A_1231 : i32 to index
        %get3A_1241 = arith.constant 32 : index
        %get3A_1242 = tpu.vector_load %arg9[%get3A_1240, %get3A_1241] {strides = array<i32>} : memref<208x64xf32, #tpu.memory_space<vmem>>, vector<16xf32>,
        %add3A_1243 = arith.addf %add3A_1223, %get3A_1242 : vector<16xf32>
        %get3A_1244 = arith.index_cast %add3A_1231 : i32 to index
        %get3A_1245 = arith.constant 48 : index
        %get3A_1246 = tpu.vector_load %arg9[%get3A_1244, %get3A_1245] {strides = array<i32>} : memref<208x64xf32, #tpu.memory_space<vmem>>, vector<16xf32>,
        %add3A_1247 = arith.addf %add3A_1227, %get3A_1246 : vector<16xf32>
        %mul3A_1248 = arith.constant 16 : i32
        %mul3A_1249 = arith.muli %while3A_1143, %mul3A_1248 : i32
        %add3A_1250 = arith.constant 5 : i32
        %add3A_1251 = arith.addi %mul3A_1249, %add3A_1250 : i32
        %get3A_1252 = arith.index_cast %add3A_1251 : i32 to index
        %get3A_1253 = arith.constant 0 : index
        %get3A_1254 = tpu.vector_load %arg9[%get3A_1252, %get3A_1253] {strides = array<i32>} : memref<208x64xf32, #tpu.memory_space<vmem>>, vector<16xf32>,
        %add3A_1255 = arith.addf %add3A_1235, %get3A_1254 : vector<16xf32>
        %get3A_1256 = arith.index_cast %add3A_1251 : i32 to index
        %get3A_1257 = arith.constant 16 : index
        %get3A_1258 = tpu.vector_load %arg9[%get3A_1256, %get3A_1257] {strides = array<i32>} : memref<208x64xf32, #tpu.memory_space<vmem>>, vector<16xf32>,
        %add3A_1259 = arith.addf %add3A_1239, %get3A_1258 : vector<16xf32>
        %get3A_1260 = arith.index_cast %add3A_1251 : i32 to index
        %get3A_1261 = arith.constant 32 : index
        %get3A_1262 = tpu.vector_load %arg9[%get3A_1260, %get3A_1261] {strides = array<i32>} : memref<208x64xf32, #tpu.memory_space<vmem>>, vector<16xf32>,
        %add3A_1263 = arith.addf %add3A_1243, %get3A_1262 : vector<16xf32>
        %get3A_1264 = arith.index_cast %add3A_1251 : i32 to index
        %get3A_1265 = arith.constant 48 : index
        %get3A_1266 = tpu.vector_load %arg9[%get3A_1264, %get3A_1265] {strides = array<i32>} : memref<208x64xf32, #tpu.memory_space<vmem>>, vector<16xf32>,
        %add3A_1267 = arith.addf %add3A_1247, %get3A_1266 : vector<16xf32>
        %mul3A_1268 = arith.constant 16 : i32
        %mul3A_1269 = arith.muli %while3A_1143, %mul3A_1268 : i32
        %add3A_1270 = arith.constant 6 : i32
        %add3A_1271 = arith.addi %mul3A_1269, %add3A_1270 : i32
        %get3A_1272 = arith.index_cast %add3A_1271 : i32 to index
        %get3A_1273 = arith.constant 0 : index
        %get3A_1274 = tpu.vector_load %arg9[%get3A_1272, %get3A_1273] {strides = array<i32>} : memref<208x64xf32, #tpu.memory_space<vmem>>, vector<16xf32>,
        %add3A_1275 = arith.addf %add3A_1255, %get3A_1274 : vector<16xf32>
        %get3A_1276 = arith.index_cast %add3A_1271 : i32 to index
        %get3A_1277 = arith.constant 16 : index
        %get3A_1278 = tpu.vector_load %arg9[%get3A_1276, %get3A_1277] {strides = array<i32>} : memref<208x64xf32, #tpu.memory_space<vmem>>, vector<16xf32>,
        %add3A_1279 = arith.addf %add3A_1259, %get3A_1278 : vector<16xf32>
        %get3A_1280 = arith.index_cast %add3A_1271 : i32 to index
        %get3A_1281 = arith.constant 32 : index
        %get3A_1282 = tpu.vector_load %arg9[%get3A_1280, %get3A_1281] {strides = array<i32>} : memref<208x64xf32, #tpu.memory_space<vmem>>, vector<16xf32>,
        %add3A_1283 = arith.addf %add3A_1263, %get3A_1282 : vector<16xf32>
        %get3A_1284 = arith.index_cast %add3A_1271 : i32 to index
        %get3A_1285 = arith.constant 48 : index
        %get3A_1286 = tpu.vector_load %arg9[%get3A_1284, %get3A_1285] {strides = array<i32>} : memref<208x64xf32, #tpu.memory_space<vmem>>, vector<16xf32>,
        %add3A_1287 = arith.addf %add3A_1267, %get3A_1286 : vector<16xf32>
        %mul3A_1288 = arith.constant 16 : i32
        %mul3A_1289 = arith.muli %while3A_1143, %mul3A_1288 : i32
        %add3A_1290 = arith.constant 7 : i32
        %add3A_1291 = arith.addi %mul3A_1289, %add3A_1290 : i32
        %get3A_1292 = arith.index_cast %add3A_1291 : i32 to index
        %get3A_1293 = arith.constant 0 : index
        %get3A_1294 = tpu.vector_load %arg9[%get3A_1292, %get3A_1293] {strides = array<i32>} : memref<208x64xf32, #tpu.memory_space<vmem>>, vector<16xf32>,
        %add3A_1295 = arith.addf %add3A_1275, %get3A_1294 : vector<16xf32>
        %get3A_1296 = arith.index_cast %add3A_1291 : i32 to index
        %get3A_1297 = arith.constant 16 : index
        %get3A_1298 = tpu.vector_load %arg9[%get3A_1296, %get3A_1297] {strides = array<i32>} : memref<208x64xf32, #tpu.memory_space<vmem>>, vector<16xf32>,
        %add3A_1299 = arith.addf %add3A_1279, %get3A_1298 : vector<16xf32>
        %get3A_1300 = arith.index_cast %add3A_1291 : i32 to index
        %get3A_1301 = arith.constant 32 : index
        %get3A_1302 = tpu.vector_load %arg9[%get3A_1300, %get3A_1301] {strides = array<i32>} : memref<208x64xf32, #tpu.memory_space<vmem>>, vector<16xf32>,
        %add3A_1303 = arith.addf %add3A_1283, %get3A_1302 : vector<16xf32>
        %get3A_1304 = arith.index_cast %add3A_1291 : i32 to index
        %get3A_1305 = arith.constant 48 : index
        %get3A_1306 = tpu.vector_load %arg9[%get3A_1304, %get3A_1305] {strides = array<i32>} : memref<208x64xf32, #tpu.memory_space<vmem>>, vector<16xf32>,
        %add3A_1307 = arith.addf %add3A_1287, %get3A_1306 : vector<16xf32>
        %mul3A_1308 = arith.constant 16 : i32
        %mul3A_1309 = arith.muli %while3A_1143, %mul3A_1308 : i32
        %add3A_1310 = arith.constant 8 : i32
        %add3A_1311 = arith.addi %mul3A_1309, %add3A_1310 : i32
        %get3A_1312 = arith.index_cast %add3A_1311 : i32 to index
        %get3A_1313 = arith.constant 0 : index
        %get3A_1314 = tpu.vector_load %arg9[%get3A_1312, %get3A_1313] {strides = array<i32>} : memref<208x64xf32, #tpu.memory_space<vmem>>, vector<16xf32>,
        %add3A_1315 = arith.addf %add3A_1295, %get3A_1314 : vector<16xf32>
        %get3A_1316 = arith.index_cast %add3A_1311 : i32 to index
        %get3A_1317 = arith.constant 16 : index
        %get3A_1318 = tpu.vector_load %arg9[%get3A_1316, %get3A_1317] {strides = array<i32>} : memref<208x64xf32, #tpu.memory_space<vmem>>, vector<16xf32>,
        %add3A_1319 = arith.addf %add3A_1299, %get3A_1318 : vector<16xf32>
        %get3A_1320 = arith.index_cast %add3A_1311 : i32 to index
        %get3A_1321 = arith.constant 32 : index
        %get3A_1322 = tpu.vector_load %arg9[%get3A_1320, %get3A_1321] {strides = array<i32>} : memref<208x64xf32, #tpu.memory_space<vmem>>, vector<16xf32>,
        %add3A_1323 = arith.addf %add3A_1303, %get3A_1322 : vector<16xf32>
        %get3A_1324 = arith.index_cast %add3A_1311 : i32 to index
        %get3A_1325 = arith.constant 48 : index
        %get3A_1326 = tpu.vector_load %arg9[%get3A_1324, %get3A_1325] {strides = array<i32>} : memref<208x64xf32, #tpu.memory_space<vmem>>, vector<16xf32>,
        %add3A_1327 = arith.addf %add3A_1307, %get3A_1326 : vector<16xf32>
        %mul3A_1328 = arith.constant 16 : i32
        %mul3A_1329 = arith.muli %while3A_1143, %mul3A_1328 : i32
        %add3A_1330 = arith.constant 9 : i32
        %add3A_1331 = arith.addi %mul3A_1329, %add3A_1330 : i32
        %get3A_1332 = arith.index_cast %add3A_1331 : i32 to index
        %get3A_1333 = arith.constant 0 : index
        %get3A_1334 = tpu.vector_load %arg9[%get3A_1332, %get3A_1333] {strides = array<i32>} : memref<208x64xf32, #tpu.memory_space<vmem>>, vector<16xf32>,
        %add3A_1335 = arith.addf %add3A_1315, %get3A_1334 : vector<16xf32>
        %get3A_1336 = arith.index_cast %add3A_1331 : i32 to index
        %get3A_1337 = arith.constant 16 : index
        %get3A_1338 = tpu.vector_load %arg9[%get3A_1336, %get3A_1337] {strides = array<i32>} : memref<208x64xf32, #tpu.memory_space<vmem>>, vector<16xf32>,
        %add3A_1339 = arith.addf %add3A_1319, %get3A_1338 : vector<16xf32>
        %get3A_1340 = arith.index_cast %add3A_1331 : i32 to index
        %get3A_1341 = arith.constant 32 : index
        %get3A_1342 = tpu.vector_load %arg9[%get3A_1340, %get3A_1341] {strides = array<i32>} : memref<208x64xf32, #tpu.memory_space<vmem>>, vector<16xf32>,
        %add3A_1343 = arith.addf %add3A_1323, %get3A_1342 : vector<16xf32>
        %get3A_1344 = arith.index_cast %add3A_1331 : i32 to index
        %get3A_1345 = arith.constant 48 : index
        %get3A_1346 = tpu.vector_load %arg9[%get3A_1344, %get3A_1345] {strides = array<i32>} : memref<208x64xf32, #tpu.memory_space<vmem>>, vector<16xf32>,
        %add3A_1347 = arith.addf %add3A_1327, %get3A_1346 : vector<16xf32>
        %mul3A_1348 = arith.constant 16 : i32
        %mul3A_1349 = arith.muli %while3A_1143, %mul3A_1348 : i32
        %add3A_1350 = arith.constant 10 : i32
        %add3A_1351 = arith.addi %mul3A_1349, %add3A_1350 : i32
        %get3A_1352 = arith.index_cast %add3A_1351 : i32 to index
        %get3A_1353 = arith.constant 0 : index
        %get3A_1354 = tpu.vector_load %arg9[%get3A_1352, %get3A_1353] {strides = array<i32>} : memref<208x64xf32, #tpu.memory_space<vmem>>, vector<16xf32>,
        %add3A_1355 = arith.addf %add3A_1335, %get3A_1354 : vector<16xf32>
        %get3A_1356 = arith.index_cast %add3A_1351 : i32 to index
        %get3A_1357 = arith.constant 16 : index
        %get3A_1358 = tpu.vector_load %arg9[%get3A_1356, %get3A_1357] {strides = array<i32>} : memref<208x64xf32, #tpu.memory_space<vmem>>, vector<16xf32>,
        %add3A_1359 = arith.addf %add3A_1339, %get3A_1358 : vector<16xf32>
        %get3A_1360 = arith.index_cast %add3A_1351 : i32 to index
        %get3A_1361 = arith.constant 32 : index
        %get3A_1362 = tpu.vector_load %arg9[%get3A_1360, %get3A_1361] {strides = array<i32>} : memref<208x64xf32, #tpu.memory_space<vmem>>, vector<16xf32>,
        %add3A_1363 = arith.addf %add3A_1343, %get3A_1362 : vector<16xf32>
        %get3A_1364 = arith.index_cast %add3A_1351 : i32 to index
        %get3A_1365 = arith.constant 48 : index
        %get3A_1366 = tpu.vector_load %arg9[%get3A_1364, %get3A_1365] {strides = array<i32>} : memref<208x64xf32, #tpu.memory_space<vmem>>, vector<16xf32>,
        %add3A_1367 = arith.addf %add3A_1347, %get3A_1366 : vector<16xf32>
        %mul3A_1368 = arith.constant 16 : i32
        %mul3A_1369 = arith.muli %while3A_1143, %mul3A_1368 : i32
        %add3A_1370 = arith.constant 11 : i32
        %add3A_1371 = arith.addi %mul3A_1369, %add3A_1370 : i32
        %get3A_1372 = arith.index_cast %add3A_1371 : i32 to index
        %get3A_1373 = arith.constant 0 : index
        %get3A_1374 = tpu.vector_load %arg9[%get3A_1372, %get3A_1373] {strides = array<i32>} : memref<208x64xf32, #tpu.memory_space<vmem>>, vector<16xf32>,
        %add3A_1375 = arith.addf %add3A_1355, %get3A_1374 : vector<16xf32>
        %get3A_1376 = arith.index_cast %add3A_1371 : i32 to index
        %get3A_1377 = arith.constant 16 : index
        %get3A_1378 = tpu.vector_load %arg9[%get3A_1376, %get3A_1377] {strides = array<i32>} : memref<208x64xf32, #tpu.memory_space<vmem>>, vector<16xf32>,
        %add3A_1379 = arith.addf %add3A_1359, %get3A_1378 : vector<16xf32>
        %get3A_1380 = arith.index_cast %add3A_1371 : i32 to index
        %get3A_1381 = arith.constant 32 : index
        %get3A_1382 = tpu.vector_load %arg9[%get3A_1380, %get3A_1381] {strides = array<i32>} : memref<208x64xf32, #tpu.memory_space<vmem>>, vector<16xf32>,
        %add3A_1383 = arith.addf %add3A_1363, %get3A_1382 : vector<16xf32>
        %get3A_1384 = arith.index_cast %add3A_1371 : i32 to index
        %get3A_1385 = arith.constant 48 : index
        %get3A_1386 = tpu.vector_load %arg9[%get3A_1384, %get3A_1385] {strides = array<i32>} : memref<208x64xf32, #tpu.memory_space<vmem>>, vector<16xf32>,
        %add3A_1387 = arith.addf %add3A_1367, %get3A_1386 : vector<16xf32>
        %mul3A_1388 = arith.constant 16 : i32
        %mul3A_1389 = arith.muli %while3A_1143, %mul3A_1388 : i32
        %add3A_1390 = arith.constant 12 : i32
        %add3A_1391 = arith.addi %mul3A_1389, %add3A_1390 : i32
        %get3A_1392 = arith.index_cast %add3A_1391 : i32 to index
        %get3A_1393 = arith.constant 0 : index
        %get3A_1394 = tpu.vector_load %arg9[%get3A_1392, %get3A_1393] {strides = array<i32>} : memref<208x64xf32, #tpu.memory_space<vmem>>, vector<16xf32>,
        %add3A_1395 = arith.addf %add3A_1375, %get3A_1394 : vector<16xf32>
        %get3A_1396 = arith.index_cast %add3A_1391 : i32 to index
        %get3A_1397 = arith.constant 16 : index
        %get3A_1398 = tpu.vector_load %arg9[%get3A_1396, %get3A_1397] {strides = array<i32>} : memref<208x64xf32, #tpu.memory_space<vmem>>, vector<16xf32>,
        %add3A_1399 = arith.addf %add3A_1379, %get3A_1398 : vector<16xf32>
        %get3A_1400 = arith.index_cast %add3A_1391 : i32 to index
        %get3A_1401 = arith.constant 32 : index
        %get3A_1402 = tpu.vector_load %arg9[%get3A_1400, %get3A_1401] {strides = array<i32>} : memref<208x64xf32, #tpu.memory_space<vmem>>, vector<16xf32>,
        %add3A_1403 = arith.addf %add3A_1383, %get3A_1402 : vector<16xf32>
        %get3A_1404 = arith.index_cast %add3A_1391 : i32 to index
        %get3A_1405 = arith.constant 48 : index
        %get3A_1406 = tpu.vector_load %arg9[%get3A_1404, %get3A_1405] {strides = array<i32>} : memref<208x64xf32, #tpu.memory_space<vmem>>, vector<16xf32>,
        %add3A_1407 = arith.addf %add3A_1387, %get3A_1406 : vector<16xf32>
        %mul3A_1408 = arith.constant 16 : i32
        %mul3A_1409 = arith.muli %while3A_1143, %mul3A_1408 : i32
        %add3A_1410 = arith.constant 13 : i32
        %add3A_1411 = arith.addi %mul3A_1409, %add3A_1410 : i32
        %get3A_1412 = arith.index_cast %add3A_1411 : i32 to index
        %get3A_1413 = arith.constant 0 : index
        %get3A_1414 = tpu.vector_load %arg9[%get3A_1412, %get3A_1413] {strides = array<i32>} : memref<208x64xf32, #tpu.memory_space<vmem>>, vector<16xf32>,
        %add3A_1415 = arith.addf %add3A_1395, %get3A_1414 : vector<16xf32>
        %get3A_1416 = arith.index_cast %add3A_1411 : i32 to index
        %get3A_1417 = arith.constant 16 : index
        %get3A_1418 = tpu.vector_load %arg9[%get3A_1416, %get3A_1417] {strides = array<i32>} : memref<208x64xf32, #tpu.memory_space<vmem>>, vector<16xf32>,
        %add3A_1419 = arith.addf %add3A_1399, %get3A_1418 : vector<16xf32>
        %get3A_1420 = arith.index_cast %add3A_1411 : i32 to index
        %get3A_1421 = arith.constant 32 : index
        %get3A_1422 = tpu.vector_load %arg9[%get3A_1420, %get3A_1421] {strides = array<i32>} : memref<208x64xf32, #tpu.memory_space<vmem>>, vector<16xf32>,
        %add3A_1423 = arith.addf %add3A_1403, %get3A_1422 : vector<16xf32>
        %get3A_1424 = arith.index_cast %add3A_1411 : i32 to index
        %get3A_1425 = arith.constant 48 : index
        %get3A_1426 = tpu.vector_load %arg9[%get3A_1424, %get3A_1425] {strides = array<i32>} : memref<208x64xf32, #tpu.memory_space<vmem>>, vector<16xf32>,
        %add3A_1427 = arith.addf %add3A_1407, %get3A_1426 : vector<16xf32>
        %mul3A_1428 = arith.constant 16 : i32
        %mul3A_1429 = arith.muli %while3A_1143, %mul3A_1428 : i32
        %add3A_1430 = arith.constant 14 : i32
        %add3A_1431 = arith.addi %mul3A_1429, %add3A_1430 : i32
        %get3A_1432 = arith.index_cast %add3A_1431 : i32 to index
        %get3A_1433 = arith.constant 0 : index
        %get3A_1434 = tpu.vector_load %arg9[%get3A_1432, %get3A_1433] {strides = array<i32>} : memref<208x64xf32, #tpu.memory_space<vmem>>, vector<16xf32>,
        %add3A_1435 = arith.addf %add3A_1415, %get3A_1434 : vector<16xf32>
        %get3A_1436 = arith.index_cast %add3A_1431 : i32 to index
        %get3A_1437 = arith.constant 16 : index
        %get3A_1438 = tpu.vector_load %arg9[%get3A_1436, %get3A_1437] {strides = array<i32>} : memref<208x64xf32, #tpu.memory_space<vmem>>, vector<16xf32>,
        %add3A_1439 = arith.addf %add3A_1419, %get3A_1438 : vector<16xf32>
        %get3A_1440 = arith.index_cast %add3A_1431 : i32 to index
        %get3A_1441 = arith.constant 32 : index
        %get3A_1442 = tpu.vector_load %arg9[%get3A_1440, %get3A_1441] {strides = array<i32>} : memref<208x64xf32, #tpu.memory_space<vmem>>, vector<16xf32>,
        %add3A_1443 = arith.addf %add3A_1423, %get3A_1442 : vector<16xf32>
        %get3A_1444 = arith.index_cast %add3A_1431 : i32 to index
        %get3A_1445 = arith.constant 48 : index
        %get3A_1446 = tpu.vector_load %arg9[%get3A_1444, %get3A_1445] {strides = array<i32>} : memref<208x64xf32, #tpu.memory_space<vmem>>, vector<16xf32>,
        %add3A_1447 = arith.addf %add3A_1427, %get3A_1446 : vector<16xf32>
        %mul3A_1448 = arith.constant 16 : i32
        %mul3A_1449 = arith.muli %while3A_1143, %mul3A_1448 : i32
        %add3A_1450 = arith.constant 15 : i32
        %add3A_1451 = arith.addi %mul3A_1449, %add3A_1450 : i32
        %get3A_1452 = arith.index_cast %add3A_1451 : i32 to index
        %get3A_1453 = arith.constant 0 : index
        %get3A_1454 = tpu.vector_load %arg9[%get3A_1452, %get3A_1453] {strides = array<i32>} : memref<208x64xf32, #tpu.memory_space<vmem>>, vector<16xf32>,
        %add3A_1455 = arith.addf %add3A_1435, %get3A_1454 : vector<16xf32>
        %get3A_1456 = arith.index_cast %add3A_1451 : i32 to index
        %get3A_1457 = arith.constant 16 : index
        %get3A_1458 = tpu.vector_load %arg9[%get3A_1456, %get3A_1457] {strides = array<i32>} : memref<208x64xf32, #tpu.memory_space<vmem>>, vector<16xf32>,
        %add3A_1459 = arith.addf %add3A_1439, %get3A_1458 : vector<16xf32>
        %get3A_1460 = arith.index_cast %add3A_1451 : i32 to index
        %get3A_1461 = arith.constant 32 : index
        %get3A_1462 = tpu.vector_load %arg9[%get3A_1460, %get3A_1461] {strides = array<i32>} : memref<208x64xf32, #tpu.memory_space<vmem>>, vector<16xf32>,
        %add3A_1463 = arith.addf %add3A_1443, %get3A_1462 : vector<16xf32>
        %get3A_1464 = arith.index_cast %add3A_1451 : i32 to index
        %get3A_1465 = arith.constant 48 : index
        %get3A_1466 = tpu.vector_load %arg9[%get3A_1464, %get3A_1465] {strides = array<i32>} : memref<208x64xf32, #tpu.memory_space<vmem>>, vector<16xf32>,
        %add3A_1467 = arith.addf %add3A_1447, %get3A_1466 : vector<16xf32>
        scf.yield %add3A_1455, %add3A_1459, %add3A_1463, %add3A_1467 : vector<16xf32>, vector<16xf32>, vector<16xf32>, vector<16xf32>
      }
      %while3A_1087 = arith.constant 1 : i32
      %while3A_1088:4 = scf.for %while3A_1143 = %while3A_1084 to %while3A_1080 step %while3A_1087 iter_args(%while3A_1144 = %while3A_1086#0, %while3A_1145 = %while3A_1086#1, %while3A_1146 = %while3A_1086#2, %while3A_1147 = %while3A_1086#3) -> (vector<16xf32>, vector<16xf32>, vector<16xf32>, vector<16xf32>)  : i32 {
        %mul3A_1148 = arith.constant 16 : i32
        %mul3A_1149 = arith.muli %while3A_1143, %mul3A_1148 : i32
        %add3A_1150 = arith.constant 0 : i32
        %add3A_1151 = arith.addi %mul3A_1149, %add3A_1150 : i32
        %get3A_1152 = arith.index_cast %add3A_1151 : i32 to index
        %get3A_1153 = arith.constant 0 : index
        %get3A_1154 = tpu.vector_load %arg9[%get3A_1152, %get3A_1153] {strides = array<i32>} : memref<208x64xf32, #tpu.memory_space<vmem>>, vector<16xf32>,
        %add3A_1155 = arith.addf %while3A_1144, %get3A_1154 : vector<16xf32>
        %get3A_1156 = arith.index_cast %add3A_1151 : i32 to index
        %get3A_1157 = arith.constant 16 : index
        %get3A_1158 = tpu.vector_load %arg9[%get3A_1156, %get3A_1157] {strides = array<i32>} : memref<208x64xf32, #tpu.memory_space<vmem>>, vector<16xf32>,
        %add3A_1159 = arith.addf %while3A_1145, %get3A_1158 : vector<16xf32>
        %get3A_1160 = arith.index_cast %add3A_1151 : i32 to index
        %get3A_1161 = arith.constant 32 : index
        %get3A_1162 = tpu.vector_load %arg9[%get3A_1160, %get3A_1161] {strides = array<i32>} : memref<208x64xf32, #tpu.memory_space<vmem>>, vector<16xf32>,
        %add3A_1163 = arith.addf %while3A_1146, %get3A_1162 : vector<16xf32>
        %get3A_1164 = arith.index_cast %add3A_1151 : i32 to index
        %get3A_1165 = arith.constant 48 : index
        %get3A_1166 = tpu.vector_load %arg9[%get3A_1164, %get3A_1165] {strides = array<i32>} : memref<208x64xf32, #tpu.memory_space<vmem>>, vector<16xf32>,
        %add3A_1167 = arith.addf %while3A_1147, %get3A_1166 : vector<16xf32>
        %mul3A_1168 = arith.constant 16 : i32
        %mul3A_1169 = arith.muli %while3A_1143, %mul3A_1168 : i32
        %add3A_1170 = arith.constant 1 : i32
        %add3A_1171 = arith.addi %mul3A_1169, %add3A_1170 : i32
        %get3A_1172 = arith.index_cast %add3A_1171 : i32 to index
        %get3A_1173 = arith.constant 0 : index
        %get3A_1174 = tpu.vector_load %arg9[%get3A_1172, %get3A_1173] {strides = array<i32>} : memref<208x64xf32, #tpu.memory_space<vmem>>, vector<16xf32>,
        %add3A_1175 = arith.addf %add3A_1155, %get3A_1174 : vector<16xf32>
        %get3A_1176 = arith.index_cast %add3A_1171 : i32 to index
        %get3A_1177 = arith.constant 16 : index
        %get3A_1178 = tpu.vector_load %arg9[%get3A_1176, %get3A_1177] {strides = array<i32>} : memref<208x64xf32, #tpu.memory_space<vmem>>, vector<16xf32>,
        %add3A_1179 = arith.addf %add3A_1159, %get3A_1178 : vector<16xf32>
        %get3A_1180 = arith.index_cast %add3A_1171 : i32 to index
        %get3A_1181 = arith.constant 32 : index
        %get3A_1182 = tpu.vector_load %arg9[%get3A_1180, %get3A_1181] {strides = array<i32>} : memref<208x64xf32, #tpu.memory_space<vmem>>, vector<16xf32>,
        %add3A_1183 = arith.addf %add3A_1163, %get3A_1182 : vector<16xf32>
        %get3A_1184 = arith.index_cast %add3A_1171 : i32 to index
        %get3A_1185 = arith.constant 48 : index
        %get3A_1186 = tpu.vector_load %arg9[%get3A_1184, %get3A_1185] {strides = array<i32>} : memref<208x64xf32, #tpu.memory_space<vmem>>, vector<16xf32>,
        %add3A_1187 = arith.addf %add3A_1167, %get3A_1186 : vector<16xf32>
        %mul3A_1188 = arith.constant 16 : i32
        %mul3A_1189 = arith.muli %while3A_1143, %mul3A_1188 : i32
        %add3A_1190 = arith.constant 2 : i32
        %add3A_1191 = arith.addi %mul3A_1189, %add3A_1190 : i32
        %get3A_1192 = arith.index_cast %add3A_1191 : i32 to index
        %get3A_1193 = arith.constant 0 : index
        %get3A_1194 = tpu.vector_load %arg9[%get3A_1192, %get3A_1193] {strides = array<i32>} : memref<208x64xf32, #tpu.memory_space<vmem>>, vector<16xf32>,
        %add3A_1195 = arith.addf %add3A_1175, %get3A_1194 : vector<16xf32>
        %get3A_1196 = arith.index_cast %add3A_1191 : i32 to index
        %get3A_1197 = arith.constant 16 : index
        %get3A_1198 = tpu.vector_load %arg9[%get3A_1196, %get3A_1197] {strides = array<i32>} : memref<208x64xf32, #tpu.memory_space<vmem>>, vector<16xf32>,
        %add3A_1199 = arith.addf %add3A_1179, %get3A_1198 : vector<16xf32>
        %get3A_1200 = arith.index_cast %add3A_1191 : i32 to index
        %get3A_1201 = arith.constant 32 : index
        %get3A_1202 = tpu.vector_load %arg9[%get3A_1200, %get3A_1201] {strides = array<i32>} : memref<208x64xf32, #tpu.memory_space<vmem>>, vector<16xf32>,
        %add3A_1203 = arith.addf %add3A_1183, %get3A_1202 : vector<16xf32>
        %get3A_1204 = arith.index_cast %add3A_1191 : i32 to index
        %get3A_1205 = arith.constant 48 : index
        %get3A_1206 = tpu.vector_load %arg9[%get3A_1204, %get3A_1205] {strides = array<i32>} : memref<208x64xf32, #tpu.memory_space<vmem>>, vector<16xf32>,
        %add3A_1207 = arith.addf %add3A_1187, %get3A_1206 : vector<16xf32>
        %mul3A_1208 = arith.constant 16 : i32
        %mul3A_1209 = arith.muli %while3A_1143, %mul3A_1208 : i32
        %add3A_1210 = arith.constant 3 : i32
        %add3A_1211 = arith.addi %mul3A_1209, %add3A_1210 : i32
        %get3A_1212 = arith.index_cast %add3A_1211 : i32 to index
        %get3A_1213 = arith.constant 0 : index
        %get3A_1214 = tpu.vector_load %arg9[%get3A_1212, %get3A_1213] {strides = array<i32>} : memref<208x64xf32, #tpu.memory_space<vmem>>, vector<16xf32>,
        %add3A_1215 = arith.addf %add3A_1195, %get3A_1214 : vector<16xf32>
        %get3A_1216 = arith.index_cast %add3A_1211 : i32 to index
        %get3A_1217 = arith.constant 16 : index
        %get3A_1218 = tpu.vector_load %arg9[%get3A_1216, %get3A_1217] {strides = array<i32>} : memref<208x64xf32, #tpu.memory_space<vmem>>, vector<16xf32>,
        %add3A_1219 = arith.addf %add3A_1199, %get3A_1218 : vector<16xf32>
        %get3A_1220 = arith.index_cast %add3A_1211 : i32 to index
        %get3A_1221 = arith.constant 32 : index
        %get3A_1222 = tpu.vector_load %arg9[%get3A_1220, %get3A_1221] {strides = array<i32>} : memref<208x64xf32, #tpu.memory_space<vmem>>, vector<16xf32>,
        %add3A_1223 = arith.addf %add3A_1203, %get3A_1222 : vector<16xf32>
        %get3A_1224 = arith.index_cast %add3A_1211 : i32 to index
        %get3A_1225 = arith.constant 48 : index
        %get3A_1226 = tpu.vector_load %arg9[%get3A_1224, %get3A_1225] {strides = array<i32>} : memref<208x64xf32, #tpu.memory_space<vmem>>, vector<16xf32>,
        %add3A_1227 = arith.addf %add3A_1207, %get3A_1226 : vector<16xf32>
        %mul3A_1228 = arith.constant 16 : i32
        %mul3A_1229 = arith.muli %while3A_1143, %mul3A_1228 : i32
        %add3A_1230 = arith.constant 4 : i32
        %add3A_1231 = arith.addi %mul3A_1229, %add3A_1230 : i32
        %get3A_1232 = arith.index_cast %add3A_1231 : i32 to index
        %get3A_1233 = arith.constant 0 : index
        %get3A_1234 = tpu.vector_load %arg9[%get3A_1232, %get3A_1233] {strides = array<i32>} : memref<208x64xf32, #tpu.memory_space<vmem>>, vector<16xf32>,
        %add3A_1235 = arith.addf %add3A_1215, %get3A_1234 : vector<16xf32>
        %get3A_1236 = arith.index_cast %add3A_1231 : i32 to index
        %get3A_1237 = arith.constant 16 : index
        %get3A_1238 = tpu.vector_load %arg9[%get3A_1236, %get3A_1237] {strides = array<i32>} : memref<208x64xf32, #tpu.memory_space<vmem>>, vector<16xf32>,
        %add3A_1239 = arith.addf %add3A_1219, %get3A_1238 : vector<16xf32>
        %get3A_1240 = arith.index_cast %add3A_1231 : i32 to index
        %get3A_1241 = arith.constant 32 : index
        %get3A_1242 = tpu.vector_load %arg9[%get3A_1240, %get3A_1241] {strides = array<i32>} : memref<208x64xf32, #tpu.memory_space<vmem>>, vector<16xf32>,
        %add3A_1243 = arith.addf %add3A_1223, %get3A_1242 : vector<16xf32>
        %get3A_1244 = arith.index_cast %add3A_1231 : i32 to index
        %get3A_1245 = arith.constant 48 : index
        %get3A_1246 = tpu.vector_load %arg9[%get3A_1244, %get3A_1245] {strides = array<i32>} : memref<208x64xf32, #tpu.memory_space<vmem>>, vector<16xf32>,
        %add3A_1247 = arith.addf %add3A_1227, %get3A_1246 : vector<16xf32>
        %mul3A_1248 = arith.constant 16 : i32
        %mul3A_1249 = arith.muli %while3A_1143, %mul3A_1248 : i32
        %add3A_1250 = arith.constant 5 : i32
        %add3A_1251 = arith.addi %mul3A_1249, %add3A_1250 : i32
        %get3A_1252 = arith.index_cast %add3A_1251 : i32 to index
        %get3A_1253 = arith.constant 0 : index
        %get3A_1254 = tpu.vector_load %arg9[%get3A_1252, %get3A_1253] {strides = array<i32>} : memref<208x64xf32, #tpu.memory_space<vmem>>, vector<16xf32>,
        %add3A_1255 = arith.addf %add3A_1235, %get3A_1254 : vector<16xf32>
        %get3A_1256 = arith.index_cast %add3A_1251 : i32 to index
        %get3A_1257 = arith.constant 16 : index
        %get3A_1258 = tpu.vector_load %arg9[%get3A_1256, %get3A_1257] {strides = array<i32>} : memref<208x64xf32, #tpu.memory_space<vmem>>, vector<16xf32>,
        %add3A_1259 = arith.addf %add3A_1239, %get3A_1258 : vector<16xf32>
        %get3A_1260 = arith.index_cast %add3A_1251 : i32 to index
        %get3A_1261 = arith.constant 32 : index
        %get3A_1262 = tpu.vector_load %arg9[%get3A_1260, %get3A_1261] {strides = array<i32>} : memref<208x64xf32, #tpu.memory_space<vmem>>, vector<16xf32>,
        %add3A_1263 = arith.addf %add3A_1243, %get3A_1262 : vector<16xf32>
        %get3A_1264 = arith.index_cast %add3A_1251 : i32 to index
        %get3A_1265 = arith.constant 48 : index
        %get3A_1266 = tpu.vector_load %arg9[%get3A_1264, %get3A_1265] {strides = array<i32>} : memref<208x64xf32, #tpu.memory_space<vmem>>, vector<16xf32>,
        %add3A_1267 = arith.addf %add3A_1247, %get3A_1266 : vector<16xf32>
        %mul3A_1268 = arith.constant 16 : i32
        %mul3A_1269 = arith.muli %while3A_1143, %mul3A_1268 : i32
        %add3A_1270 = arith.constant 6 : i32
        %add3A_1271 = arith.addi %mul3A_1269, %add3A_1270 : i32
        %get3A_1272 = arith.index_cast %add3A_1271 : i32 to index
        %get3A_1273 = arith.constant 0 : index
        %get3A_1274 = tpu.vector_load %arg9[%get3A_1272, %get3A_1273] {strides = array<i32>} : memref<208x64xf32, #tpu.memory_space<vmem>>, vector<16xf32>,
        %add3A_1275 = arith.addf %add3A_1255, %get3A_1274 : vector<16xf32>
        %get3A_1276 = arith.index_cast %add3A_1271 : i32 to index
        %get3A_1277 = arith.constant 16 : index
        %get3A_1278 = tpu.vector_load %arg9[%get3A_1276, %get3A_1277] {strides = array<i32>} : memref<208x64xf32, #tpu.memory_space<vmem>>, vector<16xf32>,
        %add3A_1279 = arith.addf %add3A_1259, %get3A_1278 : vector<16xf32>
        %get3A_1280 = arith.index_cast %add3A_1271 : i32 to index
        %get3A_1281 = arith.constant 32 : index
        %get3A_1282 = tpu.vector_load %arg9[%get3A_1280, %get3A_1281] {strides = array<i32>} : memref<208x64xf32, #tpu.memory_space<vmem>>, vector<16xf32>,
        %add3A_1283 = arith.addf %add3A_1263, %get3A_1282 : vector<16xf32>
        %get3A_1284 = arith.index_cast %add3A_1271 : i32 to index
        %get3A_1285 = arith.constant 48 : index
        %get3A_1286 = tpu.vector_load %arg9[%get3A_1284, %get3A_1285] {strides = array<i32>} : memref<208x64xf32, #tpu.memory_space<vmem>>, vector<16xf32>,
        %add3A_1287 = arith.addf %add3A_1267, %get3A_1286 : vector<16xf32>
        %mul3A_1288 = arith.constant 16 : i32
        %mul3A_1289 = arith.muli %while3A_1143, %mul3A_1288 : i32
        %add3A_1290 = arith.constant 7 : i32
        %add3A_1291 = arith.addi %mul3A_1289, %add3A_1290 : i32
        %get3A_1292 = arith.index_cast %add3A_1291 : i32 to index
        %get3A_1293 = arith.constant 0 : index
        %get3A_1294 = tpu.vector_load %arg9[%get3A_1292, %get3A_1293] {strides = array<i32>} : memref<208x64xf32, #tpu.memory_space<vmem>>, vector<16xf32>,
        %add3A_1295 = arith.addf %add3A_1275, %get3A_1294 : vector<16xf32>
        %get3A_1296 = arith.index_cast %add3A_1291 : i32 to index
        %get3A_1297 = arith.constant 16 : index
        %get3A_1298 = tpu.vector_load %arg9[%get3A_1296, %get3A_1297] {strides = array<i32>} : memref<208x64xf32, #tpu.memory_space<vmem>>, vector<16xf32>,
        %add3A_1299 = arith.addf %add3A_1279, %get3A_1298 : vector<16xf32>
        %get3A_1300 = arith.index_cast %add3A_1291 : i32 to index
        %get3A_1301 = arith.constant 32 : index
        %get3A_1302 = tpu.vector_load %arg9[%get3A_1300, %get3A_1301] {strides = array<i32>} : memref<208x64xf32, #tpu.memory_space<vmem>>, vector<16xf32>,
        %add3A_1303 = arith.addf %add3A_1283, %get3A_1302 : vector<16xf32>
        %get3A_1304 = arith.index_cast %add3A_1291 : i32 to index
        %get3A_1305 = arith.constant 48 : index
        %get3A_1306 = tpu.vector_load %arg9[%get3A_1304, %get3A_1305] {strides = array<i32>} : memref<208x64xf32, #tpu.memory_space<vmem>>, vector<16xf32>,
        %add3A_1307 = arith.addf %add3A_1287, %get3A_1306 : vector<16xf32>
        %mul3A_1308 = arith.constant 16 : i32
        %mul3A_1309 = arith.muli %while3A_1143, %mul3A_1308 : i32
        %add3A_1310 = arith.constant 8 : i32
        %add3A_1311 = arith.addi %mul3A_1309, %add3A_1310 : i32
        %get3A_1312 = arith.index_cast %add3A_1311 : i32 to index
        %get3A_1313 = arith.constant 0 : index
        %get3A_1314 = tpu.vector_load %arg9[%get3A_1312, %get3A_1313] {strides = array<i32>} : memref<208x64xf32, #tpu.memory_space<vmem>>, vector<16xf32>,
        %add3A_1315 = arith.addf %add3A_1295, %get3A_1314 : vector<16xf32>
        %get3A_1316 = arith.index_cast %add3A_1311 : i32 to index
        %get3A_1317 = arith.constant 16 : index
        %get3A_1318 = tpu.vector_load %arg9[%get3A_1316, %get3A_1317] {strides = array<i32>} : memref<208x64xf32, #tpu.memory_space<vmem>>, vector<16xf32>,
        %add3A_1319 = arith.addf %add3A_1299, %get3A_1318 : vector<16xf32>
        %get3A_1320 = arith.index_cast %add3A_1311 : i32 to index
        %get3A_1321 = arith.constant 32 : index
        %get3A_1322 = tpu.vector_load %arg9[%get3A_1320, %get3A_1321] {strides = array<i32>} : memref<208x64xf32, #tpu.memory_space<vmem>>, vector<16xf32>,
        %add3A_1323 = arith.addf %add3A_1303, %get3A_1322 : vector<16xf32>
        %get3A_1324 = arith.index_cast %add3A_1311 : i32 to index
        %get3A_1325 = arith.constant 48 : index
        %get3A_1326 = tpu.vector_load %arg9[%get3A_1324, %get3A_1325] {strides = array<i32>} : memref<208x64xf32, #tpu.memory_space<vmem>>, vector<16xf32>,
        %add3A_1327 = arith.addf %add3A_1307, %get3A_1326 : vector<16xf32>
        %mul3A_1328 = arith.constant 16 : i32
        %mul3A_1329 = arith.muli %while3A_1143, %mul3A_1328 : i32
        %add3A_1330 = arith.constant 9 : i32
        %add3A_1331 = arith.addi %mul3A_1329, %add3A_1330 : i32
        %get3A_1332 = arith.index_cast %add3A_1331 : i32 to index
        %get3A_1333 = arith.constant 0 : index
        %get3A_1334 = tpu.vector_load %arg9[%get3A_1332, %get3A_1333] {strides = array<i32>} : memref<208x64xf32, #tpu.memory_space<vmem>>, vector<16xf32>,
        %add3A_1335 = arith.addf %add3A_1315, %get3A_1334 : vector<16xf32>
        %get3A_1336 = arith.index_cast %add3A_1331 : i32 to index
        %get3A_1337 = arith.constant 16 : index
        %get3A_1338 = tpu.vector_load %arg9[%get3A_1336, %get3A_1337] {strides = array<i32>} : memref<208x64xf32, #tpu.memory_space<vmem>>, vector<16xf32>,
        %add3A_1339 = arith.addf %add3A_1319, %get3A_1338 : vector<16xf32>
        %get3A_1340 = arith.index_cast %add3A_1331 : i32 to index
        %get3A_1341 = arith.constant 32 : index
        %get3A_1342 = tpu.vector_load %arg9[%get3A_1340, %get3A_1341] {strides = array<i32>} : memref<208x64xf32, #tpu.memory_space<vmem>>, vector<16xf32>,
        %add3A_1343 = arith.addf %add3A_1323, %get3A_1342 : vector<16xf32>
        %get3A_1344 = arith.index_cast %add3A_1331 : i32 to index
        %get3A_1345 = arith.constant 48 : index
        %get3A_1346 = tpu.vector_load %arg9[%get3A_1344, %get3A_1345] {strides = array<i32>} : memref<208x64xf32, #tpu.memory_space<vmem>>, vector<16xf32>,
        %add3A_1347 = arith.addf %add3A_1327, %get3A_1346 : vector<16xf32>
        %mul3A_1348 = arith.constant 16 : i32
        %mul3A_1349 = arith.muli %while3A_1143, %mul3A_1348 : i32
        %add3A_1350 = arith.constant 10 : i32
        %add3A_1351 = arith.addi %mul3A_1349, %add3A_1350 : i32
        %get3A_1352 = arith.index_cast %add3A_1351 : i32 to index
        %get3A_1353 = arith.constant 0 : index
        %get3A_1354 = tpu.vector_load %arg9[%get3A_1352, %get3A_1353] {strides = array<i32>} : memref<208x64xf32, #tpu.memory_space<vmem>>, vector<16xf32>,
        %add3A_1355 = arith.addf %add3A_1335, %get3A_1354 : vector<16xf32>
        %get3A_1356 = arith.index_cast %add3A_1351 : i32 to index
        %get3A_1357 = arith.constant 16 : index
        %get3A_1358 = tpu.vector_load %arg9[%get3A_1356, %get3A_1357] {strides = array<i32>} : memref<208x64xf32, #tpu.memory_space<vmem>>, vector<16xf32>,
        %add3A_1359 = arith.addf %add3A_1339, %get3A_1358 : vector<16xf32>
        %get3A_1360 = arith.index_cast %add3A_1351 : i32 to index
        %get3A_1361 = arith.constant 32 : index
        %get3A_1362 = tpu.vector_load %arg9[%get3A_1360, %get3A_1361] {strides = array<i32>} : memref<208x64xf32, #tpu.memory_space<vmem>>, vector<16xf32>,
        %add3A_1363 = arith.addf %add3A_1343, %get3A_1362 : vector<16xf32>
        %get3A_1364 = arith.index_cast %add3A_1351 : i32 to index
        %get3A_1365 = arith.constant 48 : index
        %get3A_1366 = tpu.vector_load %arg9[%get3A_1364, %get3A_1365] {strides = array<i32>} : memref<208x64xf32, #tpu.memory_space<vmem>>, vector<16xf32>,
        %add3A_1367 = arith.addf %add3A_1347, %get3A_1366 : vector<16xf32>
        %mul3A_1368 = arith.constant 16 : i32
        %mul3A_1369 = arith.muli %while3A_1143, %mul3A_1368 : i32
        %add3A_1370 = arith.constant 11 : i32
        %add3A_1371 = arith.addi %mul3A_1369, %add3A_1370 : i32
        %get3A_1372 = arith.index_cast %add3A_1371 : i32 to index
        %get3A_1373 = arith.constant 0 : index
        %get3A_1374 = tpu.vector_load %arg9[%get3A_1372, %get3A_1373] {strides = array<i32>} : memref<208x64xf32, #tpu.memory_space<vmem>>, vector<16xf32>,
        %add3A_1375 = arith.addf %add3A_1355, %get3A_1374 : vector<16xf32>
        %get3A_1376 = arith.index_cast %add3A_1371 : i32 to index
        %get3A_1377 = arith.constant 16 : index
        %get3A_1378 = tpu.vector_load %arg9[%get3A_1376, %get3A_1377] {strides = array<i32>} : memref<208x64xf32, #tpu.memory_space<vmem>>, vector<16xf32>,
        %add3A_1379 = arith.addf %add3A_1359, %get3A_1378 : vector<16xf32>
        %get3A_1380 = arith.index_cast %add3A_1371 : i32 to index
        %get3A_1381 = arith.constant 32 : index
        %get3A_1382 = tpu.vector_load %arg9[%get3A_1380, %get3A_1381] {strides = array<i32>} : memref<208x64xf32, #tpu.memory_space<vmem>>, vector<16xf32>,
        %add3A_1383 = arith.addf %add3A_1363, %get3A_1382 : vector<16xf32>
        %get3A_1384 = arith.index_cast %add3A_1371 : i32 to index
        %get3A_1385 = arith.constant 48 : index
        %get3A_1386 = tpu.vector_load %arg9[%get3A_1384, %get3A_1385] {strides = array<i32>} : memref<208x64xf32, #tpu.memory_space<vmem>>, vector<16xf32>,
        %add3A_1387 = arith.addf %add3A_1367, %get3A_1386 : vector<16xf32>
        %mul3A_1388 = arith.constant 16 : i32
        %mul3A_1389 = arith.muli %while3A_1143, %mul3A_1388 : i32
        %add3A_1390 = arith.constant 12 : i32
        %add3A_1391 = arith.addi %mul3A_1389, %add3A_1390 : i32
        %get3A_1392 = arith.index_cast %add3A_1391 : i32 to index
        %get3A_1393 = arith.constant 0 : index
        %get3A_1394 = tpu.vector_load %arg9[%get3A_1392, %get3A_1393] {strides = array<i32>} : memref<208x64xf32, #tpu.memory_space<vmem>>, vector<16xf32>,
        %add3A_1395 = arith.addf %add3A_1375, %get3A_1394 : vector<16xf32>
        %get3A_1396 = arith.index_cast %add3A_1391 : i32 to index
        %get3A_1397 = arith.constant 16 : index
        %get3A_1398 = tpu.vector_load %arg9[%get3A_1396, %get3A_1397] {strides = array<i32>} : memref<208x64xf32, #tpu.memory_space<vmem>>, vector<16xf32>,
        %add3A_1399 = arith.addf %add3A_1379, %get3A_1398 : vector<16xf32>
        %get3A_1400 = arith.index_cast %add3A_1391 : i32 to index
        %get3A_1401 = arith.constant 32 : index
        %get3A_1402 = tpu.vector_load %arg9[%get3A_1400, %get3A_1401] {strides = array<i32>} : memref<208x64xf32, #tpu.memory_space<vmem>>, vector<16xf32>,
        %add3A_1403 = arith.addf %add3A_1383, %get3A_1402 : vector<16xf32>
        %get3A_1404 = arith.index_cast %add3A_1391 : i32 to index
        %get3A_1405 = arith.constant 48 : index
        %get3A_1406 = tpu.vector_load %arg9[%get3A_1404, %get3A_1405] {strides = array<i32>} : memref<208x64xf32, #tpu.memory_space<vmem>>, vector<16xf32>,
        %add3A_1407 = arith.addf %add3A_1387, %get3A_1406 : vector<16xf32>
        %mul3A_1408 = arith.constant 16 : i32
        %mul3A_1409 = arith.muli %while3A_1143, %mul3A_1408 : i32
        %add3A_1410 = arith.constant 13 : i32
        %add3A_1411 = arith.addi %mul3A_1409, %add3A_1410 : i32
        %get3A_1412 = arith.index_cast %add3A_1411 : i32 to index
        %get3A_1413 = arith.constant 0 : index
        %get3A_1414 = tpu.vector_load %arg9[%get3A_1412, %get3A_1413] {strides = array<i32>} : memref<208x64xf32, #tpu.memory_space<vmem>>, vector<16xf32>,
        %add3A_1415 = arith.addf %add3A_1395, %get3A_1414 : vector<16xf32>
        %get3A_1416 = arith.index_cast %add3A_1411 : i32 to index
        %get3A_1417 = arith.constant 16 : index
        %get3A_1418 = tpu.vector_load %arg9[%get3A_1416, %get3A_1417] {strides = array<i32>} : memref<208x64xf32, #tpu.memory_space<vmem>>, vector<16xf32>,
        %add3A_1419 = arith.addf %add3A_1399, %get3A_1418 : vector<16xf32>
        %get3A_1420 = arith.index_cast %add3A_1411 : i32 to index
        %get3A_1421 = arith.constant 32 : index
        %get3A_1422 = tpu.vector_load %arg9[%get3A_1420, %get3A_1421] {strides = array<i32>} : memref<208x64xf32, #tpu.memory_space<vmem>>, vector<16xf32>,
        %add3A_1423 = arith.addf %add3A_1403, %get3A_1422 : vector<16xf32>
        %get3A_1424 = arith.index_cast %add3A_1411 : i32 to index
        %get3A_1425 = arith.constant 48 : index
        %get3A_1426 = tpu.vector_load %arg9[%get3A_1424, %get3A_1425] {strides = array<i32>} : memref<208x64xf32, #tpu.memory_space<vmem>>, vector<16xf32>,
        %add3A_1427 = arith.addf %add3A_1407, %get3A_1426 : vector<16xf32>
        %mul3A_1428 = arith.constant 16 : i32
        %mul3A_1429 = arith.muli %while3A_1143, %mul3A_1428 : i32
        %add3A_1430 = arith.constant 14 : i32
        %add3A_1431 = arith.addi %mul3A_1429, %add3A_1430 : i32
        %get3A_1432 = arith.index_cast %add3A_1431 : i32 to index
        %get3A_1433 = arith.constant 0 : index
        %get3A_1434 = tpu.vector_load %arg9[%get3A_1432, %get3A_1433] {strides = array<i32>} : memref<208x64xf32, #tpu.memory_space<vmem>>, vector<16xf32>,
        %add3A_1435 = arith.addf %add3A_1415, %get3A_1434 : vector<16xf32>
        %get3A_1436 = arith.index_cast %add3A_1431 : i32 to index
        %get3A_1437 = arith.constant 16 : index
        %get3A_1438 = tpu.vector_load %arg9[%get3A_1436, %get3A_1437] {strides = array<i32>} : memref<208x64xf32, #tpu.memory_space<vmem>>, vector<16xf32>,
        %add3A_1439 = arith.addf %add3A_1419, %get3A_1438 : vector<16xf32>
        %get3A_1440 = arith.index_cast %add3A_1431 : i32 to index
        %get3A_1441 = arith.constant 32 : index
        %get3A_1442 = tpu.vector_load %arg9[%get3A_1440, %get3A_1441] {strides = array<i32>} : memref<208x64xf32, #tpu.memory_space<vmem>>, vector<16xf32>,
        %add3A_1443 = arith.addf %add3A_1423, %get3A_1442 : vector<16xf32>
        %get3A_1444 = arith.index_cast %add3A_1431 : i32 to index
        %get3A_1445 = arith.constant 48 : index
        %get3A_1446 = tpu.vector_load %arg9[%get3A_1444, %get3A_1445] {strides = array<i32>} : memref<208x64xf32, #tpu.memory_space<vmem>>, vector<16xf32>,
        %add3A_1447 = arith.addf %add3A_1427, %get3A_1446 : vector<16xf32>
        %mul3A_1448 = arith.constant 16 : i32
        %mul3A_1449 = arith.muli %while3A_1143, %mul3A_1448 : i32
        %add3A_1450 = arith.constant 15 : i32
        %add3A_1451 = arith.addi %mul3A_1449, %add3A_1450 : i32
        %get3A_1452 = arith.index_cast %add3A_1451 : i32 to index
        %get3A_1453 = arith.constant 0 : index
        %get3A_1454 = tpu.vector_load %arg9[%get3A_1452, %get3A_1453] {strides = array<i32>} : memref<208x64xf32, #tpu.memory_space<vmem>>, vector<16xf32>,
        %add3A_1455 = arith.addf %add3A_1435, %get3A_1454 : vector<16xf32>
        %get3A_1456 = arith.index_cast %add3A_1451 : i32 to index
        %get3A_1457 = arith.constant 16 : index
        %get3A_1458 = tpu.vector_load %arg9[%get3A_1456, %get3A_1457] {strides = array<i32>} : memref<208x64xf32, #tpu.memory_space<vmem>>, vector<16xf32>,
        %add3A_1459 = arith.addf %add3A_1439, %get3A_1458 : vector<16xf32>
        %get3A_1460 = arith.index_cast %add3A_1451 : i32 to index
        %get3A_1461 = arith.constant 32 : index
        %get3A_1462 = tpu.vector_load %arg9[%get3A_1460, %get3A_1461] {strides = array<i32>} : memref<208x64xf32, #tpu.memory_space<vmem>>, vector<16xf32>,
        %add3A_1463 = arith.addf %add3A_1443, %get3A_1462 : vector<16xf32>
        %get3A_1464 = arith.index_cast %add3A_1451 : i32 to index
        %get3A_1465 = arith.constant 48 : index
        %get3A_1466 = tpu.vector_load %arg9[%get3A_1464, %get3A_1465] {strides = array<i32>} : memref<208x64xf32, #tpu.memory_space<vmem>>, vector<16xf32>,
        %add3A_1467 = arith.addf %add3A_1447, %get3A_1466 : vector<16xf32>
        scf.yield %add3A_1455, %add3A_1459, %add3A_1463, %add3A_1467 : vector<16xf32>, vector<16xf32>, vector<16xf32>, vector<16xf32>
      }
      %mul3A_1089 = arith.constant 16 : i32
      %mul3A_1090 = arith.muli %shift_right_arithmetic3A_770, %mul3A_1089 : i32
      %sub3A_1091 = arith.constant 200 : i32
      %sub3A_1092 = arith.subi %sub3A_1091, %mul3A_1090 : i32
      %convert_element_type3A_1093 = arith.sitofp %sub3A_1092 : i32 to f32
      %rem3A_1094 = arith.constant 32 : i32
      %rem3A_1095 = arith.remsi %add3A_568, %rem3A_1094 : i32
      %get3A_1096 = arith.constant 0 : i32
      %get3A_1097 = arith.index_cast %get3A_1096 : i32 to index
      %get3A_1098 = arith.constant 0 : index
      %get3A_1099 = tpu.vector_load %arg11[%get3A_1097, %get3A_1098] {strides = array<i32>} : memref<1x64xf32, #tpu.memory_space<vmem>>, vector<16xf32>,
      %mul3A_1100 = vector.broadcast %convert_element_type3A_1093 : f32 to vector<16xf32>
      %mul3A_1101 = arith.mulf %mul3A_1100, %get3A_1099 : vector<16xf32>
      %add3A_1102 = arith.addf %while3A_1088#0, %mul3A_1101 : vector<16xf32>
      %swap3A_1103 = arith.index_cast %rem3A_1095 : i32 to index
      %swap3A_1104 = arith.constant 0 : index
      %swap3A_1105 = tpu.vector_load %arg10[%swap3A_1103, %swap3A_1104] {strides = array<i32>} : memref<32x64xf32, #tpu.memory_space<vmem>>, vector<16xf32>,
      tpu.vector_store %arg10[%swap3A_1103, %swap3A_1104], %add3A_1102 {strides = array<i32>} : memref<32x64xf32, #tpu.memory_space<vmem>>, vector<16xf32>,
      %get3A_1106 = arith.constant 0 : i32
      %get3A_1107 = arith.index_cast %get3A_1106 : i32 to index
      %get3A_1108 = arith.constant 16 : index
      %get3A_1109 = tpu.vector_load %arg11[%get3A_1107, %get3A_1108] {strides = array<i32>} : memref<1x64xf32, #tpu.memory_space<vmem>>, vector<16xf32>,
      %mul3A_1110 = vector.broadcast %convert_element_type3A_1093 : f32 to vector<16xf32>
      %mul3A_1111 = arith.mulf %mul3A_1110, %get3A_1109 : vector<16xf32>
      %add3A_1112 = arith.addf %while3A_1088#1, %mul3A_1111 : vector<16xf32>
      %swap3A_1113 = arith.index_cast %rem3A_1095 : i32 to index
      %swap3A_1114 = arith.constant 16 : index
      %swap3A_1115 = tpu.vector_load %arg10[%swap3A_1113, %swap3A_1114] {strides = array<i32>} : memref<32x64xf32, #tpu.memory_space<vmem>>, vector<16xf32>,
      tpu.vector_store %arg10[%swap3A_1113, %swap3A_1114], %add3A_1112 {strides = array<i32>} : memref<32x64xf32, #tpu.memory_space<vmem>>, vector<16xf32>,
      %get3A_1116 = arith.constant 0 : i32
      %get3A_1117 = arith.index_cast %get3A_1116 : i32 to index
      %get3A_1118 = arith.constant 32 : index
      %get3A_1119 = tpu.vector_load %arg11[%get3A_1117, %get3A_1118] {strides = array<i32>} : memref<1x64xf32, #tpu.memory_space<vmem>>, vector<16xf32>,
      %mul3A_1120 = vector.broadcast %convert_element_type3A_1093 : f32 to vector<16xf32>
      %mul3A_1121 = arith.mulf %mul3A_1120, %get3A_1119 : vector<16xf32>
      %add3A_1122 = arith.addf %while3A_1088#2, %mul3A_1121 : vector<16xf32>
      %swap3A_1123 = arith.index_cast %rem3A_1095 : i32 to index
      %swap3A_1124 = arith.constant 32 : index
      %swap3A_1125 = tpu.vector_load %arg10[%swap3A_1123, %swap3A_1124] {strides = array<i32>} : memref<32x64xf32, #tpu.memory_space<vmem>>, vector<16xf32>,
      tpu.vector_store %arg10[%swap3A_1123, %swap3A_1124], %add3A_1122 {strides = array<i32>} : memref<32x64xf32, #tpu.memory_space<vmem>>, vector<16xf32>,
      %get3A_1126 = arith.constant 0 : i32
      %get3A_1127 = arith.index_cast %get3A_1126 : i32 to index
      %get3A_1128 = arith.constant 48 : index
      %get3A_1129 = tpu.vector_load %arg11[%get3A_1127, %get3A_1128] {strides = array<i32>} : memref<1x64xf32, #tpu.memory_space<vmem>>, vector<16xf32>,
      %mul3A_1130 = vector.broadcast %convert_element_type3A_1093 : f32 to vector<16xf32>
      %mul3A_1131 = arith.mulf %mul3A_1130, %get3A_1129 : vector<16xf32>
      %add3A_1132 = arith.addf %while3A_1088#3, %mul3A_1131 : vector<16xf32>
      %swap3A_1133 = arith.index_cast %rem3A_1095 : i32 to index
      %swap3A_1134 = arith.constant 48 : index
      %swap3A_1135 = tpu.vector_load %arg10[%swap3A_1133, %swap3A_1134] {strides = array<i32>} : memref<32x64xf32, #tpu.memory_space<vmem>>, vector<16xf32>,
      tpu.vector_store %arg10[%swap3A_1133, %swap3A_1134], %add3A_1132 {strides = array<i32>} : memref<32x64xf32, #tpu.memory_space<vmem>>, vector<16xf32>,
      %rem3A_1136 = arith.constant 32 : i32
      %rem3A_1137 = arith.remsi %add3A_568, %rem3A_1136 : i32
      %eq3A_1138 = arith.constant 31 : i32
      %eq3A_1139 = arith.cmpi eq, %rem3A_1137, %eq3A_1138 : i32
      %convert_element_type3A_1140 = arith.extui %eq3A_1139 : i1 to i32
      %cond3A_1141 = arith.constant 0 : i32
      %cond3A_1142 = arith.cmpi ne, %convert_element_type3A_1140, %cond3A_1141 : i32
      scf.if %cond3A_1142 {
        %sub3A_1143 = arith.constant 31 : i32
        %sub3A_1144 = arith.subi %add3A_568, %sub3A_1143 : i32
        %add3A_1145 = arith.addi %mul3A_2, %sub3A_1144 : i32
        %multiple_of3A_1146 = tpu.assume_multiple %add3A_1145, 32 : i32
        "tpu.region"() ({
          %run_scoped3A = tpu.sem_alloc : memref<!tpu.dma_semaphore, #tpu.memory_space<semaphore_mem>>
          %dma_start3A = arith.constant 0 : i32
          %dma_start3A_1147 = tpu.memref_slice %arg4[%multiple_of3A_1146, %dma_start3A] : memref<4096x64xf32, #tpu.memory_space<hbm>> -> memref<32x64xf32, #tpu.memory_space<hbm>>
          %dma_start3A_1148 = arith.constant 0 : i32
          %dma_start3A_1149 = tpu.memref_slice %arg4[%multiple_of3A_1146, %dma_start3A_1148] : memref<4096x64xf32, #tpu.memory_space<hbm>> -> memref<32x64xf32, #tpu.memory_space<hbm>>
          tpu.enqueue_dma source(%arg10 : memref<32x64xf32, #tpu.memory_space<vmem>>) target(%dma_start3A_1149 : memref<32x64xf32, #tpu.memory_space<hbm>>) target_semaphore(%run_scoped3A : memref<!tpu.dma_semaphore, #tpu.memory_space<semaphore_mem>>)
          %dma_wait3A = arith.constant 0 : i32
          %dma_wait3A_1150 = tpu.memref_slice %arg4[%multiple_of3A_1146, %dma_wait3A] : memref<4096x64xf32, #tpu.memory_space<hbm>> -> memref<32x64xf32, #tpu.memory_space<hbm>>
          %dma_wait3A_1151 = arith.constant 0 : i32
          %dma_wait3A_1152 = tpu.memref_slice %arg4[%multiple_of3A_1146, %dma_wait3A_1151] : memref<4096x64xf32, #tpu.memory_space<hbm>> -> memref<32x64xf32, #tpu.memory_space<hbm>>
          tpu.wait_dma2 semaphore(%run_scoped3A : memref<!tpu.dma_semaphore, #tpu.memory_space<semaphore_mem>>) src(%arg10 : memref<32x64xf32, #tpu.memory_space<vmem>>) dst(%dma_wait3A_1152 : memref<32x64xf32, #tpu.memory_space<hbm>>)
          tpu.yield
        }) : () -> ()
      } else {
      }
      scf.yield %shift_right_arithmetic3A_1055 : i32
    }
    %scan3A_207 = arith.constant 63 : i32
    %rem3A_208 = arith.constant 127 : i32
    %rem3A_209 = arith.constant 32 : i32
    %rem3A_210 = arith.remsi %rem3A_208, %rem3A_209 : i32
    %get3A_211 = arith.index_cast %rem3A_210 : i32 to index
    %get3A_212 = arith.constant 0 : index
    %get3A_213 = tpu.vector_load %arg5[%get3A_211, %get3A_212] {strides = array<i32>} : memref<32x200xi32, #tpu.memory_space<vmem>>, vector<16xi32>,
    %gt3A_214 = arith.constant 0 : i32
    %gt3A_215 = vector.broadcast %gt3A_214 : i32 to vector<16xi32>
    %gt3A_216 = arith.cmpi sgt, %get3A_213, %gt3A_215 : vector<16xi32>
    %swap3A_217 = arith.constant 0 : i32
    %swap3A_218 = arith.index_cast %swap3A_217 : i32 to index
    %swap3A_219 = tpu.vector_load %arg7[%swap3A_218] masked %gt3A_216 {strides = array<i32>} : memref<224xi32, #tpu.memory_space<vmem>>, vector<16xi32>, vector<16xi1>
    tpu.vector_store %arg7[%swap3A_218], %get3A_213 masked %gt3A_216 {strides = array<i32>} : memref<224xi32, #tpu.memory_space<vmem>>, vector<16xi32>, vector<16xi1>
    %convert_element_type3A_220 = arith.extui %gt3A_216 : vector<16xi1> to vector<16xi32>
    %reduce_sum3A_221 = arith.constant true
    %reduce_sum3A_222 = vector.broadcast %reduce_sum3A_221 : i1 to vector<16xi1>
    %reduce_sum3A_223 = tpu.scan <sum>, %convert_element_type3A_220 masked %reduce_sum3A_222 : vector<16xi32>, vector<16xi1> -> vector<16xi32>
    %reduce_sum3A_224 = vector.extract %reduce_sum3A_223[15] : i32 from vector<16xi32>
    %add3A_225 = arith.constant 0 : i32
    %add3A_226 = arith.addi %add3A_225, %reduce_sum3A_224 : i32
    %get3A_227 = arith.index_cast %rem3A_210 : i32 to index
    %get3A_228 = arith.constant 16 : index
    %get3A_229 = tpu.vector_load %arg5[%get3A_227, %get3A_228] {strides = array<i32>} : memref<32x200xi32, #tpu.memory_space<vmem>>, vector<16xi32>,
    %gt3A_230 = arith.constant 0 : i32
    %gt3A_231 = vector.broadcast %gt3A_230 : i32 to vector<16xi32>
    %gt3A_232 = arith.cmpi sgt, %get3A_229, %gt3A_231 : vector<16xi32>
    %swap3A_233 = arith.index_cast %add3A_226 : i32 to index
    %swap3A_234 = tpu.vector_load %arg7[%swap3A_233] masked %gt3A_232 {strides = array<i32>} : memref<224xi32, #tpu.memory_space<vmem>>, vector<16xi32>, vector<16xi1>
    tpu.vector_store %arg7[%swap3A_233], %get3A_229 masked %gt3A_232 {strides = array<i32>} : memref<224xi32, #tpu.memory_space<vmem>>, vector<16xi32>, vector<16xi1>
    %convert_element_type3A_235 = arith.extui %gt3A_232 : vector<16xi1> to vector<16xi32>
    %reduce_sum3A_236 = arith.constant true
    %reduce_sum3A_237 = vector.broadcast %reduce_sum3A_236 : i1 to vector<16xi1>
    %reduce_sum3A_238 = tpu.scan <sum>, %convert_element_type3A_235 masked %reduce_sum3A_237 : vector<16xi32>, vector<16xi1> -> vector<16xi32>
    %reduce_sum3A_239 = vector.extract %reduce_sum3A_238[15] : i32 from vector<16xi32>
    %add3A_240 = arith.addi %add3A_226, %reduce_sum3A_239 : i32
    %get3A_241 = arith.index_cast %rem3A_210 : i32 to index
    %get3A_242 = arith.constant 32 : index
    %get3A_243 = tpu.vector_load %arg5[%get3A_241, %get3A_242] {strides = array<i32>} : memref<32x200xi32, #tpu.memory_space<vmem>>, vector<16xi32>,
    %gt3A_244 = arith.constant 0 : i32
    %gt3A_245 = vector.broadcast %gt3A_244 : i32 to vector<16xi32>
    %gt3A_246 = arith.cmpi sgt, %get3A_243, %gt3A_245 : vector<16xi32>
    %swap3A_247 = arith.index_cast %add3A_240 : i32 to index
    %swap3A_248 = tpu.vector_load %arg7[%swap3A_247] masked %gt3A_246 {strides = array<i32>} : memref<224xi32, #tpu.memory_space<vmem>>, vector<16xi32>, vector<16xi1>
    tpu.vector_store %arg7[%swap3A_247], %get3A_243 masked %gt3A_246 {strides = array<i32>} : memref<224xi32, #tpu.memory_space<vmem>>, vector<16xi32>, vector<16xi1>
    %convert_element_type3A_249 = arith.extui %gt3A_246 : vector<16xi1> to vector<16xi32>
    %reduce_sum3A_250 = arith.constant true
    %reduce_sum3A_251 = vector.broadcast %reduce_sum3A_250 : i1 to vector<16xi1>
    %reduce_sum3A_252 = tpu.scan <sum>, %convert_element_type3A_249 masked %reduce_sum3A_251 : vector<16xi32>, vector<16xi1> -> vector<16xi32>
    %reduce_sum3A_253 = vector.extract %reduce_sum3A_252[15] : i32 from vector<16xi32>
    %add3A_254 = arith.addi %add3A_240, %reduce_sum3A_253 : i32
    %get3A_255 = arith.index_cast %rem3A_210 : i32 to index
    %get3A_256 = arith.constant 48 : index
    %get3A_257 = tpu.vector_load %arg5[%get3A_255, %get3A_256] {strides = array<i32>} : memref<32x200xi32, #tpu.memory_space<vmem>>, vector<16xi32>,
    %gt3A_258 = arith.constant 0 : i32
    %gt3A_259 = vector.broadcast %gt3A_258 : i32 to vector<16xi32>
    %gt3A_260 = arith.cmpi sgt, %get3A_257, %gt3A_259 : vector<16xi32>
    %swap3A_261 = arith.index_cast %add3A_254 : i32 to index
    %swap3A_262 = tpu.vector_load %arg7[%swap3A_261] masked %gt3A_260 {strides = array<i32>} : memref<224xi32, #tpu.memory_space<vmem>>, vector<16xi32>, vector<16xi1>
    tpu.vector_store %arg7[%swap3A_261], %get3A_257 masked %gt3A_260 {strides = array<i32>} : memref<224xi32, #tpu.memory_space<vmem>>, vector<16xi32>, vector<16xi1>
    %convert_element_type3A_263 = arith.extui %gt3A_260 : vector<16xi1> to vector<16xi32>
    %reduce_sum3A_264 = arith.constant true
    %reduce_sum3A_265 = vector.broadcast %reduce_sum3A_264 : i1 to vector<16xi1>
    %reduce_sum3A_266 = tpu.scan <sum>, %convert_element_type3A_263 masked %reduce_sum3A_265 : vector<16xi32>, vector<16xi1> -> vector<16xi32>
    %reduce_sum3A_267 = vector.extract %reduce_sum3A_266[15] : i32 from vector<16xi32>
    %add3A_268 = arith.addi %add3A_254, %reduce_sum3A_267 : i32
    %get3A_269 = arith.index_cast %rem3A_210 : i32 to index
    %get3A_270 = arith.constant 64 : index
    %get3A_271 = tpu.vector_load %arg5[%get3A_269, %get3A_270] {strides = array<i32>} : memref<32x200xi32, #tpu.memory_space<vmem>>, vector<16xi32>,
    %gt3A_272 = arith.constant 0 : i32
    %gt3A_273 = vector.broadcast %gt3A_272 : i32 to vector<16xi32>
    %gt3A_274 = arith.cmpi sgt, %get3A_271, %gt3A_273 : vector<16xi32>
    %swap3A_275 = arith.index_cast %add3A_268 : i32 to index
    %swap3A_276 = tpu.vector_load %arg7[%swap3A_275] masked %gt3A_274 {strides = array<i32>} : memref<224xi32, #tpu.memory_space<vmem>>, vector<16xi32>, vector<16xi1>
    tpu.vector_store %arg7[%swap3A_275], %get3A_271 masked %gt3A_274 {strides = array<i32>} : memref<224xi32, #tpu.memory_space<vmem>>, vector<16xi32>, vector<16xi1>
    %convert_element_type3A_277 = arith.extui %gt3A_274 : vector<16xi1> to vector<16xi32>
    %reduce_sum3A_278 = arith.constant true
    %reduce_sum3A_279 = vector.broadcast %reduce_sum3A_278 : i1 to vector<16xi1>
    %reduce_sum3A_280 = tpu.scan <sum>, %convert_element_type3A_277 masked %reduce_sum3A_279 : vector<16xi32>, vector<16xi1> -> vector<16xi32>
    %reduce_sum3A_281 = vector.extract %reduce_sum3A_280[15] : i32 from vector<16xi32>
    %add3A_282 = arith.addi %add3A_268, %reduce_sum3A_281 : i32
    %get3A_283 = arith.index_cast %rem3A_210 : i32 to index
    %get3A_284 = arith.constant 80 : index
    %get3A_285 = tpu.vector_load %arg5[%get3A_283, %get3A_284] {strides = array<i32>} : memref<32x200xi32, #tpu.memory_space<vmem>>, vector<16xi32>,
    %gt3A_286 = arith.constant 0 : i32
    %gt3A_287 = vector.broadcast %gt3A_286 : i32 to vector<16xi32>
    %gt3A_288 = arith.cmpi sgt, %get3A_285, %gt3A_287 : vector<16xi32>
    %swap3A_289 = arith.index_cast %add3A_282 : i32 to index
    %swap3A_290 = tpu.vector_load %arg7[%swap3A_289] masked %gt3A_288 {strides = array<i32>} : memref<224xi32, #tpu.memory_space<vmem>>, vector<16xi32>, vector<16xi1>
    tpu.vector_store %arg7[%swap3A_289], %get3A_285 masked %gt3A_288 {strides = array<i32>} : memref<224xi32, #tpu.memory_space<vmem>>, vector<16xi32>, vector<16xi1>
    %convert_element_type3A_291 = arith.extui %gt3A_288 : vector<16xi1> to vector<16xi32>
    %reduce_sum3A_292 = arith.constant true
    %reduce_sum3A_293 = vector.broadcast %reduce_sum3A_292 : i1 to vector<16xi1>
    %reduce_sum3A_294 = tpu.scan <sum>, %convert_element_type3A_291 masked %reduce_sum3A_293 : vector<16xi32>, vector<16xi1> -> vector<16xi32>
    %reduce_sum3A_295 = vector.extract %reduce_sum3A_294[15] : i32 from vector<16xi32>
    %add3A_296 = arith.addi %add3A_282, %reduce_sum3A_295 : i32
    %get3A_297 = arith.index_cast %rem3A_210 : i32 to index
    %get3A_298 = arith.constant 96 : index
    %get3A_299 = tpu.vector_load %arg5[%get3A_297, %get3A_298] {strides = array<i32>} : memref<32x200xi32, #tpu.memory_space<vmem>>, vector<16xi32>,
    %gt3A_300 = arith.constant 0 : i32
    %gt3A_301 = vector.broadcast %gt3A_300 : i32 to vector<16xi32>
    %gt3A_302 = arith.cmpi sgt, %get3A_299, %gt3A_301 : vector<16xi32>
    %swap3A_303 = arith.index_cast %add3A_296 : i32 to index
    %swap3A_304 = tpu.vector_load %arg7[%swap3A_303] masked %gt3A_302 {strides = array<i32>} : memref<224xi32, #tpu.memory_space<vmem>>, vector<16xi32>, vector<16xi1>
    tpu.vector_store %arg7[%swap3A_303], %get3A_299 masked %gt3A_302 {strides = array<i32>} : memref<224xi32, #tpu.memory_space<vmem>>, vector<16xi32>, vector<16xi1>
    %convert_element_type3A_305 = arith.extui %gt3A_302 : vector<16xi1> to vector<16xi32>
    %reduce_sum3A_306 = arith.constant true
    %reduce_sum3A_307 = vector.broadcast %reduce_sum3A_306 : i1 to vector<16xi1>
    %reduce_sum3A_308 = tpu.scan <sum>, %convert_element_type3A_305 masked %reduce_sum3A_307 : vector<16xi32>, vector<16xi1> -> vector<16xi32>
    %reduce_sum3A_309 = vector.extract %reduce_sum3A_308[15] : i32 from vector<16xi32>
    %add3A_310 = arith.addi %add3A_296, %reduce_sum3A_309 : i32
    %get3A_311 = arith.index_cast %rem3A_210 : i32 to index
    %get3A_312 = arith.constant 112 : index
    %get3A_313 = tpu.vector_load %arg5[%get3A_311, %get3A_312] {strides = array<i32>} : memref<32x200xi32, #tpu.memory_space<vmem>>, vector<16xi32>,
    %gt3A_314 = arith.constant 0 : i32
    %gt3A_315 = vector.broadcast %gt3A_314 : i32 to vector<16xi32>
    %gt3A_316 = arith.cmpi sgt, %get3A_313, %gt3A_315 : vector<16xi32>
    %swap3A_317 = arith.index_cast %add3A_310 : i32 to index
    %swap3A_318 = tpu.vector_load %arg7[%swap3A_317] masked %gt3A_316 {strides = array<i32>} : memref<224xi32, #tpu.memory_space<vmem>>, vector<16xi32>, vector<16xi1>
    tpu.vector_store %arg7[%swap3A_317], %get3A_313 masked %gt3A_316 {strides = array<i32>} : memref<224xi32, #tpu.memory_space<vmem>>, vector<16xi32>, vector<16xi1>
    %convert_element_type3A_319 = arith.extui %gt3A_316 : vector<16xi1> to vector<16xi32>
    %reduce_sum3A_320 = arith.constant true
    %reduce_sum3A_321 = vector.broadcast %reduce_sum3A_320 : i1 to vector<16xi1>
    %reduce_sum3A_322 = tpu.scan <sum>, %convert_element_type3A_319 masked %reduce_sum3A_321 : vector<16xi32>, vector<16xi1> -> vector<16xi32>
    %reduce_sum3A_323 = vector.extract %reduce_sum3A_322[15] : i32 from vector<16xi32>
    %add3A_324 = arith.addi %add3A_310, %reduce_sum3A_323 : i32
    %get3A_325 = arith.index_cast %rem3A_210 : i32 to index
    %get3A_326 = arith.constant 128 : index
    %get3A_327 = tpu.vector_load %arg5[%get3A_325, %get3A_326] {strides = array<i32>} : memref<32x200xi32, #tpu.memory_space<vmem>>, vector<16xi32>,
    %gt3A_328 = arith.constant 0 : i32
    %gt3A_329 = vector.broadcast %gt3A_328 : i32 to vector<16xi32>
    %gt3A_330 = arith.cmpi sgt, %get3A_327, %gt3A_329 : vector<16xi32>
    %swap3A_331 = arith.index_cast %add3A_324 : i32 to index
    %swap3A_332 = tpu.vector_load %arg7[%swap3A_331] masked %gt3A_330 {strides = array<i32>} : memref<224xi32, #tpu.memory_space<vmem>>, vector<16xi32>, vector<16xi1>
    tpu.vector_store %arg7[%swap3A_331], %get3A_327 masked %gt3A_330 {strides = array<i32>} : memref<224xi32, #tpu.memory_space<vmem>>, vector<16xi32>, vector<16xi1>
    %convert_element_type3A_333 = arith.extui %gt3A_330 : vector<16xi1> to vector<16xi32>
    %reduce_sum3A_334 = arith.constant true
    %reduce_sum3A_335 = vector.broadcast %reduce_sum3A_334 : i1 to vector<16xi1>
    %reduce_sum3A_336 = tpu.scan <sum>, %convert_element_type3A_333 masked %reduce_sum3A_335 : vector<16xi32>, vector<16xi1> -> vector<16xi32>
    %reduce_sum3A_337 = vector.extract %reduce_sum3A_336[15] : i32 from vector<16xi32>
    %add3A_338 = arith.addi %add3A_324, %reduce_sum3A_337 : i32
    %get3A_339 = arith.index_cast %rem3A_210 : i32 to index
    %get3A_340 = arith.constant 144 : index
    %get3A_341 = tpu.vector_load %arg5[%get3A_339, %get3A_340] {strides = array<i32>} : memref<32x200xi32, #tpu.memory_space<vmem>>, vector<16xi32>,
    %gt3A_342 = arith.constant 0 : i32
    %gt3A_343 = vector.broadcast %gt3A_342 : i32 to vector<16xi32>
    %gt3A_344 = arith.cmpi sgt, %get3A_341, %gt3A_343 : vector<16xi32>
    %swap3A_345 = arith.index_cast %add3A_338 : i32 to index
    %swap3A_346 = tpu.vector_load %arg7[%swap3A_345] masked %gt3A_344 {strides = array<i32>} : memref<224xi32, #tpu.memory_space<vmem>>, vector<16xi32>, vector<16xi1>
    tpu.vector_store %arg7[%swap3A_345], %get3A_341 masked %gt3A_344 {strides = array<i32>} : memref<224xi32, #tpu.memory_space<vmem>>, vector<16xi32>, vector<16xi1>
    %convert_element_type3A_347 = arith.extui %gt3A_344 : vector<16xi1> to vector<16xi32>
    %reduce_sum3A_348 = arith.constant true
    %reduce_sum3A_349 = vector.broadcast %reduce_sum3A_348 : i1 to vector<16xi1>
    %reduce_sum3A_350 = tpu.scan <sum>, %convert_element_type3A_347 masked %reduce_sum3A_349 : vector<16xi32>, vector<16xi1> -> vector<16xi32>
    %reduce_sum3A_351 = vector.extract %reduce_sum3A_350[15] : i32 from vector<16xi32>
    %add3A_352 = arith.addi %add3A_338, %reduce_sum3A_351 : i32
    %get3A_353 = arith.index_cast %rem3A_210 : i32 to index
    %get3A_354 = arith.constant 160 : index
    %get3A_355 = tpu.vector_load %arg5[%get3A_353, %get3A_354] {strides = array<i32>} : memref<32x200xi32, #tpu.memory_space<vmem>>, vector<16xi32>,
    %gt3A_356 = arith.constant 0 : i32
    %gt3A_357 = vector.broadcast %gt3A_356 : i32 to vector<16xi32>
    %gt3A_358 = arith.cmpi sgt, %get3A_355, %gt3A_357 : vector<16xi32>
    %swap3A_359 = arith.index_cast %add3A_352 : i32 to index
    %swap3A_360 = tpu.vector_load %arg7[%swap3A_359] masked %gt3A_358 {strides = array<i32>} : memref<224xi32, #tpu.memory_space<vmem>>, vector<16xi32>, vector<16xi1>
    tpu.vector_store %arg7[%swap3A_359], %get3A_355 masked %gt3A_358 {strides = array<i32>} : memref<224xi32, #tpu.memory_space<vmem>>, vector<16xi32>, vector<16xi1>
    %convert_element_type3A_361 = arith.extui %gt3A_358 : vector<16xi1> to vector<16xi32>
    %reduce_sum3A_362 = arith.constant true
    %reduce_sum3A_363 = vector.broadcast %reduce_sum3A_362 : i1 to vector<16xi1>
    %reduce_sum3A_364 = tpu.scan <sum>, %convert_element_type3A_361 masked %reduce_sum3A_363 : vector<16xi32>, vector<16xi1> -> vector<16xi32>
    %reduce_sum3A_365 = vector.extract %reduce_sum3A_364[15] : i32 from vector<16xi32>
    %add3A_366 = arith.addi %add3A_352, %reduce_sum3A_365 : i32
    %get3A_367 = arith.index_cast %rem3A_210 : i32 to index
    %get3A_368 = arith.constant 176 : index
    %get3A_369 = tpu.vector_load %arg5[%get3A_367, %get3A_368] {strides = array<i32>} : memref<32x200xi32, #tpu.memory_space<vmem>>, vector<16xi32>,
    %gt3A_370 = arith.constant 0 : i32
    %gt3A_371 = vector.broadcast %gt3A_370 : i32 to vector<16xi32>
    %gt3A_372 = arith.cmpi sgt, %get3A_369, %gt3A_371 : vector<16xi32>
    %swap3A_373 = arith.index_cast %add3A_366 : i32 to index
    %swap3A_374 = tpu.vector_load %arg7[%swap3A_373] masked %gt3A_372 {strides = array<i32>} : memref<224xi32, #tpu.memory_space<vmem>>, vector<16xi32>, vector<16xi1>
    tpu.vector_store %arg7[%swap3A_373], %get3A_369 masked %gt3A_372 {strides = array<i32>} : memref<224xi32, #tpu.memory_space<vmem>>, vector<16xi32>, vector<16xi1>
    %convert_element_type3A_375 = arith.extui %gt3A_372 : vector<16xi1> to vector<16xi32>
    %reduce_sum3A_376 = arith.constant true
    %reduce_sum3A_377 = vector.broadcast %reduce_sum3A_376 : i1 to vector<16xi1>
    %reduce_sum3A_378 = tpu.scan <sum>, %convert_element_type3A_375 masked %reduce_sum3A_377 : vector<16xi32>, vector<16xi1> -> vector<16xi32>
    %reduce_sum3A_379 = vector.extract %reduce_sum3A_378[15] : i32 from vector<16xi32>
    %add3A_380 = arith.addi %add3A_366, %reduce_sum3A_379 : i32
    %get3A_381 = arith.index_cast %rem3A_210 : i32 to index
    %get3A_382 = arith.constant 184 : index
    %get3A_383 = tpu.vector_load %arg5[%get3A_381, %get3A_382] {strides = array<i32>} : memref<32x200xi32, #tpu.memory_space<vmem>>, vector<16xi32>,
    %gt3A_384 = arith.constant 0 : i32
    %gt3A_385 = vector.broadcast %gt3A_384 : i32 to vector<16xi32>
    %gt3A_386 = arith.cmpi sgt, %get3A_383, %gt3A_385 : vector<16xi32>
    %ge3A_387 = arith.constant 8 : i32
    %ge3A_388 = vector.broadcast %ge3A_387 : i32 to vector<16xi32>
    %ge3A_389 = arith.cmpi sge, %iota3A, %ge3A_388 : vector<16xi32>
    %and3A_390 = arith.andi %gt3A_386, %ge3A_389 : vector<16xi1>
    %swap3A_391 = arith.index_cast %add3A_380 : i32 to index
    %swap3A_392 = tpu.vector_load %arg7[%swap3A_391] masked %and3A_390 {strides = array<i32>} : memref<224xi32, #tpu.memory_space<vmem>>, vector<16xi32>, vector<16xi1>
    tpu.vector_store %arg7[%swap3A_391], %get3A_383 masked %and3A_390 {strides = array<i32>} : memref<224xi32, #tpu.memory_space<vmem>>, vector<16xi32>, vector<16xi1>
    %convert_element_type3A_393 = arith.extui %and3A_390 : vector<16xi1> to vector<16xi32>
    %reduce_sum3A_394 = arith.constant true
    %reduce_sum3A_395 = vector.broadcast %reduce_sum3A_394 : i1 to vector<16xi1>
    %reduce_sum3A_396 = tpu.scan <sum>, %convert_element_type3A_393 masked %reduce_sum3A_395 : vector<16xi32>, vector<16xi1> -> vector<16xi32>
    %reduce_sum3A_397 = vector.extract %reduce_sum3A_396[15] : i32 from vector<16xi32>
    %add3A_398 = arith.addi %add3A_380, %reduce_sum3A_397 : i32
    %broadcast_in_dim3A_399 = arith.constant 0 : i32
    %broadcast_in_dim3A_400 = vector.broadcast %broadcast_in_dim3A_399 : i32 to vector<16xi32>
    %swap3A_401 = arith.index_cast %add3A_398 : i32 to index
    %swap3A_402 = tpu.vector_load %arg7[%swap3A_401] {strides = array<i32>} : memref<224xi32, #tpu.memory_space<vmem>>, vector<16xi32>,
    tpu.vector_store %arg7[%swap3A_401], %broadcast_in_dim3A_400 {strides = array<i32>} : memref<224xi32, #tpu.memory_space<vmem>>, vector<16xi32>,
    %add3A_403 = arith.constant 15 : i32
    %add3A_404 = arith.addi %add3A_398, %add3A_403 : i32
    %shift_right_arithmetic3A_405 = arith.constant 4 : i32
    %shift_right_arithmetic3A_406 = arith.shrsi %add3A_404, %shift_right_arithmetic3A_405 : i32
    %while3A_407 = arith.constant 0 : i32
    %while3A_408 = arith.constant 0 : i32
    %while3A_409 = arith.subi %shift_right_arithmetic3A_406, %while3A_408 : i32
    %while3A_410 = arith.addi %while3A_408, %while3A_409 : i32
    %while3A_411 = arith.constant 1 : i32
    %while3A_412 = arith.divsi %while3A_409, %while3A_411 : i32
    %while3A_413 = arith.muli %while3A_412, %while3A_411 : i32
    %while3A_414 = arith.addi %while3A_408, %while3A_413 : i32
    %while3A_415 = arith.constant 1 : i32
    scf.for %while3A_563 = %while3A_408 to %while3A_414 step %while3A_415  : i32 {
      %mul3A_564 = arith.constant 16 : i32
      %mul3A_565 = arith.muli %while3A_563, %mul3A_564 : i32
      %get3A_566 = arith.index_cast %mul3A_565 : i32 to index
      %get3A_567 = tpu.vector_load %arg7[%get3A_566] {strides = array<i32>} : memref<224xi32, #tpu.memory_space<vmem>>, vector<16xi32>,
      %mul3A_568 = arith.constant 16 : i32
      %mul3A_569 = arith.muli %while3A_563, %mul3A_568 : i32
      %dma_start3A = arith.constant 0 : i32
      %dma_start3A_570 = tpu.memref_slice %arg9[%mul3A_569, %dma_start3A] : memref<208x64xf32, #tpu.memory_space<vmem>> -> memref<16x64xf32, #tpu.memory_space<vmem>>
      %dma_start3A_571 = arith.constant 0 : i32
      %dma_start3A_572 = arith.constant 0 : i32
      %dma_start3A_573 = tpu.memref_slice %arg3[%dma_start3A_571, %dma_start3A_572] : memref<1000000x64xf32, #tpu.memory_space<hbm>> -> memref<1000000x64xf32, #tpu.memory_space<hbm>>
      tpu.enqueue_indirect_dma source(%dma_start3A_573 : memref<1000000x64xf32, #tpu.memory_space<hbm>>) target(%dma_start3A_570 : memref<16x64xf32, #tpu.memory_space<vmem>>) offsets(%get3A_567 : vector<16xi32>) semaphore(%arg13 : memref<!tpu.dma_semaphore, #tpu.memory_space<semaphore_mem>>)
    }
    %while3A_416 = arith.constant 1 : i32
    scf.for %while3A_563 = %while3A_414 to %while3A_410 step %while3A_416  : i32 {
      %mul3A_564 = arith.constant 16 : i32
      %mul3A_565 = arith.muli %while3A_563, %mul3A_564 : i32
      %get3A_566 = arith.index_cast %mul3A_565 : i32 to index
      %get3A_567 = tpu.vector_load %arg7[%get3A_566] {strides = array<i32>} : memref<224xi32, #tpu.memory_space<vmem>>, vector<16xi32>,
      %mul3A_568 = arith.constant 16 : i32
      %mul3A_569 = arith.muli %while3A_563, %mul3A_568 : i32
      %dma_start3A = arith.constant 0 : i32
      %dma_start3A_570 = tpu.memref_slice %arg9[%mul3A_569, %dma_start3A] : memref<208x64xf32, #tpu.memory_space<vmem>> -> memref<16x64xf32, #tpu.memory_space<vmem>>
      %dma_start3A_571 = arith.constant 0 : i32
      %dma_start3A_572 = arith.constant 0 : i32
      %dma_start3A_573 = tpu.memref_slice %arg3[%dma_start3A_571, %dma_start3A_572] : memref<1000000x64xf32, #tpu.memory_space<hbm>> -> memref<1000000x64xf32, #tpu.memory_space<hbm>>
      tpu.enqueue_indirect_dma source(%dma_start3A_573 : memref<1000000x64xf32, #tpu.memory_space<hbm>>) target(%dma_start3A_570 : memref<16x64xf32, #tpu.memory_space<vmem>>) offsets(%get3A_567 : vector<16xi32>) semaphore(%arg13 : memref<!tpu.dma_semaphore, #tpu.memory_space<semaphore_mem>>)
    }
    %while3A_417 = arith.constant 0 : i32
    %while3A_418 = arith.constant 0 : i32
    %while3A_419 = arith.subi %scan3A_206, %while3A_418 : i32
    %while3A_420 = arith.addi %while3A_418, %while3A_419 : i32
    %while3A_421 = arith.constant 1 : i32
    %while3A_422 = arith.divsi %while3A_419, %while3A_421 : i32
    %while3A_423 = arith.muli %while3A_422, %while3A_421 : i32
    %while3A_424 = arith.addi %while3A_418, %while3A_423 : i32
    %while3A_425 = arith.constant 1 : i32
    scf.for %while3A_563 = %while3A_418 to %while3A_424 step %while3A_425  : i32 {
      %mul3A_564 = arith.constant 16 : i32
      %mul3A_565 = arith.muli %while3A_563, %mul3A_564 : i32
      %dma_wait3A = arith.constant 0 : i32
      %dma_wait3A_566 = tpu.memref_slice %arg8[%mul3A_565, %dma_wait3A] : memref<208x64xf32, #tpu.memory_space<vmem>> -> memref<16x64xf32, #tpu.memory_space<vmem>>
      %dma_wait3A_567 = arith.constant 0 : i32
      %dma_wait3A_568 = arith.constant 0 : i32
      %dma_wait3A_569 = tpu.memref_slice %arg3[%dma_wait3A_567, %dma_wait3A_568] : memref<1000000x64xf32, #tpu.memory_space<hbm>> -> memref<16x64xf32, #tpu.memory_space<hbm>>
      %dma_wait3A_570 = arith.constant 0 : i32
      %dma_wait3A_571 = tpu.memref_slice %arg8[%mul3A_565, %dma_wait3A_570] : memref<208x64xf32, #tpu.memory_space<vmem>> -> memref<16x64xf32, #tpu.memory_space<vmem>>
      %dma_wait3A_572 = arith.constant 0 : i32
      %dma_wait3A_573 = arith.constant 0 : i32
      %dma_wait3A_574 = tpu.memref_slice %arg3[%dma_wait3A_572, %dma_wait3A_573] : memref<1000000x64xf32, #tpu.memory_space<hbm>> -> memref<16x64xf32, #tpu.memory_space<hbm>>
      tpu.wait_dma2 semaphore(%arg12 : memref<!tpu.dma_semaphore, #tpu.memory_space<semaphore_mem>>) src(%dma_wait3A_574 : memref<16x64xf32, #tpu.memory_space<hbm>>) dst(%dma_wait3A_571 : memref<16x64xf32, #tpu.memory_space<vmem>>)
    }
    %while3A_426 = arith.constant 1 : i32
    scf.for %while3A_563 = %while3A_424 to %while3A_420 step %while3A_426  : i32 {
      %mul3A_564 = arith.constant 16 : i32
      %mul3A_565 = arith.muli %while3A_563, %mul3A_564 : i32
      %dma_wait3A = arith.constant 0 : i32
      %dma_wait3A_566 = tpu.memref_slice %arg8[%mul3A_565, %dma_wait3A] : memref<208x64xf32, #tpu.memory_space<vmem>> -> memref<16x64xf32, #tpu.memory_space<vmem>>
      %dma_wait3A_567 = arith.constant 0 : i32
      %dma_wait3A_568 = arith.constant 0 : i32
      %dma_wait3A_569 = tpu.memref_slice %arg3[%dma_wait3A_567, %dma_wait3A_568] : memref<1000000x64xf32, #tpu.memory_space<hbm>> -> memref<16x64xf32, #tpu.memory_space<hbm>>
      %dma_wait3A_570 = arith.constant 0 : i32
      %dma_wait3A_571 = tpu.memref_slice %arg8[%mul3A_565, %dma_wait3A_570] : memref<208x64xf32, #tpu.memory_space<vmem>> -> memref<16x64xf32, #tpu.memory_space<vmem>>
      %dma_wait3A_572 = arith.constant 0 : i32
      %dma_wait3A_573 = arith.constant 0 : i32
      %dma_wait3A_574 = tpu.memref_slice %arg3[%dma_wait3A_572, %dma_wait3A_573] : memref<1000000x64xf32, #tpu.memory_space<hbm>> -> memref<16x64xf32, #tpu.memory_space<hbm>>
      tpu.wait_dma2 semaphore(%arg12 : memref<!tpu.dma_semaphore, #tpu.memory_space<semaphore_mem>>) src(%dma_wait3A_574 : memref<16x64xf32, #tpu.memory_space<hbm>>) dst(%dma_wait3A_571 : memref<16x64xf32, #tpu.memory_space<vmem>>)
    }
    %broadcast_in_dim3A_427 = arith.constant 0.000000e+00 : f32
    %broadcast_in_dim3A_428 = vector.broadcast %broadcast_in_dim3A_427 : f32 to vector<16xf32>
    %while3A_429 = arith.constant 0 : i32
    %while3A_430 = arith.subi %scan3A_206, %while3A_429 : i32
    %while3A_431 = arith.addi %while3A_429, %while3A_430 : i32
    %while3A_432 = arith.constant 1 : i32
    %while3A_433 = arith.divsi %while3A_430, %while3A_432 : i32
    %while3A_434 = arith.muli %while3A_433, %while3A_432 : i32
    %while3A_435 = arith.addi %while3A_429, %while3A_434 : i32
    %while3A_436 = arith.constant 1 : i32
    %while3A_437:4 = scf.for %while3A_563 = %while3A_429 to %while3A_435 step %while3A_436 iter_args(%while3A_564 = %broadcast_in_dim3A_428, %while3A_565 = %broadcast_in_dim3A_428, %while3A_566 = %broadcast_in_dim3A_428, %while3A_567 = %broadcast_in_dim3A_428) -> (vector<16xf32>, vector<16xf32>, vector<16xf32>, vector<16xf32>)  : i32 {
      %mul3A_568 = arith.constant 16 : i32
      %mul3A_569 = arith.muli %while3A_563, %mul3A_568 : i32
      %add3A_570 = arith.constant 0 : i32
      %add3A_571 = arith.addi %mul3A_569, %add3A_570 : i32
      %get3A_572 = arith.index_cast %add3A_571 : i32 to index
      %get3A_573 = arith.constant 0 : index
      %get3A_574 = tpu.vector_load %arg8[%get3A_572, %get3A_573] {strides = array<i32>} : memref<208x64xf32, #tpu.memory_space<vmem>>, vector<16xf32>,
      %add3A_575 = arith.addf %while3A_564, %get3A_574 : vector<16xf32>
      %get3A_576 = arith.index_cast %add3A_571 : i32 to index
      %get3A_577 = arith.constant 16 : index
      %get3A_578 = tpu.vector_load %arg8[%get3A_576, %get3A_577] {strides = array<i32>} : memref<208x64xf32, #tpu.memory_space<vmem>>, vector<16xf32>,
      %add3A_579 = arith.addf %while3A_565, %get3A_578 : vector<16xf32>
      %get3A_580 = arith.index_cast %add3A_571 : i32 to index
      %get3A_581 = arith.constant 32 : index
      %get3A_582 = tpu.vector_load %arg8[%get3A_580, %get3A_581] {strides = array<i32>} : memref<208x64xf32, #tpu.memory_space<vmem>>, vector<16xf32>,
      %add3A_583 = arith.addf %while3A_566, %get3A_582 : vector<16xf32>
      %get3A_584 = arith.index_cast %add3A_571 : i32 to index
      %get3A_585 = arith.constant 48 : index
      %get3A_586 = tpu.vector_load %arg8[%get3A_584, %get3A_585] {strides = array<i32>} : memref<208x64xf32, #tpu.memory_space<vmem>>, vector<16xf32>,
      %add3A_587 = arith.addf %while3A_567, %get3A_586 : vector<16xf32>
      %mul3A_588 = arith.constant 16 : i32
      %mul3A_589 = arith.muli %while3A_563, %mul3A_588 : i32
      %add3A_590 = arith.constant 1 : i32
      %add3A_591 = arith.addi %mul3A_589, %add3A_590 : i32
      %get3A_592 = arith.index_cast %add3A_591 : i32 to index
      %get3A_593 = arith.constant 0 : index
      %get3A_594 = tpu.vector_load %arg8[%get3A_592, %get3A_593] {strides = array<i32>} : memref<208x64xf32, #tpu.memory_space<vmem>>, vector<16xf32>,
      %add3A_595 = arith.addf %add3A_575, %get3A_594 : vector<16xf32>
      %get3A_596 = arith.index_cast %add3A_591 : i32 to index
      %get3A_597 = arith.constant 16 : index
      %get3A_598 = tpu.vector_load %arg8[%get3A_596, %get3A_597] {strides = array<i32>} : memref<208x64xf32, #tpu.memory_space<vmem>>, vector<16xf32>,
      %add3A_599 = arith.addf %add3A_579, %get3A_598 : vector<16xf32>
      %get3A_600 = arith.index_cast %add3A_591 : i32 to index
      %get3A_601 = arith.constant 32 : index
      %get3A_602 = tpu.vector_load %arg8[%get3A_600, %get3A_601] {strides = array<i32>} : memref<208x64xf32, #tpu.memory_space<vmem>>, vector<16xf32>,
      %add3A_603 = arith.addf %add3A_583, %get3A_602 : vector<16xf32>
      %get3A_604 = arith.index_cast %add3A_591 : i32 to index
      %get3A_605 = arith.constant 48 : index
      %get3A_606 = tpu.vector_load %arg8[%get3A_604, %get3A_605] {strides = array<i32>} : memref<208x64xf32, #tpu.memory_space<vmem>>, vector<16xf32>,
      %add3A_607 = arith.addf %add3A_587, %get3A_606 : vector<16xf32>
      %mul3A_608 = arith.constant 16 : i32
      %mul3A_609 = arith.muli %while3A_563, %mul3A_608 : i32
      %add3A_610 = arith.constant 2 : i32
      %add3A_611 = arith.addi %mul3A_609, %add3A_610 : i32
      %get3A_612 = arith.index_cast %add3A_611 : i32 to index
      %get3A_613 = arith.constant 0 : index
      %get3A_614 = tpu.vector_load %arg8[%get3A_612, %get3A_613] {strides = array<i32>} : memref<208x64xf32, #tpu.memory_space<vmem>>, vector<16xf32>,
      %add3A_615 = arith.addf %add3A_595, %get3A_614 : vector<16xf32>
      %get3A_616 = arith.index_cast %add3A_611 : i32 to index
      %get3A_617 = arith.constant 16 : index
      %get3A_618 = tpu.vector_load %arg8[%get3A_616, %get3A_617] {strides = array<i32>} : memref<208x64xf32, #tpu.memory_space<vmem>>, vector<16xf32>,
      %add3A_619 = arith.addf %add3A_599, %get3A_618 : vector<16xf32>
      %get3A_620 = arith.index_cast %add3A_611 : i32 to index
      %get3A_621 = arith.constant 32 : index
      %get3A_622 = tpu.vector_load %arg8[%get3A_620, %get3A_621] {strides = array<i32>} : memref<208x64xf32, #tpu.memory_space<vmem>>, vector<16xf32>,
      %add3A_623 = arith.addf %add3A_603, %get3A_622 : vector<16xf32>
      %get3A_624 = arith.index_cast %add3A_611 : i32 to index
      %get3A_625 = arith.constant 48 : index
      %get3A_626 = tpu.vector_load %arg8[%get3A_624, %get3A_625] {strides = array<i32>} : memref<208x64xf32, #tpu.memory_space<vmem>>, vector<16xf32>,
      %add3A_627 = arith.addf %add3A_607, %get3A_626 : vector<16xf32>
      %mul3A_628 = arith.constant 16 : i32
      %mul3A_629 = arith.muli %while3A_563, %mul3A_628 : i32
      %add3A_630 = arith.constant 3 : i32
      %add3A_631 = arith.addi %mul3A_629, %add3A_630 : i32
      %get3A_632 = arith.index_cast %add3A_631 : i32 to index
      %get3A_633 = arith.constant 0 : index
      %get3A_634 = tpu.vector_load %arg8[%get3A_632, %get3A_633] {strides = array<i32>} : memref<208x64xf32, #tpu.memory_space<vmem>>, vector<16xf32>,
      %add3A_635 = arith.addf %add3A_615, %get3A_634 : vector<16xf32>
      %get3A_636 = arith.index_cast %add3A_631 : i32 to index
      %get3A_637 = arith.constant 16 : index
      %get3A_638 = tpu.vector_load %arg8[%get3A_636, %get3A_637] {strides = array<i32>} : memref<208x64xf32, #tpu.memory_space<vmem>>, vector<16xf32>,
      %add3A_639 = arith.addf %add3A_619, %get3A_638 : vector<16xf32>
      %get3A_640 = arith.index_cast %add3A_631 : i32 to index
      %get3A_641 = arith.constant 32 : index
      %get3A_642 = tpu.vector_load %arg8[%get3A_640, %get3A_641] {strides = array<i32>} : memref<208x64xf32, #tpu.memory_space<vmem>>, vector<16xf32>,
      %add3A_643 = arith.addf %add3A_623, %get3A_642 : vector<16xf32>
      %get3A_644 = arith.index_cast %add3A_631 : i32 to index
      %get3A_645 = arith.constant 48 : index
      %get3A_646 = tpu.vector_load %arg8[%get3A_644, %get3A_645] {strides = array<i32>} : memref<208x64xf32, #tpu.memory_space<vmem>>, vector<16xf32>,
      %add3A_647 = arith.addf %add3A_627, %get3A_646 : vector<16xf32>
      %mul3A_648 = arith.constant 16 : i32
      %mul3A_649 = arith.muli %while3A_563, %mul3A_648 : i32
      %add3A_650 = arith.constant 4 : i32
      %add3A_651 = arith.addi %mul3A_649, %add3A_650 : i32
      %get3A_652 = arith.index_cast %add3A_651 : i32 to index
      %get3A_653 = arith.constant 0 : index
      %get3A_654 = tpu.vector_load %arg8[%get3A_652, %get3A_653] {strides = array<i32>} : memref<208x64xf32, #tpu.memory_space<vmem>>, vector<16xf32>,
      %add3A_655 = arith.addf %add3A_635, %get3A_654 : vector<16xf32>
      %get3A_656 = arith.index_cast %add3A_651 : i32 to index
      %get3A_657 = arith.constant 16 : index
      %get3A_658 = tpu.vector_load %arg8[%get3A_656, %get3A_657] {strides = array<i32>} : memref<208x64xf32, #tpu.memory_space<vmem>>, vector<16xf32>,
      %add3A_659 = arith.addf %add3A_639, %get3A_658 : vector<16xf32>
      %get3A_660 = arith.index_cast %add3A_651 : i32 to index
      %get3A_661 = arith.constant 32 : index
      %get3A_662 = tpu.vector_load %arg8[%get3A_660, %get3A_661] {strides = array<i32>} : memref<208x64xf32, #tpu.memory_space<vmem>>, vector<16xf32>,
      %add3A_663 = arith.addf %add3A_643, %get3A_662 : vector<16xf32>
      %get3A_664 = arith.index_cast %add3A_651 : i32 to index
      %get3A_665 = arith.constant 48 : index
      %get3A_666 = tpu.vector_load %arg8[%get3A_664, %get3A_665] {strides = array<i32>} : memref<208x64xf32, #tpu.memory_space<vmem>>, vector<16xf32>,
      %add3A_667 = arith.addf %add3A_647, %get3A_666 : vector<16xf32>
      %mul3A_668 = arith.constant 16 : i32
      %mul3A_669 = arith.muli %while3A_563, %mul3A_668 : i32
      %add3A_670 = arith.constant 5 : i32
      %add3A_671 = arith.addi %mul3A_669, %add3A_670 : i32
      %get3A_672 = arith.index_cast %add3A_671 : i32 to index
      %get3A_673 = arith.constant 0 : index
      %get3A_674 = tpu.vector_load %arg8[%get3A_672, %get3A_673] {strides = array<i32>} : memref<208x64xf32, #tpu.memory_space<vmem>>, vector<16xf32>,
      %add3A_675 = arith.addf %add3A_655, %get3A_674 : vector<16xf32>
      %get3A_676 = arith.index_cast %add3A_671 : i32 to index
      %get3A_677 = arith.constant 16 : index
      %get3A_678 = tpu.vector_load %arg8[%get3A_676, %get3A_677] {strides = array<i32>} : memref<208x64xf32, #tpu.memory_space<vmem>>, vector<16xf32>,
      %add3A_679 = arith.addf %add3A_659, %get3A_678 : vector<16xf32>
      %get3A_680 = arith.index_cast %add3A_671 : i32 to index
      %get3A_681 = arith.constant 32 : index
      %get3A_682 = tpu.vector_load %arg8[%get3A_680, %get3A_681] {strides = array<i32>} : memref<208x64xf32, #tpu.memory_space<vmem>>, vector<16xf32>,
      %add3A_683 = arith.addf %add3A_663, %get3A_682 : vector<16xf32>
      %get3A_684 = arith.index_cast %add3A_671 : i32 to index
      %get3A_685 = arith.constant 48 : index
      %get3A_686 = tpu.vector_load %arg8[%get3A_684, %get3A_685] {strides = array<i32>} : memref<208x64xf32, #tpu.memory_space<vmem>>, vector<16xf32>,
      %add3A_687 = arith.addf %add3A_667, %get3A_686 : vector<16xf32>
      %mul3A_688 = arith.constant 16 : i32
      %mul3A_689 = arith.muli %while3A_563, %mul3A_688 : i32
      %add3A_690 = arith.constant 6 : i32
      %add3A_691 = arith.addi %mul3A_689, %add3A_690 : i32
      %get3A_692 = arith.index_cast %add3A_691 : i32 to index
      %get3A_693 = arith.constant 0 : index
      %get3A_694 = tpu.vector_load %arg8[%get3A_692, %get3A_693] {strides = array<i32>} : memref<208x64xf32, #tpu.memory_space<vmem>>, vector<16xf32>,
      %add3A_695 = arith.addf %add3A_675, %get3A_694 : vector<16xf32>
      %get3A_696 = arith.index_cast %add3A_691 : i32 to index
      %get3A_697 = arith.constant 16 : index
      %get3A_698 = tpu.vector_load %arg8[%get3A_696, %get3A_697] {strides = array<i32>} : memref<208x64xf32, #tpu.memory_space<vmem>>, vector<16xf32>,
      %add3A_699 = arith.addf %add3A_679, %get3A_698 : vector<16xf32>
      %get3A_700 = arith.index_cast %add3A_691 : i32 to index
      %get3A_701 = arith.constant 32 : index
      %get3A_702 = tpu.vector_load %arg8[%get3A_700, %get3A_701] {strides = array<i32>} : memref<208x64xf32, #tpu.memory_space<vmem>>, vector<16xf32>,
      %add3A_703 = arith.addf %add3A_683, %get3A_702 : vector<16xf32>
      %get3A_704 = arith.index_cast %add3A_691 : i32 to index
      %get3A_705 = arith.constant 48 : index
      %get3A_706 = tpu.vector_load %arg8[%get3A_704, %get3A_705] {strides = array<i32>} : memref<208x64xf32, #tpu.memory_space<vmem>>, vector<16xf32>,
      %add3A_707 = arith.addf %add3A_687, %get3A_706 : vector<16xf32>
      %mul3A_708 = arith.constant 16 : i32
      %mul3A_709 = arith.muli %while3A_563, %mul3A_708 : i32
      %add3A_710 = arith.constant 7 : i32
      %add3A_711 = arith.addi %mul3A_709, %add3A_710 : i32
      %get3A_712 = arith.index_cast %add3A_711 : i32 to index
      %get3A_713 = arith.constant 0 : index
      %get3A_714 = tpu.vector_load %arg8[%get3A_712, %get3A_713] {strides = array<i32>} : memref<208x64xf32, #tpu.memory_space<vmem>>, vector<16xf32>,
      %add3A_715 = arith.addf %add3A_695, %get3A_714 : vector<16xf32>
      %get3A_716 = arith.index_cast %add3A_711 : i32 to index
      %get3A_717 = arith.constant 16 : index
      %get3A_718 = tpu.vector_load %arg8[%get3A_716, %get3A_717] {strides = array<i32>} : memref<208x64xf32, #tpu.memory_space<vmem>>, vector<16xf32>,
      %add3A_719 = arith.addf %add3A_699, %get3A_718 : vector<16xf32>
      %get3A_720 = arith.index_cast %add3A_711 : i32 to index
      %get3A_721 = arith.constant 32 : index
      %get3A_722 = tpu.vector_load %arg8[%get3A_720, %get3A_721] {strides = array<i32>} : memref<208x64xf32, #tpu.memory_space<vmem>>, vector<16xf32>,
      %add3A_723 = arith.addf %add3A_703, %get3A_722 : vector<16xf32>
      %get3A_724 = arith.index_cast %add3A_711 : i32 to index
      %get3A_725 = arith.constant 48 : index
      %get3A_726 = tpu.vector_load %arg8[%get3A_724, %get3A_725] {strides = array<i32>} : memref<208x64xf32, #tpu.memory_space<vmem>>, vector<16xf32>,
      %add3A_727 = arith.addf %add3A_707, %get3A_726 : vector<16xf32>
      %mul3A_728 = arith.constant 16 : i32
      %mul3A_729 = arith.muli %while3A_563, %mul3A_728 : i32
      %add3A_730 = arith.constant 8 : i32
      %add3A_731 = arith.addi %mul3A_729, %add3A_730 : i32
      %get3A_732 = arith.index_cast %add3A_731 : i32 to index
      %get3A_733 = arith.constant 0 : index
      %get3A_734 = tpu.vector_load %arg8[%get3A_732, %get3A_733] {strides = array<i32>} : memref<208x64xf32, #tpu.memory_space<vmem>>, vector<16xf32>,
      %add3A_735 = arith.addf %add3A_715, %get3A_734 : vector<16xf32>
      %get3A_736 = arith.index_cast %add3A_731 : i32 to index
      %get3A_737 = arith.constant 16 : index
      %get3A_738 = tpu.vector_load %arg8[%get3A_736, %get3A_737] {strides = array<i32>} : memref<208x64xf32, #tpu.memory_space<vmem>>, vector<16xf32>,
      %add3A_739 = arith.addf %add3A_719, %get3A_738 : vector<16xf32>
      %get3A_740 = arith.index_cast %add3A_731 : i32 to index
      %get3A_741 = arith.constant 32 : index
      %get3A_742 = tpu.vector_load %arg8[%get3A_740, %get3A_741] {strides = array<i32>} : memref<208x64xf32, #tpu.memory_space<vmem>>, vector<16xf32>,
      %add3A_743 = arith.addf %add3A_723, %get3A_742 : vector<16xf32>
      %get3A_744 = arith.index_cast %add3A_731 : i32 to index
      %get3A_745 = arith.constant 48 : index
      %get3A_746 = tpu.vector_load %arg8[%get3A_744, %get3A_745] {strides = array<i32>} : memref<208x64xf32, #tpu.memory_space<vmem>>, vector<16xf32>,
      %add3A_747 = arith.addf %add3A_727, %get3A_746 : vector<16xf32>
      %mul3A_748 = arith.constant 16 : i32
      %mul3A_749 = arith.muli %while3A_563, %mul3A_748 : i32
      %add3A_750 = arith.constant 9 : i32
      %add3A_751 = arith.addi %mul3A_749, %add3A_750 : i32
      %get3A_752 = arith.index_cast %add3A_751 : i32 to index
      %get3A_753 = arith.constant 0 : index
      %get3A_754 = tpu.vector_load %arg8[%get3A_752, %get3A_753] {strides = array<i32>} : memref<208x64xf32, #tpu.memory_space<vmem>>, vector<16xf32>,
      %add3A_755 = arith.addf %add3A_735, %get3A_754 : vector<16xf32>
      %get3A_756 = arith.index_cast %add3A_751 : i32 to index
      %get3A_757 = arith.constant 16 : index
      %get3A_758 = tpu.vector_load %arg8[%get3A_756, %get3A_757] {strides = array<i32>} : memref<208x64xf32, #tpu.memory_space<vmem>>, vector<16xf32>,
      %add3A_759 = arith.addf %add3A_739, %get3A_758 : vector<16xf32>
      %get3A_760 = arith.index_cast %add3A_751 : i32 to index
      %get3A_761 = arith.constant 32 : index
      %get3A_762 = tpu.vector_load %arg8[%get3A_760, %get3A_761] {strides = array<i32>} : memref<208x64xf32, #tpu.memory_space<vmem>>, vector<16xf32>,
      %add3A_763 = arith.addf %add3A_743, %get3A_762 : vector<16xf32>
      %get3A_764 = arith.index_cast %add3A_751 : i32 to index
      %get3A_765 = arith.constant 48 : index
      %get3A_766 = tpu.vector_load %arg8[%get3A_764, %get3A_765] {strides = array<i32>} : memref<208x64xf32, #tpu.memory_space<vmem>>, vector<16xf32>,
      %add3A_767 = arith.addf %add3A_747, %get3A_766 : vector<16xf32>
      %mul3A_768 = arith.constant 16 : i32
      %mul3A_769 = arith.muli %while3A_563, %mul3A_768 : i32
      %add3A_770 = arith.constant 10 : i32
      %add3A_771 = arith.addi %mul3A_769, %add3A_770 : i32
      %get3A_772 = arith.index_cast %add3A_771 : i32 to index
      %get3A_773 = arith.constant 0 : index
      %get3A_774 = tpu.vector_load %arg8[%get3A_772, %get3A_773] {strides = array<i32>} : memref<208x64xf32, #tpu.memory_space<vmem>>, vector<16xf32>,
      %add3A_775 = arith.addf %add3A_755, %get3A_774 : vector<16xf32>
      %get3A_776 = arith.index_cast %add3A_771 : i32 to index
      %get3A_777 = arith.constant 16 : index
      %get3A_778 = tpu.vector_load %arg8[%get3A_776, %get3A_777] {strides = array<i32>} : memref<208x64xf32, #tpu.memory_space<vmem>>, vector<16xf32>,
      %add3A_779 = arith.addf %add3A_759, %get3A_778 : vector<16xf32>
      %get3A_780 = arith.index_cast %add3A_771 : i32 to index
      %get3A_781 = arith.constant 32 : index
      %get3A_782 = tpu.vector_load %arg8[%get3A_780, %get3A_781] {strides = array<i32>} : memref<208x64xf32, #tpu.memory_space<vmem>>, vector<16xf32>,
      %add3A_783 = arith.addf %add3A_763, %get3A_782 : vector<16xf32>
      %get3A_784 = arith.index_cast %add3A_771 : i32 to index
      %get3A_785 = arith.constant 48 : index
      %get3A_786 = tpu.vector_load %arg8[%get3A_784, %get3A_785] {strides = array<i32>} : memref<208x64xf32, #tpu.memory_space<vmem>>, vector<16xf32>,
      %add3A_787 = arith.addf %add3A_767, %get3A_786 : vector<16xf32>
      %mul3A_788 = arith.constant 16 : i32
      %mul3A_789 = arith.muli %while3A_563, %mul3A_788 : i32
      %add3A_790 = arith.constant 11 : i32
      %add3A_791 = arith.addi %mul3A_789, %add3A_790 : i32
      %get3A_792 = arith.index_cast %add3A_791 : i32 to index
      %get3A_793 = arith.constant 0 : index
      %get3A_794 = tpu.vector_load %arg8[%get3A_792, %get3A_793] {strides = array<i32>} : memref<208x64xf32, #tpu.memory_space<vmem>>, vector<16xf32>,
      %add3A_795 = arith.addf %add3A_775, %get3A_794 : vector<16xf32>
      %get3A_796 = arith.index_cast %add3A_791 : i32 to index
      %get3A_797 = arith.constant 16 : index
      %get3A_798 = tpu.vector_load %arg8[%get3A_796, %get3A_797] {strides = array<i32>} : memref<208x64xf32, #tpu.memory_space<vmem>>, vector<16xf32>,
      %add3A_799 = arith.addf %add3A_779, %get3A_798 : vector<16xf32>
      %get3A_800 = arith.index_cast %add3A_791 : i32 to index
      %get3A_801 = arith.constant 32 : index
      %get3A_802 = tpu.vector_load %arg8[%get3A_800, %get3A_801] {strides = array<i32>} : memref<208x64xf32, #tpu.memory_space<vmem>>, vector<16xf32>,
      %add3A_803 = arith.addf %add3A_783, %get3A_802 : vector<16xf32>
      %get3A_804 = arith.index_cast %add3A_791 : i32 to index
      %get3A_805 = arith.constant 48 : index
      %get3A_806 = tpu.vector_load %arg8[%get3A_804, %get3A_805] {strides = array<i32>} : memref<208x64xf32, #tpu.memory_space<vmem>>, vector<16xf32>,
      %add3A_807 = arith.addf %add3A_787, %get3A_806 : vector<16xf32>
      %mul3A_808 = arith.constant 16 : i32
      %mul3A_809 = arith.muli %while3A_563, %mul3A_808 : i32
      %add3A_810 = arith.constant 12 : i32
      %add3A_811 = arith.addi %mul3A_809, %add3A_810 : i32
      %get3A_812 = arith.index_cast %add3A_811 : i32 to index
      %get3A_813 = arith.constant 0 : index
      %get3A_814 = tpu.vector_load %arg8[%get3A_812, %get3A_813] {strides = array<i32>} : memref<208x64xf32, #tpu.memory_space<vmem>>, vector<16xf32>,
      %add3A_815 = arith.addf %add3A_795, %get3A_814 : vector<16xf32>
      %get3A_816 = arith.index_cast %add3A_811 : i32 to index
      %get3A_817 = arith.constant 16 : index
      %get3A_818 = tpu.vector_load %arg8[%get3A_816, %get3A_817] {strides = array<i32>} : memref<208x64xf32, #tpu.memory_space<vmem>>, vector<16xf32>,
      %add3A_819 = arith.addf %add3A_799, %get3A_818 : vector<16xf32>
      %get3A_820 = arith.index_cast %add3A_811 : i32 to index
      %get3A_821 = arith.constant 32 : index
      %get3A_822 = tpu.vector_load %arg8[%get3A_820, %get3A_821] {strides = array<i32>} : memref<208x64xf32, #tpu.memory_space<vmem>>, vector<16xf32>,
      %add3A_823 = arith.addf %add3A_803, %get3A_822 : vector<16xf32>
      %get3A_824 = arith.index_cast %add3A_811 : i32 to index
      %get3A_825 = arith.constant 48 : index
      %get3A_826 = tpu.vector_load %arg8[%get3A_824, %get3A_825] {strides = array<i32>} : memref<208x64xf32, #tpu.memory_space<vmem>>, vector<16xf32>,
      %add3A_827 = arith.addf %add3A_807, %get3A_826 : vector<16xf32>
      %mul3A_828 = arith.constant 16 : i32
      %mul3A_829 = arith.muli %while3A_563, %mul3A_828 : i32
      %add3A_830 = arith.constant 13 : i32
      %add3A_831 = arith.addi %mul3A_829, %add3A_830 : i32
      %get3A_832 = arith.index_cast %add3A_831 : i32 to index
      %get3A_833 = arith.constant 0 : index
      %get3A_834 = tpu.vector_load %arg8[%get3A_832, %get3A_833] {strides = array<i32>} : memref<208x64xf32, #tpu.memory_space<vmem>>, vector<16xf32>,
      %add3A_835 = arith.addf %add3A_815, %get3A_834 : vector<16xf32>
      %get3A_836 = arith.index_cast %add3A_831 : i32 to index
      %get3A_837 = arith.constant 16 : index
      %get3A_838 = tpu.vector_load %arg8[%get3A_836, %get3A_837] {strides = array<i32>} : memref<208x64xf32, #tpu.memory_space<vmem>>, vector<16xf32>,
      %add3A_839 = arith.addf %add3A_819, %get3A_838 : vector<16xf32>
      %get3A_840 = arith.index_cast %add3A_831 : i32 to index
      %get3A_841 = arith.constant 32 : index
      %get3A_842 = tpu.vector_load %arg8[%get3A_840, %get3A_841] {strides = array<i32>} : memref<208x64xf32, #tpu.memory_space<vmem>>, vector<16xf32>,
      %add3A_843 = arith.addf %add3A_823, %get3A_842 : vector<16xf32>
      %get3A_844 = arith.index_cast %add3A_831 : i32 to index
      %get3A_845 = arith.constant 48 : index
      %get3A_846 = tpu.vector_load %arg8[%get3A_844, %get3A_845] {strides = array<i32>} : memref<208x64xf32, #tpu.memory_space<vmem>>, vector<16xf32>,
      %add3A_847 = arith.addf %add3A_827, %get3A_846 : vector<16xf32>
      %mul3A_848 = arith.constant 16 : i32
      %mul3A_849 = arith.muli %while3A_563, %mul3A_848 : i32
      %add3A_850 = arith.constant 14 : i32
      %add3A_851 = arith.addi %mul3A_849, %add3A_850 : i32
      %get3A_852 = arith.index_cast %add3A_851 : i32 to index
      %get3A_853 = arith.constant 0 : index
      %get3A_854 = tpu.vector_load %arg8[%get3A_852, %get3A_853] {strides = array<i32>} : memref<208x64xf32, #tpu.memory_space<vmem>>, vector<16xf32>,
      %add3A_855 = arith.addf %add3A_835, %get3A_854 : vector<16xf32>
      %get3A_856 = arith.index_cast %add3A_851 : i32 to index
      %get3A_857 = arith.constant 16 : index
      %get3A_858 = tpu.vector_load %arg8[%get3A_856, %get3A_857] {strides = array<i32>} : memref<208x64xf32, #tpu.memory_space<vmem>>, vector<16xf32>,
      %add3A_859 = arith.addf %add3A_839, %get3A_858 : vector<16xf32>
      %get3A_860 = arith.index_cast %add3A_851 : i32 to index
      %get3A_861 = arith.constant 32 : index
      %get3A_862 = tpu.vector_load %arg8[%get3A_860, %get3A_861] {strides = array<i32>} : memref<208x64xf32, #tpu.memory_space<vmem>>, vector<16xf32>,
      %add3A_863 = arith.addf %add3A_843, %get3A_862 : vector<16xf32>
      %get3A_864 = arith.index_cast %add3A_851 : i32 to index
      %get3A_865 = arith.constant 48 : index
      %get3A_866 = tpu.vector_load %arg8[%get3A_864, %get3A_865] {strides = array<i32>} : memref<208x64xf32, #tpu.memory_space<vmem>>, vector<16xf32>,
      %add3A_867 = arith.addf %add3A_847, %get3A_866 : vector<16xf32>
      %mul3A_868 = arith.constant 16 : i32
      %mul3A_869 = arith.muli %while3A_563, %mul3A_868 : i32
      %add3A_870 = arith.constant 15 : i32
      %add3A_871 = arith.addi %mul3A_869, %add3A_870 : i32
      %get3A_872 = arith.index_cast %add3A_871 : i32 to index
      %get3A_873 = arith.constant 0 : index
      %get3A_874 = tpu.vector_load %arg8[%get3A_872, %get3A_873] {strides = array<i32>} : memref<208x64xf32, #tpu.memory_space<vmem>>, vector<16xf32>,
      %add3A_875 = arith.addf %add3A_855, %get3A_874 : vector<16xf32>
      %get3A_876 = arith.index_cast %add3A_871 : i32 to index
      %get3A_877 = arith.constant 16 : index
      %get3A_878 = tpu.vector_load %arg8[%get3A_876, %get3A_877] {strides = array<i32>} : memref<208x64xf32, #tpu.memory_space<vmem>>, vector<16xf32>,
      %add3A_879 = arith.addf %add3A_859, %get3A_878 : vector<16xf32>
      %get3A_880 = arith.index_cast %add3A_871 : i32 to index
      %get3A_881 = arith.constant 32 : index
      %get3A_882 = tpu.vector_load %arg8[%get3A_880, %get3A_881] {strides = array<i32>} : memref<208x64xf32, #tpu.memory_space<vmem>>, vector<16xf32>,
      %add3A_883 = arith.addf %add3A_863, %get3A_882 : vector<16xf32>
      %get3A_884 = arith.index_cast %add3A_871 : i32 to index
      %get3A_885 = arith.constant 48 : index
      %get3A_886 = tpu.vector_load %arg8[%get3A_884, %get3A_885] {strides = array<i32>} : memref<208x64xf32, #tpu.memory_space<vmem>>, vector<16xf32>,
      %add3A_887 = arith.addf %add3A_867, %get3A_886 : vector<16xf32>
      scf.yield %add3A_875, %add3A_879, %add3A_883, %add3A_887 : vector<16xf32>, vector<16xf32>, vector<16xf32>, vector<16xf32>
    }
    %while3A_438 = arith.constant 1 : i32
    %while3A_439:4 = scf.for %while3A_563 = %while3A_435 to %while3A_431 step %while3A_438 iter_args(%while3A_564 = %while3A_437#0, %while3A_565 = %while3A_437#1, %while3A_566 = %while3A_437#2, %while3A_567 = %while3A_437#3) -> (vector<16xf32>, vector<16xf32>, vector<16xf32>, vector<16xf32>)  : i32 {
      %mul3A_568 = arith.constant 16 : i32
      %mul3A_569 = arith.muli %while3A_563, %mul3A_568 : i32
      %add3A_570 = arith.constant 0 : i32
      %add3A_571 = arith.addi %mul3A_569, %add3A_570 : i32
      %get3A_572 = arith.index_cast %add3A_571 : i32 to index
      %get3A_573 = arith.constant 0 : index
      %get3A_574 = tpu.vector_load %arg8[%get3A_572, %get3A_573] {strides = array<i32>} : memref<208x64xf32, #tpu.memory_space<vmem>>, vector<16xf32>,
      %add3A_575 = arith.addf %while3A_564, %get3A_574 : vector<16xf32>
      %get3A_576 = arith.index_cast %add3A_571 : i32 to index
      %get3A_577 = arith.constant 16 : index
      %get3A_578 = tpu.vector_load %arg8[%get3A_576, %get3A_577] {strides = array<i32>} : memref<208x64xf32, #tpu.memory_space<vmem>>, vector<16xf32>,
      %add3A_579 = arith.addf %while3A_565, %get3A_578 : vector<16xf32>
      %get3A_580 = arith.index_cast %add3A_571 : i32 to index
      %get3A_581 = arith.constant 32 : index
      %get3A_582 = tpu.vector_load %arg8[%get3A_580, %get3A_581] {strides = array<i32>} : memref<208x64xf32, #tpu.memory_space<vmem>>, vector<16xf32>,
      %add3A_583 = arith.addf %while3A_566, %get3A_582 : vector<16xf32>
      %get3A_584 = arith.index_cast %add3A_571 : i32 to index
      %get3A_585 = arith.constant 48 : index
      %get3A_586 = tpu.vector_load %arg8[%get3A_584, %get3A_585] {strides = array<i32>} : memref<208x64xf32, #tpu.memory_space<vmem>>, vector<16xf32>,
      %add3A_587 = arith.addf %while3A_567, %get3A_586 : vector<16xf32>
      %mul3A_588 = arith.constant 16 : i32
      %mul3A_589 = arith.muli %while3A_563, %mul3A_588 : i32
      %add3A_590 = arith.constant 1 : i32
      %add3A_591 = arith.addi %mul3A_589, %add3A_590 : i32
      %get3A_592 = arith.index_cast %add3A_591 : i32 to index
      %get3A_593 = arith.constant 0 : index
      %get3A_594 = tpu.vector_load %arg8[%get3A_592, %get3A_593] {strides = array<i32>} : memref<208x64xf32, #tpu.memory_space<vmem>>, vector<16xf32>,
      %add3A_595 = arith.addf %add3A_575, %get3A_594 : vector<16xf32>
      %get3A_596 = arith.index_cast %add3A_591 : i32 to index
      %get3A_597 = arith.constant 16 : index
      %get3A_598 = tpu.vector_load %arg8[%get3A_596, %get3A_597] {strides = array<i32>} : memref<208x64xf32, #tpu.memory_space<vmem>>, vector<16xf32>,
      %add3A_599 = arith.addf %add3A_579, %get3A_598 : vector<16xf32>
      %get3A_600 = arith.index_cast %add3A_591 : i32 to index
      %get3A_601 = arith.constant 32 : index
      %get3A_602 = tpu.vector_load %arg8[%get3A_600, %get3A_601] {strides = array<i32>} : memref<208x64xf32, #tpu.memory_space<vmem>>, vector<16xf32>,
      %add3A_603 = arith.addf %add3A_583, %get3A_602 : vector<16xf32>
      %get3A_604 = arith.index_cast %add3A_591 : i32 to index
      %get3A_605 = arith.constant 48 : index
      %get3A_606 = tpu.vector_load %arg8[%get3A_604, %get3A_605] {strides = array<i32>} : memref<208x64xf32, #tpu.memory_space<vmem>>, vector<16xf32>,
      %add3A_607 = arith.addf %add3A_587, %get3A_606 : vector<16xf32>
      %mul3A_608 = arith.constant 16 : i32
      %mul3A_609 = arith.muli %while3A_563, %mul3A_608 : i32
      %add3A_610 = arith.constant 2 : i32
      %add3A_611 = arith.addi %mul3A_609, %add3A_610 : i32
      %get3A_612 = arith.index_cast %add3A_611 : i32 to index
      %get3A_613 = arith.constant 0 : index
      %get3A_614 = tpu.vector_load %arg8[%get3A_612, %get3A_613] {strides = array<i32>} : memref<208x64xf32, #tpu.memory_space<vmem>>, vector<16xf32>,
      %add3A_615 = arith.addf %add3A_595, %get3A_614 : vector<16xf32>
      %get3A_616 = arith.index_cast %add3A_611 : i32 to index
      %get3A_617 = arith.constant 16 : index
      %get3A_618 = tpu.vector_load %arg8[%get3A_616, %get3A_617] {strides = array<i32>} : memref<208x64xf32, #tpu.memory_space<vmem>>, vector<16xf32>,
      %add3A_619 = arith.addf %add3A_599, %get3A_618 : vector<16xf32>
      %get3A_620 = arith.index_cast %add3A_611 : i32 to index
      %get3A_621 = arith.constant 32 : index
      %get3A_622 = tpu.vector_load %arg8[%get3A_620, %get3A_621] {strides = array<i32>} : memref<208x64xf32, #tpu.memory_space<vmem>>, vector<16xf32>,
      %add3A_623 = arith.addf %add3A_603, %get3A_622 : vector<16xf32>
      %get3A_624 = arith.index_cast %add3A_611 : i32 to index
      %get3A_625 = arith.constant 48 : index
      %get3A_626 = tpu.vector_load %arg8[%get3A_624, %get3A_625] {strides = array<i32>} : memref<208x64xf32, #tpu.memory_space<vmem>>, vector<16xf32>,
      %add3A_627 = arith.addf %add3A_607, %get3A_626 : vector<16xf32>
      %mul3A_628 = arith.constant 16 : i32
      %mul3A_629 = arith.muli %while3A_563, %mul3A_628 : i32
      %add3A_630 = arith.constant 3 : i32
      %add3A_631 = arith.addi %mul3A_629, %add3A_630 : i32
      %get3A_632 = arith.index_cast %add3A_631 : i32 to index
      %get3A_633 = arith.constant 0 : index
      %get3A_634 = tpu.vector_load %arg8[%get3A_632, %get3A_633] {strides = array<i32>} : memref<208x64xf32, #tpu.memory_space<vmem>>, vector<16xf32>,
      %add3A_635 = arith.addf %add3A_615, %get3A_634 : vector<16xf32>
      %get3A_636 = arith.index_cast %add3A_631 : i32 to index
      %get3A_637 = arith.constant 16 : index
      %get3A_638 = tpu.vector_load %arg8[%get3A_636, %get3A_637] {strides = array<i32>} : memref<208x64xf32, #tpu.memory_space<vmem>>, vector<16xf32>,
      %add3A_639 = arith.addf %add3A_619, %get3A_638 : vector<16xf32>
      %get3A_640 = arith.index_cast %add3A_631 : i32 to index
      %get3A_641 = arith.constant 32 : index
      %get3A_642 = tpu.vector_load %arg8[%get3A_640, %get3A_641] {strides = array<i32>} : memref<208x64xf32, #tpu.memory_space<vmem>>, vector<16xf32>,
      %add3A_643 = arith.addf %add3A_623, %get3A_642 : vector<16xf32>
      %get3A_644 = arith.index_cast %add3A_631 : i32 to index
      %get3A_645 = arith.constant 48 : index
      %get3A_646 = tpu.vector_load %arg8[%get3A_644, %get3A_645] {strides = array<i32>} : memref<208x64xf32, #tpu.memory_space<vmem>>, vector<16xf32>,
      %add3A_647 = arith.addf %add3A_627, %get3A_646 : vector<16xf32>
      %mul3A_648 = arith.constant 16 : i32
      %mul3A_649 = arith.muli %while3A_563, %mul3A_648 : i32
      %add3A_650 = arith.constant 4 : i32
      %add3A_651 = arith.addi %mul3A_649, %add3A_650 : i32
      %get3A_652 = arith.index_cast %add3A_651 : i32 to index
      %get3A_653 = arith.constant 0 : index
      %get3A_654 = tpu.vector_load %arg8[%get3A_652, %get3A_653] {strides = array<i32>} : memref<208x64xf32, #tpu.memory_space<vmem>>, vector<16xf32>,
      %add3A_655 = arith.addf %add3A_635, %get3A_654 : vector<16xf32>
      %get3A_656 = arith.index_cast %add3A_651 : i32 to index
      %get3A_657 = arith.constant 16 : index
      %get3A_658 = tpu.vector_load %arg8[%get3A_656, %get3A_657] {strides = array<i32>} : memref<208x64xf32, #tpu.memory_space<vmem>>, vector<16xf32>,
      %add3A_659 = arith.addf %add3A_639, %get3A_658 : vector<16xf32>
      %get3A_660 = arith.index_cast %add3A_651 : i32 to index
      %get3A_661 = arith.constant 32 : index
      %get3A_662 = tpu.vector_load %arg8[%get3A_660, %get3A_661] {strides = array<i32>} : memref<208x64xf32, #tpu.memory_space<vmem>>, vector<16xf32>,
      %add3A_663 = arith.addf %add3A_643, %get3A_662 : vector<16xf32>
      %get3A_664 = arith.index_cast %add3A_651 : i32 to index
      %get3A_665 = arith.constant 48 : index
      %get3A_666 = tpu.vector_load %arg8[%get3A_664, %get3A_665] {strides = array<i32>} : memref<208x64xf32, #tpu.memory_space<vmem>>, vector<16xf32>,
      %add3A_667 = arith.addf %add3A_647, %get3A_666 : vector<16xf32>
      %mul3A_668 = arith.constant 16 : i32
      %mul3A_669 = arith.muli %while3A_563, %mul3A_668 : i32
      %add3A_670 = arith.constant 5 : i32
      %add3A_671 = arith.addi %mul3A_669, %add3A_670 : i32
      %get3A_672 = arith.index_cast %add3A_671 : i32 to index
      %get3A_673 = arith.constant 0 : index
      %get3A_674 = tpu.vector_load %arg8[%get3A_672, %get3A_673] {strides = array<i32>} : memref<208x64xf32, #tpu.memory_space<vmem>>, vector<16xf32>,
      %add3A_675 = arith.addf %add3A_655, %get3A_674 : vector<16xf32>
      %get3A_676 = arith.index_cast %add3A_671 : i32 to index
      %get3A_677 = arith.constant 16 : index
      %get3A_678 = tpu.vector_load %arg8[%get3A_676, %get3A_677] {strides = array<i32>} : memref<208x64xf32, #tpu.memory_space<vmem>>, vector<16xf32>,
      %add3A_679 = arith.addf %add3A_659, %get3A_678 : vector<16xf32>
      %get3A_680 = arith.index_cast %add3A_671 : i32 to index
      %get3A_681 = arith.constant 32 : index
      %get3A_682 = tpu.vector_load %arg8[%get3A_680, %get3A_681] {strides = array<i32>} : memref<208x64xf32, #tpu.memory_space<vmem>>, vector<16xf32>,
      %add3A_683 = arith.addf %add3A_663, %get3A_682 : vector<16xf32>
      %get3A_684 = arith.index_cast %add3A_671 : i32 to index
      %get3A_685 = arith.constant 48 : index
      %get3A_686 = tpu.vector_load %arg8[%get3A_684, %get3A_685] {strides = array<i32>} : memref<208x64xf32, #tpu.memory_space<vmem>>, vector<16xf32>,
      %add3A_687 = arith.addf %add3A_667, %get3A_686 : vector<16xf32>
      %mul3A_688 = arith.constant 16 : i32
      %mul3A_689 = arith.muli %while3A_563, %mul3A_688 : i32
      %add3A_690 = arith.constant 6 : i32
      %add3A_691 = arith.addi %mul3A_689, %add3A_690 : i32
      %get3A_692 = arith.index_cast %add3A_691 : i32 to index
      %get3A_693 = arith.constant 0 : index
      %get3A_694 = tpu.vector_load %arg8[%get3A_692, %get3A_693] {strides = array<i32>} : memref<208x64xf32, #tpu.memory_space<vmem>>, vector<16xf32>,
      %add3A_695 = arith.addf %add3A_675, %get3A_694 : vector<16xf32>
      %get3A_696 = arith.index_cast %add3A_691 : i32 to index
      %get3A_697 = arith.constant 16 : index
      %get3A_698 = tpu.vector_load %arg8[%get3A_696, %get3A_697] {strides = array<i32>} : memref<208x64xf32, #tpu.memory_space<vmem>>, vector<16xf32>,
      %add3A_699 = arith.addf %add3A_679, %get3A_698 : vector<16xf32>
      %get3A_700 = arith.index_cast %add3A_691 : i32 to index
      %get3A_701 = arith.constant 32 : index
      %get3A_702 = tpu.vector_load %arg8[%get3A_700, %get3A_701] {strides = array<i32>} : memref<208x64xf32, #tpu.memory_space<vmem>>, vector<16xf32>,
      %add3A_703 = arith.addf %add3A_683, %get3A_702 : vector<16xf32>
      %get3A_704 = arith.index_cast %add3A_691 : i32 to index
      %get3A_705 = arith.constant 48 : index
      %get3A_706 = tpu.vector_load %arg8[%get3A_704, %get3A_705] {strides = array<i32>} : memref<208x64xf32, #tpu.memory_space<vmem>>, vector<16xf32>,
      %add3A_707 = arith.addf %add3A_687, %get3A_706 : vector<16xf32>
      %mul3A_708 = arith.constant 16 : i32
      %mul3A_709 = arith.muli %while3A_563, %mul3A_708 : i32
      %add3A_710 = arith.constant 7 : i32
      %add3A_711 = arith.addi %mul3A_709, %add3A_710 : i32
      %get3A_712 = arith.index_cast %add3A_711 : i32 to index
      %get3A_713 = arith.constant 0 : index
      %get3A_714 = tpu.vector_load %arg8[%get3A_712, %get3A_713] {strides = array<i32>} : memref<208x64xf32, #tpu.memory_space<vmem>>, vector<16xf32>,
      %add3A_715 = arith.addf %add3A_695, %get3A_714 : vector<16xf32>
      %get3A_716 = arith.index_cast %add3A_711 : i32 to index
      %get3A_717 = arith.constant 16 : index
      %get3A_718 = tpu.vector_load %arg8[%get3A_716, %get3A_717] {strides = array<i32>} : memref<208x64xf32, #tpu.memory_space<vmem>>, vector<16xf32>,
      %add3A_719 = arith.addf %add3A_699, %get3A_718 : vector<16xf32>
      %get3A_720 = arith.index_cast %add3A_711 : i32 to index
      %get3A_721 = arith.constant 32 : index
      %get3A_722 = tpu.vector_load %arg8[%get3A_720, %get3A_721] {strides = array<i32>} : memref<208x64xf32, #tpu.memory_space<vmem>>, vector<16xf32>,
      %add3A_723 = arith.addf %add3A_703, %get3A_722 : vector<16xf32>
      %get3A_724 = arith.index_cast %add3A_711 : i32 to index
      %get3A_725 = arith.constant 48 : index
      %get3A_726 = tpu.vector_load %arg8[%get3A_724, %get3A_725] {strides = array<i32>} : memref<208x64xf32, #tpu.memory_space<vmem>>, vector<16xf32>,
      %add3A_727 = arith.addf %add3A_707, %get3A_726 : vector<16xf32>
      %mul3A_728 = arith.constant 16 : i32
      %mul3A_729 = arith.muli %while3A_563, %mul3A_728 : i32
      %add3A_730 = arith.constant 8 : i32
      %add3A_731 = arith.addi %mul3A_729, %add3A_730 : i32
      %get3A_732 = arith.index_cast %add3A_731 : i32 to index
      %get3A_733 = arith.constant 0 : index
      %get3A_734 = tpu.vector_load %arg8[%get3A_732, %get3A_733] {strides = array<i32>} : memref<208x64xf32, #tpu.memory_space<vmem>>, vector<16xf32>,
      %add3A_735 = arith.addf %add3A_715, %get3A_734 : vector<16xf32>
      %get3A_736 = arith.index_cast %add3A_731 : i32 to index
      %get3A_737 = arith.constant 16 : index
      %get3A_738 = tpu.vector_load %arg8[%get3A_736, %get3A_737] {strides = array<i32>} : memref<208x64xf32, #tpu.memory_space<vmem>>, vector<16xf32>,
      %add3A_739 = arith.addf %add3A_719, %get3A_738 : vector<16xf32>
      %get3A_740 = arith.index_cast %add3A_731 : i32 to index
      %get3A_741 = arith.constant 32 : index
      %get3A_742 = tpu.vector_load %arg8[%get3A_740, %get3A_741] {strides = array<i32>} : memref<208x64xf32, #tpu.memory_space<vmem>>, vector<16xf32>,
      %add3A_743 = arith.addf %add3A_723, %get3A_742 : vector<16xf32>
      %get3A_744 = arith.index_cast %add3A_731 : i32 to index
      %get3A_745 = arith.constant 48 : index
      %get3A_746 = tpu.vector_load %arg8[%get3A_744, %get3A_745] {strides = array<i32>} : memref<208x64xf32, #tpu.memory_space<vmem>>, vector<16xf32>,
      %add3A_747 = arith.addf %add3A_727, %get3A_746 : vector<16xf32>
      %mul3A_748 = arith.constant 16 : i32
      %mul3A_749 = arith.muli %while3A_563, %mul3A_748 : i32
      %add3A_750 = arith.constant 9 : i32
      %add3A_751 = arith.addi %mul3A_749, %add3A_750 : i32
      %get3A_752 = arith.index_cast %add3A_751 : i32 to index
      %get3A_753 = arith.constant 0 : index
      %get3A_754 = tpu.vector_load %arg8[%get3A_752, %get3A_753] {strides = array<i32>} : memref<208x64xf32, #tpu.memory_space<vmem>>, vector<16xf32>,
      %add3A_755 = arith.addf %add3A_735, %get3A_754 : vector<16xf32>
      %get3A_756 = arith.index_cast %add3A_751 : i32 to index
      %get3A_757 = arith.constant 16 : index
      %get3A_758 = tpu.vector_load %arg8[%get3A_756, %get3A_757] {strides = array<i32>} : memref<208x64xf32, #tpu.memory_space<vmem>>, vector<16xf32>,
      %add3A_759 = arith.addf %add3A_739, %get3A_758 : vector<16xf32>
      %get3A_760 = arith.index_cast %add3A_751 : i32 to index
      %get3A_761 = arith.constant 32 : index
      %get3A_762 = tpu.vector_load %arg8[%get3A_760, %get3A_761] {strides = array<i32>} : memref<208x64xf32, #tpu.memory_space<vmem>>, vector<16xf32>,
      %add3A_763 = arith.addf %add3A_743, %get3A_762 : vector<16xf32>
      %get3A_764 = arith.index_cast %add3A_751 : i32 to index
      %get3A_765 = arith.constant 48 : index
      %get3A_766 = tpu.vector_load %arg8[%get3A_764, %get3A_765] {strides = array<i32>} : memref<208x64xf32, #tpu.memory_space<vmem>>, vector<16xf32>,
      %add3A_767 = arith.addf %add3A_747, %get3A_766 : vector<16xf32>
      %mul3A_768 = arith.constant 16 : i32
      %mul3A_769 = arith.muli %while3A_563, %mul3A_768 : i32
      %add3A_770 = arith.constant 10 : i32
      %add3A_771 = arith.addi %mul3A_769, %add3A_770 : i32
      %get3A_772 = arith.index_cast %add3A_771 : i32 to index
      %get3A_773 = arith.constant 0 : index
      %get3A_774 = tpu.vector_load %arg8[%get3A_772, %get3A_773] {strides = array<i32>} : memref<208x64xf32, #tpu.memory_space<vmem>>, vector<16xf32>,
      %add3A_775 = arith.addf %add3A_755, %get3A_774 : vector<16xf32>
      %get3A_776 = arith.index_cast %add3A_771 : i32 to index
      %get3A_777 = arith.constant 16 : index
      %get3A_778 = tpu.vector_load %arg8[%get3A_776, %get3A_777] {strides = array<i32>} : memref<208x64xf32, #tpu.memory_space<vmem>>, vector<16xf32>,
      %add3A_779 = arith.addf %add3A_759, %get3A_778 : vector<16xf32>
      %get3A_780 = arith.index_cast %add3A_771 : i32 to index
      %get3A_781 = arith.constant 32 : index
      %get3A_782 = tpu.vector_load %arg8[%get3A_780, %get3A_781] {strides = array<i32>} : memref<208x64xf32, #tpu.memory_space<vmem>>, vector<16xf32>,
      %add3A_783 = arith.addf %add3A_763, %get3A_782 : vector<16xf32>
      %get3A_784 = arith.index_cast %add3A_771 : i32 to index
      %get3A_785 = arith.constant 48 : index
      %get3A_786 = tpu.vector_load %arg8[%get3A_784, %get3A_785] {strides = array<i32>} : memref<208x64xf32, #tpu.memory_space<vmem>>, vector<16xf32>,
      %add3A_787 = arith.addf %add3A_767, %get3A_786 : vector<16xf32>
      %mul3A_788 = arith.constant 16 : i32
      %mul3A_789 = arith.muli %while3A_563, %mul3A_788 : i32
      %add3A_790 = arith.constant 11 : i32
      %add3A_791 = arith.addi %mul3A_789, %add3A_790 : i32
      %get3A_792 = arith.index_cast %add3A_791 : i32 to index
      %get3A_793 = arith.constant 0 : index
      %get3A_794 = tpu.vector_load %arg8[%get3A_792, %get3A_793] {strides = array<i32>} : memref<208x64xf32, #tpu.memory_space<vmem>>, vector<16xf32>,
      %add3A_795 = arith.addf %add3A_775, %get3A_794 : vector<16xf32>
      %get3A_796 = arith.index_cast %add3A_791 : i32 to index
      %get3A_797 = arith.constant 16 : index
      %get3A_798 = tpu.vector_load %arg8[%get3A_796, %get3A_797] {strides = array<i32>} : memref<208x64xf32, #tpu.memory_space<vmem>>, vector<16xf32>,
      %add3A_799 = arith.addf %add3A_779, %get3A_798 : vector<16xf32>
      %get3A_800 = arith.index_cast %add3A_791 : i32 to index
      %get3A_801 = arith.constant 32 : index
      %get3A_802 = tpu.vector_load %arg8[%get3A_800, %get3A_801] {strides = array<i32>} : memref<208x64xf32, #tpu.memory_space<vmem>>, vector<16xf32>,
      %add3A_803 = arith.addf %add3A_783, %get3A_802 : vector<16xf32>
      %get3A_804 = arith.index_cast %add3A_791 : i32 to index
      %get3A_805 = arith.constant 48 : index
      %get3A_806 = tpu.vector_load %arg8[%get3A_804, %get3A_805] {strides = array<i32>} : memref<208x64xf32, #tpu.memory_space<vmem>>, vector<16xf32>,
      %add3A_807 = arith.addf %add3A_787, %get3A_806 : vector<16xf32>
      %mul3A_808 = arith.constant 16 : i32
      %mul3A_809 = arith.muli %while3A_563, %mul3A_808 : i32
      %add3A_810 = arith.constant 12 : i32
      %add3A_811 = arith.addi %mul3A_809, %add3A_810 : i32
      %get3A_812 = arith.index_cast %add3A_811 : i32 to index
      %get3A_813 = arith.constant 0 : index
      %get3A_814 = tpu.vector_load %arg8[%get3A_812, %get3A_813] {strides = array<i32>} : memref<208x64xf32, #tpu.memory_space<vmem>>, vector<16xf32>,
      %add3A_815 = arith.addf %add3A_795, %get3A_814 : vector<16xf32>
      %get3A_816 = arith.index_cast %add3A_811 : i32 to index
      %get3A_817 = arith.constant 16 : index
      %get3A_818 = tpu.vector_load %arg8[%get3A_816, %get3A_817] {strides = array<i32>} : memref<208x64xf32, #tpu.memory_space<vmem>>, vector<16xf32>,
      %add3A_819 = arith.addf %add3A_799, %get3A_818 : vector<16xf32>
      %get3A_820 = arith.index_cast %add3A_811 : i32 to index
      %get3A_821 = arith.constant 32 : index
      %get3A_822 = tpu.vector_load %arg8[%get3A_820, %get3A_821] {strides = array<i32>} : memref<208x64xf32, #tpu.memory_space<vmem>>, vector<16xf32>,
      %add3A_823 = arith.addf %add3A_803, %get3A_822 : vector<16xf32>
      %get3A_824 = arith.index_cast %add3A_811 : i32 to index
      %get3A_825 = arith.constant 48 : index
      %get3A_826 = tpu.vector_load %arg8[%get3A_824, %get3A_825] {strides = array<i32>} : memref<208x64xf32, #tpu.memory_space<vmem>>, vector<16xf32>,
      %add3A_827 = arith.addf %add3A_807, %get3A_826 : vector<16xf32>
      %mul3A_828 = arith.constant 16 : i32
      %mul3A_829 = arith.muli %while3A_563, %mul3A_828 : i32
      %add3A_830 = arith.constant 13 : i32
      %add3A_831 = arith.addi %mul3A_829, %add3A_830 : i32
      %get3A_832 = arith.index_cast %add3A_831 : i32 to index
      %get3A_833 = arith.constant 0 : index
      %get3A_834 = tpu.vector_load %arg8[%get3A_832, %get3A_833] {strides = array<i32>} : memref<208x64xf32, #tpu.memory_space<vmem>>, vector<16xf32>,
      %add3A_835 = arith.addf %add3A_815, %get3A_834 : vector<16xf32>
      %get3A_836 = arith.index_cast %add3A_831 : i32 to index
      %get3A_837 = arith.constant 16 : index
      %get3A_838 = tpu.vector_load %arg8[%get3A_836, %get3A_837] {strides = array<i32>} : memref<208x64xf32, #tpu.memory_space<vmem>>, vector<16xf32>,
      %add3A_839 = arith.addf %add3A_819, %get3A_838 : vector<16xf32>
      %get3A_840 = arith.index_cast %add3A_831 : i32 to index
      %get3A_841 = arith.constant 32 : index
      %get3A_842 = tpu.vector_load %arg8[%get3A_840, %get3A_841] {strides = array<i32>} : memref<208x64xf32, #tpu.memory_space<vmem>>, vector<16xf32>,
      %add3A_843 = arith.addf %add3A_823, %get3A_842 : vector<16xf32>
      %get3A_844 = arith.index_cast %add3A_831 : i32 to index
      %get3A_845 = arith.constant 48 : index
      %get3A_846 = tpu.vector_load %arg8[%get3A_844, %get3A_845] {strides = array<i32>} : memref<208x64xf32, #tpu.memory_space<vmem>>, vector<16xf32>,
      %add3A_847 = arith.addf %add3A_827, %get3A_846 : vector<16xf32>
      %mul3A_848 = arith.constant 16 : i32
      %mul3A_849 = arith.muli %while3A_563, %mul3A_848 : i32
      %add3A_850 = arith.constant 14 : i32
      %add3A_851 = arith.addi %mul3A_849, %add3A_850 : i32
      %get3A_852 = arith.index_cast %add3A_851 : i32 to index
      %get3A_853 = arith.constant 0 : index
      %get3A_854 = tpu.vector_load %arg8[%get3A_852, %get3A_853] {strides = array<i32>} : memref<208x64xf32, #tpu.memory_space<vmem>>, vector<16xf32>,
      %add3A_855 = arith.addf %add3A_835, %get3A_854 : vector<16xf32>
      %get3A_856 = arith.index_cast %add3A_851 : i32 to index
      %get3A_857 = arith.constant 16 : index
      %get3A_858 = tpu.vector_load %arg8[%get3A_856, %get3A_857] {strides = array<i32>} : memref<208x64xf32, #tpu.memory_space<vmem>>, vector<16xf32>,
      %add3A_859 = arith.addf %add3A_839, %get3A_858 : vector<16xf32>
      %get3A_860 = arith.index_cast %add3A_851 : i32 to index
      %get3A_861 = arith.constant 32 : index
      %get3A_862 = tpu.vector_load %arg8[%get3A_860, %get3A_861] {strides = array<i32>} : memref<208x64xf32, #tpu.memory_space<vmem>>, vector<16xf32>,
      %add3A_863 = arith.addf %add3A_843, %get3A_862 : vector<16xf32>
      %get3A_864 = arith.index_cast %add3A_851 : i32 to index
      %get3A_865 = arith.constant 48 : index
      %get3A_866 = tpu.vector_load %arg8[%get3A_864, %get3A_865] {strides = array<i32>} : memref<208x64xf32, #tpu.memory_space<vmem>>, vector<16xf32>,
      %add3A_867 = arith.addf %add3A_847, %get3A_866 : vector<16xf32>
      %mul3A_868 = arith.constant 16 : i32
      %mul3A_869 = arith.muli %while3A_563, %mul3A_868 : i32
      %add3A_870 = arith.constant 15 : i32
      %add3A_871 = arith.addi %mul3A_869, %add3A_870 : i32
      %get3A_872 = arith.index_cast %add3A_871 : i32 to index
      %get3A_873 = arith.constant 0 : index
      %get3A_874 = tpu.vector_load %arg8[%get3A_872, %get3A_873] {strides = array<i32>} : memref<208x64xf32, #tpu.memory_space<vmem>>, vector<16xf32>,
      %add3A_875 = arith.addf %add3A_855, %get3A_874 : vector<16xf32>
      %get3A_876 = arith.index_cast %add3A_871 : i32 to index
      %get3A_877 = arith.constant 16 : index
      %get3A_878 = tpu.vector_load %arg8[%get3A_876, %get3A_877] {strides = array<i32>} : memref<208x64xf32, #tpu.memory_space<vmem>>, vector<16xf32>,
      %add3A_879 = arith.addf %add3A_859, %get3A_878 : vector<16xf32>
      %get3A_880 = arith.index_cast %add3A_871 : i32 to index
      %get3A_881 = arith.constant 32 : index
      %get3A_882 = tpu.vector_load %arg8[%get3A_880, %get3A_881] {strides = array<i32>} : memref<208x64xf32, #tpu.memory_space<vmem>>, vector<16xf32>,
      %add3A_883 = arith.addf %add3A_863, %get3A_882 : vector<16xf32>
      %get3A_884 = arith.index_cast %add3A_871 : i32 to index
      %get3A_885 = arith.constant 48 : index
      %get3A_886 = tpu.vector_load %arg8[%get3A_884, %get3A_885] {strides = array<i32>} : memref<208x64xf32, #tpu.memory_space<vmem>>, vector<16xf32>,
      %add3A_887 = arith.addf %add3A_867, %get3A_886 : vector<16xf32>
      scf.yield %add3A_875, %add3A_879, %add3A_883, %add3A_887 : vector<16xf32>, vector<16xf32>, vector<16xf32>, vector<16xf32>
    }
    %mul3A_440 = arith.constant 16 : i32
    %mul3A_441 = arith.muli %scan3A_206, %mul3A_440 : i32
    %sub3A = arith.constant 200 : i32
    %sub3A_442 = arith.subi %sub3A, %mul3A_441 : i32
    %convert_element_type3A_443 = arith.sitofp %sub3A_442 : i32 to f32
    %rem3A_444 = arith.constant 126 : i32
    %rem3A_445 = arith.constant 32 : i32
    %rem3A_446 = arith.remsi %rem3A_444, %rem3A_445 : i32
    %get3A_447 = arith.constant 0 : i32
    %get3A_448 = arith.index_cast %get3A_447 : i32 to index
    %get3A_449 = arith.constant 0 : index
    %get3A_450 = tpu.vector_load %arg11[%get3A_448, %get3A_449] {strides = array<i32>} : memref<1x64xf32, #tpu.memory_space<vmem>>, vector<16xf32>,
    %mul3A_451 = vector.broadcast %convert_element_type3A_443 : f32 to vector<16xf32>
    %mul3A_452 = arith.mulf %mul3A_451, %get3A_450 : vector<16xf32>
    %add3A_453 = arith.addf %while3A_439#0, %mul3A_452 : vector<16xf32>
    %swap3A_454 = arith.index_cast %rem3A_446 : i32 to index
    %swap3A_455 = arith.constant 0 : index
    %swap3A_456 = tpu.vector_load %arg10[%swap3A_454, %swap3A_455] {strides = array<i32>} : memref<32x64xf32, #tpu.memory_space<vmem>>, vector<16xf32>,
    tpu.vector_store %arg10[%swap3A_454, %swap3A_455], %add3A_453 {strides = array<i32>} : memref<32x64xf32, #tpu.memory_space<vmem>>, vector<16xf32>,
    %get3A_457 = arith.constant 0 : i32
    %get3A_458 = arith.index_cast %get3A_457 : i32 to index
    %get3A_459 = arith.constant 16 : index
    %get3A_460 = tpu.vector_load %arg11[%get3A_458, %get3A_459] {strides = array<i32>} : memref<1x64xf32, #tpu.memory_space<vmem>>, vector<16xf32>,
    %mul3A_461 = vector.broadcast %convert_element_type3A_443 : f32 to vector<16xf32>
    %mul3A_462 = arith.mulf %mul3A_461, %get3A_460 : vector<16xf32>
    %add3A_463 = arith.addf %while3A_439#1, %mul3A_462 : vector<16xf32>
    %swap3A_464 = arith.index_cast %rem3A_446 : i32 to index
    %swap3A_465 = arith.constant 16 : index
    %swap3A_466 = tpu.vector_load %arg10[%swap3A_464, %swap3A_465] {strides = array<i32>} : memref<32x64xf32, #tpu.memory_space<vmem>>, vector<16xf32>,
    tpu.vector_store %arg10[%swap3A_464, %swap3A_465], %add3A_463 {strides = array<i32>} : memref<32x64xf32, #tpu.memory_space<vmem>>, vector<16xf32>,
    %get3A_467 = arith.constant 0 : i32
    %get3A_468 = arith.index_cast %get3A_467 : i32 to index
    %get3A_469 = arith.constant 32 : index
    %get3A_470 = tpu.vector_load %arg11[%get3A_468, %get3A_469] {strides = array<i32>} : memref<1x64xf32, #tpu.memory_space<vmem>>, vector<16xf32>,
    %mul3A_471 = vector.broadcast %convert_element_type3A_443 : f32 to vector<16xf32>
    %mul3A_472 = arith.mulf %mul3A_471, %get3A_470 : vector<16xf32>
    %add3A_473 = arith.addf %while3A_439#2, %mul3A_472 : vector<16xf32>
    %swap3A_474 = arith.index_cast %rem3A_446 : i32 to index
    %swap3A_475 = arith.constant 32 : index
    %swap3A_476 = tpu.vector_load %arg10[%swap3A_474, %swap3A_475] {strides = array<i32>} : memref<32x64xf32, #tpu.memory_space<vmem>>, vector<16xf32>,
    tpu.vector_store %arg10[%swap3A_474, %swap3A_475], %add3A_473 {strides = array<i32>} : memref<32x64xf32, #tpu.memory_space<vmem>>, vector<16xf32>,
    %get3A_477 = arith.constant 0 : i32
    %get3A_478 = arith.index_cast %get3A_477 : i32 to index
    %get3A_479 = arith.constant 48 : index
    %get3A_480 = tpu.vector_load %arg11[%get3A_478, %get3A_479] {strides = array<i32>} : memref<1x64xf32, #tpu.memory_space<vmem>>, vector<16xf32>,
    %mul3A_481 = vector.broadcast %convert_element_type3A_443 : f32 to vector<16xf32>
    %mul3A_482 = arith.mulf %mul3A_481, %get3A_480 : vector<16xf32>
    %add3A_483 = arith.addf %while3A_439#3, %mul3A_482 : vector<16xf32>
    %swap3A_484 = arith.index_cast %rem3A_446 : i32 to index
    %swap3A_485 = arith.constant 48 : index
    %swap3A_486 = tpu.vector_load %arg10[%swap3A_484, %swap3A_485] {strides = array<i32>} : memref<32x64xf32, #tpu.memory_space<vmem>>, vector<16xf32>,
    tpu.vector_store %arg10[%swap3A_484, %swap3A_485], %add3A_483 {strides = array<i32>} : memref<32x64xf32, #tpu.memory_space<vmem>>, vector<16xf32>,
    %while3A_487 = arith.constant 0 : i32
    %while3A_488 = arith.constant 0 : i32
    %while3A_489 = arith.subi %shift_right_arithmetic3A_406, %while3A_488 : i32
    %while3A_490 = arith.addi %while3A_488, %while3A_489 : i32
    %while3A_491 = arith.constant 1 : i32
    %while3A_492 = arith.divsi %while3A_489, %while3A_491 : i32
    %while3A_493 = arith.muli %while3A_492, %while3A_491 : i32
    %while3A_494 = arith.addi %while3A_488, %while3A_493 : i32
    %while3A_495 = arith.constant 1 : i32
    scf.for %while3A_563 = %while3A_488 to %while3A_494 step %while3A_495  : i32 {
      %mul3A_564 = arith.constant 16 : i32
      %mul3A_565 = arith.muli %while3A_563, %mul3A_564 : i32
      %dma_wait3A = arith.constant 0 : i32
      %dma_wait3A_566 = tpu.memref_slice %arg9[%mul3A_565, %dma_wait3A] : memref<208x64xf32, #tpu.memory_space<vmem>> -> memref<16x64xf32, #tpu.memory_space<vmem>>
      %dma_wait3A_567 = arith.constant 0 : i32
      %dma_wait3A_568 = arith.constant 0 : i32
      %dma_wait3A_569 = tpu.memref_slice %arg3[%dma_wait3A_567, %dma_wait3A_568] : memref<1000000x64xf32, #tpu.memory_space<hbm>> -> memref<16x64xf32, #tpu.memory_space<hbm>>
      %dma_wait3A_570 = arith.constant 0 : i32
      %dma_wait3A_571 = tpu.memref_slice %arg9[%mul3A_565, %dma_wait3A_570] : memref<208x64xf32, #tpu.memory_space<vmem>> -> memref<16x64xf32, #tpu.memory_space<vmem>>
      %dma_wait3A_572 = arith.constant 0 : i32
      %dma_wait3A_573 = arith.constant 0 : i32
      %dma_wait3A_574 = tpu.memref_slice %arg3[%dma_wait3A_572, %dma_wait3A_573] : memref<1000000x64xf32, #tpu.memory_space<hbm>> -> memref<16x64xf32, #tpu.memory_space<hbm>>
      tpu.wait_dma2 semaphore(%arg13 : memref<!tpu.dma_semaphore, #tpu.memory_space<semaphore_mem>>) src(%dma_wait3A_574 : memref<16x64xf32, #tpu.memory_space<hbm>>) dst(%dma_wait3A_571 : memref<16x64xf32, #tpu.memory_space<vmem>>)
    }
    %while3A_496 = arith.constant 1 : i32
    scf.for %while3A_563 = %while3A_494 to %while3A_490 step %while3A_496  : i32 {
      %mul3A_564 = arith.constant 16 : i32
      %mul3A_565 = arith.muli %while3A_563, %mul3A_564 : i32
      %dma_wait3A = arith.constant 0 : i32
      %dma_wait3A_566 = tpu.memref_slice %arg9[%mul3A_565, %dma_wait3A] : memref<208x64xf32, #tpu.memory_space<vmem>> -> memref<16x64xf32, #tpu.memory_space<vmem>>
      %dma_wait3A_567 = arith.constant 0 : i32
      %dma_wait3A_568 = arith.constant 0 : i32
      %dma_wait3A_569 = tpu.memref_slice %arg3[%dma_wait3A_567, %dma_wait3A_568] : memref<1000000x64xf32, #tpu.memory_space<hbm>> -> memref<16x64xf32, #tpu.memory_space<hbm>>
      %dma_wait3A_570 = arith.constant 0 : i32
      %dma_wait3A_571 = tpu.memref_slice %arg9[%mul3A_565, %dma_wait3A_570] : memref<208x64xf32, #tpu.memory_space<vmem>> -> memref<16x64xf32, #tpu.memory_space<vmem>>
      %dma_wait3A_572 = arith.constant 0 : i32
      %dma_wait3A_573 = arith.constant 0 : i32
      %dma_wait3A_574 = tpu.memref_slice %arg3[%dma_wait3A_572, %dma_wait3A_573] : memref<1000000x64xf32, #tpu.memory_space<hbm>> -> memref<16x64xf32, #tpu.memory_space<hbm>>
      tpu.wait_dma2 semaphore(%arg13 : memref<!tpu.dma_semaphore, #tpu.memory_space<semaphore_mem>>) src(%dma_wait3A_574 : memref<16x64xf32, #tpu.memory_space<hbm>>) dst(%dma_wait3A_571 : memref<16x64xf32, #tpu.memory_space<vmem>>)
    }
    %broadcast_in_dim3A_497 = arith.constant 0.000000e+00 : f32
    %broadcast_in_dim3A_498 = vector.broadcast %broadcast_in_dim3A_497 : f32 to vector<16xf32>
    %while3A_499 = arith.constant 0 : i32
    %while3A_500 = arith.subi %shift_right_arithmetic3A_406, %while3A_499 : i32
    %while3A_501 = arith.addi %while3A_499, %while3A_500 : i32
    %while3A_502 = arith.constant 1 : i32
    %while3A_503 = arith.divsi %while3A_500, %while3A_502 : i32
    %while3A_504 = arith.muli %while3A_503, %while3A_502 : i32
    %while3A_505 = arith.addi %while3A_499, %while3A_504 : i32
    %while3A_506 = arith.constant 1 : i32
    %while3A_507:4 = scf.for %while3A_563 = %while3A_499 to %while3A_505 step %while3A_506 iter_args(%while3A_564 = %broadcast_in_dim3A_498, %while3A_565 = %broadcast_in_dim3A_498, %while3A_566 = %broadcast_in_dim3A_498, %while3A_567 = %broadcast_in_dim3A_498) -> (vector<16xf32>, vector<16xf32>, vector<16xf32>, vector<16xf32>)  : i32 {
      %mul3A_568 = arith.constant 16 : i32
      %mul3A_569 = arith.muli %while3A_563, %mul3A_568 : i32
      %add3A_570 = arith.constant 0 : i32
      %add3A_571 = arith.addi %mul3A_569, %add3A_570 : i32
      %get3A_572 = arith.index_cast %add3A_571 : i32 to index
      %get3A_573 = arith.constant 0 : index
      %get3A_574 = tpu.vector_load %arg9[%get3A_572, %get3A_573] {strides = array<i32>} : memref<208x64xf32, #tpu.memory_space<vmem>>, vector<16xf32>,
      %add3A_575 = arith.addf %while3A_564, %get3A_574 : vector<16xf32>
      %get3A_576 = arith.index_cast %add3A_571 : i32 to index
      %get3A_577 = arith.constant 16 : index
      %get3A_578 = tpu.vector_load %arg9[%get3A_576, %get3A_577] {strides = array<i32>} : memref<208x64xf32, #tpu.memory_space<vmem>>, vector<16xf32>,
      %add3A_579 = arith.addf %while3A_565, %get3A_578 : vector<16xf32>
      %get3A_580 = arith.index_cast %add3A_571 : i32 to index
      %get3A_581 = arith.constant 32 : index
      %get3A_582 = tpu.vector_load %arg9[%get3A_580, %get3A_581] {strides = array<i32>} : memref<208x64xf32, #tpu.memory_space<vmem>>, vector<16xf32>,
      %add3A_583 = arith.addf %while3A_566, %get3A_582 : vector<16xf32>
      %get3A_584 = arith.index_cast %add3A_571 : i32 to index
      %get3A_585 = arith.constant 48 : index
      %get3A_586 = tpu.vector_load %arg9[%get3A_584, %get3A_585] {strides = array<i32>} : memref<208x64xf32, #tpu.memory_space<vmem>>, vector<16xf32>,
      %add3A_587 = arith.addf %while3A_567, %get3A_586 : vector<16xf32>
      %mul3A_588 = arith.constant 16 : i32
      %mul3A_589 = arith.muli %while3A_563, %mul3A_588 : i32
      %add3A_590 = arith.constant 1 : i32
      %add3A_591 = arith.addi %mul3A_589, %add3A_590 : i32
      %get3A_592 = arith.index_cast %add3A_591 : i32 to index
      %get3A_593 = arith.constant 0 : index
      %get3A_594 = tpu.vector_load %arg9[%get3A_592, %get3A_593] {strides = array<i32>} : memref<208x64xf32, #tpu.memory_space<vmem>>, vector<16xf32>,
      %add3A_595 = arith.addf %add3A_575, %get3A_594 : vector<16xf32>
      %get3A_596 = arith.index_cast %add3A_591 : i32 to index
      %get3A_597 = arith.constant 16 : index
      %get3A_598 = tpu.vector_load %arg9[%get3A_596, %get3A_597] {strides = array<i32>} : memref<208x64xf32, #tpu.memory_space<vmem>>, vector<16xf32>,
      %add3A_599 = arith.addf %add3A_579, %get3A_598 : vector<16xf32>
      %get3A_600 = arith.index_cast %add3A_591 : i32 to index
      %get3A_601 = arith.constant 32 : index
      %get3A_602 = tpu.vector_load %arg9[%get3A_600, %get3A_601] {strides = array<i32>} : memref<208x64xf32, #tpu.memory_space<vmem>>, vector<16xf32>,
      %add3A_603 = arith.addf %add3A_583, %get3A_602 : vector<16xf32>
      %get3A_604 = arith.index_cast %add3A_591 : i32 to index
      %get3A_605 = arith.constant 48 : index
      %get3A_606 = tpu.vector_load %arg9[%get3A_604, %get3A_605] {strides = array<i32>} : memref<208x64xf32, #tpu.memory_space<vmem>>, vector<16xf32>,
      %add3A_607 = arith.addf %add3A_587, %get3A_606 : vector<16xf32>
      %mul3A_608 = arith.constant 16 : i32
      %mul3A_609 = arith.muli %while3A_563, %mul3A_608 : i32
      %add3A_610 = arith.constant 2 : i32
      %add3A_611 = arith.addi %mul3A_609, %add3A_610 : i32
      %get3A_612 = arith.index_cast %add3A_611 : i32 to index
      %get3A_613 = arith.constant 0 : index
      %get3A_614 = tpu.vector_load %arg9[%get3A_612, %get3A_613] {strides = array<i32>} : memref<208x64xf32, #tpu.memory_space<vmem>>, vector<16xf32>,
      %add3A_615 = arith.addf %add3A_595, %get3A_614 : vector<16xf32>
      %get3A_616 = arith.index_cast %add3A_611 : i32 to index
      %get3A_617 = arith.constant 16 : index
      %get3A_618 = tpu.vector_load %arg9[%get3A_616, %get3A_617] {strides = array<i32>} : memref<208x64xf32, #tpu.memory_space<vmem>>, vector<16xf32>,
      %add3A_619 = arith.addf %add3A_599, %get3A_618 : vector<16xf32>
      %get3A_620 = arith.index_cast %add3A_611 : i32 to index
      %get3A_621 = arith.constant 32 : index
      %get3A_622 = tpu.vector_load %arg9[%get3A_620, %get3A_621] {strides = array<i32>} : memref<208x64xf32, #tpu.memory_space<vmem>>, vector<16xf32>,
      %add3A_623 = arith.addf %add3A_603, %get3A_622 : vector<16xf32>
      %get3A_624 = arith.index_cast %add3A_611 : i32 to index
      %get3A_625 = arith.constant 48 : index
      %get3A_626 = tpu.vector_load %arg9[%get3A_624, %get3A_625] {strides = array<i32>} : memref<208x64xf32, #tpu.memory_space<vmem>>, vector<16xf32>,
      %add3A_627 = arith.addf %add3A_607, %get3A_626 : vector<16xf32>
      %mul3A_628 = arith.constant 16 : i32
      %mul3A_629 = arith.muli %while3A_563, %mul3A_628 : i32
      %add3A_630 = arith.constant 3 : i32
      %add3A_631 = arith.addi %mul3A_629, %add3A_630 : i32
      %get3A_632 = arith.index_cast %add3A_631 : i32 to index
      %get3A_633 = arith.constant 0 : index
      %get3A_634 = tpu.vector_load %arg9[%get3A_632, %get3A_633] {strides = array<i32>} : memref<208x64xf32, #tpu.memory_space<vmem>>, vector<16xf32>,
      %add3A_635 = arith.addf %add3A_615, %get3A_634 : vector<16xf32>
      %get3A_636 = arith.index_cast %add3A_631 : i32 to index
      %get3A_637 = arith.constant 16 : index
      %get3A_638 = tpu.vector_load %arg9[%get3A_636, %get3A_637] {strides = array<i32>} : memref<208x64xf32, #tpu.memory_space<vmem>>, vector<16xf32>,
      %add3A_639 = arith.addf %add3A_619, %get3A_638 : vector<16xf32>
      %get3A_640 = arith.index_cast %add3A_631 : i32 to index
      %get3A_641 = arith.constant 32 : index
      %get3A_642 = tpu.vector_load %arg9[%get3A_640, %get3A_641] {strides = array<i32>} : memref<208x64xf32, #tpu.memory_space<vmem>>, vector<16xf32>,
      %add3A_643 = arith.addf %add3A_623, %get3A_642 : vector<16xf32>
      %get3A_644 = arith.index_cast %add3A_631 : i32 to index
      %get3A_645 = arith.constant 48 : index
      %get3A_646 = tpu.vector_load %arg9[%get3A_644, %get3A_645] {strides = array<i32>} : memref<208x64xf32, #tpu.memory_space<vmem>>, vector<16xf32>,
      %add3A_647 = arith.addf %add3A_627, %get3A_646 : vector<16xf32>
      %mul3A_648 = arith.constant 16 : i32
      %mul3A_649 = arith.muli %while3A_563, %mul3A_648 : i32
      %add3A_650 = arith.constant 4 : i32
      %add3A_651 = arith.addi %mul3A_649, %add3A_650 : i32
      %get3A_652 = arith.index_cast %add3A_651 : i32 to index
      %get3A_653 = arith.constant 0 : index
      %get3A_654 = tpu.vector_load %arg9[%get3A_652, %get3A_653] {strides = array<i32>} : memref<208x64xf32, #tpu.memory_space<vmem>>, vector<16xf32>,
      %add3A_655 = arith.addf %add3A_635, %get3A_654 : vector<16xf32>
      %get3A_656 = arith.index_cast %add3A_651 : i32 to index
      %get3A_657 = arith.constant 16 : index
      %get3A_658 = tpu.vector_load %arg9[%get3A_656, %get3A_657] {strides = array<i32>} : memref<208x64xf32, #tpu.memory_space<vmem>>, vector<16xf32>,
      %add3A_659 = arith.addf %add3A_639, %get3A_658 : vector<16xf32>
      %get3A_660 = arith.index_cast %add3A_651 : i32 to index
      %get3A_661 = arith.constant 32 : index
      %get3A_662 = tpu.vector_load %arg9[%get3A_660, %get3A_661] {strides = array<i32>} : memref<208x64xf32, #tpu.memory_space<vmem>>, vector<16xf32>,
      %add3A_663 = arith.addf %add3A_643, %get3A_662 : vector<16xf32>
      %get3A_664 = arith.index_cast %add3A_651 : i32 to index
      %get3A_665 = arith.constant 48 : index
      %get3A_666 = tpu.vector_load %arg9[%get3A_664, %get3A_665] {strides = array<i32>} : memref<208x64xf32, #tpu.memory_space<vmem>>, vector<16xf32>,
      %add3A_667 = arith.addf %add3A_647, %get3A_666 : vector<16xf32>
      %mul3A_668 = arith.constant 16 : i32
      %mul3A_669 = arith.muli %while3A_563, %mul3A_668 : i32
      %add3A_670 = arith.constant 5 : i32
      %add3A_671 = arith.addi %mul3A_669, %add3A_670 : i32
      %get3A_672 = arith.index_cast %add3A_671 : i32 to index
      %get3A_673 = arith.constant 0 : index
      %get3A_674 = tpu.vector_load %arg9[%get3A_672, %get3A_673] {strides = array<i32>} : memref<208x64xf32, #tpu.memory_space<vmem>>, vector<16xf32>,
      %add3A_675 = arith.addf %add3A_655, %get3A_674 : vector<16xf32>
      %get3A_676 = arith.index_cast %add3A_671 : i32 to index
      %get3A_677 = arith.constant 16 : index
      %get3A_678 = tpu.vector_load %arg9[%get3A_676, %get3A_677] {strides = array<i32>} : memref<208x64xf32, #tpu.memory_space<vmem>>, vector<16xf32>,
      %add3A_679 = arith.addf %add3A_659, %get3A_678 : vector<16xf32>
      %get3A_680 = arith.index_cast %add3A_671 : i32 to index
      %get3A_681 = arith.constant 32 : index
      %get3A_682 = tpu.vector_load %arg9[%get3A_680, %get3A_681] {strides = array<i32>} : memref<208x64xf32, #tpu.memory_space<vmem>>, vector<16xf32>,
      %add3A_683 = arith.addf %add3A_663, %get3A_682 : vector<16xf32>
      %get3A_684 = arith.index_cast %add3A_671 : i32 to index
      %get3A_685 = arith.constant 48 : index
      %get3A_686 = tpu.vector_load %arg9[%get3A_684, %get3A_685] {strides = array<i32>} : memref<208x64xf32, #tpu.memory_space<vmem>>, vector<16xf32>,
      %add3A_687 = arith.addf %add3A_667, %get3A_686 : vector<16xf32>
      %mul3A_688 = arith.constant 16 : i32
      %mul3A_689 = arith.muli %while3A_563, %mul3A_688 : i32
      %add3A_690 = arith.constant 6 : i32
      %add3A_691 = arith.addi %mul3A_689, %add3A_690 : i32
      %get3A_692 = arith.index_cast %add3A_691 : i32 to index
      %get3A_693 = arith.constant 0 : index
      %get3A_694 = tpu.vector_load %arg9[%get3A_692, %get3A_693] {strides = array<i32>} : memref<208x64xf32, #tpu.memory_space<vmem>>, vector<16xf32>,
      %add3A_695 = arith.addf %add3A_675, %get3A_694 : vector<16xf32>
      %get3A_696 = arith.index_cast %add3A_691 : i32 to index
      %get3A_697 = arith.constant 16 : index
      %get3A_698 = tpu.vector_load %arg9[%get3A_696, %get3A_697] {strides = array<i32>} : memref<208x64xf32, #tpu.memory_space<vmem>>, vector<16xf32>,
      %add3A_699 = arith.addf %add3A_679, %get3A_698 : vector<16xf32>
      %get3A_700 = arith.index_cast %add3A_691 : i32 to index
      %get3A_701 = arith.constant 32 : index
      %get3A_702 = tpu.vector_load %arg9[%get3A_700, %get3A_701] {strides = array<i32>} : memref<208x64xf32, #tpu.memory_space<vmem>>, vector<16xf32>,
      %add3A_703 = arith.addf %add3A_683, %get3A_702 : vector<16xf32>
      %get3A_704 = arith.index_cast %add3A_691 : i32 to index
      %get3A_705 = arith.constant 48 : index
      %get3A_706 = tpu.vector_load %arg9[%get3A_704, %get3A_705] {strides = array<i32>} : memref<208x64xf32, #tpu.memory_space<vmem>>, vector<16xf32>,
      %add3A_707 = arith.addf %add3A_687, %get3A_706 : vector<16xf32>
      %mul3A_708 = arith.constant 16 : i32
      %mul3A_709 = arith.muli %while3A_563, %mul3A_708 : i32
      %add3A_710 = arith.constant 7 : i32
      %add3A_711 = arith.addi %mul3A_709, %add3A_710 : i32
      %get3A_712 = arith.index_cast %add3A_711 : i32 to index
      %get3A_713 = arith.constant 0 : index
      %get3A_714 = tpu.vector_load %arg9[%get3A_712, %get3A_713] {strides = array<i32>} : memref<208x64xf32, #tpu.memory_space<vmem>>, vector<16xf32>,
      %add3A_715 = arith.addf %add3A_695, %get3A_714 : vector<16xf32>
      %get3A_716 = arith.index_cast %add3A_711 : i32 to index
      %get3A_717 = arith.constant 16 : index
      %get3A_718 = tpu.vector_load %arg9[%get3A_716, %get3A_717] {strides = array<i32>} : memref<208x64xf32, #tpu.memory_space<vmem>>, vector<16xf32>,
      %add3A_719 = arith.addf %add3A_699, %get3A_718 : vector<16xf32>
      %get3A_720 = arith.index_cast %add3A_711 : i32 to index
      %get3A_721 = arith.constant 32 : index
      %get3A_722 = tpu.vector_load %arg9[%get3A_720, %get3A_721] {strides = array<i32>} : memref<208x64xf32, #tpu.memory_space<vmem>>, vector<16xf32>,
      %add3A_723 = arith.addf %add3A_703, %get3A_722 : vector<16xf32>
      %get3A_724 = arith.index_cast %add3A_711 : i32 to index
      %get3A_725 = arith.constant 48 : index
      %get3A_726 = tpu.vector_load %arg9[%get3A_724, %get3A_725] {strides = array<i32>} : memref<208x64xf32, #tpu.memory_space<vmem>>, vector<16xf32>,
      %add3A_727 = arith.addf %add3A_707, %get3A_726 : vector<16xf32>
      %mul3A_728 = arith.constant 16 : i32
      %mul3A_729 = arith.muli %while3A_563, %mul3A_728 : i32
      %add3A_730 = arith.constant 8 : i32
      %add3A_731 = arith.addi %mul3A_729, %add3A_730 : i32
      %get3A_732 = arith.index_cast %add3A_731 : i32 to index
      %get3A_733 = arith.constant 0 : index
      %get3A_734 = tpu.vector_load %arg9[%get3A_732, %get3A_733] {strides = array<i32>} : memref<208x64xf32, #tpu.memory_space<vmem>>, vector<16xf32>,
      %add3A_735 = arith.addf %add3A_715, %get3A_734 : vector<16xf32>
      %get3A_736 = arith.index_cast %add3A_731 : i32 to index
      %get3A_737 = arith.constant 16 : index
      %get3A_738 = tpu.vector_load %arg9[%get3A_736, %get3A_737] {strides = array<i32>} : memref<208x64xf32, #tpu.memory_space<vmem>>, vector<16xf32>,
      %add3A_739 = arith.addf %add3A_719, %get3A_738 : vector<16xf32>
      %get3A_740 = arith.index_cast %add3A_731 : i32 to index
      %get3A_741 = arith.constant 32 : index
      %get3A_742 = tpu.vector_load %arg9[%get3A_740, %get3A_741] {strides = array<i32>} : memref<208x64xf32, #tpu.memory_space<vmem>>, vector<16xf32>,
      %add3A_743 = arith.addf %add3A_723, %get3A_742 : vector<16xf32>
      %get3A_744 = arith.index_cast %add3A_731 : i32 to index
      %get3A_745 = arith.constant 48 : index
      %get3A_746 = tpu.vector_load %arg9[%get3A_744, %get3A_745] {strides = array<i32>} : memref<208x64xf32, #tpu.memory_space<vmem>>, vector<16xf32>,
      %add3A_747 = arith.addf %add3A_727, %get3A_746 : vector<16xf32>
      %mul3A_748 = arith.constant 16 : i32
      %mul3A_749 = arith.muli %while3A_563, %mul3A_748 : i32
      %add3A_750 = arith.constant 9 : i32
      %add3A_751 = arith.addi %mul3A_749, %add3A_750 : i32
      %get3A_752 = arith.index_cast %add3A_751 : i32 to index
      %get3A_753 = arith.constant 0 : index
      %get3A_754 = tpu.vector_load %arg9[%get3A_752, %get3A_753] {strides = array<i32>} : memref<208x64xf32, #tpu.memory_space<vmem>>, vector<16xf32>,
      %add3A_755 = arith.addf %add3A_735, %get3A_754 : vector<16xf32>
      %get3A_756 = arith.index_cast %add3A_751 : i32 to index
      %get3A_757 = arith.constant 16 : index
      %get3A_758 = tpu.vector_load %arg9[%get3A_756, %get3A_757] {strides = array<i32>} : memref<208x64xf32, #tpu.memory_space<vmem>>, vector<16xf32>,
      %add3A_759 = arith.addf %add3A_739, %get3A_758 : vector<16xf32>
      %get3A_760 = arith.index_cast %add3A_751 : i32 to index
      %get3A_761 = arith.constant 32 : index
      %get3A_762 = tpu.vector_load %arg9[%get3A_760, %get3A_761] {strides = array<i32>} : memref<208x64xf32, #tpu.memory_space<vmem>>, vector<16xf32>,
      %add3A_763 = arith.addf %add3A_743, %get3A_762 : vector<16xf32>
      %get3A_764 = arith.index_cast %add3A_751 : i32 to index
      %get3A_765 = arith.constant 48 : index
      %get3A_766 = tpu.vector_load %arg9[%get3A_764, %get3A_765] {strides = array<i32>} : memref<208x64xf32, #tpu.memory_space<vmem>>, vector<16xf32>,
      %add3A_767 = arith.addf %add3A_747, %get3A_766 : vector<16xf32>
      %mul3A_768 = arith.constant 16 : i32
      %mul3A_769 = arith.muli %while3A_563, %mul3A_768 : i32
      %add3A_770 = arith.constant 10 : i32
      %add3A_771 = arith.addi %mul3A_769, %add3A_770 : i32
      %get3A_772 = arith.index_cast %add3A_771 : i32 to index
      %get3A_773 = arith.constant 0 : index
      %get3A_774 = tpu.vector_load %arg9[%get3A_772, %get3A_773] {strides = array<i32>} : memref<208x64xf32, #tpu.memory_space<vmem>>, vector<16xf32>,
      %add3A_775 = arith.addf %add3A_755, %get3A_774 : vector<16xf32>
      %get3A_776 = arith.index_cast %add3A_771 : i32 to index
      %get3A_777 = arith.constant 16 : index
      %get3A_778 = tpu.vector_load %arg9[%get3A_776, %get3A_777] {strides = array<i32>} : memref<208x64xf32, #tpu.memory_space<vmem>>, vector<16xf32>,
      %add3A_779 = arith.addf %add3A_759, %get3A_778 : vector<16xf32>
      %get3A_780 = arith.index_cast %add3A_771 : i32 to index
      %get3A_781 = arith.constant 32 : index
      %get3A_782 = tpu.vector_load %arg9[%get3A_780, %get3A_781] {strides = array<i32>} : memref<208x64xf32, #tpu.memory_space<vmem>>, vector<16xf32>,
      %add3A_783 = arith.addf %add3A_763, %get3A_782 : vector<16xf32>
      %get3A_784 = arith.index_cast %add3A_771 : i32 to index
      %get3A_785 = arith.constant 48 : index
      %get3A_786 = tpu.vector_load %arg9[%get3A_784, %get3A_785] {strides = array<i32>} : memref<208x64xf32, #tpu.memory_space<vmem>>, vector<16xf32>,
      %add3A_787 = arith.addf %add3A_767, %get3A_786 : vector<16xf32>
      %mul3A_788 = arith.constant 16 : i32
      %mul3A_789 = arith.muli %while3A_563, %mul3A_788 : i32
      %add3A_790 = arith.constant 11 : i32
      %add3A_791 = arith.addi %mul3A_789, %add3A_790 : i32
      %get3A_792 = arith.index_cast %add3A_791 : i32 to index
      %get3A_793 = arith.constant 0 : index
      %get3A_794 = tpu.vector_load %arg9[%get3A_792, %get3A_793] {strides = array<i32>} : memref<208x64xf32, #tpu.memory_space<vmem>>, vector<16xf32>,
      %add3A_795 = arith.addf %add3A_775, %get3A_794 : vector<16xf32>
      %get3A_796 = arith.index_cast %add3A_791 : i32 to index
      %get3A_797 = arith.constant 16 : index
      %get3A_798 = tpu.vector_load %arg9[%get3A_796, %get3A_797] {strides = array<i32>} : memref<208x64xf32, #tpu.memory_space<vmem>>, vector<16xf32>,
      %add3A_799 = arith.addf %add3A_779, %get3A_798 : vector<16xf32>
      %get3A_800 = arith.index_cast %add3A_791 : i32 to index
      %get3A_801 = arith.constant 32 : index
      %get3A_802 = tpu.vector_load %arg9[%get3A_800, %get3A_801] {strides = array<i32>} : memref<208x64xf32, #tpu.memory_space<vmem>>, vector<16xf32>,
      %add3A_803 = arith.addf %add3A_783, %get3A_802 : vector<16xf32>
      %get3A_804 = arith.index_cast %add3A_791 : i32 to index
      %get3A_805 = arith.constant 48 : index
      %get3A_806 = tpu.vector_load %arg9[%get3A_804, %get3A_805] {strides = array<i32>} : memref<208x64xf32, #tpu.memory_space<vmem>>, vector<16xf32>,
      %add3A_807 = arith.addf %add3A_787, %get3A_806 : vector<16xf32>
      %mul3A_808 = arith.constant 16 : i32
      %mul3A_809 = arith.muli %while3A_563, %mul3A_808 : i32
      %add3A_810 = arith.constant 12 : i32
      %add3A_811 = arith.addi %mul3A_809, %add3A_810 : i32
      %get3A_812 = arith.index_cast %add3A_811 : i32 to index
      %get3A_813 = arith.constant 0 : index
      %get3A_814 = tpu.vector_load %arg9[%get3A_812, %get3A_813] {strides = array<i32>} : memref<208x64xf32, #tpu.memory_space<vmem>>, vector<16xf32>,
      %add3A_815 = arith.addf %add3A_795, %get3A_814 : vector<16xf32>
      %get3A_816 = arith.index_cast %add3A_811 : i32 to index
      %get3A_817 = arith.constant 16 : index
      %get3A_818 = tpu.vector_load %arg9[%get3A_816, %get3A_817] {strides = array<i32>} : memref<208x64xf32, #tpu.memory_space<vmem>>, vector<16xf32>,
      %add3A_819 = arith.addf %add3A_799, %get3A_818 : vector<16xf32>
      %get3A_820 = arith.index_cast %add3A_811 : i32 to index
      %get3A_821 = arith.constant 32 : index
      %get3A_822 = tpu.vector_load %arg9[%get3A_820, %get3A_821] {strides = array<i32>} : memref<208x64xf32, #tpu.memory_space<vmem>>, vector<16xf32>,
      %add3A_823 = arith.addf %add3A_803, %get3A_822 : vector<16xf32>
      %get3A_824 = arith.index_cast %add3A_811 : i32 to index
      %get3A_825 = arith.constant 48 : index
      %get3A_826 = tpu.vector_load %arg9[%get3A_824, %get3A_825] {strides = array<i32>} : memref<208x64xf32, #tpu.memory_space<vmem>>, vector<16xf32>,
      %add3A_827 = arith.addf %add3A_807, %get3A_826 : vector<16xf32>
      %mul3A_828 = arith.constant 16 : i32
      %mul3A_829 = arith.muli %while3A_563, %mul3A_828 : i32
      %add3A_830 = arith.constant 13 : i32
      %add3A_831 = arith.addi %mul3A_829, %add3A_830 : i32
      %get3A_832 = arith.index_cast %add3A_831 : i32 to index
      %get3A_833 = arith.constant 0 : index
      %get3A_834 = tpu.vector_load %arg9[%get3A_832, %get3A_833] {strides = array<i32>} : memref<208x64xf32, #tpu.memory_space<vmem>>, vector<16xf32>,
      %add3A_835 = arith.addf %add3A_815, %get3A_834 : vector<16xf32>
      %get3A_836 = arith.index_cast %add3A_831 : i32 to index
      %get3A_837 = arith.constant 16 : index
      %get3A_838 = tpu.vector_load %arg9[%get3A_836, %get3A_837] {strides = array<i32>} : memref<208x64xf32, #tpu.memory_space<vmem>>, vector<16xf32>,
      %add3A_839 = arith.addf %add3A_819, %get3A_838 : vector<16xf32>
      %get3A_840 = arith.index_cast %add3A_831 : i32 to index
      %get3A_841 = arith.constant 32 : index
      %get3A_842 = tpu.vector_load %arg9[%get3A_840, %get3A_841] {strides = array<i32>} : memref<208x64xf32, #tpu.memory_space<vmem>>, vector<16xf32>,
      %add3A_843 = arith.addf %add3A_823, %get3A_842 : vector<16xf32>
      %get3A_844 = arith.index_cast %add3A_831 : i32 to index
      %get3A_845 = arith.constant 48 : index
      %get3A_846 = tpu.vector_load %arg9[%get3A_844, %get3A_845] {strides = array<i32>} : memref<208x64xf32, #tpu.memory_space<vmem>>, vector<16xf32>,
      %add3A_847 = arith.addf %add3A_827, %get3A_846 : vector<16xf32>
      %mul3A_848 = arith.constant 16 : i32
      %mul3A_849 = arith.muli %while3A_563, %mul3A_848 : i32
      %add3A_850 = arith.constant 14 : i32
      %add3A_851 = arith.addi %mul3A_849, %add3A_850 : i32
      %get3A_852 = arith.index_cast %add3A_851 : i32 to index
      %get3A_853 = arith.constant 0 : index
      %get3A_854 = tpu.vector_load %arg9[%get3A_852, %get3A_853] {strides = array<i32>} : memref<208x64xf32, #tpu.memory_space<vmem>>, vector<16xf32>,
      %add3A_855 = arith.addf %add3A_835, %get3A_854 : vector<16xf32>
      %get3A_856 = arith.index_cast %add3A_851 : i32 to index
      %get3A_857 = arith.constant 16 : index
      %get3A_858 = tpu.vector_load %arg9[%get3A_856, %get3A_857] {strides = array<i32>} : memref<208x64xf32, #tpu.memory_space<vmem>>, vector<16xf32>,
      %add3A_859 = arith.addf %add3A_839, %get3A_858 : vector<16xf32>
      %get3A_860 = arith.index_cast %add3A_851 : i32 to index
      %get3A_861 = arith.constant 32 : index
      %get3A_862 = tpu.vector_load %arg9[%get3A_860, %get3A_861] {strides = array<i32>} : memref<208x64xf32, #tpu.memory_space<vmem>>, vector<16xf32>,
      %add3A_863 = arith.addf %add3A_843, %get3A_862 : vector<16xf32>
      %get3A_864 = arith.index_cast %add3A_851 : i32 to index
      %get3A_865 = arith.constant 48 : index
      %get3A_866 = tpu.vector_load %arg9[%get3A_864, %get3A_865] {strides = array<i32>} : memref<208x64xf32, #tpu.memory_space<vmem>>, vector<16xf32>,
      %add3A_867 = arith.addf %add3A_847, %get3A_866 : vector<16xf32>
      %mul3A_868 = arith.constant 16 : i32
      %mul3A_869 = arith.muli %while3A_563, %mul3A_868 : i32
      %add3A_870 = arith.constant 15 : i32
      %add3A_871 = arith.addi %mul3A_869, %add3A_870 : i32
      %get3A_872 = arith.index_cast %add3A_871 : i32 to index
      %get3A_873 = arith.constant 0 : index
      %get3A_874 = tpu.vector_load %arg9[%get3A_872, %get3A_873] {strides = array<i32>} : memref<208x64xf32, #tpu.memory_space<vmem>>, vector<16xf32>,
      %add3A_875 = arith.addf %add3A_855, %get3A_874 : vector<16xf32>
      %get3A_876 = arith.index_cast %add3A_871 : i32 to index
      %get3A_877 = arith.constant 16 : index
      %get3A_878 = tpu.vector_load %arg9[%get3A_876, %get3A_877] {strides = array<i32>} : memref<208x64xf32, #tpu.memory_space<vmem>>, vector<16xf32>,
      %add3A_879 = arith.addf %add3A_859, %get3A_878 : vector<16xf32>
      %get3A_880 = arith.index_cast %add3A_871 : i32 to index
      %get3A_881 = arith.constant 32 : index
      %get3A_882 = tpu.vector_load %arg9[%get3A_880, %get3A_881] {strides = array<i32>} : memref<208x64xf32, #tpu.memory_space<vmem>>, vector<16xf32>,
      %add3A_883 = arith.addf %add3A_863, %get3A_882 : vector<16xf32>
      %get3A_884 = arith.index_cast %add3A_871 : i32 to index
      %get3A_885 = arith.constant 48 : index
      %get3A_886 = tpu.vector_load %arg9[%get3A_884, %get3A_885] {strides = array<i32>} : memref<208x64xf32, #tpu.memory_space<vmem>>, vector<16xf32>,
      %add3A_887 = arith.addf %add3A_867, %get3A_886 : vector<16xf32>
      scf.yield %add3A_875, %add3A_879, %add3A_883, %add3A_887 : vector<16xf32>, vector<16xf32>, vector<16xf32>, vector<16xf32>
    }
    %while3A_508 = arith.constant 1 : i32
    %while3A_509:4 = scf.for %while3A_563 = %while3A_505 to %while3A_501 step %while3A_508 iter_args(%while3A_564 = %while3A_507#0, %while3A_565 = %while3A_507#1, %while3A_566 = %while3A_507#2, %while3A_567 = %while3A_507#3) -> (vector<16xf32>, vector<16xf32>, vector<16xf32>, vector<16xf32>)  : i32 {
      %mul3A_568 = arith.constant 16 : i32
      %mul3A_569 = arith.muli %while3A_563, %mul3A_568 : i32
      %add3A_570 = arith.constant 0 : i32
      %add3A_571 = arith.addi %mul3A_569, %add3A_570 : i32
      %get3A_572 = arith.index_cast %add3A_571 : i32 to index
      %get3A_573 = arith.constant 0 : index
      %get3A_574 = tpu.vector_load %arg9[%get3A_572, %get3A_573] {strides = array<i32>} : memref<208x64xf32, #tpu.memory_space<vmem>>, vector<16xf32>,
      %add3A_575 = arith.addf %while3A_564, %get3A_574 : vector<16xf32>
      %get3A_576 = arith.index_cast %add3A_571 : i32 to index
      %get3A_577 = arith.constant 16 : index
      %get3A_578 = tpu.vector_load %arg9[%get3A_576, %get3A_577] {strides = array<i32>} : memref<208x64xf32, #tpu.memory_space<vmem>>, vector<16xf32>,
      %add3A_579 = arith.addf %while3A_565, %get3A_578 : vector<16xf32>
      %get3A_580 = arith.index_cast %add3A_571 : i32 to index
      %get3A_581 = arith.constant 32 : index
      %get3A_582 = tpu.vector_load %arg9[%get3A_580, %get3A_581] {strides = array<i32>} : memref<208x64xf32, #tpu.memory_space<vmem>>, vector<16xf32>,
      %add3A_583 = arith.addf %while3A_566, %get3A_582 : vector<16xf32>
      %get3A_584 = arith.index_cast %add3A_571 : i32 to index
      %get3A_585 = arith.constant 48 : index
      %get3A_586 = tpu.vector_load %arg9[%get3A_584, %get3A_585] {strides = array<i32>} : memref<208x64xf32, #tpu.memory_space<vmem>>, vector<16xf32>,
      %add3A_587 = arith.addf %while3A_567, %get3A_586 : vector<16xf32>
      %mul3A_588 = arith.constant 16 : i32
      %mul3A_589 = arith.muli %while3A_563, %mul3A_588 : i32
      %add3A_590 = arith.constant 1 : i32
      %add3A_591 = arith.addi %mul3A_589, %add3A_590 : i32
      %get3A_592 = arith.index_cast %add3A_591 : i32 to index
      %get3A_593 = arith.constant 0 : index
      %get3A_594 = tpu.vector_load %arg9[%get3A_592, %get3A_593] {strides = array<i32>} : memref<208x64xf32, #tpu.memory_space<vmem>>, vector<16xf32>,
      %add3A_595 = arith.addf %add3A_575, %get3A_594 : vector<16xf32>
      %get3A_596 = arith.index_cast %add3A_591 : i32 to index
      %get3A_597 = arith.constant 16 : index
      %get3A_598 = tpu.vector_load %arg9[%get3A_596, %get3A_597] {strides = array<i32>} : memref<208x64xf32, #tpu.memory_space<vmem>>, vector<16xf32>,
      %add3A_599 = arith.addf %add3A_579, %get3A_598 : vector<16xf32>
      %get3A_600 = arith.index_cast %add3A_591 : i32 to index
      %get3A_601 = arith.constant 32 : index
      %get3A_602 = tpu.vector_load %arg9[%get3A_600, %get3A_601] {strides = array<i32>} : memref<208x64xf32, #tpu.memory_space<vmem>>, vector<16xf32>,
      %add3A_603 = arith.addf %add3A_583, %get3A_602 : vector<16xf32>
      %get3A_604 = arith.index_cast %add3A_591 : i32 to index
      %get3A_605 = arith.constant 48 : index
      %get3A_606 = tpu.vector_load %arg9[%get3A_604, %get3A_605] {strides = array<i32>} : memref<208x64xf32, #tpu.memory_space<vmem>>, vector<16xf32>,
      %add3A_607 = arith.addf %add3A_587, %get3A_606 : vector<16xf32>
      %mul3A_608 = arith.constant 16 : i32
      %mul3A_609 = arith.muli %while3A_563, %mul3A_608 : i32
      %add3A_610 = arith.constant 2 : i32
      %add3A_611 = arith.addi %mul3A_609, %add3A_610 : i32
      %get3A_612 = arith.index_cast %add3A_611 : i32 to index
      %get3A_613 = arith.constant 0 : index
      %get3A_614 = tpu.vector_load %arg9[%get3A_612, %get3A_613] {strides = array<i32>} : memref<208x64xf32, #tpu.memory_space<vmem>>, vector<16xf32>,
      %add3A_615 = arith.addf %add3A_595, %get3A_614 : vector<16xf32>
      %get3A_616 = arith.index_cast %add3A_611 : i32 to index
      %get3A_617 = arith.constant 16 : index
      %get3A_618 = tpu.vector_load %arg9[%get3A_616, %get3A_617] {strides = array<i32>} : memref<208x64xf32, #tpu.memory_space<vmem>>, vector<16xf32>,
      %add3A_619 = arith.addf %add3A_599, %get3A_618 : vector<16xf32>
      %get3A_620 = arith.index_cast %add3A_611 : i32 to index
      %get3A_621 = arith.constant 32 : index
      %get3A_622 = tpu.vector_load %arg9[%get3A_620, %get3A_621] {strides = array<i32>} : memref<208x64xf32, #tpu.memory_space<vmem>>, vector<16xf32>,
      %add3A_623 = arith.addf %add3A_603, %get3A_622 : vector<16xf32>
      %get3A_624 = arith.index_cast %add3A_611 : i32 to index
      %get3A_625 = arith.constant 48 : index
      %get3A_626 = tpu.vector_load %arg9[%get3A_624, %get3A_625] {strides = array<i32>} : memref<208x64xf32, #tpu.memory_space<vmem>>, vector<16xf32>,
      %add3A_627 = arith.addf %add3A_607, %get3A_626 : vector<16xf32>
      %mul3A_628 = arith.constant 16 : i32
      %mul3A_629 = arith.muli %while3A_563, %mul3A_628 : i32
      %add3A_630 = arith.constant 3 : i32
      %add3A_631 = arith.addi %mul3A_629, %add3A_630 : i32
      %get3A_632 = arith.index_cast %add3A_631 : i32 to index
      %get3A_633 = arith.constant 0 : index
      %get3A_634 = tpu.vector_load %arg9[%get3A_632, %get3A_633] {strides = array<i32>} : memref<208x64xf32, #tpu.memory_space<vmem>>, vector<16xf32>,
      %add3A_635 = arith.addf %add3A_615, %get3A_634 : vector<16xf32>
      %get3A_636 = arith.index_cast %add3A_631 : i32 to index
      %get3A_637 = arith.constant 16 : index
      %get3A_638 = tpu.vector_load %arg9[%get3A_636, %get3A_637] {strides = array<i32>} : memref<208x64xf32, #tpu.memory_space<vmem>>, vector<16xf32>,
      %add3A_639 = arith.addf %add3A_619, %get3A_638 : vector<16xf32>
      %get3A_640 = arith.index_cast %add3A_631 : i32 to index
      %get3A_641 = arith.constant 32 : index
      %get3A_642 = tpu.vector_load %arg9[%get3A_640, %get3A_641] {strides = array<i32>} : memref<208x64xf32, #tpu.memory_space<vmem>>, vector<16xf32>,
      %add3A_643 = arith.addf %add3A_623, %get3A_642 : vector<16xf32>
      %get3A_644 = arith.index_cast %add3A_631 : i32 to index
      %get3A_645 = arith.constant 48 : index
      %get3A_646 = tpu.vector_load %arg9[%get3A_644, %get3A_645] {strides = array<i32>} : memref<208x64xf32, #tpu.memory_space<vmem>>, vector<16xf32>,
      %add3A_647 = arith.addf %add3A_627, %get3A_646 : vector<16xf32>
      %mul3A_648 = arith.constant 16 : i32
      %mul3A_649 = arith.muli %while3A_563, %mul3A_648 : i32
      %add3A_650 = arith.constant 4 : i32
      %add3A_651 = arith.addi %mul3A_649, %add3A_650 : i32
      %get3A_652 = arith.index_cast %add3A_651 : i32 to index
      %get3A_653 = arith.constant 0 : index
      %get3A_654 = tpu.vector_load %arg9[%get3A_652, %get3A_653] {strides = array<i32>} : memref<208x64xf32, #tpu.memory_space<vmem>>, vector<16xf32>,
      %add3A_655 = arith.addf %add3A_635, %get3A_654 : vector<16xf32>
      %get3A_656 = arith.index_cast %add3A_651 : i32 to index
      %get3A_657 = arith.constant 16 : index
      %get3A_658 = tpu.vector_load %arg9[%get3A_656, %get3A_657] {strides = array<i32>} : memref<208x64xf32, #tpu.memory_space<vmem>>, vector<16xf32>,
      %add3A_659 = arith.addf %add3A_639, %get3A_658 : vector<16xf32>
      %get3A_660 = arith.index_cast %add3A_651 : i32 to index
      %get3A_661 = arith.constant 32 : index
      %get3A_662 = tpu.vector_load %arg9[%get3A_660, %get3A_661] {strides = array<i32>} : memref<208x64xf32, #tpu.memory_space<vmem>>, vector<16xf32>,
      %add3A_663 = arith.addf %add3A_643, %get3A_662 : vector<16xf32>
      %get3A_664 = arith.index_cast %add3A_651 : i32 to index
      %get3A_665 = arith.constant 48 : index
      %get3A_666 = tpu.vector_load %arg9[%get3A_664, %get3A_665] {strides = array<i32>} : memref<208x64xf32, #tpu.memory_space<vmem>>, vector<16xf32>,
      %add3A_667 = arith.addf %add3A_647, %get3A_666 : vector<16xf32>
      %mul3A_668 = arith.constant 16 : i32
      %mul3A_669 = arith.muli %while3A_563, %mul3A_668 : i32
      %add3A_670 = arith.constant 5 : i32
      %add3A_671 = arith.addi %mul3A_669, %add3A_670 : i32
      %get3A_672 = arith.index_cast %add3A_671 : i32 to index
      %get3A_673 = arith.constant 0 : index
      %get3A_674 = tpu.vector_load %arg9[%get3A_672, %get3A_673] {strides = array<i32>} : memref<208x64xf32, #tpu.memory_space<vmem>>, vector<16xf32>,
      %add3A_675 = arith.addf %add3A_655, %get3A_674 : vector<16xf32>
      %get3A_676 = arith.index_cast %add3A_671 : i32 to index
      %get3A_677 = arith.constant 16 : index
      %get3A_678 = tpu.vector_load %arg9[%get3A_676, %get3A_677] {strides = array<i32>} : memref<208x64xf32, #tpu.memory_space<vmem>>, vector<16xf32>,
      %add3A_679 = arith.addf %add3A_659, %get3A_678 : vector<16xf32>
      %get3A_680 = arith.index_cast %add3A_671 : i32 to index
      %get3A_681 = arith.constant 32 : index
      %get3A_682 = tpu.vector_load %arg9[%get3A_680, %get3A_681] {strides = array<i32>} : memref<208x64xf32, #tpu.memory_space<vmem>>, vector<16xf32>,
      %add3A_683 = arith.addf %add3A_663, %get3A_682 : vector<16xf32>
      %get3A_684 = arith.index_cast %add3A_671 : i32 to index
      %get3A_685 = arith.constant 48 : index
      %get3A_686 = tpu.vector_load %arg9[%get3A_684, %get3A_685] {strides = array<i32>} : memref<208x64xf32, #tpu.memory_space<vmem>>, vector<16xf32>,
      %add3A_687 = arith.addf %add3A_667, %get3A_686 : vector<16xf32>
      %mul3A_688 = arith.constant 16 : i32
      %mul3A_689 = arith.muli %while3A_563, %mul3A_688 : i32
      %add3A_690 = arith.constant 6 : i32
      %add3A_691 = arith.addi %mul3A_689, %add3A_690 : i32
      %get3A_692 = arith.index_cast %add3A_691 : i32 to index
      %get3A_693 = arith.constant 0 : index
      %get3A_694 = tpu.vector_load %arg9[%get3A_692, %get3A_693] {strides = array<i32>} : memref<208x64xf32, #tpu.memory_space<vmem>>, vector<16xf32>,
      %add3A_695 = arith.addf %add3A_675, %get3A_694 : vector<16xf32>
      %get3A_696 = arith.index_cast %add3A_691 : i32 to index
      %get3A_697 = arith.constant 16 : index
      %get3A_698 = tpu.vector_load %arg9[%get3A_696, %get3A_697] {strides = array<i32>} : memref<208x64xf32, #tpu.memory_space<vmem>>, vector<16xf32>,
      %add3A_699 = arith.addf %add3A_679, %get3A_698 : vector<16xf32>
      %get3A_700 = arith.index_cast %add3A_691 : i32 to index
      %get3A_701 = arith.constant 32 : index
      %get3A_702 = tpu.vector_load %arg9[%get3A_700, %get3A_701] {strides = array<i32>} : memref<208x64xf32, #tpu.memory_space<vmem>>, vector<16xf32>,
      %add3A_703 = arith.addf %add3A_683, %get3A_702 : vector<16xf32>
      %get3A_704 = arith.index_cast %add3A_691 : i32 to index
      %get3A_705 = arith.constant 48 : index
      %get3A_706 = tpu.vector_load %arg9[%get3A_704, %get3A_705] {strides = array<i32>} : memref<208x64xf32, #tpu.memory_space<vmem>>, vector<16xf32>,
      %add3A_707 = arith.addf %add3A_687, %get3A_706 : vector<16xf32>
      %mul3A_708 = arith.constant 16 : i32
      %mul3A_709 = arith.muli %while3A_563, %mul3A_708 : i32
      %add3A_710 = arith.constant 7 : i32
      %add3A_711 = arith.addi %mul3A_709, %add3A_710 : i32
      %get3A_712 = arith.index_cast %add3A_711 : i32 to index
      %get3A_713 = arith.constant 0 : index
      %get3A_714 = tpu.vector_load %arg9[%get3A_712, %get3A_713] {strides = array<i32>} : memref<208x64xf32, #tpu.memory_space<vmem>>, vector<16xf32>,
      %add3A_715 = arith.addf %add3A_695, %get3A_714 : vector<16xf32>
      %get3A_716 = arith.index_cast %add3A_711 : i32 to index
      %get3A_717 = arith.constant 16 : index
      %get3A_718 = tpu.vector_load %arg9[%get3A_716, %get3A_717] {strides = array<i32>} : memref<208x64xf32, #tpu.memory_space<vmem>>, vector<16xf32>,
      %add3A_719 = arith.addf %add3A_699, %get3A_718 : vector<16xf32>
      %get3A_720 = arith.index_cast %add3A_711 : i32 to index
      %get3A_721 = arith.constant 32 : index
      %get3A_722 = tpu.vector_load %arg9[%get3A_720, %get3A_721] {strides = array<i32>} : memref<208x64xf32, #tpu.memory_space<vmem>>, vector<16xf32>,
      %add3A_723 = arith.addf %add3A_703, %get3A_722 : vector<16xf32>
      %get3A_724 = arith.index_cast %add3A_711 : i32 to index
      %get3A_725 = arith.constant 48 : index
      %get3A_726 = tpu.vector_load %arg9[%get3A_724, %get3A_725] {strides = array<i32>} : memref<208x64xf32, #tpu.memory_space<vmem>>, vector<16xf32>,
      %add3A_727 = arith.addf %add3A_707, %get3A_726 : vector<16xf32>
      %mul3A_728 = arith.constant 16 : i32
      %mul3A_729 = arith.muli %while3A_563, %mul3A_728 : i32
      %add3A_730 = arith.constant 8 : i32
      %add3A_731 = arith.addi %mul3A_729, %add3A_730 : i32
      %get3A_732 = arith.index_cast %add3A_731 : i32 to index
      %get3A_733 = arith.constant 0 : index
      %get3A_734 = tpu.vector_load %arg9[%get3A_732, %get3A_733] {strides = array<i32>} : memref<208x64xf32, #tpu.memory_space<vmem>>, vector<16xf32>,
      %add3A_735 = arith.addf %add3A_715, %get3A_734 : vector<16xf32>
      %get3A_736 = arith.index_cast %add3A_731 : i32 to index
      %get3A_737 = arith.constant 16 : index
      %get3A_738 = tpu.vector_load %arg9[%get3A_736, %get3A_737] {strides = array<i32>} : memref<208x64xf32, #tpu.memory_space<vmem>>, vector<16xf32>,
      %add3A_739 = arith.addf %add3A_719, %get3A_738 : vector<16xf32>
      %get3A_740 = arith.index_cast %add3A_731 : i32 to index
      %get3A_741 = arith.constant 32 : index
      %get3A_742 = tpu.vector_load %arg9[%get3A_740, %get3A_741] {strides = array<i32>} : memref<208x64xf32, #tpu.memory_space<vmem>>, vector<16xf32>,
      %add3A_743 = arith.addf %add3A_723, %get3A_742 : vector<16xf32>
      %get3A_744 = arith.index_cast %add3A_731 : i32 to index
      %get3A_745 = arith.constant 48 : index
      %get3A_746 = tpu.vector_load %arg9[%get3A_744, %get3A_745] {strides = array<i32>} : memref<208x64xf32, #tpu.memory_space<vmem>>, vector<16xf32>,
      %add3A_747 = arith.addf %add3A_727, %get3A_746 : vector<16xf32>
      %mul3A_748 = arith.constant 16 : i32
      %mul3A_749 = arith.muli %while3A_563, %mul3A_748 : i32
      %add3A_750 = arith.constant 9 : i32
      %add3A_751 = arith.addi %mul3A_749, %add3A_750 : i32
      %get3A_752 = arith.index_cast %add3A_751 : i32 to index
      %get3A_753 = arith.constant 0 : index
      %get3A_754 = tpu.vector_load %arg9[%get3A_752, %get3A_753] {strides = array<i32>} : memref<208x64xf32, #tpu.memory_space<vmem>>, vector<16xf32>,
      %add3A_755 = arith.addf %add3A_735, %get3A_754 : vector<16xf32>
      %get3A_756 = arith.index_cast %add3A_751 : i32 to index
      %get3A_757 = arith.constant 16 : index
      %get3A_758 = tpu.vector_load %arg9[%get3A_756, %get3A_757] {strides = array<i32>} : memref<208x64xf32, #tpu.memory_space<vmem>>, vector<16xf32>,
      %add3A_759 = arith.addf %add3A_739, %get3A_758 : vector<16xf32>
      %get3A_760 = arith.index_cast %add3A_751 : i32 to index
      %get3A_761 = arith.constant 32 : index
      %get3A_762 = tpu.vector_load %arg9[%get3A_760, %get3A_761] {strides = array<i32>} : memref<208x64xf32, #tpu.memory_space<vmem>>, vector<16xf32>,
      %add3A_763 = arith.addf %add3A_743, %get3A_762 : vector<16xf32>
      %get3A_764 = arith.index_cast %add3A_751 : i32 to index
      %get3A_765 = arith.constant 48 : index
      %get3A_766 = tpu.vector_load %arg9[%get3A_764, %get3A_765] {strides = array<i32>} : memref<208x64xf32, #tpu.memory_space<vmem>>, vector<16xf32>,
      %add3A_767 = arith.addf %add3A_747, %get3A_766 : vector<16xf32>
      %mul3A_768 = arith.constant 16 : i32
      %mul3A_769 = arith.muli %while3A_563, %mul3A_768 : i32
      %add3A_770 = arith.constant 10 : i32
      %add3A_771 = arith.addi %mul3A_769, %add3A_770 : i32
      %get3A_772 = arith.index_cast %add3A_771 : i32 to index
      %get3A_773 = arith.constant 0 : index
      %get3A_774 = tpu.vector_load %arg9[%get3A_772, %get3A_773] {strides = array<i32>} : memref<208x64xf32, #tpu.memory_space<vmem>>, vector<16xf32>,
      %add3A_775 = arith.addf %add3A_755, %get3A_774 : vector<16xf32>
      %get3A_776 = arith.index_cast %add3A_771 : i32 to index
      %get3A_777 = arith.constant 16 : index
      %get3A_778 = tpu.vector_load %arg9[%get3A_776, %get3A_777] {strides = array<i32>} : memref<208x64xf32, #tpu.memory_space<vmem>>, vector<16xf32>,
      %add3A_779 = arith.addf %add3A_759, %get3A_778 : vector<16xf32>
      %get3A_780 = arith.index_cast %add3A_771 : i32 to index
      %get3A_781 = arith.constant 32 : index
      %get3A_782 = tpu.vector_load %arg9[%get3A_780, %get3A_781] {strides = array<i32>} : memref<208x64xf32, #tpu.memory_space<vmem>>, vector<16xf32>,
      %add3A_783 = arith.addf %add3A_763, %get3A_782 : vector<16xf32>
      %get3A_784 = arith.index_cast %add3A_771 : i32 to index
      %get3A_785 = arith.constant 48 : index
      %get3A_786 = tpu.vector_load %arg9[%get3A_784, %get3A_785] {strides = array<i32>} : memref<208x64xf32, #tpu.memory_space<vmem>>, vector<16xf32>,
      %add3A_787 = arith.addf %add3A_767, %get3A_786 : vector<16xf32>
      %mul3A_788 = arith.constant 16 : i32
      %mul3A_789 = arith.muli %while3A_563, %mul3A_788 : i32
      %add3A_790 = arith.constant 11 : i32
      %add3A_791 = arith.addi %mul3A_789, %add3A_790 : i32
      %get3A_792 = arith.index_cast %add3A_791 : i32 to index
      %get3A_793 = arith.constant 0 : index
      %get3A_794 = tpu.vector_load %arg9[%get3A_792, %get3A_793] {strides = array<i32>} : memref<208x64xf32, #tpu.memory_space<vmem>>, vector<16xf32>,
      %add3A_795 = arith.addf %add3A_775, %get3A_794 : vector<16xf32>
      %get3A_796 = arith.index_cast %add3A_791 : i32 to index
      %get3A_797 = arith.constant 16 : index
      %get3A_798 = tpu.vector_load %arg9[%get3A_796, %get3A_797] {strides = array<i32>} : memref<208x64xf32, #tpu.memory_space<vmem>>, vector<16xf32>,
      %add3A_799 = arith.addf %add3A_779, %get3A_798 : vector<16xf32>
      %get3A_800 = arith.index_cast %add3A_791 : i32 to index
      %get3A_801 = arith.constant 32 : index
      %get3A_802 = tpu.vector_load %arg9[%get3A_800, %get3A_801] {strides = array<i32>} : memref<208x64xf32, #tpu.memory_space<vmem>>, vector<16xf32>,
      %add3A_803 = arith.addf %add3A_783, %get3A_802 : vector<16xf32>
      %get3A_804 = arith.index_cast %add3A_791 : i32 to index
      %get3A_805 = arith.constant 48 : index
      %get3A_806 = tpu.vector_load %arg9[%get3A_804, %get3A_805] {strides = array<i32>} : memref<208x64xf32, #tpu.memory_space<vmem>>, vector<16xf32>,
      %add3A_807 = arith.addf %add3A_787, %get3A_806 : vector<16xf32>
      %mul3A_808 = arith.constant 16 : i32
      %mul3A_809 = arith.muli %while3A_563, %mul3A_808 : i32
      %add3A_810 = arith.constant 12 : i32
      %add3A_811 = arith.addi %mul3A_809, %add3A_810 : i32
      %get3A_812 = arith.index_cast %add3A_811 : i32 to index
      %get3A_813 = arith.constant 0 : index
      %get3A_814 = tpu.vector_load %arg9[%get3A_812, %get3A_813] {strides = array<i32>} : memref<208x64xf32, #tpu.memory_space<vmem>>, vector<16xf32>,
      %add3A_815 = arith.addf %add3A_795, %get3A_814 : vector<16xf32>
      %get3A_816 = arith.index_cast %add3A_811 : i32 to index
      %get3A_817 = arith.constant 16 : index
      %get3A_818 = tpu.vector_load %arg9[%get3A_816, %get3A_817] {strides = array<i32>} : memref<208x64xf32, #tpu.memory_space<vmem>>, vector<16xf32>,
      %add3A_819 = arith.addf %add3A_799, %get3A_818 : vector<16xf32>
      %get3A_820 = arith.index_cast %add3A_811 : i32 to index
      %get3A_821 = arith.constant 32 : index
      %get3A_822 = tpu.vector_load %arg9[%get3A_820, %get3A_821] {strides = array<i32>} : memref<208x64xf32, #tpu.memory_space<vmem>>, vector<16xf32>,
      %add3A_823 = arith.addf %add3A_803, %get3A_822 : vector<16xf32>
      %get3A_824 = arith.index_cast %add3A_811 : i32 to index
      %get3A_825 = arith.constant 48 : index
      %get3A_826 = tpu.vector_load %arg9[%get3A_824, %get3A_825] {strides = array<i32>} : memref<208x64xf32, #tpu.memory_space<vmem>>, vector<16xf32>,
      %add3A_827 = arith.addf %add3A_807, %get3A_826 : vector<16xf32>
      %mul3A_828 = arith.constant 16 : i32
      %mul3A_829 = arith.muli %while3A_563, %mul3A_828 : i32
      %add3A_830 = arith.constant 13 : i32
      %add3A_831 = arith.addi %mul3A_829, %add3A_830 : i32
      %get3A_832 = arith.index_cast %add3A_831 : i32 to index
      %get3A_833 = arith.constant 0 : index
      %get3A_834 = tpu.vector_load %arg9[%get3A_832, %get3A_833] {strides = array<i32>} : memref<208x64xf32, #tpu.memory_space<vmem>>, vector<16xf32>,
      %add3A_835 = arith.addf %add3A_815, %get3A_834 : vector<16xf32>
      %get3A_836 = arith.index_cast %add3A_831 : i32 to index
      %get3A_837 = arith.constant 16 : index
      %get3A_838 = tpu.vector_load %arg9[%get3A_836, %get3A_837] {strides = array<i32>} : memref<208x64xf32, #tpu.memory_space<vmem>>, vector<16xf32>,
      %add3A_839 = arith.addf %add3A_819, %get3A_838 : vector<16xf32>
      %get3A_840 = arith.index_cast %add3A_831 : i32 to index
      %get3A_841 = arith.constant 32 : index
      %get3A_842 = tpu.vector_load %arg9[%get3A_840, %get3A_841] {strides = array<i32>} : memref<208x64xf32, #tpu.memory_space<vmem>>, vector<16xf32>,
      %add3A_843 = arith.addf %add3A_823, %get3A_842 : vector<16xf32>
      %get3A_844 = arith.index_cast %add3A_831 : i32 to index
      %get3A_845 = arith.constant 48 : index
      %get3A_846 = tpu.vector_load %arg9[%get3A_844, %get3A_845] {strides = array<i32>} : memref<208x64xf32, #tpu.memory_space<vmem>>, vector<16xf32>,
      %add3A_847 = arith.addf %add3A_827, %get3A_846 : vector<16xf32>
      %mul3A_848 = arith.constant 16 : i32
      %mul3A_849 = arith.muli %while3A_563, %mul3A_848 : i32
      %add3A_850 = arith.constant 14 : i32
      %add3A_851 = arith.addi %mul3A_849, %add3A_850 : i32
      %get3A_852 = arith.index_cast %add3A_851 : i32 to index
      %get3A_853 = arith.constant 0 : index
      %get3A_854 = tpu.vector_load %arg9[%get3A_852, %get3A_853] {strides = array<i32>} : memref<208x64xf32, #tpu.memory_space<vmem>>, vector<16xf32>,
      %add3A_855 = arith.addf %add3A_835, %get3A_854 : vector<16xf32>
      %get3A_856 = arith.index_cast %add3A_851 : i32 to index
      %get3A_857 = arith.constant 16 : index
      %get3A_858 = tpu.vector_load %arg9[%get3A_856, %get3A_857] {strides = array<i32>} : memref<208x64xf32, #tpu.memory_space<vmem>>, vector<16xf32>,
      %add3A_859 = arith.addf %add3A_839, %get3A_858 : vector<16xf32>
      %get3A_860 = arith.index_cast %add3A_851 : i32 to index
      %get3A_861 = arith.constant 32 : index
      %get3A_862 = tpu.vector_load %arg9[%get3A_860, %get3A_861] {strides = array<i32>} : memref<208x64xf32, #tpu.memory_space<vmem>>, vector<16xf32>,
      %add3A_863 = arith.addf %add3A_843, %get3A_862 : vector<16xf32>
      %get3A_864 = arith.index_cast %add3A_851 : i32 to index
      %get3A_865 = arith.constant 48 : index
      %get3A_866 = tpu.vector_load %arg9[%get3A_864, %get3A_865] {strides = array<i32>} : memref<208x64xf32, #tpu.memory_space<vmem>>, vector<16xf32>,
      %add3A_867 = arith.addf %add3A_847, %get3A_866 : vector<16xf32>
      %mul3A_868 = arith.constant 16 : i32
      %mul3A_869 = arith.muli %while3A_563, %mul3A_868 : i32
      %add3A_870 = arith.constant 15 : i32
      %add3A_871 = arith.addi %mul3A_869, %add3A_870 : i32
      %get3A_872 = arith.index_cast %add3A_871 : i32 to index
      %get3A_873 = arith.constant 0 : index
      %get3A_874 = tpu.vector_load %arg9[%get3A_872, %get3A_873] {strides = array<i32>} : memref<208x64xf32, #tpu.memory_space<vmem>>, vector<16xf32>,
      %add3A_875 = arith.addf %add3A_855, %get3A_874 : vector<16xf32>
      %get3A_876 = arith.index_cast %add3A_871 : i32 to index
      %get3A_877 = arith.constant 16 : index
      %get3A_878 = tpu.vector_load %arg9[%get3A_876, %get3A_877] {strides = array<i32>} : memref<208x64xf32, #tpu.memory_space<vmem>>, vector<16xf32>,
      %add3A_879 = arith.addf %add3A_859, %get3A_878 : vector<16xf32>
      %get3A_880 = arith.index_cast %add3A_871 : i32 to index
      %get3A_881 = arith.constant 32 : index
      %get3A_882 = tpu.vector_load %arg9[%get3A_880, %get3A_881] {strides = array<i32>} : memref<208x64xf32, #tpu.memory_space<vmem>>, vector<16xf32>,
      %add3A_883 = arith.addf %add3A_863, %get3A_882 : vector<16xf32>
      %get3A_884 = arith.index_cast %add3A_871 : i32 to index
      %get3A_885 = arith.constant 48 : index
      %get3A_886 = tpu.vector_load %arg9[%get3A_884, %get3A_885] {strides = array<i32>} : memref<208x64xf32, #tpu.memory_space<vmem>>, vector<16xf32>,
      %add3A_887 = arith.addf %add3A_867, %get3A_886 : vector<16xf32>
      scf.yield %add3A_875, %add3A_879, %add3A_883, %add3A_887 : vector<16xf32>, vector<16xf32>, vector<16xf32>, vector<16xf32>
    }
    %mul3A_510 = arith.constant 16 : i32
    %mul3A_511 = arith.muli %shift_right_arithmetic3A_406, %mul3A_510 : i32
    %sub3A_512 = arith.constant 200 : i32
    %sub3A_513 = arith.subi %sub3A_512, %mul3A_511 : i32
    %convert_element_type3A_514 = arith.sitofp %sub3A_513 : i32 to f32
    %rem3A_515 = arith.constant 127 : i32
    %rem3A_516 = arith.constant 32 : i32
    %rem3A_517 = arith.remsi %rem3A_515, %rem3A_516 : i32
    %get3A_518 = arith.constant 0 : i32
    %get3A_519 = arith.index_cast %get3A_518 : i32 to index
    %get3A_520 = arith.constant 0 : index
    %get3A_521 = tpu.vector_load %arg11[%get3A_519, %get3A_520] {strides = array<i32>} : memref<1x64xf32, #tpu.memory_space<vmem>>, vector<16xf32>,
    %mul3A_522 = vector.broadcast %convert_element_type3A_514 : f32 to vector<16xf32>
    %mul3A_523 = arith.mulf %mul3A_522, %get3A_521 : vector<16xf32>
    %add3A_524 = arith.addf %while3A_509#0, %mul3A_523 : vector<16xf32>
    %swap3A_525 = arith.index_cast %rem3A_517 : i32 to index
    %swap3A_526 = arith.constant 0 : index
    %swap3A_527 = tpu.vector_load %arg10[%swap3A_525, %swap3A_526] {strides = array<i32>} : memref<32x64xf32, #tpu.memory_space<vmem>>, vector<16xf32>,
    tpu.vector_store %arg10[%swap3A_525, %swap3A_526], %add3A_524 {strides = array<i32>} : memref<32x64xf32, #tpu.memory_space<vmem>>, vector<16xf32>,
    %get3A_528 = arith.constant 0 : i32
    %get3A_529 = arith.index_cast %get3A_528 : i32 to index
    %get3A_530 = arith.constant 16 : index
    %get3A_531 = tpu.vector_load %arg11[%get3A_529, %get3A_530] {strides = array<i32>} : memref<1x64xf32, #tpu.memory_space<vmem>>, vector<16xf32>,
    %mul3A_532 = vector.broadcast %convert_element_type3A_514 : f32 to vector<16xf32>
    %mul3A_533 = arith.mulf %mul3A_532, %get3A_531 : vector<16xf32>
    %add3A_534 = arith.addf %while3A_509#1, %mul3A_533 : vector<16xf32>
    %swap3A_535 = arith.index_cast %rem3A_517 : i32 to index
    %swap3A_536 = arith.constant 16 : index
    %swap3A_537 = tpu.vector_load %arg10[%swap3A_535, %swap3A_536] {strides = array<i32>} : memref<32x64xf32, #tpu.memory_space<vmem>>, vector<16xf32>,
    tpu.vector_store %arg10[%swap3A_535, %swap3A_536], %add3A_534 {strides = array<i32>} : memref<32x64xf32, #tpu.memory_space<vmem>>, vector<16xf32>,
    %get3A_538 = arith.constant 0 : i32
    %get3A_539 = arith.index_cast %get3A_538 : i32 to index
    %get3A_540 = arith.constant 32 : index
    %get3A_541 = tpu.vector_load %arg11[%get3A_539, %get3A_540] {strides = array<i32>} : memref<1x64xf32, #tpu.memory_space<vmem>>, vector<16xf32>,
    %mul3A_542 = vector.broadcast %convert_element_type3A_514 : f32 to vector<16xf32>
    %mul3A_543 = arith.mulf %mul3A_542, %get3A_541 : vector<16xf32>
    %add3A_544 = arith.addf %while3A_509#2, %mul3A_543 : vector<16xf32>
    %swap3A_545 = arith.index_cast %rem3A_517 : i32 to index
    %swap3A_546 = arith.constant 32 : index
    %swap3A_547 = tpu.vector_load %arg10[%swap3A_545, %swap3A_546] {strides = array<i32>} : memref<32x64xf32, #tpu.memory_space<vmem>>, vector<16xf32>,
    tpu.vector_store %arg10[%swap3A_545, %swap3A_546], %add3A_544 {strides = array<i32>} : memref<32x64xf32, #tpu.memory_space<vmem>>, vector<16xf32>,
    %get3A_548 = arith.constant 0 : i32
    %get3A_549 = arith.index_cast %get3A_548 : i32 to index
    %get3A_550 = arith.constant 48 : index
    %get3A_551 = tpu.vector_load %arg11[%get3A_549, %get3A_550] {strides = array<i32>} : memref<1x64xf32, #tpu.memory_space<vmem>>, vector<16xf32>,
    %mul3A_552 = vector.broadcast %convert_element_type3A_514 : f32 to vector<16xf32>
    %mul3A_553 = arith.mulf %mul3A_552, %get3A_551 : vector<16xf32>
    %add3A_554 = arith.addf %while3A_509#3, %mul3A_553 : vector<16xf32>
    %swap3A_555 = arith.index_cast %rem3A_517 : i32 to index
    %swap3A_556 = arith.constant 48 : index
    %swap3A_557 = tpu.vector_load %arg10[%swap3A_555, %swap3A_556] {strides = array<i32>} : memref<32x64xf32, #tpu.memory_space<vmem>>, vector<16xf32>,
    tpu.vector_store %arg10[%swap3A_555, %swap3A_556], %add3A_554 {strides = array<i32>} : memref<32x64xf32, #tpu.memory_space<vmem>>, vector<16xf32>,
    %sub3A_558 = arith.constant 127 : i32
    %sub3A_559 = arith.constant 31 : i32
    %sub3A_560 = arith.subi %sub3A_558, %sub3A_559 : i32
    %add3A_561 = arith.addi %mul3A_2, %sub3A_560 : i32
    %multiple_of3A_562 = tpu.assume_multiple %add3A_561, 32 : i32
    "tpu.region"() ({
      %run_scoped3A = tpu.sem_alloc : memref<!tpu.dma_semaphore, #tpu.memory_space<semaphore_mem>>
      %dma_start3A = arith.constant 0 : i32
      %dma_start3A_563 = tpu.memref_slice %arg4[%multiple_of3A_562, %dma_start3A] : memref<4096x64xf32, #tpu.memory_space<hbm>> -> memref<32x64xf32, #tpu.memory_space<hbm>>
      %dma_start3A_564 = arith.constant 0 : i32
      %dma_start3A_565 = tpu.memref_slice %arg4[%multiple_of3A_562, %dma_start3A_564] : memref<4096x64xf32, #tpu.memory_space<hbm>> -> memref<32x64xf32, #tpu.memory_space<hbm>>
      tpu.enqueue_dma source(%arg10 : memref<32x64xf32, #tpu.memory_space<vmem>>) target(%dma_start3A_565 : memref<32x64xf32, #tpu.memory_space<hbm>>) target_semaphore(%run_scoped3A : memref<!tpu.dma_semaphore, #tpu.memory_space<semaphore_mem>>)
      %dma_wait3A = arith.constant 0 : i32
      %dma_wait3A_566 = tpu.memref_slice %arg4[%multiple_of3A_562, %dma_wait3A] : memref<4096x64xf32, #tpu.memory_space<hbm>> -> memref<32x64xf32, #tpu.memory_space<hbm>>
      %dma_wait3A_567 = arith.constant 0 : i32
      %dma_wait3A_568 = tpu.memref_slice %arg4[%multiple_of3A_562, %dma_wait3A_567] : memref<4096x64xf32, #tpu.memory_space<hbm>> -> memref<32x64xf32, #tpu.memory_space<hbm>>
      tpu.wait_dma2 semaphore(%run_scoped3A : memref<!tpu.dma_semaphore, #tpu.memory_space<semaphore_mem>>) src(%arg10 : memref<32x64xf32, #tpu.memory_space<vmem>>) dst(%dma_wait3A_568 : memref<32x64xf32, #tpu.memory_space<hbm>>)
      tpu.yield
    }) : () -> ()
    return
  }
}

module attributes {stable_mosaic.version = 14 : i64} {
  func.func @_mlp_body(%arg0: memref<4096x64xf32, #tpu.memory_space<vmem>>, %arg1: memref<4096x200xi32, #tpu.memory_space<vmem>>, %arg2: memref<4096x200xi32, #tpu.memory_space<vmem>>, %arg3: memref<4096x1xi32, #tpu.memory_space<vmem>>, %arg4: memref<64x64xf32, #tpu.memory_space<vmem>>, %arg5: memref<1x64xf32, #tpu.memory_space<vmem>>, %arg6: memref<64x64xf32, #tpu.memory_space<vmem>>, %arg7: memref<1x64xf32, #tpu.memory_space<vmem>>, %arg8: memref<64x128xf32, #tpu.memory_space<vmem>>, %arg9: memref<1x128xf32, #tpu.memory_space<vmem>>, %arg10: memref<1x1xf32, #tpu.memory_space<smem>>, %arg11: memref<4096x7xf32, #tpu.memory_space<vmem>>) attributes {dimension_semantics = [], scalar_prefetch = 0 : i64, scratch_operands = 0 : i64, tpu.core_type = #tpu.core_type<tc>} {
    %get3A = arith.constant 0 : index
    %get3A_0 = arith.constant 0 : index
    %get3A_1 = vector.load %arg1[%get3A, %get3A_0] : memref<4096x200xi32, #tpu.memory_space<vmem>>, vector<4096x200xi32>
    %get3A_2 = arith.constant 0 : index
    %get3A_3 = arith.constant 0 : index
    %get3A_4 = vector.load %arg2[%get3A_2, %get3A_3] : memref<4096x200xi32, #tpu.memory_space<vmem>>, vector<4096x200xi32>
    %mul3A = arith.muli %get3A_1, %get3A_4 : vector<4096x200xi32>
    %convert_element_type3A = arith.sitofp %mul3A : vector<4096x200xi32> to vector<4096x200xf32>
    %reduce_sum3A = arith.constant dense<0.000000e+00> : vector<4096xf32>
    %reduce_sum3A_5 = vector.multi_reduction <add>, %convert_element_type3A, %reduce_sum3A [1] : vector<4096x200xf32> to vector<4096xf32>
    %broadcast_in_dim3A = vector.shape_cast %reduce_sum3A_5 : vector<4096xf32> to vector<4096x1xf32>
    %get3A_6 = arith.constant 0 : index
    %get3A_7 = arith.constant 0 : index
    %get3A_8 = vector.load %arg0[%get3A_6, %get3A_7] : memref<4096x64xf32, #tpu.memory_space<vmem>>, vector<4096x64xf32>
    %div3A = vector.broadcast %broadcast_in_dim3A : vector<4096x1xf32> to vector<4096x64xf32>
    %div3A_9 = arith.divf %get3A_8, %div3A : vector<4096x64xf32>
    %get3A_10 = arith.constant 0 : index
    %get3A_11 = arith.constant 0 : index
    %get3A_12 = vector.load %arg4[%get3A_10, %get3A_11] : memref<64x64xf32, #tpu.memory_space<vmem>>, vector<64x64xf32>
    %dot_general3A = arith.constant dense<0.000000e+00> : vector<4096x64xf32>
    %dot_general3A_13 = tpu.matmul %div3A_9, %get3A_12, %dot_general3A {dimension_numbers = #tpu.dot_dimension_numbers<[1], [0], [0], [1], [0, 0, 1, 1], [], []>, precision = #tpu.contract_precision<fp32>, transpose_lhs_hint = false} : vector<4096x64xf32>, vector<64x64xf32>, vector<4096x64xf32> -> vector<4096x64xf32>
    %get3A_14 = arith.constant 0 : index
    %get3A_15 = arith.constant 0 : index
    %get3A_16 = vector.load %arg5[%get3A_14, %get3A_15] : memref<1x64xf32, #tpu.memory_space<vmem>>, vector<1x64xf32>
    %add3A = vector.broadcast %get3A_16 : vector<1x64xf32> to vector<4096x64xf32>
    %add3A_17 = arith.addf %dot_general3A_13, %add3A : vector<4096x64xf32>
    %max3A = arith.constant 0.000000e+00 : f32
    %max3A_18 = vector.broadcast %max3A : f32 to vector<4096x64xf32>
    %max3A_19 = arith.maximumf %add3A_17, %max3A_18 : vector<4096x64xf32>
    %get3A_20 = arith.constant 0 : index
    %get3A_21 = arith.constant 0 : index
    %get3A_22 = vector.load %arg6[%get3A_20, %get3A_21] : memref<64x64xf32, #tpu.memory_space<vmem>>, vector<64x64xf32>
    %dot_general3A_23 = arith.constant dense<0.000000e+00> : vector<4096x64xf32>
    %dot_general3A_24 = tpu.matmul %max3A_19, %get3A_22, %dot_general3A_23 {dimension_numbers = #tpu.dot_dimension_numbers<[1], [0], [0], [1], [0, 0, 1, 1], [], []>, precision = #tpu.contract_precision<fp32>, transpose_lhs_hint = false} : vector<4096x64xf32>, vector<64x64xf32>, vector<4096x64xf32> -> vector<4096x64xf32>
    %get3A_25 = arith.constant 0 : index
    %get3A_26 = arith.constant 0 : index
    %get3A_27 = vector.load %arg7[%get3A_25, %get3A_26] : memref<1x64xf32, #tpu.memory_space<vmem>>, vector<1x64xf32>
    %add3A_28 = vector.broadcast %get3A_27 : vector<1x64xf32> to vector<4096x64xf32>
    %add3A_29 = arith.addf %dot_general3A_24, %add3A_28 : vector<4096x64xf32>
    %max3A_30 = arith.constant 0.000000e+00 : f32
    %max3A_31 = vector.broadcast %max3A_30 : f32 to vector<4096x64xf32>
    %max3A_32 = arith.maximumf %add3A_29, %max3A_31 : vector<4096x64xf32>
    %get3A_33 = arith.constant 0 : index
    %get3A_34 = arith.constant 0 : index
    %get3A_35 = vector.load %arg8[%get3A_33, %get3A_34] : memref<64x128xf32, #tpu.memory_space<vmem>>, vector<64x128xf32>
    %dot_general3A_36 = arith.constant dense<0.000000e+00> : vector<4096x128xf32>
    %dot_general3A_37 = tpu.matmul %max3A_32, %get3A_35, %dot_general3A_36 {dimension_numbers = #tpu.dot_dimension_numbers<[1], [0], [0], [1], [0, 0, 1, 1], [], []>, precision = #tpu.contract_precision<fp32>, transpose_lhs_hint = false} : vector<4096x64xf32>, vector<64x128xf32>, vector<4096x128xf32> -> vector<4096x128xf32>
    %get3A_38 = arith.constant 0 : index
    %get3A_39 = arith.constant 0 : index
    %get3A_40 = vector.load %arg9[%get3A_38, %get3A_39] : memref<1x128xf32, #tpu.memory_space<vmem>>, vector<1x128xf32>
    %add3A_41 = vector.broadcast %get3A_40 : vector<1x128xf32> to vector<4096x128xf32>
    %add3A_42 = arith.addf %dot_general3A_37, %add3A_41 : vector<4096x128xf32>
    %iota3A = tpu.iota {dimensions = array<i32: 1>} : vector<4096x128xi32>
    %lt3A = arith.constant 7 : i32
    %lt3A_43 = vector.broadcast %lt3A : i32 to vector<4096x128xi32>
    %lt3A_44 = arith.cmpi slt, %iota3A, %lt3A_43 : vector<4096x128xi32>
    %jit3A = arith.constant -1.000000e+30 : f32
    %broadcast_in_dim3A_45 = vector.broadcast %jit3A : f32 to vector<4096x128xf32>
    %select_n3A = arith.select %lt3A_44, %add3A_42, %broadcast_in_dim3A_45 : vector<4096x128xi1>, vector<4096x128xf32>
    %reduce_max3A = arith.constant dense<0xFF800000> : vector<4096xf32>
    %reduce_max3A_46 = vector.multi_reduction <maximumf>, %select_n3A, %reduce_max3A [1] : vector<4096x128xf32> to vector<4096xf32>
    %broadcast_in_dim3A_47 = vector.shape_cast %reduce_max3A_46 : vector<4096xf32> to vector<4096x1xf32>
    %sub3A = vector.broadcast %broadcast_in_dim3A_47 : vector<4096x1xf32> to vector<4096x128xf32>
    %sub3A_48 = arith.subf %add3A_42, %sub3A : vector<4096x128xf32>
    %exp3A = math.exp %sub3A_48 : vector<4096x128xf32>
    %jit3A_49 = arith.constant 0.000000e+00 : f32
    %broadcast_in_dim3A_50 = vector.broadcast %jit3A_49 : f32 to vector<4096x128xf32>
    %select_n3A_51 = arith.select %lt3A_44, %exp3A, %broadcast_in_dim3A_50 : vector<4096x128xi1>, vector<4096x128xf32>
    %reduce_sum3A_52 = arith.constant dense<0.000000e+00> : vector<4096xf32>
    %reduce_sum3A_53 = vector.multi_reduction <add>, %select_n3A_51, %reduce_sum3A_52 [1] : vector<4096x128xf32> to vector<4096xf32>
    %broadcast_in_dim3A_54 = vector.shape_cast %reduce_sum3A_53 : vector<4096xf32> to vector<4096x1xf32>
    %sub3A_55 = vector.broadcast %broadcast_in_dim3A_47 : vector<4096x1xf32> to vector<4096x128xf32>
    %sub3A_56 = arith.subf %add3A_42, %sub3A_55 : vector<4096x128xf32>
    %log3A = math.log %broadcast_in_dim3A_54 : vector<4096x1xf32>
    %sub3A_57 = vector.broadcast %log3A : vector<4096x1xf32> to vector<4096x128xf32>
    %sub3A_58 = arith.subf %sub3A_56, %sub3A_57 : vector<4096x128xf32>
    %get3A_59 = arith.constant 0 : index
    %get3A_60 = arith.constant 0 : index
    %get3A_61 = vector.load %arg3[%get3A_59, %get3A_60] : memref<4096x1xi32, #tpu.memory_space<vmem>>, vector<4096x1xi32>
    %eq3A = vector.broadcast %get3A_61 : vector<4096x1xi32> to vector<4096x128xi32>
    %eq3A_62 = arith.cmpi eq, %iota3A, %eq3A : vector<4096x128xi32>
    %jit3A_63 = arith.constant 0.000000e+00 : f32
    %broadcast_in_dim3A_64 = vector.broadcast %jit3A_63 : f32 to vector<4096x128xf32>
    %select_n3A_65 = arith.select %eq3A_62, %sub3A_58, %broadcast_in_dim3A_64 : vector<4096x128xi1>, vector<4096x128xf32>
    %reduce_sum3A_66 = vector.shape_cast %select_n3A_65 : vector<4096x128xf32> to vector<1x4096x128xf32>
    %reduce_sum3A_67 = arith.constant dense<0.000000e+00> : vector<1xf32>
    %reduce_sum3A_68 = vector.multi_reduction <add>, %reduce_sum3A_66, %reduce_sum3A_67 [1, 2] : vector<1x4096x128xf32> to vector<1xf32>
    %reduce_sum3A_69 = vector.shape_cast %reduce_sum3A_68 : vector<1xf32> to vector<1x1x1xf32>
    %reduce_sum3A_70 = vector.extract %reduce_sum3A_69[0, 0, 0] : f32 from vector<1x1x1xf32>
    %neg3A = arith.constant 0.000000e+00 : f32
    %neg3A_71 = arith.subf %neg3A, %reduce_sum3A_70 : f32
    %div3A_72 = arith.constant 4.096000e+03 : f32
    %div3A_73 = arith.divf %neg3A_71, %div3A_72 : f32
    %swap3A = arith.constant 0 : index
    %swap3A_74 = arith.constant 0 : index
    %swap3A_75 = memref.load %arg10[%swap3A, %swap3A_74] : memref<1x1xf32, #tpu.memory_space<smem>>
    memref.store %div3A_73, %arg10[%swap3A, %swap3A_74] : memref<1x1xf32, #tpu.memory_space<smem>>
    %slice3A = vector.extract_strided_slice %add3A_42 {offsets = [0, 0], sizes = [4096, 7], strides = [1, 1]} : vector<4096x128xf32> to vector<4096x7xf32>
    %swap3A_76 = arith.constant 0 : index
    %swap3A_77 = arith.constant 0 : index
    %swap3A_78 = vector.load %arg11[%swap3A_76, %swap3A_77] : memref<4096x7xf32, #tpu.memory_space<vmem>>, vector<4096x7xf32>
    tpu.vector_store %arg11[%swap3A_76, %swap3A_77], %slice3A {strides = array<i32>} : memref<4096x7xf32, #tpu.memory_space<vmem>>, vector<4096x7xf32>,
    return
  }
}

</mosaic_0001>

<sc_bundles>
// kernel: kernel.4.cloned.1.call-start
scs
__scs_entry_jumppad:
0x0: {  	(pc) =	sbr.rel $0x88, $3  }
0x1: {  	(tag) =	ssettag $0x0;
	lr =	simm.s32 $0x1  }
0x2: {  	[smem:$0x3F96] =	sst lr;
	_ =	strace $0xD0000000  }
0x3: {  	_ = 	snop  }
0x4: {  	_ = 	snop  }
0x5: {  	_ = 	snop  }
0x6: {  	_ = 	snop  }
0x7: {  	_ = 	snop  }
__scs_overlays_trampoline_lowered:
0x8: {  	[smem:$0x3FA5] =	sst s0  }
0x9: {  	[smem:$0x3FA6] =	sst s1  }
0xa: {  	[smem:$0x3FA7] =	sst s2  }
0xb: {  	[smem:$0x3FA8] =	sst s3  }
0xc: {  	[smem:$0x3FA9] =	sst s4  }
0xd: {  	[smem:$0x3FAA] =	sst s5  }
0xe: {  	[smem:$0x3FAB] =	sst s6  }
0xf: {  	[smem:$0x3FAC] =	sst s7  }
0x10: {  	[smem:$0x3FAD] =	sst s8  }
0x11: {  	[smem:$0x3FAE] =	sst s9;
	s0 =	simm.s32 @!p0 $0x0  }
0x12: {  	s1 =	sld [smem:$0x3F94];
	s0 =	simm.s32 @p0 $0x1  }
0x13: {  	[smem:$0x3FAF] =	sst s0;
	s0 =	simm.s32 @!p1 $0x0  }
0x14: {  	s2 =	sld [smem:$0x3F93];
	s0 =	simm.s32 @p1 $0x1  }
0x15: {  	[smem:$0x3FB0] =	sst s0;
	s0 =	simm.s32 @!p2 $0x0  }
0x16: {  	s3 =	sld [smem:$0x3FDB];
	s0 =	simm.s32 @p2 $0x1  }
0x17: {  	s4 =	simm.s32 $0x1BF5;
	[smem:$0x3FB2] =	sst s0  }
0x18: {  	s0 =	sld [smem:$0x3F95];
	_ =	swait.ge [sflag:s4], $0x0  }
0x19: {  	s7 =	sld [smem:$0x3F96]  }
0x1a: {  	s8 =	sadd.s32 $0xFFFFE003, lr  }
0x1b: {  	s9 =	sadd.s32 $0xFFFFFEF7, lr;
	s5 =	simm.s32 $0xFFFFFFFF;
	p2 =	slt.u32 s8, $0xFFFFF086  }
0x1c: {  	p1 =	slt.u32 s9, $0xF7A;
	s5 =	simm.s32 @!p2 $0x0  }
0x1d: {  	s5 =	simm.s32 @p1 $0x1;
	p0 =	seq.s32 s7, s2  }
0x1e: {  	s7 =	smul.u32 @!p0 $0xF7A, s2;
	p2 =	seq.s32 @!p0 s5, $0x0  }
0x1f: {  	s9 =	smul.u32 $0xF7A, s1;
	s8 =	simm.s32 @!p0 $0x1BF5;
	p2 =	por !p2, p0  }
0x20: {  	[sflag:s8] =	ssyncset.s32 @!p0 $0xFFFFF086;
	s6 =	sadd.s32 @!p0 s3, s7;
	s7 =	simm.s32 @!p0 $0x108  }
0x21: {  	s3 =	sadd.s32 s3, s9;
	s6 =	sadd.s32 @!p0 $0x88, s6;
	s7 =	simm.s32 @p2 $0x1082  }
0x22: {  	[simem:s7], [sflag:s8] =	dma.local @!p0 [hbm:s6], $0xF7A  }
0x23: {  	s9 =	sor.u32 $0xD0000000, s2;
	s6 =	simm.s32 $0x108;
	_ =	swait.ge @!p0 [sflag:s8], $0x0  }
0x24: {  	s3 =	sadd.s32 $0x88, s3;
	s6 =	simm.s32 @!p1 $0x1082;
	[sflag:s4] =	ssyncset.s32 $0xFFFFF086  }
0x25: {  	[simem:s6], [sflag:s4] =	dma.local [hbm:s3], $0xF7A  }
0x26: {  	[smem:$0x3F96] =	sst s1;
	(tag) =	ssettag s2;
	_ =	strace s9  }
0x27: {  	s1 =	sld [smem:$0x3FA6]  }
0x28: {  	s2 =	sld [smem:$0x3FA7]  }
0x29: {  	s4 =	sld [smem:$0x3FA9]  }
0x2a: {  	p0 =	seq.s32 s5, $0x0;
	s5 =	sld [smem:$0x3FAA]  }
0x2b: {  	s6 =	sld [smem:$0x3FAB]  }
0x2c: {  	s7 =	sld [smem:$0x3FAC]  }
0x2d: {  	s3 =	simm.s32 $0x108;
	s8 =	sld [smem:$0x3FAD]  }
0x2e: {  	s3 =	simm.s32 @!p0 $0x1082;
	s9 =	sld [smem:$0x3FAE]  }
0x2f: {  	lr =	sadd.s32 s0, s3;
	s0 =	sld [smem:$0x3FA5]  }
0x30: {  	s3 =	sld [smem:$0x3FA8]  }
0x31: {  	[smem:$0x3FB1] =	sst s10  }
0x32: {  	s10 =	sld [smem:$0x3FAF];
	_ =	sdelay $0x3  }
0x33: {  	p0 =	seq.s32 s10, $0x1;
	s10 =	sld [smem:$0x3FB1];
	_ =	sdelay $0x3  }
0x34: {  	[smem:$0x3FB1] =	sst s10  }
0x35: {  	s10 =	sld [smem:$0x3FB0];
	_ =	sdelay $0x3  }
0x36: {  	p1 =	seq.s32 s10, $0x1;
	s10 =	sld [smem:$0x3FB1];
	_ =	sdelay $0x3  }
0x37: {  	[smem:$0x3FB1] =	sst s10  }
0x38: {  	s10 =	sld [smem:$0x3FB2]  }
0x39: {  	_ = 	snop;
	(pc) =	sbr.ind lr, $3  }
0x3a: {  	_ = 	snop  }
0x3b: {  	_ = 	snop  }
0x3c: {  	p2 =	seq.s32 s10, $0x1;
	s10 =	sld [smem:$0x3FB1]  }
0x3d: {  	_ =	shalt  }
0x3e: {  	_ =	shalt  }
0x3f: {  	_ =	shalt  }
0x40: {  	_ =	shalt  }
0x41: {  	_ =	shalt  }
0x42: {  	_ =	shalt  }
0x43: {  	_ =	shalt  }
0x44: {  	_ =	shalt  }
0x45: {  	_ =	shalt  }
0x46: {  	_ =	shalt  }
0x47: {  	_ =	shalt  }
0x48: {  	_ =	shalt  }
0x49: {  	_ =	shalt  }
0x4a: {  	_ =	shalt  }
0x4b: {  	_ =	shalt  }
0x4c: {  	_ =	shalt  }
0x4d: {  	_ =	shalt  }
0x4e: {  	_ =	shalt  }
0x4f: {  	_ =	shalt  }
0x50: {  	_ =	shalt  }
0x51: {  	_ =	shalt  }
0x52: {  	_ =	shalt  }
0x53: {  	_ =	shalt  }
0x54: {  	_ =	shalt  }
0x55: {  	_ =	shalt  }
0x56: {  	_ =	shalt  }
0x57: {  	_ =	shalt  }
0x58: {  	_ =	shalt  }
0x59: {  	_ =	shalt  }
0x5a: {  	_ =	shalt  }
0x5b: {  	_ =	shalt  }
0x5c: {  	_ =	shalt  }
0x5d: {  	_ =	shalt  }
0x5e: {  	_ =	shalt  }
0x5f: {  	_ =	shalt  }
0x60: {  	_ =	shalt  }
0x61: {  	_ =	shalt  }
0x62: {  	_ =	shalt  }
0x63: {  	_ =	shalt  }
0x64: {  	_ =	shalt  }
0x65: {  	_ =	shalt  }
0x66: {  	_ =	shalt  }
0x67: {  	_ =	shalt  }
0x68: {  	_ =	shalt  }
0x69: {  	_ =	shalt  }
0x6a: {  	_ =	shalt  }
0x6b: {  	_ =	shalt  }
0x6c: {  	_ =	shalt  }
0x6d: {  	_ =	shalt  }
0x6e: {  	_ =	shalt  }
0x6f: {  	_ =	shalt  }
0x70: {  	_ =	shalt  }
0x71: {  	_ =	shalt  }
0x72: {  	_ =	shalt  }
0x73: {  	_ =	shalt  }
0x74: {  	_ =	shalt  }
0x75: {  	_ =	shalt  }
0x76: {  	_ =	shalt  }
0x77: {  	_ =	shalt  }
0x78: {  	_ =	shalt  }
0x79: {  	_ =	shalt  }
0x7a: {  	_ =	shalt  }
0x7b: {  	_ =	shalt  }
0x7c: {  	_ =	shalt  }
0x7d: {  	_ =	shalt  }
0x7e: {  	_ =	shalt  }
0x7f: {  	_ =	shalt  }
0x80: {  	_ =	shalt  }
0x81: {  	_ =	shalt  }
0x82: {  	_ =	shalt  }
0x83: {  	_ =	shalt  }
0x84: {  	_ =	shalt  }
0x85: {  	_ =	shalt  }
0x86: {  	_ =	shalt  }
0x87: {  	_ =	shalt  }
.Lfunc_end0:
.L_simem_size_0:
called_computation_lowered:
.L_overlay_start_0:
0x88: {  	s2 =	sld [smem:$0x3FD9]  }
0x89: {  	s3 =	sld [smem:$0x3FFE];
	_ =	sdelay $0x1  }
0x8a: {  	s1 =	srdreg.scid  }
0x8b: {  	s0 =	sand.u32 $0x1, s1  }
0x8c: {  	s16 =	sshll.u32 s0, $0xA;
	s2 =	sadd.s32 s3, s2  }
0x8d: {  	s2 =	sadd.s32 s2, s16  }
0x8e: {  	[smem:$0x3FBD] =	sst s2  }
0x8f: {  	_ = 	snop  }
0x90: {  	(tm) =	ssettm $0x1  }
0x91: {  	s17 =	sld [smem:$0x3FFB];
	_ =	sdelay $0x3  }
0x92: {  	_ =	strace s17  }
0x93: {  	s2 =	sld [smem:$0x3FFC];
	_ =	sdelay $0x3  }
0x94: {  	_ =	strace s2  }
0x95: {  	s2 =	sld [smem:$0x3FFD];
	_ =	sdelay $0x3  }
0x96: {  	_ =	strace s2  }
0x97: {  	_ =	strace $0x8FFFFFFF  }
0x98: {  	s18 =	sld [smem:$0x3FDB];
	_ =	sdelay $0x1  }
0x99: {  	s19 =	simm.s32 $_scs_section_size  }
0x9a: {  	s4 =	simm.s32 $_size__tile_overlayer_lowered;
	s5 =	simm.s32 $_tile_overlayer_lowered  }
0x9b: {  	s22 =	simm.s32 $0x1BFF;
	s21 =	sshll.u32 s5, $0x1;
	s2 =	sadd.s32 s19, s18  }
0x9c: {  	s6 =	simm.s32 $0x0;
	s20 =	sshll.u32 s4, $0x1;
	s4 =	sadd.s32 s21, s2  }
0x9d: {  	[timem:s6], [sflag:s22] =	dma.local [hbm:s4], s20  }
0x9e: {  	_ =	swait.ge [sflag:s22], s20  }
0x9f: {  	s3 =	ssub.s32 $0x0, s20;
	[sflag:s22] =	ssyncset.done $0x0  }
0xa0: {  	[sflag:s22] =	ssyncadd.s32 s3;
	_ =	sdelay $0x1  }
0xa1: {  	s23 =	simm.s32 $0x1B8B  }
0xa2: {  	_ =	swait.ge [sflag:s23], $0x1  }
0xa3: {  	[sflag:s23] =	ssyncset.done $0x0  }
0xa4: {  	s25 =	simm.s32 $0x1B8E;
	s24 =	sld [smem:$0x3FFE];
	[sflag:s23] =	ssyncadd.s32 $0xFFFFFFFF  }
0xa5: {  	s26 =	simm.s32 $execute0_lowered;
	[smem:$0x3FD2] =	sst s25  }
0xa6: {  	s4 =	sshll.u32 s26, $0x1;
	_ =	strace $0x80000046;
	[dreg:$0x1] =	wrdreg $0xFFFFFFFF  }
0xa7: {  	s28 =	simm.s32 $_size_execute0_lowered;
	s2 =	sadd.s32 s2, s4;
	[dreg:$0x0] =	wrdreg $0x0  }
0xa8: {  	s4 =	sshll.u32 s28, $0x1;
	[dreg:$0x2] =	wrdreg s2  }
0xa9: {  	[dreg:$0x3] =	wrdreg s4  }
0xaa: {  	[dreg:$0x4] =	wrdreg $0xC0  }
0xab: {  	_ =	task [dreg:s6], $0x5FFFF  }
0xac: {  	[dreg:$0x1] =	wrdreg $0xFFFFFFFF  }
0xad: {  	[dreg:$0x0] =	wrdreg $0x60  }
0xae: {  	[dreg:$0x2] =	wrdreg s24  }
0xaf: {  	[dreg:$0x3] =	wrdreg $0x9  }
0xb0: {  	_ =	task.clear_ibuf [dreg:s6], $0x4FFFF;
	_ =	strace $0x90000046  }
0xb1: {  	s29 =	simm.s32 $0x9;
	_ =	strace $0x80000048  }
0xb2: {  	_ =	swait.ge [sflag:s29], $0x1  }
0xb3: {  	[sflag:s29] =	ssyncadd.s32 $0xFFFFFFFF  }
0xb4: {  	_ =	strace $0x90000048  }
0xb5: {  	_ =	sfence  }
0xb6: {  	s30 =	sld [smem:$0x0];
	_ =	sdelay $0x2  }
0xb7: {  	s31 =	sshll.u32 s1, $0xD;
	s1 =	sshrl.u32 s1, $0x2  }
0xb8: {  	s3 =	sand.u32 $0x4000, s31;
	s1 =	sadd.s32 s1, s30  }
0xb9: {  	s0 =	sor.u32 s3, s0;
	s1 =	sshll.u32 s1, $0x11  }
0xba: {  	s0 =	sor.u32 s1, s0  }
0xbb: {  	s0 =	sadd.s32 $0x8F2B, s0  }
0xbc: {  	[sflag:s0] =	ssyncadd.remote.s32 $0x1  }
0xbd: {  	_ =	sfence.sel $0xFFFF  }
0xbe: {  	[dreg:$0x0] =	wrdreg $0xFFFFFFFF;
	(pc) =	sbr.abs _section_cstart, $3  }
0xbf: {  	[dreg:$0x1] =	wrdreg $0xFFFFFFFF  }
0xc0: {  	_ =	task.clear_ibuf [dreg:s6], $0x2FFFF;
	_ =	strace $0x9FFFFFFF  }
0xc1: {  	(tm) =	ssettm $0x7FFFFFFF  }
tec
execute0_lowered:
.L_overlay_start_1:
0x0: {  	(tag) =	ssettag $0x1  }
0x1: {  	s6 =	rddreg [dreg:$0x0]  }
0x2: {  	s0 =	rddreg [dreg:$0x1];
	s3 =	srdreg.scid;
	s2 =	simm.s32 $0x0  }
0x3: {  	s1 =	stileid.u32;
	s12 =	simm.s32 $0x3;
	s13 =	simm.s32 $0x1  }
0x4: {  	s14 =	simm.s32 $0x2;
	s15 =	simm.s32 $0x82C0;
	s16 =	simm.s32 $0x0  }
0x5: {  	s7 =	sand.u32 $0x1, s3;
	[smem:$0x7FF] =	sst s2;
	s4 =	sshll.u32 s1, $0x8  }
0x6: {  	s3 =	sadd.s32 $0x21A00, s6;
	s5 =	sshll.u32 s7, $0x7;
	_ =	strace $0x80000047  }
.Ltmp0:
0x7: {  	s7 =	ssub.s32 $0x2, s7;
	s4 =	sor.u32 s5, s4;
	(pc) =	sbr.rel .LBB2_1-.Ltmp0, $4  }
0x8: {  	s5 =	sadd.s32 $0xF7CE00, s6;
	s6 =	sadd.s32 $0x3AA00, s6;
	s9 =	sshrl.u32 s7, $0x1  }
0x9: {  	s8 =	smul.u32 $0x19, s4;
	s10 =	sshll.u32 s4, $0x3;
	s11 =	ssub.s32 s7, s9  }
0xa: {  	s31 =	sadd.s32 s10, s6;
	s10 =	smax.u32 s11, $0x1;
	s11 =	simm.s32 $0x8AC0  }
0xb: {  	v0 =	vimm.s32 $0x0;
	vm0 =	vcmask $0x3F20;
	vm1 =	vmmov $0xffff;
	s7 =	sadd.s32 s3, s8;
	s8 =	sadd.s32 $0x3FFFFE2, s4;
	s9 =	sadd.s32 $0x300, s31  }
.LBB2_46:
0xc: {  	v39 =	vld [tilespmem:s17+$0xFFFFFE60]  }
0xd: {  	v40 =	vld [tilespmem:s17+$0xFFFFFE70]  }
0xe: {  	v41 =	vld [tilespmem:s17+$0xFFFFFEA0]  }
0xf: {  	v27 =	vadd.f32 v35, v27;
	v30 =	vadd.f32 v36, v30;
	v51 =	vld [tilespmem:s17+$0xFFFFFEB0]  }
0x10: {  	v28 =	vadd.f32 v37, v28;
	v29 =	vadd.f32 v38, v29;
	v52 =	vld [tilespmem:s17+$0xFFFFFEE0]  }
0x11: {  	v53 =	vld [tilespmem:s17+$0xFFFFFEF0];
	v27 =	vadd.f32 v33, v27;
	v30 =	vadd.f32 v34, v30  }
0x12: {  	v54 =	vld [tilespmem:s17+$0xFFFFFF20];
	v28 =	vadd.f32 v39, v28;
	v29 =	vadd.f32 v40, v29  }
0x13: {  	v55 =	vld [tilespmem:s17+$0xFFFFFF30];
	v27 =	vadd.f32 v31, v27;
	v30 =	vadd.f32 v32, v30  }
0x14: {  	v56 =	vld [tilespmem:s17+$0xFFFFFF60];
	v28 =	vadd.f32 v41, v28;
	v29 =	vadd.f32 v51, v29  }
0x15: {  	v57 =	vld [tilespmem:s17+$0xFFFFFF70];
	v25 =	vadd.f32 v25, v27;
	v26 =	vadd.f32 v26, v30  }
0x16: {  	v58 =	vld [tilespmem:s17+$0xFFFFFFA0];
	v28 =	vadd.f32 v52, v28;
	v29 =	vadd.f32 v53, v29  }
0x17: {  	v59 =	vld [tilespmem:s17+$0xFFFFFFB0];
	v23 =	vadd.f32 v23, v25;
	v24 =	vadd.f32 v24, v26  }
0x18: {  	v62 =	vld [tilespmem:s17+$0xFFFFFFE0];
	v60 =	vadd.f32 v54, v28;
	v61 =	vadd.f32 v55, v29  }
0x19: {  	v63 =	vld [tilespmem:s17+$0xFFFFFFF0];
	v21 =	vadd.f32 v21, v23;
	v22 =	vadd.f32 v22, v24  }
0x1a: {  	v33 =	vld [tilespmem:s17+$0x20];
	v31 =	vadd.f32 v56, v60;
	v32 =	vadd.f32 v57, v61  }
0x1b: {  	v34 =	vld [tilespmem:s17+$0x30];
	v19 =	vadd.f32 v19, v21;
	v20 =	vadd.f32 v20, v22  }
0x1c: {  	v37 =	vld [tilespmem:s17+$0x60];
	v35 =	vadd.f32 v58, v31;
	v36 =	vadd.f32 v59, v32  }
0x1d: {  	v38 =	vld [tilespmem:s17+$0x70];
	v17 =	vadd.f32 v17, v19;
	v18 =	vadd.f32 v18, v20  }
0x1e: {  	v42 =	vld [tilespmem:s17+$0xB0];
	v39 =	vadd.f32 v62, v35;
	v40 =	vadd.f32 v63, v36  }
0x1f: {  	v41 =	vld [tilespmem:s17+$0xA0];
	v15 =	vadd.f32 v15, v17;
	v16 =	vadd.f32 v16, v18  }
0x20: {  	v45 =	vld [tilespmem:s17+$0xE0];
	v43 =	vadd.f32 v33, v39;
	v44 =	vadd.f32 v34, v40  }
0x21: {  	v46 =	vld [tilespmem:s17+$0xF0];
	v13 =	vadd.f32 v13, v15;
	v14 =	vadd.f32 v14, v16  }
0x22: {  	v49 =	vld [tilespmem:s17+$0x120];
	v47 =	vadd.f32 v37, v43;
	v48 =	vadd.f32 v38, v44  }
0x23: {  	v50 =	vld [tilespmem:s17+$0x130];
	v11 =	vadd.f32 v11, v13;
	v12 =	vadd.f32 v12, v14  }
0x24: {  	v53 =	vld [tilespmem:s17+$0x160];
	v51 =	vadd.f32 v41, v47;
	v52 =	vadd.f32 v42, v48  }
0x25: {  	v54 =	vld [tilespmem:s17+$0x170];
	v9 =	vadd.f32 v9, v11;
	v10 =	vadd.f32 v10, v12  }
0x26: {  	v57 =	vld [tilespmem:s17+$0x1A0];
	v55 =	vadd.f32 v45, v51;
	v56 =	vadd.f32 v46, v52  }
0x27: {  	v58 =	vld [tilespmem:s17+$0x1B0];
	v7 =	vadd.f32 v7, v9;
	v8 =	vadd.f32 v8, v10  }
0x28: {  	v61 =	vld [tilespmem:s17+$0x1E0];
	v59 =	vadd.f32 v49, v55;
	v60 =	vadd.f32 v50, v56  }
0x29: {  	v5 =	vadd.f32 v5, v7;
	v6 =	vadd.f32 v6, v8;
	v7 =	vld [tilespmem:s17+$0x1F0]  }
0x2a: {  	v62 =	vadd.f32 v53, v59;
	v63 =	vadd.f32 v54, v60  }
0x2b: {  	v2 =	vadd.f32 v2, v5;
	v4 =	vadd.f32 v4, v6  }
0x2c: {  	v5 =	vadd.f32 v57, v62;
	v6 =	vadd.f32 v58, v63  }
0x2d: {  	v1 =	vadd.f32 v1, v2;
	v4 =	vadd.f32 v3, v4  }
0x2e: {  	v2 =	vadd.f32 v61, v5;
	v3 =	vadd.f32 v7, v6  }
.LBB2_47:
0x2f: {  	v5 =	vld [tilespmem:$0x8AC0]  }
0x30: {  	s17 =	sand.u32 $0xFFFFFFF0, s18;
	v6 =	vld [tilespmem:$0x8AD0]  }
0x31: {  	v7 =	vld [tilespmem:$0x8AE0];
	s17 =	ssub.s32 $0xC8, s17  }
0x32: {  	v8 =	vld [tilespmem:$0x8AF0];
	s17 =	scvt.s32.f32 s17;
	_ =	sdelay $0x1  }
0x33: {  	v5 =	vmul.f32 s17, v5  }
0x34: {  	v6 =	vmul.f32 s17, v6  }
0x35: {  	v62 =	vmul.f32 s17, v7;
	v1 =	vadd.f32 v5, v1  }
0x36: {  	v63 =	vmul.f32 s17, v8;
	v4 =	vadd.f32 v6, v4  }
0x37: {  	[tilespmem:$0x8A80] =	vst v1;
	v1 =	vadd.f32 v62, v2  }
0x38: {  	s16 =	sadd.s32 $0x1, s16;
	[tilespmem:$0x8A90] =	vst v4;
	v2 =	vadd.f32 v63, v3  }
0x39: {  	p0 =	sne.s32 s16, s10;
	[tilespmem:$0x8AA0] =	vst v1  }
.Ltmp1:
0x3a: {  	[tilespmem:$0x8AB0] =	vst v2;
	(pc) =	sbr.rel @!p0 .LBB2_48-.Ltmp1, $4  }
0x3b: {  	[hbm4b:s9+s2] =	stream.linear.scatter [tilespmem:s15], [sflag:$0x3], $0x800, $0x38;
	[tilespmem:$0x8B00] =	vst v63  }
0x3c: {  	_ =	swait.ge [sflag:s12], $0x800  }
0x3d: {  	[sflag:s12] =	ssyncset.done $0x0  }
0x3e: {  	[sflag:s12] =	ssyncadd.s32 $0xFFFFF800  }
.LBB2_1:
0x3f: {  	[tilespmem:s11], [sflag:$0x3] =	stream.linear.gather [hbm4b:s5+s2], $0x40, $0x38;
	[tilespmem:$0x8B00] =	vst v63  }
0x40: {  	_ =	swait.ge [sflag:s12], $0x40  }
0x41: {  	[sflag:s12] =	ssyncset.done $0x0  }
0x42: {  	[sflag:s12] =	ssyncadd.s32 $0xFFFFFFC0  }
0x43: {  	[tilespmem:s2], [sflag:$0x3] =	stream.linear.gather [hbm4b:s7+s2], $0x1900, $0x38;
	[tilespmem:$0x8B00] =	vst v63  }
0x44: {  	_ =	swait.ge [sflag:s12], $0x1900  }
0x45: {  	[sflag:s12] =	ssyncset.done $0x0  }
0x46: {  	[sflag:s12] =	ssyncadd.s32 $0xFFFFE700  }
0x47: {  	v1 =	vld [tilespmem:$0x0];
	_ =	sdelay $0x4  }
0x48: {  	vm2 =	vgt.s32 v1, $0x0  }
0x49: {  	v2 =	vsel vm2, $0x1, v0  }
0x4a: {  	(xrf0) =	vadd.scan.msk.s32 $0xffff, v2;
	_ =	sdelay $0x5  }
0x4b: {  	v2, _, _ =	vpop (xrf0)  }
0x4c: {  	(v2sf) =	vpush v2, $0xF;
	_ =	sdelay $0x7  }
0x4d: {  	s18 =	simm.s32 $0x1900  }
0x4e: {  	[tilespmem:s18+$0x0] =	vst.msk vm2, v1  }
0x4f: {  	v1 =	vld [tilespmem:$0x10];
	_ =	sdelay $0x4  }
0x50: {  	vm2 =	vgt.s32 v1, $0x0;
	s17 =	spop (v2sf)  }
0x51: {  	[tilespmem:s17+$0x1900] =	vst.msk vm2, v1;
	v1 =	vsel vm2, $0x1, v0  }
0x52: {  	(xrf0) =	vadd.scan.msk.s32 $0xffff, v1;
	v1 =	vld [tilespmem:$0x20];
	_ =	sdelay $0x4  }
0x53: {  	vm2 =	vgt.s32 v1, $0x0  }
0x54: {  	v2, _, _ =	vpop (xrf0);
	v3 =	vsel vm2, $0x1, v0  }
0x55: {  	(v2sf) =	vpush v2, $0xF;
	(xrf0) =	vadd.scan.msk.s32 $0xffff, v3;
	_ =	sdelay $0x5  }
0x56: {  	v2, _, _ =	vpop (xrf0)  }
0x57: {  	(v2sf) =	vpush v2, $0xF;
	_ =	sdelay $0x7  }
0x58: {  	s19 =	spop (v2sf)  }
0x59: {  	s17 =	sadd.s32 s17, s19  }
0x5a: {  	[tilespmem:s17+$0x1900] =	vst.msk vm2, v1  }
0x5b: {  	v1 =	vld [tilespmem:$0x30];
	_ =	sdelay $0x3  }
0x5c: {  	s20 =	spop (v2sf)  }
0x5d: {  	s17 =	sadd.s32 s17, s20;
	vm2 =	vgt.s32 v1, $0x0  }
0x5e: {  	[tilespmem:s17+$0x1900] =	vst.msk vm2, v1;
	v1 =	vsel vm2, $0x1, v0  }
0x5f: {  	(xrf0) =	vadd.scan.msk.s32 $0xffff, v1;
	v1 =	vld [tilespmem:$0x40];
	_ =	sdelay $0x4  }
0x60: {  	vm2 =	vgt.s32 v1, $0x0  }
0x61: {  	v2, _, _ =	vpop (xrf0);
	v3 =	vsel vm2, $0x1, v0  }
0x62: {  	(v2sf) =	vpush v2, $0xF;
	(xrf0) =	vadd.scan.msk.s32 $0xffff, v3;
	_ =	sdelay $0x5  }
0x63: {  	v2, _, _ =	vpop (xrf0)  }
0x64: {  	(v2sf) =	vpush v2, $0xF;
	_ =	sdelay $0x7  }
0x65: {  	s21 =	spop (v2sf)  }
0x66: {  	s17 =	sadd.s32 s17, s21  }
0x67: {  	[tilespmem:s17+$0x1900] =	vst.msk vm2, v1  }
0x68: {  	v1 =	vld [tilespmem:$0x50];
	_ =	sdelay $0x3  }
0x69: {  	s22 =	spop (v2sf)  }
0x6a: {  	s17 =	sadd.s32 s17, s22;
	vm2 =	vgt.s32 v1, $0x0  }
0x6b: {  	[tilespmem:s17+$0x1900] =	vst.msk vm2, v1;
	v1 =	vsel vm2, $0x1, v0  }
0x6c: {  	(xrf0) =	vadd.scan.msk.s32 $0xffff, v1;
	v1 =	vld [tilespmem:$0x60];
	_ =	sdelay $0x4  }
0x6d: {  	vm2 =	vgt.s32 v1, $0x0  }
0x6e: {  	v2, _, _ =	vpop (xrf0);
	v3 =	vsel vm2, $0x1, v0  }
0x6f: {  	(v2sf) =	vpush v2, $0xF;
	(xrf0) =	vadd.scan.msk.s32 $0xffff, v3;
	_ =	sdelay $0x5  }
0x70: {  	v2, _, _ =	vpop (xrf0)  }
0x71: {  	(v2sf) =	vpush v2, $0xF;
	_ =	sdelay $0x7  }
0x72: {  	s23 =	spop (v2sf)  }
0x73: {  	s17 =	sadd.s32 s17, s23  }
0x74: {  	[tilespmem:s17+$0x1900] =	vst.msk vm2, v1  }
0x75: {  	v1 =	vld [tilespmem:$0x70];
	_ =	sdelay $0x3  }
0x76: {  	s24 =	spop (v2sf)  }
0x77: {  	s17 =	sadd.s32 s17, s24;
	vm2 =	vgt.s32 v1, $0x0  }
0x78: {  	[tilespmem:s17+$0x1900] =	vst.msk vm2, v1;
	v1 =	vsel vm2, $0x1, v0  }
0x79: {  	(xrf0) =	vadd.scan.msk.s32 $0xffff, v1;
	v1 =	vld [tilespmem:$0x80];
	_ =	sdelay $0x4  }
0x7a: {  	vm2 =	vgt.s32 v1, $0x0  }
0x7b: {  	v2, _, _ =	vpop (xrf0);
	v3 =	vsel vm2, $0x1, v0  }
0x7c: {  	(v2sf) =	vpush v2, $0xF;
	(xrf0) =	vadd.scan.msk.s32 $0xffff, v3;
	_ =	sdelay $0x5  }
0x7d: {  	v2, _, _ =	vpop (xrf0)  }
0x7e: {  	(v2sf) =	vpush v2, $0xF;
	_ =	sdelay $0x7  }
0x7f: {  	s25 =	spop (v2sf)  }
0x80: {  	s17 =	sadd.s32 s17, s25  }
0x81: {  	[tilespmem:s17+$0x1900] =	vst.msk vm2, v1  }
0x82: {  	v1 =	vld [tilespmem:$0x90];
	_ =	sdelay $0x3  }
0x83: {  	s26 =	spop (v2sf)  }
0x84: {  	s17 =	sadd.s32 s17, s26;
	vm2 =	vgt.s32 v1, $0x0  }
0x85: {  	[tilespmem:s17+$0x1900] =	vst.msk vm2, v1;
	v1 =	vsel vm2, $0x1, v0  }
0x86: {  	(xrf0) =	vadd.scan.msk.s32 $0xffff, v1;
	v1 =	vld [tilespmem:$0xA0];
	_ =	sdelay $0x4  }
0x87: {  	vm2 =	vgt.s32 v1, $0x0  }
0x88: {  	v2, _, _ =	vpop (xrf0);
	v3 =	vsel vm2, $0x1, v0  }
0x89: {  	(v2sf) =	vpush v2, $0xF;
	(xrf0) =	vadd.scan.msk.s32 $0xffff, v3;
	_ =	sdelay $0x5  }
0x8a: {  	v2, _, _ =	vpop (xrf0)  }
0x8b: {  	(v2sf) =	vpush v2, $0xF;
	_ =	sdelay $0x7  }
0x8c: {  	s28 =	spop (v2sf)  }
0x8d: {  	s17 =	sadd.s32 s17, s28  }
0x8e: {  	[tilespmem:s17+$0x1900] =	vst.msk vm2, v1  }
0x8f: {  	v1 =	vld [tilespmem:$0xB0];
	_ =	sdelay $0x3  }
0x90: {  	s29 =	spop (v2sf)  }
0x91: {  	s17 =	sadd.s32 s17, s29;
	vm2 =	vgt.s32 v1, $0x0  }
0x92: {  	[tilespmem:s17+$0x1900] =	vst.msk vm2, v1  }
0x93: {  	v1 =	vld [tilespmem:$0xB8];
	_ =	sdelay $0x4  }
0x94: {  	vm3 =	vgt.s32 v1, $0x0  }
0x95: {  	v2 =	vsel vm2, $0x1, v0;
	vm2 =	vmand vm3, vm0  }
0x96: {  	(xrf0) =	vadd.scan.msk.s32 $0xffff, v2;
	v2 =	vsel vm2, $0x1, v0  }
0x97: {  	(xrf0) =	vadd.scan.msk.s32 $0xffff, v2;
	_ =	sdelay $0x4  }
0x98: {  	v2, _, _ =	vpop (xrf0)  }
0x99: {  	(v2sf) =	vpush v2, $0xF;
	v2, _, _ =	vpop (xrf0)  }
0x9a: {  	(v2sf) =	vpush v2, $0xF;
	_ =	sdelay $0xd  }
0x9b: {  	s30 =	spop (v2sf)  }
0x9c: {  	s19 =	sadd.s32 s17, s30;
	s31 =	spop (v2sf)  }
0x9d: {  	s20 =	sadd.s32 s19, s31  }
0x9e: {  	s17 =	sadd.s32 $0xF, s20  }
0x9f: {  	s17 =	sshra.s32 s17, $0x4  }
0xa0: {  	p0 =	slt.s32 s17, $0x1  }
.Ltmp2:
0xa1: {  	_ = 	snop;
	(pc) =	sbr.rel @p0 .LBB2_8-.Ltmp2, $3  }
0xa2: {  	_ =	sdelay $0x1  }
0xa3: {  	[tilespmem:s19+$0x1900] =	vst.msk vm2, v1  }
0xa4: {  	s19 =	simm.s32 $0x1AC0;
	[tilespmem:s20+$0x1900] =	vst v0  }
0xa5: {  	p1 =	sne.s32 s17, $0x1  }
.Ltmp3:
0xa6: {  	_ = 	snop;
	(pc) =	sbr.rel @!p1 .LBB2_3-.Ltmp3, $2  }
0xa7: {  	_ =	sdelay $0x2  }
0xa8: {  	v1 =	vld [tilespmem:s18+$0x0];
	s21 =	sadd.s32 $0xFFFFFFFF, s17;
	p0 =	por $0x0, $0x0  }
0xa9: {  	_ =	sdelay $0x3  }
0xaa: {  	p1 =	sne.s32 s21, $0x1  }
.Ltmp4:
0xab: {  	_ = 	snop;
	(pc) =	sbr.rel @!p1 .LBB2_5-.Ltmp4, $4  }
0xac: {  	_ = 	snop  }
0xad: {  	s20 =	sadd.s32 $0x10, s18  }
0xae: {  	[tilespmem:s19], [sflag:$0x1] =	stream.indirect_vreg.gather [hbm4b:s5+s2], $0x40, v1, vm1, $0xb8;
	[tilespmem:$0x8B00] =	vst v63  }
0xaf: {  	s21 =	sadd.s32 $0xFFFFFFFF, s21;
	p0 =	por $0x1, $0x1;
	s18 =	simm.s32 $0x1AC0;
	v1 =	vld [tilespmem:s20+$0x0]  }
.LBB2_6:
0xb0: {  	p1 =	sne.s32 s21, $0x1;
	_ =	sdelay $0x3  }
.Ltmp5:
0xb1: {  	(pc) =	sbr.rel @p1 .LBB2_6-.Ltmp5, $4  }
0xb2: {  	_ = 	snop  }
0xb3: {  	s20 =	sadd.s32 $0x10, s20;
	s18 =	sadd.s32 $0x400, s18  }
0xb4: {  	[tilespmem:s18], [sflag:$0x1] =	stream.indirect_vreg.gather [hbm4b:s5+s2], $0x40, v1, vm1, $0xb8;
	[tilespmem:$0x8B00] =	vst v63  }
0xb5: {  	s21 =	sadd.s32 $0xFFFFFFFF, s21;
	v1 =	vld [tilespmem:s20+$0x0]  }
.LBB2_7:
0xb6: {  	_ =	sdelay $0x5  }
0xb7: {  	s18 =	sadd.s32 @p0 $0x400, s18  }
0xb8: {  	s19 =	smov.u32 @p0 s18  }
0xb9: {  	[tilespmem:s19], [sflag:$0x1] =	stream.indirect_vreg.gather [hbm4b:s5+s2], $0x40, v1, vm1, $0xb8;
	[tilespmem:$0x8B00] =	vst v63  }
.LBB2_8:
.Ltmp6:
0xba: {  	(pc) =	sbr.rel .LBB2_9-.Ltmp6, $2  }
0xbb: {  	_ =	sdelay $0x2  }
0xbc: {  	s18 =	simm.s32 $0x0  }
.LBB2_24:
0xbd: {  	v4 =	vimm.f32 $0.0e+00  }
0xbe: {  	v3 =	vimm.f32 $0.0e+00;
	v2 =	vimm.f32 $0.0e+00;
	v1 =	vimm.f32 $0.0e+00  }
.LBB2_35:
0xbf: {  	v5 =	vld [tilespmem:$0x8AC0]  }
0xc0: {  	s23 =	sand.u32 $0xFFFFFFF0, s23  }
0xc1: {  	s23 =	ssub.s32 $0xC8, s23  }
0xc2: {  	s23 =	scvt.s32.f32 s23;
	_ =	sdelay $0x1  }
0xc3: {  	v5 =	vmul.f32 s23, v5;
	_ =	sdelay $0x1  }
0xc4: {  	v4 =	vadd.f32 v5, v4  }
0xc5: {  	s21 =	sshll.u32 s21, $0x6  }
0xc6: {  	[tilespmem:s21+$0x82C0] =	vst v4  }
0xc7: {  	v4 =	vld [tilespmem:$0x8AD0];
	_ =	sdelay $0x4  }
0xc8: {  	v4 =	vmul.f32 s23, v4;
	_ =	sdelay $0x1  }
0xc9: {  	v3 =	vadd.f32 v4, v3;
	_ =	sdelay $0x1  }
0xca: {  	[tilespmem:s21+$0x82D0] =	vst v3  }
0xcb: {  	v3 =	vld [tilespmem:$0x8AE0];
	_ =	sdelay $0x4  }
0xcc: {  	v3 =	vmul.f32 s23, v3;
	_ =	sdelay $0x1  }
0xcd: {  	v2 =	vadd.f32 v3, v2;
	_ =	sdelay $0x1  }
0xce: {  	[tilespmem:s21+$0x82E0] =	vst v2  }
0xcf: {  	v2 =	vld [tilespmem:$0x8AF0];
	_ =	sdelay $0x4  }
0xd0: {  	p1 =	sne.s32 s20, $0x1E;
	v2 =	vmul.f32 s23, v2  }
0xd1: {  	s19 =	sadd.s32 @!p1 s8, s19  }
0xd2: {  	s19 =	sshll.u32 @!p1 s19, $0x3;
	v1 =	vadd.f32 v2, v1  }
0xd3: {  	s18 =	sadd.s32 $0x1, s18;
	s20 =	simm.s32 @!p1 $0x0;
	s19 =	sand.u32 @!p1 $0x7F00, s19  }
0xd4: {  	p2 =	sne.s32 s18, $0x3F;
	s19 =	sadd.s32 @!p1 s6, s19;
	[tilespmem:s21+$0x82F0] =	vst v1;
	s21 =	simm.s32 @!p1 $0x82C0  }
0xd5: {  	[hbm4b:s19+s20] =	stream.linear.scatter @!p1 [tilespmem:s21], [sflag:$0x3], $0x800, $0x38;
	[tilespmem:$0x8B00] =	vst v63  }
.Ltmp7:
0xd6: {  	_ = 	snop;
	(pc) =	sbr.rel @!p2 .LBB2_36-.Ltmp7, $4  }
0xd7: {  	s19 =	simm.s32 @!p1 $0x3  }
0xd8: {  	_ =	swait.ge @!p1 [sflag:s19], $0x800  }
0xd9: {  	[sflag:s19] =	ssyncset.done @!p1 $0x0  }
0xda: {  	[sflag:s19] =	ssyncadd.s32 @!p1 $0xFFFFF800  }
.LBB2_9:
0xdb: {  	s19 =	sshll.u32 s18, $0x1  }
0xdc: {  	s20 =	sand.u32 $0x1E, s19  }
0xdd: {  	s21 =	sor.u32 $0x1, s20  }
0xde: {  	s22 =	smul.u32 $0x320, s21;
	_ =	sdelay $0x1  }
0xdf: {  	s23 =	sshrl.u32 s22, $0x2  }
0xe0: {  	v1 =	vld [tilespmem:s23+$0x0];
	_ =	sdelay $0x4  }
0xe1: {  	vm2 =	vgt.s32 v1, $0x0  }
0xe2: {  	v2 =	vsel vm2, $0x1, v0  }
0xe3: {  	(xrf0) =	vadd.scan.msk.s32 $0xffff, v2;
	_ =	sdelay $0x5  }
0xe4: {  	v2, _, _ =	vpop (xrf0)  }
0xe5: {  	(v2sf) =	vpush v2, $0xF;
	_ =	sdelay $0x7  }
0xe6: {  	s22 =	simm.s32 $0x19E0  }
0xe7: {  	[tilespmem:s22+$0x0] =	vst.msk vm2, v1  }
0xe8: {  	v1 =	vld [tilespmem:s23+$0x10];
	_ =	sdelay $0x4  }
0xe9: {  	vm2 =	vgt.s32 v1, $0x0;
	s24 =	spop (v2sf)  }
0xea: {  	[tilespmem:s24+$0x19E0] =	vst.msk vm2, v1;
	v1 =	vsel vm2, $0x1, v0  }
0xeb: {  	(xrf0) =	vadd.scan.msk.s32 $0xffff, v1;
	v1 =	vld [tilespmem:s23+$0x20];
	_ =	sdelay $0x4  }
0xec: {  	vm2 =	vgt.s32 v1, $0x0  }
0xed: {  	v2, _, _ =	vpop (xrf0);
	v3 =	vsel vm2, $0x1, v0  }
0xee: {  	(v2sf) =	vpush v2, $0xF;
	(xrf0) =	vadd.scan.msk.s32 $0xffff, v3;
	_ =	sdelay $0x5  }
0xef: {  	v2, _, _ =	vpop (xrf0)  }
0xf0: {  	(v2sf) =	vpush v2, $0xF;
	_ =	sdelay $0x7  }
0xf1: {  	s25 =	spop (v2sf)  }
0xf2: {  	s24 =	sadd.s32 s24, s25  }
0xf3: {  	[tilespmem:s24+$0x19E0] =	vst.msk vm2, v1  }
0xf4: {  	v1 =	vld [tilespmem:s23+$0x30];
	_ =	sdelay $0x3  }
0xf5: {  	s31 =	spop (v2sf)  }
0xf6: {  	s24 =	sadd.s32 s24, s31;
	vm2 =	vgt.s32 v1, $0x0  }
0xf7: {  	[tilespmem:s24+$0x19E0] =	vst.msk vm2, v1;
	v1 =	vsel vm2, $0x1, v0  }
0xf8: {  	(xrf0) =	vadd.scan.msk.s32 $0xffff, v1;
	v1 =	vld [tilespmem:s23+$0x40];
	_ =	sdelay $0x4  }
0xf9: {  	vm2 =	vgt.s32 v1, $0x0  }
0xfa: {  	v2, _, _ =	vpop (xrf0);
	v3 =	vsel vm2, $0x1, v0  }
0xfb: {  	(v2sf) =	vpush v2, $0xF;
	(xrf0) =	vadd.scan.msk.s32 $0xffff, v3;
	_ =	sdelay $0x5  }
0xfc: {  	v2, _, _ =	vpop (xrf0)  }
0xfd: {  	(v2sf) =	vpush v2, $0xF;
	_ =	sdelay $0x7  }
0xfe: {  	s26 =	spop (v2sf)  }
0xff: {  	s24 =	sadd.s32 s24, s26  }
0x100: {  	[tilespmem:s24+$0x19E0] =	vst.msk vm2, v1  }
0x101: {  	v1 =	vld [tilespmem:s23+$0x50];
	_ =	sdelay $0x3  }
0x102: {  	s28 =	spop (v2sf)  }
0x103: {  	s24 =	sadd.s32 s24, s28;
	vm2 =	vgt.s32 v1, $0x0  }
0x104: {  	[tilespmem:s24+$0x19E0] =	vst.msk vm2, v1;
	v1 =	vsel vm2, $0x1, v0  }
0x105: {  	(xrf0) =	vadd.scan.msk.s32 $0xffff, v1;
	v1 =	vld [tilespmem:s23+$0x60];
	_ =	sdelay $0x4  }
0x106: {  	vm2 =	vgt.s32 v1, $0x0  }
0x107: {  	v2, _, _ =	vpop (xrf0);
	v3 =	vsel vm2, $0x1, v0  }
0x108: {  	(v2sf) =	vpush v2, $0xF;
	(xrf0) =	vadd.scan.msk.s32 $0xffff, v3;
	_ =	sdelay $0x5  }
0x109: {  	v2, _, _ =	vpop (xrf0)  }
0x10a: {  	(v2sf) =	vpush v2, $0xF;
	_ =	sdelay $0x7  }
0x10b: {  	s29 =	spop (v2sf)  }
0x10c: {  	s24 =	sadd.s32 s24, s29  }
0x10d: {  	[tilespmem:s24+$0x19E0] =	vst.msk vm2, v1  }
0x10e: {  	v1 =	vld [tilespmem:s23+$0x70];
	_ =	sdelay $0x3  }
0x10f: {  	s30 =	spop (v2sf)  }
0x110: {  	s24 =	sadd.s32 s24, s30;
	vm2 =	vgt.s32 v1, $0x0  }
0x111: {  	[tilespmem:s24+$0x19E0] =	vst.msk vm2, v1;
	v1 =	vsel vm2, $0x1, v0  }
0x112: {  	(xrf0) =	vadd.scan.msk.s32 $0xffff, v1;
	v1 =	vld [tilespmem:s23+$0x80];
	_ =	sdelay $0x4  }
0x113: {  	vm2 =	vgt.s32 v1, $0x0  }
0x114: {  	v2, _, _ =	vpop (xrf0);
	v3 =	vsel vm2, $0x1, v0  }
0x115: {  	(v2sf) =	vpush v2, $0xF;
	(xrf0) =	vadd.scan.msk.s32 $0xffff, v3;
	_ =	sdelay $0x5  }
0x116: {  	v2, _, _ =	vpop (xrf0)  }
0x117: {  	(v2sf) =	vpush v2, $0xF;
	_ =	sdelay $0x7  }
0x118: {  	s31 =	spop (v2sf)  }
0x119: {  	s24 =	sadd.s32 s24, s31  }
0x11a: {  	[tilespmem:s24+$0x19E0] =	vst.msk vm2, v1  }
0x11b: {  	v1 =	vld [tilespmem:s23+$0x90];
	_ =	sdelay $0x3  }
0x11c: {  	s26 =	spop (v2sf)  }
0x11d: {  	s24 =	sadd.s32 s24, s26;
	vm2 =	vgt.s32 v1, $0x0  }
0x11e: {  	[tilespmem:s24+$0x19E0] =	vst.msk vm2, v1;
	v1 =	vsel vm2, $0x1, v0  }
0x11f: {  	(xrf0) =	vadd.scan.msk.s32 $0xffff, v1;
	v1 =	vld [tilespmem:s23+$0xA0];
	_ =	sdelay $0x4  }
0x120: {  	vm2 =	vgt.s32 v1, $0x0  }
0x121: {  	v2, _, _ =	vpop (xrf0);
	v3 =	vsel vm2, $0x1, v0  }
0x122: {  	(v2sf) =	vpush v2, $0xF;
	(xrf0) =	vadd.scan.msk.s32 $0xffff, v3;
	_ =	sdelay $0x5  }
0x123: {  	v2, _, _ =	vpop (xrf0)  }
0x124: {  	(v2sf) =	vpush v2, $0xF;
	_ =	sdelay $0x7  }
0x125: {  	s28 =	spop (v2sf)  }
0x126: {  	s24 =	sadd.s32 s24, s28  }
0x127: {  	[tilespmem:s24+$0x19E0] =	vst.msk vm2, v1  }
0x128: {  	v1 =	vld [tilespmem:s23+$0xB0];
	_ =	sdelay $0x3  }
0x129: {  	s29 =	spop (v2sf)  }
0x12a: {  	s24 =	sadd.s32 s24, s29;
	vm2 =	vgt.s32 v1, $0x0  }
0x12b: {  	[tilespmem:s24+$0x19E0] =	vst.msk vm2, v1  }
0x12c: {  	v1 =	vld [tilespmem:s23+$0xB8];
	_ =	sdelay $0x4  }
0x12d: {  	vm3 =	vgt.s32 v1, $0x0  }
0x12e: {  	v2 =	vsel vm2, $0x1, v0;
	vm2 =	vmand vm3, vm0  }
0x12f: {  	(xrf0) =	vadd.scan.msk.s32 $0xffff, v2;
	v2 =	vsel vm2, $0x1, v0  }
0x130: {  	(xrf0) =	vadd.scan.msk.s32 $0xffff, v2;
	_ =	sdelay $0x4  }
0x131: {  	v2, _, _ =	vpop (xrf0)  }
0x132: {  	(v2sf) =	vpush v2, $0xF;
	v2, _, _ =	vpop (xrf0)  }
0x133: {  	(v2sf) =	vpush v2, $0xF;
	_ =	sdelay $0xd  }
0x134: {  	s30 =	spop (v2sf)  }
0x135: {  	s25 =	sadd.s32 s24, s30;
	s31 =	spop (v2sf)  }
0x136: {  	s26 =	sadd.s32 s25, s31  }
0x137: {  	s23 =	sadd.s32 $0xF, s26  }
0x138: {  	s24 =	sshra.s32 s23, $0x4  }
0x139: {  	p1 =	sgt.s32 s24, $0x0  }
.Ltmp8:
0x13a: {  	_ = 	snop;
	(pc) =	sbr.rel @!p1 .LBB2_10-.Ltmp8, $3  }
0x13b: {  	_ =	sdelay $0x1  }
0x13c: {  	[tilespmem:s25+$0x19E0] =	vst.msk vm2, v1  }
0x13d: {  	s25 =	simm.s32 $0x4EC0;
	[tilespmem:s26+$0x19E0] =	vst v0  }
0x13e: {  	p2 =	seq.s32 s24, $0x1  }
.Ltmp9:
0x13f: {  	_ = 	snop;
	(pc) =	sbr.rel @p2 .LBB2_13-.Ltmp9, $2  }
0x140: {  	_ =	sdelay $0x2  }
0x141: {  	v1 =	vld [tilespmem:s22+$0x0];
	s28 =	sadd.s32 $0xFFFFFFFF, s24;
	p0 =	por $0x0, $0x0  }
0x142: {  	_ =	sdelay $0x3  }
0x143: {  	p2 =	seq.s32 s28, $0x1  }
.Ltmp10:
0x144: {  	_ = 	snop;
	(pc) =	sbr.rel @p2 .LBB2_15-.Ltmp10, $4  }
0x145: {  	_ = 	snop  }
0x146: {  	s26 =	sadd.s32 $0x10, s22  }
0x147: {  	[tilespmem:s25], [sflag:$0x2] =	stream.indirect_vreg.gather [hbm4b:s5+s2], $0x40, v1, vm1, $0xb8;
	[tilespmem:$0x8B00] =	vst v63  }
0x148: {  	s28 =	sadd.s32 $0xFFFFFFFF, s28;
	p0 =	por $0x1, $0x1;
	s22 =	simm.s32 $0x4EC0;
	v1 =	vld [tilespmem:s26+$0x0]  }
.LBB2_16:
0x149: {  	p2 =	seq.s32 s28, $0x1;
	_ =	sdelay $0x3  }
.Ltmp11:
0x14a: {  	(pc) =	sbr.rel @!p2 .LBB2_16-.Ltmp11, $4  }
0x14b: {  	_ = 	snop  }
0x14c: {  	s26 =	sadd.s32 $0x10, s26;
	s22 =	sadd.s32 $0x400, s22  }
0x14d: {  	[tilespmem:s22], [sflag:$0x2] =	stream.indirect_vreg.gather [hbm4b:s5+s2], $0x40, v1, vm1, $0xb8;
	[tilespmem:$0x8B00] =	vst v63  }
0x14e: {  	s28 =	sadd.s32 $0xFFFFFFFF, s28;
	v1 =	vld [tilespmem:s26+$0x0]  }
.LBB2_17:
0x14f: {  	_ =	sdelay $0x5  }
0x150: {  	s22 =	sadd.s32 @p0 $0x400, s22  }
0x151: {  	s25 =	smov.u32 @p0 s22  }
0x152: {  	[tilespmem:s25], [sflag:$0x2] =	stream.indirect_vreg.gather [hbm4b:s5+s2], $0x40, v1, vm1, $0xb8;
	[tilespmem:$0x8B00] =	vst v63  }
.LBB2_10:
0x153: {  	p0 =	sgt.s32 s17, $0x0  }
.Ltmp12:
0x154: {  	_ = 	snop;
	(pc) =	sbr.rel @!p0 .LBB2_11-.Ltmp12, $2  }
0x155: {  	_ =	sdelay $0x2  }
0x156: {  	s22 =	smov.u32 s17  }
.LBB2_18:
0x157: {  	p0 =	sne.s32 s22, $0x1  }
.Ltmp13:
0x158: {  	_ = 	snop;
	(pc) =	sbr.rel @p0 .LBB2_18-.Ltmp13, $4  }
0x159: {  	_ = 	snop  }
0x15a: {  	_ =	swait.ge [sflag:s13], $0x400  }
0x15b: {  	[sflag:s13] =	ssyncset.done $0x0  }
0x15c: {  	s22 =	sadd.s32 $0xFFFFFFFF, s22;
	[sflag:s13] =	ssyncadd.s32 $0xFFFFFC00  }
0x15d: {  	s22 =	simm.s32 $0x1CC0  }
0x15e: {  	v1 =	vld [tilespmem:s22+$0x1C0]  }
0x15f: {  	v3 =	vld [tilespmem:s22+$0x1D0]  }
0x160: {  	v2 =	vld [tilespmem:s22+$0x180]  }
0x161: {  	v4 =	vld [tilespmem:s22+$0x190]  }
0x162: {  	v5 =	vld [tilespmem:s22+$0x140]  }
0x163: {  	v6 =	vld [tilespmem:s22+$0x150]  }
0x164: {  	v7 =	vld [tilespmem:s22+$0x100]  }
0x165: {  	v8 =	vld [tilespmem:s22+$0x110]  }
0x166: {  	v9 =	vld [tilespmem:s22+$0xC0]  }
0x167: {  	v10 =	vld [tilespmem:s22+$0xD0]  }
0x168: {  	v11 =	vld [tilespmem:s22+$0x80]  }
0x169: {  	v12 =	vld [tilespmem:s22+$0x90]  }
0x16a: {  	v13 =	vld [tilespmem:s22+$0x40]  }
0x16b: {  	v14 =	vld [tilespmem:s22+$0x50]  }
0x16c: {  	v15 =	vld [tilespmem:s22+$0x0]  }
0x16d: {  	v16 =	vld [tilespmem:s22+$0x10]  }
0x16e: {  	v17 =	vld [tilespmem:s22+$0xFFFFFFC0]  }
0x16f: {  	v18 =	vld [tilespmem:s22+$0xFFFFFFD0]  }
0x170: {  	v19 =	vld [tilespmem:s22+$0xFFFFFF80]  }
0x171: {  	v20 =	vld [tilespmem:s22+$0xFFFFFF90]  }
0x172: {  	v21 =	vld [tilespmem:s22+$0xFFFFFF40]  }
0x173: {  	v22 =	vld [tilespmem:s22+$0xFFFFFF50]  }
0x174: {  	v23 =	vld [tilespmem:s22+$0xFFFFFF00]  }
0x175: {  	v24 =	vld [tilespmem:s22+$0xFFFFFF10]  }
0x176: {  	v25 =	vld [tilespmem:s22+$0xFFFFFEC0]  }
0x177: {  	v26 =	vld [tilespmem:s22+$0xFFFFFED0]  }
0x178: {  	v31 =	vld [tilespmem:s22+$0xFFFFFE80]  }
0x179: {  	v32 =	vld [tilespmem:s22+$0xFFFFFE90]  }
0x17a: {  	p0 =	sne.s32 s17, $0x1;
	v33 =	vld [tilespmem:s22+$0xFFFFFE40]  }
.Ltmp14:
0x17b: {  	v34 =	vld [tilespmem:s22+$0xFFFFFE50];
	(pc) =	sbr.rel @!p0 .LBB2_21-.Ltmp14, $4  }
0x17c: {  	v35 =	vld [tilespmem:s22+$0xFFFFFE00]  }
0x17d: {  	v36 =	vld [tilespmem:s22+$0xFFFFFE10]  }
0x17e: {  	v27 =	vimm.f32 $0.0e+00;
	v37 =	vld [tilespmem:s22+$0xFFFFFE20]  }
0x17f: {  	s25 =	sadd.s32 $0xFFFFFFFF, s17;
	v30 =	vimm.f32 $0.0e+00;
	v28 =	vimm.f32 $0.0e+00;
	v29 =	vimm.f32 $0.0e+00;
	v38 =	vld [tilespmem:s22+$0xFFFFFE30]  }
.LBB2_20:
0x180: {  	p0 =	sne.s32 s25, $0x1;
	v39 =	vld [tilespmem:s22+$0xFFFFFE60]  }
0x181: {  	v40 =	vld [tilespmem:s22+$0xFFFFFE70]  }
0x182: {  	v41 =	vld [tilespmem:s22+$0xFFFFFEA0]  }
0x183: {  	v27 =	vadd.f32 v35, v27;
	v30 =	vadd.f32 v36, v30;
	v35 =	vld [tilespmem:s22+$0xFFFFFEB0]  }
0x184: {  	v28 =	vadd.f32 v37, v28;
	v29 =	vadd.f32 v38, v29;
	v36 =	vld [tilespmem:s22+$0xFFFFFEE0]  }
0x185: {  	v27 =	vadd.f32 v33, v27;
	v30 =	vadd.f32 v34, v30;
	v33 =	vld [tilespmem:s22+$0xFFFFFEF0]  }
0x186: {  	v28 =	vadd.f32 v39, v28;
	v29 =	vadd.f32 v40, v29;
	v34 =	vld [tilespmem:s22+$0xFFFFFF20]  }
0x187: {  	v27 =	vadd.f32 v31, v27;
	v30 =	vadd.f32 v32, v30;
	v31 =	vld [tilespmem:s22+$0xFFFFFF30]  }
0x188: {  	v28 =	vadd.f32 v41, v28;
	v29 =	vadd.f32 v35, v29;
	v32 =	vld [tilespmem:s22+$0xFFFFFF60]  }
0x189: {  	v25 =	vadd.f32 v25, v27;
	v26 =	vadd.f32 v26, v30;
	v27 =	vld [tilespmem:s22+$0xFFFFFF70]  }
0x18a: {  	v28 =	vadd.f32 v36, v28;
	v29 =	vadd.f32 v33, v29;
	v30 =	vld [tilespmem:s22+$0xFFFFFFA0]  }
0x18b: {  	v23 =	vadd.f32 v23, v25;
	v24 =	vadd.f32 v24, v26;
	v25 =	vld [tilespmem:s22+$0xFFFFFFB0]  }
0x18c: {  	v26 =	vadd.f32 v34, v28;
	v28 =	vadd.f32 v31, v29;
	v29 =	vld [tilespmem:s22+$0xFFFFFFE0]  }
0x18d: {  	v21 =	vadd.f32 v21, v23;
	v22 =	vadd.f32 v22, v24;
	v23 =	vld [tilespmem:s22+$0xFFFFFFF0]  }
0x18e: {  	v24 =	vadd.f32 v32, v26;
	v26 =	vadd.f32 v27, v28;
	v27 =	vld [tilespmem:s22+$0x20]  }
0x18f: {  	v19 =	vadd.f32 v19, v21;
	v20 =	vadd.f32 v20, v22;
	v21 =	vld [tilespmem:s22+$0x30]  }
0x190: {  	v22 =	vadd.f32 v30, v24;
	v24 =	vadd.f32 v25, v26;
	v25 =	vld [tilespmem:s22+$0x60]  }
0x191: {  	v17 =	vadd.f32 v17, v19;
	v18 =	vadd.f32 v18, v20;
	v19 =	vld [tilespmem:s22+$0x70]  }
0x192: {  	v20 =	vadd.f32 v29, v22;
	v22 =	vadd.f32 v23, v24;
	v23 =	vld [tilespmem:s22+$0xA0]  }
0x193: {  	v15 =	vadd.f32 v15, v17;
	v16 =	vadd.f32 v16, v18;
	v17 =	vld [tilespmem:s22+$0xB0]  }
0x194: {  	v18 =	vadd.f32 v27, v20;
	v20 =	vadd.f32 v21, v22;
	v21 =	vld [tilespmem:s22+$0xE0]  }
0x195: {  	v13 =	vadd.f32 v13, v15;
	v14 =	vadd.f32 v14, v16;
	v15 =	vld [tilespmem:s22+$0xF0]  }
0x196: {  	v16 =	vadd.f32 v25, v18;
	v18 =	vadd.f32 v19, v20;
	v19 =	vld [tilespmem:s22+$0x120]  }
0x197: {  	v11 =	vadd.f32 v11, v13;
	v12 =	vadd.f32 v12, v14;
	v13 =	vld [tilespmem:s22+$0x130]  }
0x198: {  	v14 =	vadd.f32 v23, v16;
	v16 =	vadd.f32 v17, v18;
	v17 =	vld [tilespmem:s22+$0x160]  }
0x199: {  	v9 =	vadd.f32 v9, v11;
	v10 =	vadd.f32 v10, v12;
	v11 =	vld [tilespmem:s22+$0x170]  }
0x19a: {  	v12 =	vadd.f32 v21, v14;
	v14 =	vadd.f32 v15, v16;
	v15 =	vld [tilespmem:s22+$0x1A0]  }
0x19b: {  	v7 =	vadd.f32 v7, v9;
	v8 =	vadd.f32 v8, v10;
	v9 =	vld [tilespmem:s22+$0x1B0]  }
0x19c: {  	v10 =	vadd.f32 v19, v12;
	v12 =	vadd.f32 v13, v14;
	v13 =	vld [tilespmem:s22+$0x1E0]  }
0x19d: {  	v5 =	vadd.f32 v5, v7;
	v6 =	vadd.f32 v6, v8;
	v7 =	vld [tilespmem:s22+$0x1F0];
	s22 =	sadd.s32 $0x400, s22  }
0x19e: {  	v10 =	vadd.f32 v17, v10;
	v8 =	vld [tilespmem:s22+$0x1C0];
	v11 =	vadd.f32 v11, v12  }
0x19f: {  	v5 =	vadd.f32 v2, v5;
	v6 =	vadd.f32 v4, v6;
	v12 =	vld [tilespmem:s22+$0x1D0]  }
0x1a0: {  	v10 =	vadd.f32 v15, v10;
	v2 =	vld [tilespmem:s22+$0x180];
	v9 =	vadd.f32 v9, v11  }
0x1a1: {  	v27 =	vadd.f32 v1, v5;
	v30 =	vadd.f32 v3, v6;
	v4 =	vld [tilespmem:s22+$0x190]  }
0x1a2: {  	v28 =	vadd.f32 v13, v10;
	v5 =	vld [tilespmem:s22+$0x140];
	v29 =	vadd.f32 v7, v9  }
0x1a3: {  	v6 =	vld [tilespmem:s22+$0x150];
	v1 =	vmov v8  }
0x1a4: {  	v7 =	vld [tilespmem:s22+$0x100];
	v3 =	vmov v12  }
0x1a5: {  	v8 =	vld [tilespmem:s22+$0x110]  }
0x1a6: {  	v9 =	vld [tilespmem:s22+$0xC0]  }
0x1a7: {  	v10 =	vld [tilespmem:s22+$0xD0]  }
0x1a8: {  	v11 =	vld [tilespmem:s22+$0x80]  }
0x1a9: {  	v12 =	vld [tilespmem:s22+$0x90]  }
0x1aa: {  	v13 =	vld [tilespmem:s22+$0x40]  }
0x1ab: {  	v14 =	vld [tilespmem:s22+$0x50]  }
0x1ac: {  	v15 =	vld [tilespmem:s22+$0x0]  }
0x1ad: {  	v16 =	vld [tilespmem:s22+$0x10]  }
0x1ae: {  	v17 =	vld [tilespmem:s22+$0xFFFFFFC0]  }
0x1af: {  	v18 =	vld [tilespmem:s22+$0xFFFFFFD0]  }
0x1b0: {  	v19 =	vld [tilespmem:s22+$0xFFFFFF80]  }
0x1b1: {  	v20 =	vld [tilespmem:s22+$0xFFFFFF90]  }
0x1b2: {  	v21 =	vld [tilespmem:s22+$0xFFFFFF40]  }
0x1b3: {  	v22 =	vld [tilespmem:s22+$0xFFFFFF50]  }
0x1b4: {  	v23 =	vld [tilespmem:s22+$0xFFFFFF00]  }
0x1b5: {  	v24 =	vld [tilespmem:s22+$0xFFFFFF10]  }
0x1b6: {  	v25 =	vld [tilespmem:s22+$0xFFFFFEC0]  }
0x1b7: {  	v26 =	vld [tilespmem:s22+$0xFFFFFED0]  }
0x1b8: {  	v31 =	vld [tilespmem:s22+$0xFFFFFE80]  }
0x1b9: {  	v32 =	vld [tilespmem:s22+$0xFFFFFE90]  }
0x1ba: {  	v33 =	vld [tilespmem:s22+$0xFFFFFE40]  }
.Ltmp15:
0x1bb: {  	v34 =	vld [tilespmem:s22+$0xFFFFFE50];
	(pc) =	sbr.rel @p0 .LBB2_20-.Ltmp15, $4  }
0x1bc: {  	v35 =	vld [tilespmem:s22+$0xFFFFFE00]  }
0x1bd: {  	v36 =	vld [tilespmem:s22+$0xFFFFFE10]  }
0x1be: {  	v37 =	vld [tilespmem:s22+$0xFFFFFE20]  }
0x1bf: {  	s25 =	sadd.s32 $0xFFFFFFFF, s25;
	v38 =	vld [tilespmem:s22+$0xFFFFFE30]  }
.LBB2_21:
0x1c0: {  	v39 =	vld [tilespmem:s22+$0xFFFFFE60]  }
0x1c1: {  	v40 =	vld [tilespmem:s22+$0xFFFFFE70]  }
0x1c2: {  	v41 =	vld [tilespmem:s22+$0xFFFFFEA0]  }
0x1c3: {  	v50 =	vld [tilespmem:s22+$0xFFFFFEB0];
	v27 =	vadd.f32 v35, v27;
	v30 =	vadd.f32 v36, v30  }
0x1c4: {  	v51 =	vld [tilespmem:s22+$0xFFFFFEE0];
	v28 =	vadd.f32 v37, v28;
	v29 =	vadd.f32 v38, v29  }
0x1c5: {  	v52 =	vld [tilespmem:s22+$0xFFFFFEF0];
	v27 =	vadd.f32 v33, v27;
	v30 =	vadd.f32 v34, v30  }
0x1c6: {  	v53 =	vld [tilespmem:s22+$0xFFFFFF20];
	v28 =	vadd.f32 v39, v28;
	v29 =	vadd.f32 v40, v29  }
0x1c7: {  	v54 =	vld [tilespmem:s22+$0xFFFFFF30];
	v27 =	vadd.f32 v31, v27;
	v30 =	vadd.f32 v32, v30  }
0x1c8: {  	v55 =	vld [tilespmem:s22+$0xFFFFFF60];
	v28 =	vadd.f32 v41, v28;
	v29 =	vadd.f32 v50, v29  }
0x1c9: {  	v56 =	vld [tilespmem:s22+$0xFFFFFF70];
	v25 =	vadd.f32 v25, v27;
	v26 =	vadd.f32 v26, v30  }
0x1ca: {  	v57 =	vld [tilespmem:s22+$0xFFFFFFA0];
	v28 =	vadd.f32 v51, v28;
	v29 =	vadd.f32 v52, v29  }
0x1cb: {  	v58 =	vld [tilespmem:s22+$0xFFFFFFB0];
	v23 =	vadd.f32 v23, v25;
	v24 =	vadd.f32 v24, v26  }
0x1cc: {  	v61 =	vld [tilespmem:s22+$0xFFFFFFE0];
	v59 =	vadd.f32 v53, v28;
	v60 =	vadd.f32 v54, v29  }
0x1cd: {  	v62 =	vld [tilespmem:s22+$0xFFFFFFF0];
	v21 =	vadd.f32 v21, v23;
	v22 =	vadd.f32 v22, v24  }
0x1ce: {  	v33 =	vld [tilespmem:s22+$0x30];
	v63 =	vadd.f32 v55, v59;
	v31 =	vadd.f32 v56, v60  }
0x1cf: {  	v32 =	vld [tilespmem:s22+$0x20];
	v19 =	vadd.f32 v19, v21;
	v20 =	vadd.f32 v20, v22  }
0x1d0: {  	v36 =	vld [tilespmem:s22+$0x60];
	v34 =	vadd.f32 v57, v63;
	v35 =	vadd.f32 v58, v31  }
0x1d1: {  	v37 =	vld [tilespmem:s22+$0x70];
	v17 =	vadd.f32 v17, v19;
	v18 =	vadd.f32 v18, v20  }
0x1d2: {  	v40 =	vld [tilespmem:s22+$0xA0];
	v38 =	vadd.f32 v61, v34;
	v39 =	vadd.f32 v62, v35  }
0x1d3: {  	v41 =	vld [tilespmem:s22+$0xB0];
	v15 =	vadd.f32 v15, v17;
	v16 =	vadd.f32 v16, v18  }
0x1d4: {  	v44 =	vld [tilespmem:s22+$0xE0];
	v42 =	vadd.f32 v32, v38;
	v43 =	vadd.f32 v33, v39  }
0x1d5: {  	v45 =	vld [tilespmem:s22+$0xF0];
	v13 =	vadd.f32 v13, v15;
	v14 =	vadd.f32 v14, v16  }
0x1d6: {  	v48 =	vld [tilespmem:s22+$0x120];
	v46 =	vadd.f32 v36, v42;
	v47 =	vadd.f32 v37, v43  }
0x1d7: {  	v49 =	vld [tilespmem:s22+$0x130];
	v11 =	vadd.f32 v11, v13;
	v12 =	vadd.f32 v12, v14  }
0x1d8: {  	v52 =	vld [tilespmem:s22+$0x160];
	v50 =	vadd.f32 v40, v46;
	v51 =	vadd.f32 v41, v47  }
0x1d9: {  	v53 =	vld [tilespmem:s22+$0x170];
	v9 =	vadd.f32 v9, v11;
	v10 =	vadd.f32 v10, v12  }
0x1da: {  	v56 =	vld [tilespmem:s22+$0x1A0];
	v54 =	vadd.f32 v44, v50;
	v55 =	vadd.f32 v45, v51  }
0x1db: {  	v57 =	vld [tilespmem:s22+$0x1B0];
	v7 =	vadd.f32 v7, v9;
	v8 =	vadd.f32 v8, v10  }
0x1dc: {  	v60 =	vld [tilespmem:s22+$0x1E0];
	v58 =	vadd.f32 v48, v54;
	v59 =	vadd.f32 v49, v55  }
0x1dd: {  	v5 =	vadd.f32 v5, v7;
	v7 =	vld [tilespmem:s22+$0x1F0];
	v6 =	vadd.f32 v6, v8  }
.Ltmp16:
0x1de: {  	v61 =	vadd.f32 v52, v58;
	v62 =	vadd.f32 v53, v59;
	(pc) =	sbr.rel .LBB2_22-.Ltmp16, $4  }
0x1df: {  	v2 =	vadd.f32 v2, v5;
	v5 =	vadd.f32 v4, v6  }
0x1e0: {  	v6 =	vadd.f32 v56, v61;
	v63 =	vadd.f32 v57, v62  }
0x1e1: {  	v4 =	vadd.f32 v1, v2;
	v3 =	vadd.f32 v3, v5  }
0x1e2: {  	v2 =	vadd.f32 v60, v6;
	v1 =	vadd.f32 v7, v63  }
.LBB2_11:
0x1e3: {  	v4 =	vimm.f32 $0.0e+00  }
0x1e4: {  	v3 =	vimm.f32 $0.0e+00;
	v2 =	vimm.f32 $0.0e+00;
	v1 =	vimm.f32 $0.0e+00  }
.LBB2_22:
0x1e5: {  	v5 =	vld [tilespmem:$0x8AC0]  }
0x1e6: {  	s17 =	sshll.u32 s17, $0x4  }
0x1e7: {  	s17 =	ssub.s32 $0xC8, s17  }
0x1e8: {  	s17 =	scvt.s32.f32 s17;
	_ =	sdelay $0x1  }
0x1e9: {  	v5 =	vmul.f32 s17, v5;
	_ =	sdelay $0x1  }
0x1ea: {  	s22 =	sshll.u32 s18, $0x7;
	v4 =	vadd.f32 v5, v4  }
0x1eb: {  	s22 =	sand.u32 $0x780, s22  }
0x1ec: {  	[tilespmem:s22+$0x82C0] =	vst v4  }
0x1ed: {  	v4 =	vld [tilespmem:$0x8AD0];
	_ =	sdelay $0x4  }
0x1ee: {  	v4 =	vmul.f32 s17, v4;
	_ =	sdelay $0x1  }
0x1ef: {  	v3 =	vadd.f32 v4, v3;
	_ =	sdelay $0x1  }
0x1f0: {  	[tilespmem:s22+$0x82D0] =	vst v3  }
0x1f1: {  	v3 =	vld [tilespmem:$0x8AE0];
	_ =	sdelay $0x4  }
0x1f2: {  	v3 =	vmul.f32 s17, v3;
	_ =	sdelay $0x1  }
0x1f3: {  	v2 =	vadd.f32 v3, v2;
	_ =	sdelay $0x1  }
0x1f4: {  	[tilespmem:s22+$0x82E0] =	vst v2  }
0x1f5: {  	v2 =	vld [tilespmem:$0x8AF0];
	_ =	sdelay $0x2  }
0x1f6: {  	s25 =	sadd.s32 $0x2, s19  }
0x1f7: {  	s26 =	sand.u32 $0x1E, s25  }
0x1f8: {  	p0 =	sne.s32 s26, $0x0;
	v2 =	vmul.f32 s17, v2  }
0x1f9: {  	s17 =	sadd.s32 @!p0 s4, s25  }
0x1fa: {  	s17 =	smul.u32 @!p0 $0x19, s17;
	v1 =	vadd.f32 v2, v1;
	_ =	sdelay $0x1  }
0x1fb: {  	s17 =	sadd.s32 @!p0 s3, s17;
	[tilespmem:s22+$0x82F0] =	vst v1;
	s22 =	simm.s32 @!p0 $0x0  }
0x1fc: {  	[tilespmem:s22], [sflag:$0x4] =	stream.linear.gather @!p0 [hbm4b:s17+s22], $0x1900, $0x38;
	[tilespmem:$0x8B00] =	vst v63  }
0x1fd: {  	s17 =	simm.s32 @!p0 $0x4  }
0x1fe: {  	s25 =	smul.u32 $0x320, s26;
	_ =	swait.ge @!p0 [sflag:s17], $0x1900  }
0x1ff: {  	[sflag:s17] =	ssyncset.done @!p0 $0x0  }
0x200: {  	[sflag:s17] =	ssyncadd.s32 @!p0 $0xFFFFE700;
	s17 =	sshrl.u32 s25, $0x2  }
0x201: {  	v1 =	vld [tilespmem:s17+$0x0];
	_ =	sdelay $0x4  }
0x202: {  	vm2 =	vgt.s32 v1, $0x0  }
0x203: {  	v2 =	vsel vm2, $0x1, v0  }
0x204: {  	(xrf0) =	vadd.scan.msk.s32 $0xffff, v2;
	_ =	sdelay $0x5  }
0x205: {  	v2, _, _ =	vpop (xrf0)  }
0x206: {  	(v2sf) =	vpush v2, $0xF;
	_ =	sdelay $0x7  }
0x207: {  	s25 =	simm.s32 $0x1900  }
0x208: {  	[tilespmem:s25+$0x0] =	vst.msk vm2, v1  }
0x209: {  	v1 =	vld [tilespmem:s17+$0x10];
	_ =	sdelay $0x4  }
0x20a: {  	vm2 =	vgt.s32 v1, $0x0;
	s26 =	spop (v2sf)  }
0x20b: {  	[tilespmem:s26+$0x1900] =	vst.msk vm2, v1;
	v1 =	vsel vm2, $0x1, v0  }
0x20c: {  	(xrf0) =	vadd.scan.msk.s32 $0xffff, v1;
	v1 =	vld [tilespmem:s17+$0x20];
	_ =	sdelay $0x4  }
0x20d: {  	vm2 =	vgt.s32 v1, $0x0  }
0x20e: {  	v2, _, _ =	vpop (xrf0);
	v3 =	vsel vm2, $0x1, v0  }
0x20f: {  	(v2sf) =	vpush v2, $0xF;
	(xrf0) =	vadd.scan.msk.s32 $0xffff, v3;
	_ =	sdelay $0x5  }
0x210: {  	v2, _, _ =	vpop (xrf0)  }
0x211: {  	(v2sf) =	vpush v2, $0xF;
	_ =	sdelay $0x7  }
0x212: {  	s28 =	spop (v2sf)  }
0x213: {  	s22 =	sadd.s32 s26, s28  }
0x214: {  	[tilespmem:s22+$0x1900] =	vst.msk vm2, v1  }
0x215: {  	v1 =	vld [tilespmem:s17+$0x30];
	_ =	sdelay $0x3  }
0x216: {  	s29 =	spop (v2sf)  }
0x217: {  	s22 =	sadd.s32 s22, s29;
	vm2 =	vgt.s32 v1, $0x0  }
0x218: {  	[tilespmem:s22+$0x1900] =	vst.msk vm2, v1;
	v1 =	vsel vm2, $0x1, v0  }
0x219: {  	(xrf0) =	vadd.scan.msk.s32 $0xffff, v1;
	v1 =	vld [tilespmem:s17+$0x40];
	_ =	sdelay $0x4  }
0x21a: {  	vm2 =	vgt.s32 v1, $0x0  }
0x21b: {  	v2, _, _ =	vpop (xrf0);
	v3 =	vsel vm2, $0x1, v0  }
0x21c: {  	(v2sf) =	vpush v2, $0xF;
	(xrf0) =	vadd.scan.msk.s32 $0xffff, v3;
	_ =	sdelay $0x5  }
0x21d: {  	v2, _, _ =	vpop (xrf0)  }
0x21e: {  	(v2sf) =	vpush v2, $0xF;
	_ =	sdelay $0x7  }
0x21f: {  	s30 =	spop (v2sf)  }
0x220: {  	s22 =	sadd.s32 s22, s30  }
0x221: {  	[tilespmem:s22+$0x1900] =	vst.msk vm2, v1  }
0x222: {  	v1 =	vld [tilespmem:s17+$0x50];
	_ =	sdelay $0x3  }
0x223: {  	s31 =	spop (v2sf)  }
0x224: {  	s22 =	sadd.s32 s22, s31;
	vm2 =	vgt.s32 v1, $0x0  }
0x225: {  	[tilespmem:s22+$0x1900] =	vst.msk vm2, v1;
	v1 =	vsel vm2, $0x1, v0  }
0x226: {  	(xrf0) =	vadd.scan.msk.s32 $0xffff, v1;
	v1 =	vld [tilespmem:s17+$0x60];
	_ =	sdelay $0x4  }
0x227: {  	vm2 =	vgt.s32 v1, $0x0  }
0x228: {  	v2, _, _ =	vpop (xrf0);
	v3 =	vsel vm2, $0x1, v0  }
0x229: {  	(v2sf) =	vpush v2, $0xF;
	(xrf0) =	vadd.scan.msk.s32 $0xffff, v3;
	_ =	sdelay $0x5  }
0x22a: {  	v2, _, _ =	vpop (xrf0)  }
0x22b: {  	(v2sf) =	vpush v2, $0xF;
	_ =	sdelay $0x7  }
0x22c: {  	s28 =	spop (v2sf)  }
0x22d: {  	s22 =	sadd.s32 s22, s28  }
0x22e: {  	[tilespmem:s22+$0x1900] =	vst.msk vm2, v1  }
0x22f: {  	v1 =	vld [tilespmem:s17+$0x70];
	_ =	sdelay $0x3  }
0x230: {  	s29 =	spop (v2sf)  }
0x231: {  	s22 =	sadd.s32 s22, s29;
	vm2 =	vgt.s32 v1, $0x0  }
0x232: {  	[tilespmem:s22+$0x1900] =	vst.msk vm2, v1;
	v1 =	vsel vm2, $0x1, v0  }
0x233: {  	(xrf0) =	vadd.scan.msk.s32 $0xffff, v1;
	v1 =	vld [tilespmem:s17+$0x80];
	_ =	sdelay $0x4  }
0x234: {  	vm2 =	vgt.s32 v1, $0x0  }
0x235: {  	v2, _, _ =	vpop (xrf0);
	v3 =	vsel vm2, $0x1, v0  }
0x236: {  	(v2sf) =	vpush v2, $0xF;
	(xrf0) =	vadd.scan.msk.s32 $0xffff, v3;
	_ =	sdelay $0x5  }
0x237: {  	v2, _, _ =	vpop (xrf0)  }
0x238: {  	(v2sf) =	vpush v2, $0xF;
	_ =	sdelay $0x7  }
0x239: {  	s30 =	spop (v2sf)  }
0x23a: {  	s22 =	sadd.s32 s22, s30  }
0x23b: {  	[tilespmem:s22+$0x1900] =	vst.msk vm2, v1  }
0x23c: {  	v1 =	vld [tilespmem:s17+$0x90];
	_ =	sdelay $0x3  }
0x23d: {  	s31 =	spop (v2sf)  }
0x23e: {  	s22 =	sadd.s32 s22, s31;
	vm2 =	vgt.s32 v1, $0x0  }
0x23f: {  	[tilespmem:s22+$0x1900] =	vst.msk vm2, v1;
	v1 =	vsel vm2, $0x1, v0  }
0x240: {  	(xrf0) =	vadd.scan.msk.s32 $0xffff, v1;
	v1 =	vld [tilespmem:s17+$0xA0];
	_ =	sdelay $0x4  }
0x241: {  	vm2 =	vgt.s32 v1, $0x0  }
0x242: {  	v2, _, _ =	vpop (xrf0);
	v3 =	vsel vm2, $0x1, v0  }
0x243: {  	(v2sf) =	vpush v2, $0xF;
	(xrf0) =	vadd.scan.msk.s32 $0xffff, v3;
	_ =	sdelay $0x5  }
0x244: {  	v2, _, _ =	vpop (xrf0)  }
0x245: {  	(v2sf) =	vpush v2, $0xF;
	_ =	sdelay $0x7  }
0x246: {  	s28 =	spop (v2sf)  }
0x247: {  	s22 =	sadd.s32 s22, s28  }
0x248: {  	[tilespmem:s22+$0x1900] =	vst.msk vm2, v1  }
0x249: {  	v1 =	vld [tilespmem:s17+$0xB0];
	_ =	sdelay $0x3  }
0x24a: {  	s29 =	spop (v2sf)  }
0x24b: {  	s22 =	sadd.s32 s22, s29;
	vm2 =	vgt.s32 v1, $0x0  }
0x24c: {  	[tilespmem:s22+$0x1900] =	vst.msk vm2, v1  }
0x24d: {  	v1 =	vld [tilespmem:s17+$0xB8];
	_ =	sdelay $0x4  }
0x24e: {  	vm3 =	vgt.s32 v1, $0x0  }
0x24f: {  	v2 =	vsel vm2, $0x1, v0;
	vm2 =	vmand vm3, vm0  }
0x250: {  	(xrf0) =	vadd.scan.msk.s32 $0xffff, v2;
	v2 =	vsel vm2, $0x1, v0  }
0x251: {  	(xrf0) =	vadd.scan.msk.s32 $0xffff, v2;
	_ =	sdelay $0x4  }
0x252: {  	v2, _, _ =	vpop (xrf0)  }
0x253: {  	(v2sf) =	vpush v2, $0xF;
	v2, _, _ =	vpop (xrf0)  }
0x254: {  	(v2sf) =	vpush v2, $0xF;
	_ =	sdelay $0xd  }
0x255: {  	s30 =	spop (v2sf)  }
0x256: {  	s26 =	sadd.s32 s22, s30;
	s31 =	spop (v2sf)  }
0x257: {  	s28 =	sadd.s32 s26, s31  }
0x258: {  	s22 =	sadd.s32 $0xF, s28  }
0x259: {  	s17 =	sshra.s32 s22, $0x4  }
0x25a: {  	p0 =	sgt.s32 s17, $0x0  }
.Ltmp17:
0x25b: {  	_ = 	snop;
	(pc) =	sbr.rel @!p0 .LBB2_23-.Ltmp17, $3  }
0x25c: {  	_ =	sdelay $0x1  }
0x25d: {  	[tilespmem:s26+$0x1900] =	vst.msk vm2, v1  }
0x25e: {  	s26 =	simm.s32 $0x1AC0;
	[tilespmem:s28+$0x1900] =	vst v0  }
0x25f: {  	p3 =	seq.s32 s17, $0x1  }
.Ltmp18:
0x260: {  	_ = 	snop;
	(pc) =	sbr.rel @p3 .LBB2_26-.Ltmp18, $2  }
0x261: {  	_ =	sdelay $0x2  }
0x262: {  	v1 =	vld [tilespmem:s25+$0x0];
	s29 =	sadd.s32 $0xFFFFFFFF, s17;
	p2 =	por $0x0, $0x0  }
0x263: {  	_ =	sdelay $0x3  }
0x264: {  	p3 =	seq.s32 s29, $0x1  }
.Ltmp19:
0x265: {  	_ = 	snop;
	(pc) =	sbr.rel @p3 .LBB2_28-.Ltmp19, $4  }
0x266: {  	_ = 	snop  }
0x267: {  	s28 =	sadd.s32 $0x10, s25  }
0x268: {  	[tilespmem:s26], [sflag:$0x1] =	stream.indirect_vreg.gather [hbm4b:s5+s2], $0x40, v1, vm1, $0xb8;
	[tilespmem:$0x8B00] =	vst v63  }
0x269: {  	s29 =	sadd.s32 $0xFFFFFFFF, s29;
	p2 =	por $0x1, $0x1;
	s25 =	simm.s32 $0x1AC0;
	v1 =	vld [tilespmem:s28+$0x0]  }
.LBB2_29:
0x26a: {  	p3 =	seq.s32 s29, $0x1;
	_ =	sdelay $0x3  }
.Ltmp20:
0x26b: {  	(pc) =	sbr.rel @!p3 .LBB2_29-.Ltmp20, $4  }
0x26c: {  	_ = 	snop  }
0x26d: {  	s28 =	sadd.s32 $0x10, s28;
	s25 =	sadd.s32 $0x400, s25  }
0x26e: {  	[tilespmem:s25], [sflag:$0x1] =	stream.indirect_vreg.gather [hbm4b:s5+s2], $0x40, v1, vm1, $0xb8;
	[tilespmem:$0x8B00] =	vst v63  }
0x26f: {  	s29 =	sadd.s32 $0xFFFFFFFF, s29;
	v1 =	vld [tilespmem:s28+$0x0]  }
.LBB2_30:
0x270: {  	_ =	sdelay $0x5  }
0x271: {  	s25 =	sadd.s32 @p2 $0x400, s25  }
0x272: {  	s26 =	smov.u32 @p2 s25  }
0x273: {  	[tilespmem:s26], [sflag:$0x1] =	stream.indirect_vreg.gather [hbm4b:s5+s2], $0x40, v1, vm1, $0xb8;
	[tilespmem:$0x8B00] =	vst v63  }
.LBB2_23:
.Ltmp21:
0x274: {  	(pc) =	sbr.rel @!p1 .LBB2_24-.Ltmp21, $2  }
0x275: {  	_ =	sdelay $0x2  }
0x276: {  	s25 =	smov.u32 s24  }
.LBB2_31:
0x277: {  	p1 =	sne.s32 s25, $0x1  }
.Ltmp22:
0x278: {  	_ = 	snop;
	(pc) =	sbr.rel @p1 .LBB2_31-.Ltmp22, $4  }
0x279: {  	_ = 	snop  }
0x27a: {  	_ =	swait.ge [sflag:s14], $0x400  }
0x27b: {  	[sflag:s14] =	ssyncset.done $0x0  }
0x27c: {  	s25 =	sadd.s32 $0xFFFFFFFF, s25;
	[sflag:s14] =	ssyncadd.s32 $0xFFFFFC00  }
0x27d: {  	s25 =	simm.s32 $0x50C0  }
0x27e: {  	v1 =	vld [tilespmem:s25+$0x1C0]  }
0x27f: {  	v3 =	vld [tilespmem:s25+$0x1D0]  }
0x280: {  	v2 =	vld [tilespmem:s25+$0x180]  }
0x281: {  	v4 =	vld [tilespmem:s25+$0x190]  }
0x282: {  	v5 =	vld [tilespmem:s25+$0x140]  }
0x283: {  	v6 =	vld [tilespmem:s25+$0x150]  }
0x284: {  	v7 =	vld [tilespmem:s25+$0x100]  }
0x285: {  	v8 =	vld [tilespmem:s25+$0x110]  }
0x286: {  	v9 =	vld [tilespmem:s25+$0xC0]  }
0x287: {  	v10 =	vld [tilespmem:s25+$0xD0]  }
0x288: {  	v11 =	vld [tilespmem:s25+$0x80]  }
0x289: {  	v12 =	vld [tilespmem:s25+$0x90]  }
0x28a: {  	v13 =	vld [tilespmem:s25+$0x40]  }
0x28b: {  	v14 =	vld [tilespmem:s25+$0x50]  }
0x28c: {  	v15 =	vld [tilespmem:s25+$0x0]  }
0x28d: {  	v16 =	vld [tilespmem:s25+$0x10]  }
0x28e: {  	v17 =	vld [tilespmem:s25+$0xFFFFFFC0]  }
0x28f: {  	v18 =	vld [tilespmem:s25+$0xFFFFFFD0]  }
0x290: {  	v19 =	vld [tilespmem:s25+$0xFFFFFF80]  }
0x291: {  	v20 =	vld [tilespmem:s25+$0xFFFFFF90]  }
0x292: {  	v21 =	vld [tilespmem:s25+$0xFFFFFF40]  }
0x293: {  	v22 =	vld [tilespmem:s25+$0xFFFFFF50]  }
0x294: {  	v23 =	vld [tilespmem:s25+$0xFFFFFF00]  }
0x295: {  	v24 =	vld [tilespmem:s25+$0xFFFFFF10]  }
0x296: {  	v25 =	vld [tilespmem:s25+$0xFFFFFEC0]  }
0x297: {  	v26 =	vld [tilespmem:s25+$0xFFFFFED0]  }
0x298: {  	v31 =	vld [tilespmem:s25+$0xFFFFFE80]  }
0x299: {  	v32 =	vld [tilespmem:s25+$0xFFFFFE90]  }
0x29a: {  	p1 =	sne.s32 s24, $0x1;
	v33 =	vld [tilespmem:s25+$0xFFFFFE40]  }
.Ltmp23:
0x29b: {  	v34 =	vld [tilespmem:s25+$0xFFFFFE50];
	(pc) =	sbr.rel @!p1 .LBB2_34-.Ltmp23, $4  }
0x29c: {  	v35 =	vld [tilespmem:s25+$0xFFFFFE00]  }
0x29d: {  	v36 =	vld [tilespmem:s25+$0xFFFFFE10]  }
0x29e: {  	v27 =	vimm.f32 $0.0e+00;
	v37 =	vld [tilespmem:s25+$0xFFFFFE20]  }
0x29f: {  	s24 =	sadd.s32 $0xFFFFFFFF, s24;
	v30 =	vimm.f32 $0.0e+00;
	v28 =	vimm.f32 $0.0e+00;
	v29 =	vimm.f32 $0.0e+00;
	v38 =	vld [tilespmem:s25+$0xFFFFFE30]  }
.LBB2_33:
0x2a0: {  	p1 =	sne.s32 s24, $0x1;
	v39 =	vld [tilespmem:s25+$0xFFFFFE60]  }
0x2a1: {  	v40 =	vld [tilespmem:s25+$0xFFFFFE70]  }
0x2a2: {  	v41 =	vld [tilespmem:s25+$0xFFFFFEA0]  }
0x2a3: {  	v27 =	vadd.f32 v35, v27;
	v30 =	vadd.f32 v36, v30;
	v35 =	vld [tilespmem:s25+$0xFFFFFEB0]  }
0x2a4: {  	v28 =	vadd.f32 v37, v28;
	v29 =	vadd.f32 v38, v29;
	v36 =	vld [tilespmem:s25+$0xFFFFFEE0]  }
0x2a5: {  	v27 =	vadd.f32 v33, v27;
	v30 =	vadd.f32 v34, v30;
	v33 =	vld [tilespmem:s25+$0xFFFFFEF0]  }
0x2a6: {  	v28 =	vadd.f32 v39, v28;
	v29 =	vadd.f32 v40, v29;
	v34 =	vld [tilespmem:s25+$0xFFFFFF20]  }
0x2a7: {  	v27 =	vadd.f32 v31, v27;
	v30 =	vadd.f32 v32, v30;
	v31 =	vld [tilespmem:s25+$0xFFFFFF30]  }
0x2a8: {  	v28 =	vadd.f32 v41, v28;
	v29 =	vadd.f32 v35, v29;
	v32 =	vld [tilespmem:s25+$0xFFFFFF60]  }
0x2a9: {  	v25 =	vadd.f32 v25, v27;
	v26 =	vadd.f32 v26, v30;
	v27 =	vld [tilespmem:s25+$0xFFFFFF70]  }
0x2aa: {  	v28 =	vadd.f32 v36, v28;
	v29 =	vadd.f32 v33, v29;
	v30 =	vld [tilespmem:s25+$0xFFFFFFA0]  }
0x2ab: {  	v23 =	vadd.f32 v23, v25;
	v24 =	vadd.f32 v24, v26;
	v25 =	vld [tilespmem:s25+$0xFFFFFFB0]  }
0x2ac: {  	v26 =	vadd.f32 v34, v28;
	v28 =	vadd.f32 v31, v29;
	v29 =	vld [tilespmem:s25+$0xFFFFFFE0]  }
0x2ad: {  	v21 =	vadd.f32 v21, v23;
	v22 =	vadd.f32 v22, v24;
	v23 =	vld [tilespmem:s25+$0xFFFFFFF0]  }
0x2ae: {  	v24 =	vadd.f32 v32, v26;
	v26 =	vadd.f32 v27, v28;
	v27 =	vld [tilespmem:s25+$0x20]  }
0x2af: {  	v19 =	vadd.f32 v19, v21;
	v20 =	vadd.f32 v20, v22;
	v21 =	vld [tilespmem:s25+$0x30]  }
0x2b0: {  	v22 =	vadd.f32 v30, v24;
	v24 =	vadd.f32 v25, v26;
	v25 =	vld [tilespmem:s25+$0x60]  }
0x2b1: {  	v17 =	vadd.f32 v17, v19;
	v18 =	vadd.f32 v18, v20;
	v19 =	vld [tilespmem:s25+$0x70]  }
0x2b2: {  	v20 =	vadd.f32 v29, v22;
	v22 =	vadd.f32 v23, v24;
	v23 =	vld [tilespmem:s25+$0xA0]  }
0x2b3: {  	v15 =	vadd.f32 v15, v17;
	v16 =	vadd.f32 v16, v18;
	v17 =	vld [tilespmem:s25+$0xB0]  }
0x2b4: {  	v18 =	vadd.f32 v27, v20;
	v20 =	vadd.f32 v21, v22;
	v21 =	vld [tilespmem:s25+$0xE0]  }
0x2b5: {  	v13 =	vadd.f32 v13, v15;
	v14 =	vadd.f32 v14, v16;
	v15 =	vld [tilespmem:s25+$0xF0]  }
0x2b6: {  	v16 =	vadd.f32 v25, v18;
	v18 =	vadd.f32 v19, v20;
	v19 =	vld [tilespmem:s25+$0x120]  }
0x2b7: {  	v11 =	vadd.f32 v11, v13;
	v12 =	vadd.f32 v12, v14;
	v13 =	vld [tilespmem:s25+$0x130]  }
0x2b8: {  	v14 =	vadd.f32 v23, v16;
	v16 =	vadd.f32 v17, v18;
	v17 =	vld [tilespmem:s25+$0x160]  }
0x2b9: {  	v9 =	vadd.f32 v9, v11;
	v10 =	vadd.f32 v10, v12;
	v11 =	vld [tilespmem:s25+$0x170]  }
0x2ba: {  	v12 =	vadd.f32 v21, v14;
	v14 =	vadd.f32 v15, v16;
	v15 =	vld [tilespmem:s25+$0x1A0]  }
0x2bb: {  	v7 =	vadd.f32 v7, v9;
	v8 =	vadd.f32 v8, v10;
	v9 =	vld [tilespmem:s25+$0x1B0]  }
0x2bc: {  	v10 =	vadd.f32 v19, v12;
	v12 =	vadd.f32 v13, v14;
	v13 =	vld [tilespmem:s25+$0x1E0]  }
0x2bd: {  	v5 =	vadd.f32 v5, v7;
	v6 =	vadd.f32 v6, v8;
	v7 =	vld [tilespmem:s25+$0x1F0];
	s25 =	sadd.s32 $0x400, s25  }
0x2be: {  	v10 =	vadd.f32 v17, v10;
	v8 =	vld [tilespmem:s25+$0x1C0];
	v11 =	vadd.f32 v11, v12  }
0x2bf: {  	v5 =	vadd.f32 v2, v5;
	v6 =	vadd.f32 v4, v6;
	v12 =	vld [tilespmem:s25+$0x1D0]  }
0x2c0: {  	v10 =	vadd.f32 v15, v10;
	v2 =	vld [tilespmem:s25+$0x180];
	v9 =	vadd.f32 v9, v11  }
0x2c1: {  	v27 =	vadd.f32 v1, v5;
	v30 =	vadd.f32 v3, v6;
	v4 =	vld [tilespmem:s25+$0x190]  }
0x2c2: {  	v28 =	vadd.f32 v13, v10;
	v5 =	vld [tilespmem:s25+$0x140];
	v29 =	vadd.f32 v7, v9  }
0x2c3: {  	v6 =	vld [tilespmem:s25+$0x150];
	v1 =	vmov v8  }
0x2c4: {  	v7 =	vld [tilespmem:s25+$0x100];
	v3 =	vmov v12  }
0x2c5: {  	v8 =	vld [tilespmem:s25+$0x110]  }
0x2c6: {  	v9 =	vld [tilespmem:s25+$0xC0]  }
0x2c7: {  	v10 =	vld [tilespmem:s25+$0xD0]  }
0x2c8: {  	v11 =	vld [tilespmem:s25+$0x80]  }
0x2c9: {  	v12 =	vld [tilespmem:s25+$0x90]  }
0x2ca: {  	v13 =	vld [tilespmem:s25+$0x40]  }
0x2cb: {  	v14 =	vld [tilespmem:s25+$0x50]  }
0x2cc: {  	v15 =	vld [tilespmem:s25+$0x0]  }
0x2cd: {  	v16 =	vld [tilespmem:s25+$0x10]  }
0x2ce: {  	v17 =	vld [tilespmem:s25+$0xFFFFFFC0]  }
0x2cf: {  	v18 =	vld [tilespmem:s25+$0xFFFFFFD0]  }
0x2d0: {  	v19 =	vld [tilespmem:s25+$0xFFFFFF80]  }
0x2d1: {  	v20 =	vld [tilespmem:s25+$0xFFFFFF90]  }
0x2d2: {  	v21 =	vld [tilespmem:s25+$0xFFFFFF40]  }
0x2d3: {  	v22 =	vld [tilespmem:s25+$0xFFFFFF50]  }
0x2d4: {  	v23 =	vld [tilespmem:s25+$0xFFFFFF00]  }
0x2d5: {  	v24 =	vld [tilespmem:s25+$0xFFFFFF10]  }
0x2d6: {  	v25 =	vld [tilespmem:s25+$0xFFFFFEC0]  }
0x2d7: {  	v26 =	vld [tilespmem:s25+$0xFFFFFED0]  }
0x2d8: {  	v31 =	vld [tilespmem:s25+$0xFFFFFE80]  }
0x2d9: {  	v32 =	vld [tilespmem:s25+$0xFFFFFE90]  }
0x2da: {  	v33 =	vld [tilespmem:s25+$0xFFFFFE40]  }
.Ltmp24:
0x2db: {  	v34 =	vld [tilespmem:s25+$0xFFFFFE50];
	(pc) =	sbr.rel @p1 .LBB2_33-.Ltmp24, $4  }
0x2dc: {  	v35 =	vld [tilespmem:s25+$0xFFFFFE00]  }
0x2dd: {  	v36 =	vld [tilespmem:s25+$0xFFFFFE10]  }
0x2de: {  	v37 =	vld [tilespmem:s25+$0xFFFFFE20]  }
0x2df: {  	s24 =	sadd.s32 $0xFFFFFFFF, s24;
	v38 =	vld [tilespmem:s25+$0xFFFFFE30]  }
.LBB2_34:
0x2e0: {  	v39 =	vld [tilespmem:s25+$0xFFFFFE60]  }
0x2e1: {  	v40 =	vld [tilespmem:s25+$0xFFFFFE70]  }
0x2e2: {  	v41 =	vld [tilespmem:s25+$0xFFFFFEA0]  }
0x2e3: {  	v50 =	vld [tilespmem:s25+$0xFFFFFEB0];
	v27 =	vadd.f32 v35, v27;
	v30 =	vadd.f32 v36, v30  }
0x2e4: {  	v51 =	vld [tilespmem:s25+$0xFFFFFEE0];
	v28 =	vadd.f32 v37, v28;
	v29 =	vadd.f32 v38, v29  }
0x2e5: {  	v52 =	vld [tilespmem:s25+$0xFFFFFEF0];
	v27 =	vadd.f32 v33, v27;
	v30 =	vadd.f32 v34, v30  }
0x2e6: {  	v53 =	vld [tilespmem:s25+$0xFFFFFF20];
	v28 =	vadd.f32 v39, v28;
	v29 =	vadd.f32 v40, v29  }
0x2e7: {  	v54 =	vld [tilespmem:s25+$0xFFFFFF30];
	v27 =	vadd.f32 v31, v27;
	v30 =	vadd.f32 v32, v30  }
0x2e8: {  	v55 =	vld [tilespmem:s25+$0xFFFFFF60];
	v28 =	vadd.f32 v41, v28;
	v29 =	vadd.f32 v50, v29  }
0x2e9: {  	v56 =	vld [tilespmem:s25+$0xFFFFFF70];
	v25 =	vadd.f32 v25, v27;
	v26 =	vadd.f32 v26, v30  }
0x2ea: {  	v57 =	vld [tilespmem:s25+$0xFFFFFFA0];
	v28 =	vadd.f32 v51, v28;
	v29 =	vadd.f32 v52, v29  }
0x2eb: {  	v58 =	vld [tilespmem:s25+$0xFFFFFFB0];
	v23 =	vadd.f32 v23, v25;
	v24 =	vadd.f32 v24, v26  }
0x2ec: {  	v61 =	vld [tilespmem:s25+$0xFFFFFFE0];
	v59 =	vadd.f32 v53, v28;
	v60 =	vadd.f32 v54, v29  }
0x2ed: {  	v62 =	vld [tilespmem:s25+$0xFFFFFFF0];
	v21 =	vadd.f32 v21, v23;
	v22 =	vadd.f32 v22, v24  }
0x2ee: {  	v33 =	vld [tilespmem:s25+$0x30];
	v63 =	vadd.f32 v55, v59;
	v31 =	vadd.f32 v56, v60  }
0x2ef: {  	v32 =	vld [tilespmem:s25+$0x20];
	v19 =	vadd.f32 v19, v21;
	v20 =	vadd.f32 v20, v22  }
0x2f0: {  	v36 =	vld [tilespmem:s25+$0x60];
	v34 =	vadd.f32 v57, v63;
	v35 =	vadd.f32 v58, v31  }
0x2f1: {  	v37 =	vld [tilespmem:s25+$0x70];
	v17 =	vadd.f32 v17, v19;
	v18 =	vadd.f32 v18, v20  }
0x2f2: {  	v40 =	vld [tilespmem:s25+$0xA0];
	v38 =	vadd.f32 v61, v34;
	v39 =	vadd.f32 v62, v35  }
0x2f3: {  	v41 =	vld [tilespmem:s25+$0xB0];
	v15 =	vadd.f32 v15, v17;
	v16 =	vadd.f32 v16, v18  }
0x2f4: {  	v44 =	vld [tilespmem:s25+$0xE0];
	v42 =	vadd.f32 v32, v38;
	v43 =	vadd.f32 v33, v39  }
0x2f5: {  	v45 =	vld [tilespmem:s25+$0xF0];
	v13 =	vadd.f32 v13, v15;
	v14 =	vadd.f32 v14, v16  }
0x2f6: {  	v48 =	vld [tilespmem:s25+$0x120];
	v46 =	vadd.f32 v36, v42;
	v47 =	vadd.f32 v37, v43  }
0x2f7: {  	v49 =	vld [tilespmem:s25+$0x130];
	v11 =	vadd.f32 v11, v13;
	v12 =	vadd.f32 v12, v14  }
0x2f8: {  	v52 =	vld [tilespmem:s25+$0x160];
	v50 =	vadd.f32 v40, v46;
	v51 =	vadd.f32 v41, v47  }
0x2f9: {  	v53 =	vld [tilespmem:s25+$0x170];
	v9 =	vadd.f32 v9, v11;
	v10 =	vadd.f32 v10, v12  }
0x2fa: {  	v56 =	vld [tilespmem:s25+$0x1A0];
	v54 =	vadd.f32 v44, v50;
	v55 =	vadd.f32 v45, v51  }
0x2fb: {  	v57 =	vld [tilespmem:s25+$0x1B0];
	v7 =	vadd.f32 v7, v9;
	v8 =	vadd.f32 v8, v10  }
0x2fc: {  	v60 =	vld [tilespmem:s25+$0x1E0];
	v58 =	vadd.f32 v48, v54;
	v59 =	vadd.f32 v49, v55  }
0x2fd: {  	v5 =	vadd.f32 v5, v7;
	v7 =	vld [tilespmem:s25+$0x1F0];
	v6 =	vadd.f32 v6, v8  }
.Ltmp25:
0x2fe: {  	v61 =	vadd.f32 v52, v58;
	v62 =	vadd.f32 v53, v59;
	(pc) =	sbr.rel .LBB2_35-.Ltmp25, $4  }
0x2ff: {  	v2 =	vadd.f32 v2, v5;
	v5 =	vadd.f32 v4, v6  }
0x300: {  	v6 =	vadd.f32 v56, v61;
	v63 =	vadd.f32 v57, v62  }
0x301: {  	v4 =	vadd.f32 v1, v2;
	v3 =	vadd.f32 v3, v5  }
0x302: {  	v2 =	vadd.f32 v60, v6;
	v1 =	vadd.f32 v7, v63  }
.LBB2_13:
.Ltmp26:
0x303: {  	(pc) =	sbr.rel .LBB2_17-.Ltmp26, $2  }
0x304: {  	_ =	sdelay $0x2  }
0x305: {  	s22 =	simm.s32 $0x4EC0  }
.LBB2_26:
.Ltmp27:
0x306: {  	(pc) =	sbr.rel .LBB2_30-.Ltmp27, $2  }
0x307: {  	_ =	sdelay $0x2  }
0x308: {  	s25 =	simm.s32 $0x1AC0  }
.LBB2_15:
.Ltmp28:
0x309: {  	(pc) =	sbr.rel .LBB2_17-.Ltmp28, $2  }
0x30a: {  	_ =	sdelay $0x2  }
0x30b: {  	s22 =	simm.s32 $0x4EC0  }
.LBB2_28:
.Ltmp29:
0x30c: {  	(pc) =	sbr.rel .LBB2_30-.Ltmp29, $2  }
0x30d: {  	_ =	sdelay $0x2  }
0x30e: {  	s25 =	simm.s32 $0x1AC0  }
.LBB2_36:
0x30f: {  	v1 =	vld [tilespmem:$0x1838];
	_ =	sdelay $0x4  }
0x310: {  	vm2 =	vgt.s32 v1, $0x0  }
0x311: {  	v2 =	vsel vm2, $0x1, v0  }
0x312: {  	(xrf0) =	vadd.scan.msk.s32 $0xffff, v2;
	_ =	sdelay $0x5  }
0x313: {  	v2, _, _ =	vpop (xrf0)  }
0x314: {  	(v2sf) =	vpush v2, $0xF;
	_ =	sdelay $0x7  }
0x315: {  	s20 =	simm.s32 $0x19E0  }
0x316: {  	[tilespmem:s20+$0x0] =	vst.msk vm2, v1  }
0x317: {  	v1 =	vld [tilespmem:$0x1848];
	_ =	sdelay $0x4  }
0x318: {  	vm2 =	vgt.s32 v1, $0x0;
	s18 =	spop (v2sf)  }
0x319: {  	[tilespmem:s18+$0x19E0] =	vst.msk vm2, v1;
	v1 =	vsel vm2, $0x1, v0  }
0x31a: {  	(xrf0) =	vadd.scan.msk.s32 $0xffff, v1;
	v1 =	vld [tilespmem:$0x1858];
	_ =	sdelay $0x4  }
0x31b: {  	vm2 =	vgt.s32 v1, $0x0  }
0x31c: {  	v2, _, _ =	vpop (xrf0);
	v3 =	vsel vm2, $0x1, v0  }
0x31d: {  	(v2sf) =	vpush v2, $0xF;
	(xrf0) =	vadd.scan.msk.s32 $0xffff, v3;
	_ =	sdelay $0x5  }
0x31e: {  	v2, _, _ =	vpop (xrf0)  }
0x31f: {  	(v2sf) =	vpush v2, $0xF;
	_ =	sdelay $0x7  }
0x320: {  	s19 =	spop (v2sf)  }
0x321: {  	s18 =	sadd.s32 s18, s19  }
0x322: {  	[tilespmem:s18+$0x19E0] =	vst.msk vm2, v1  }
0x323: {  	v1 =	vld [tilespmem:$0x1868];
	_ =	sdelay $0x3  }
0x324: {  	s30 =	spop (v2sf)  }
0x325: {  	s18 =	sadd.s32 s18, s30;
	vm2 =	vgt.s32 v1, $0x0  }
0x326: {  	[tilespmem:s18+$0x19E0] =	vst.msk vm2, v1;
	v1 =	vsel vm2, $0x1, v0  }
0x327: {  	(xrf0) =	vadd.scan.msk.s32 $0xffff, v1;
	v1 =	vld [tilespmem:$0x1878];
	_ =	sdelay $0x4  }
0x328: {  	vm2 =	vgt.s32 v1, $0x0  }
0x329: {  	v2, _, _ =	vpop (xrf0);
	v3 =	vsel vm2, $0x1, v0  }
0x32a: {  	(v2sf) =	vpush v2, $0xF;
	(xrf0) =	vadd.scan.msk.s32 $0xffff, v3;
	_ =	sdelay $0x5  }
0x32b: {  	v2, _, _ =	vpop (xrf0)  }
0x32c: {  	(v2sf) =	vpush v2, $0xF;
	_ =	sdelay $0x7  }
0x32d: {  	s31 =	spop (v2sf)  }
0x32e: {  	s18 =	sadd.s32 s18, s31  }
0x32f: {  	[tilespmem:s18+$0x19E0] =	vst.msk vm2, v1  }
0x330: {  	v1 =	vld [tilespmem:$0x1888];
	_ =	sdelay $0x3  }
0x331: {  	s21 =	spop (v2sf)  }
0x332: {  	s18 =	sadd.s32 s18, s21;
	vm2 =	vgt.s32 v1, $0x0  }
0x333: {  	[tilespmem:s18+$0x19E0] =	vst.msk vm2, v1;
	v1 =	vsel vm2, $0x1, v0  }
0x334: {  	(xrf0) =	vadd.scan.msk.s32 $0xffff, v1;
	v1 =	vld [tilespmem:$0x1898];
	_ =	sdelay $0x4  }
0x335: {  	vm2 =	vgt.s32 v1, $0x0  }
0x336: {  	v2, _, _ =	vpop (xrf0);
	v3 =	vsel vm2, $0x1, v0  }
0x337: {  	(v2sf) =	vpush v2, $0xF;
	(xrf0) =	vadd.scan.msk.s32 $0xffff, v3;
	_ =	sdelay $0x5  }
0x338: {  	v2, _, _ =	vpop (xrf0)  }
0x339: {  	(v2sf) =	vpush v2, $0xF;
	_ =	sdelay $0x7  }
0x33a: {  	s23 =	spop (v2sf)  }
0x33b: {  	s18 =	sadd.s32 s18, s23  }
0x33c: {  	[tilespmem:s18+$0x19E0] =	vst.msk vm2, v1  }
0x33d: {  	v1 =	vld [tilespmem:$0x18A8];
	_ =	sdelay $0x3  }
0x33e: {  	s24 =	spop (v2sf)  }
0x33f: {  	s18 =	sadd.s32 s18, s24;
	vm2 =	vgt.s32 v1, $0x0  }
0x340: {  	[tilespmem:s18+$0x19E0] =	vst.msk vm2, v1;
	v1 =	vsel vm2, $0x1, v0  }
0x341: {  	(xrf0) =	vadd.scan.msk.s32 $0xffff, v1;
	v1 =	vld [tilespmem:$0x18B8];
	_ =	sdelay $0x4  }
0x342: {  	vm2 =	vgt.s32 v1, $0x0  }
0x343: {  	v2, _, _ =	vpop (xrf0);
	v3 =	vsel vm2, $0x1, v0  }
0x344: {  	(v2sf) =	vpush v2, $0xF;
	(xrf0) =	vadd.scan.msk.s32 $0xffff, v3;
	_ =	sdelay $0x5  }
0x345: {  	v2, _, _ =	vpop (xrf0)  }
0x346: {  	(v2sf) =	vpush v2, $0xF;
	_ =	sdelay $0x7  }
0x347: {  	s25 =	spop (v2sf)  }
0x348: {  	s18 =	sadd.s32 s18, s25  }
0x349: {  	[tilespmem:s18+$0x19E0] =	vst.msk vm2, v1  }
0x34a: {  	v1 =	vld [tilespmem:$0x18C8];
	_ =	sdelay $0x3  }
0x34b: {  	s26 =	spop (v2sf)  }
0x34c: {  	s18 =	sadd.s32 s18, s26;
	vm2 =	vgt.s32 v1, $0x0  }
0x34d: {  	[tilespmem:s18+$0x19E0] =	vst.msk vm2, v1;
	v1 =	vsel vm2, $0x1, v0  }
0x34e: {  	(xrf0) =	vadd.scan.msk.s32 $0xffff, v1;
	v1 =	vld [tilespmem:$0x18D8];
	_ =	sdelay $0x4  }
0x34f: {  	vm2 =	vgt.s32 v1, $0x0  }
0x350: {  	v2, _, _ =	vpop (xrf0);
	v3 =	vsel vm2, $0x1, v0  }
0x351: {  	(v2sf) =	vpush v2, $0xF;
	(xrf0) =	vadd.scan.msk.s32 $0xffff, v3;
	_ =	sdelay $0x5  }
0x352: {  	v2, _, _ =	vpop (xrf0)  }
0x353: {  	(v2sf) =	vpush v2, $0xF;
	_ =	sdelay $0x7  }
0x354: {  	s28 =	spop (v2sf)  }
0x355: {  	s18 =	sadd.s32 s18, s28  }
0x356: {  	[tilespmem:s18+$0x19E0] =	vst.msk vm2, v1  }
0x357: {  	v1 =	vld [tilespmem:$0x18E8];
	_ =	sdelay $0x3  }
0x358: {  	s29 =	spop (v2sf)  }
0x359: {  	s18 =	sadd.s32 s18, s29;
	vm2 =	vgt.s32 v1, $0x0  }
0x35a: {  	[tilespmem:s18+$0x19E0] =	vst.msk vm2, v1  }
0x35b: {  	v1 =	vld [tilespmem:$0x18F0];
	_ =	sdelay $0x4  }
0x35c: {  	vm3 =	vgt.s32 v1, $0x0  }
0x35d: {  	v2 =	vsel vm2, $0x1, v0;
	vm2 =	vmand vm3, vm0  }
0x35e: {  	(xrf0) =	vadd.scan.msk.s32 $0xffff, v2;
	v2 =	vsel vm2, $0x1, v0  }
0x35f: {  	(xrf0) =	vadd.scan.msk.s32 $0xffff, v2;
	_ =	sdelay $0x4  }
0x360: {  	v2, _, _ =	vpop (xrf0)  }
0x361: {  	(v2sf) =	vpush v2, $0xF;
	v2, _, _ =	vpop (xrf0)  }
0x362: {  	(v2sf) =	vpush v2, $0xF;
	_ =	sdelay $0xd  }
0x363: {  	s30 =	spop (v2sf)  }
0x364: {  	s21 =	sadd.s32 s18, s30;
	s31 =	spop (v2sf)  }
0x365: {  	s23 =	sadd.s32 s21, s31  }
0x366: {  	s18 =	sadd.s32 $0xF, s23  }
0x367: {  	s19 =	sshra.s32 s18, $0x4  }
0x368: {  	p1 =	sgt.s32 s19, $0x0  }
.Ltmp30:
0x369: {  	_ = 	snop;
	(pc) =	sbr.rel @!p1 .LBB2_37-.Ltmp30, $3  }
0x36a: {  	_ =	sdelay $0x1  }
0x36b: {  	[tilespmem:s21+$0x19E0] =	vst.msk vm2, v1  }
0x36c: {  	s21 =	simm.s32 $0x4EC0;
	[tilespmem:s23+$0x19E0] =	vst v0  }
0x36d: {  	p2 =	seq.s32 s19, $0x1  }
.Ltmp31:
0x36e: {  	_ = 	snop;
	(pc) =	sbr.rel @p2 .LBB2_50-.Ltmp31, $2  }
0x36f: {  	_ =	sdelay $0x2  }
0x370: {  	v1 =	vld [tilespmem:s20+$0x0];
	s24 =	sadd.s32 $0xFFFFFFFF, s19;
	p1 =	por $0x0, $0x0  }
0x371: {  	_ =	sdelay $0x3  }
0x372: {  	p2 =	seq.s32 s24, $0x1  }
.Ltmp32:
0x373: {  	_ = 	snop;
	(pc) =	sbr.rel @p2 .LBB2_52-.Ltmp32, $4  }
0x374: {  	_ = 	snop  }
0x375: {  	s23 =	sadd.s32 $0x10, s20  }
0x376: {  	[tilespmem:s21], [sflag:$0x2] =	stream.indirect_vreg.gather [hbm4b:s5+s2], $0x40, v1, vm1, $0xb8;
	[tilespmem:$0x8B00] =	vst v63  }
0x377: {  	s24 =	sadd.s32 $0xFFFFFFFF, s24;
	p1 =	por $0x1, $0x1;
	s20 =	simm.s32 $0x4EC0;
	v1 =	vld [tilespmem:s23+$0x0]  }
.LBB2_53:
0x378: {  	p2 =	seq.s32 s24, $0x1;
	_ =	sdelay $0x3  }
.Ltmp33:
0x379: {  	(pc) =	sbr.rel @!p2 .LBB2_53-.Ltmp33, $4  }
0x37a: {  	_ = 	snop  }
0x37b: {  	s23 =	sadd.s32 $0x10, s23;
	s20 =	sadd.s32 $0x400, s20  }
0x37c: {  	[tilespmem:s20], [sflag:$0x2] =	stream.indirect_vreg.gather [hbm4b:s5+s2], $0x40, v1, vm1, $0xb8;
	[tilespmem:$0x8B00] =	vst v63  }
0x37d: {  	s24 =	sadd.s32 $0xFFFFFFFF, s24;
	v1 =	vld [tilespmem:s23+$0x0]  }
.LBB2_54:
0x37e: {  	_ =	sdelay $0x5  }
0x37f: {  	s20 =	sadd.s32 @p1 $0x400, s20  }
0x380: {  	s21 =	smov.u32 @p1 s20  }
0x381: {  	[tilespmem:s21], [sflag:$0x2] =	stream.indirect_vreg.gather [hbm4b:s5+s2], $0x40, v1, vm1, $0xb8;
	[tilespmem:$0x8B00] =	vst v63  }
.LBB2_37:
.Ltmp34:
0x382: {  	(pc) =	sbr.rel @!p0 .LBB2_42-.Ltmp34, $3  }
0x383: {  	_ =	sdelay $0x1  }
0x384: {  	v1 =	vimm.f32 $0.0e+00;
	v2 =	vimm.f32 $0.0e+00  }
0x385: {  	s20 =	smov.u32 s17;
	v5 =	vimm.f32 $0.0e+00;
	v3 =	vimm.f32 $0.0e+00;
	v4 =	vimm.f32 $0.0e+00  }
.LBB2_38:
0x386: {  	p0 =	sne.s32 s20, $0x1  }
.Ltmp35:
0x387: {  	_ = 	snop;
	(pc) =	sbr.rel @p0 .LBB2_38-.Ltmp35, $4  }
0x388: {  	_ = 	snop  }
0x389: {  	_ =	swait.ge [sflag:s13], $0x400  }
0x38a: {  	[sflag:s13] =	ssyncset.done $0x0  }
0x38b: {  	s20 =	sadd.s32 $0xFFFFFFFF, s20;
	[sflag:s13] =	ssyncadd.s32 $0xFFFFFC00  }
0x38c: {  	s20 =	simm.s32 $0x1CC0  }
0x38d: {  	v2 =	vld [tilespmem:s20+$0x1C0]  }
0x38e: {  	v4 =	vld [tilespmem:s20+$0x1D0]  }
0x38f: {  	v3 =	vld [tilespmem:s20+$0x180]  }
0x390: {  	v5 =	vld [tilespmem:s20+$0x190]  }
0x391: {  	v6 =	vld [tilespmem:s20+$0x140]  }
0x392: {  	v7 =	vld [tilespmem:s20+$0x150]  }
0x393: {  	v8 =	vld [tilespmem:s20+$0x100]  }
0x394: {  	v9 =	vld [tilespmem:s20+$0x110]  }
0x395: {  	v10 =	vld [tilespmem:s20+$0xC0]  }
0x396: {  	v11 =	vld [tilespmem:s20+$0xD0]  }
0x397: {  	v12 =	vld [tilespmem:s20+$0x80]  }
0x398: {  	v13 =	vld [tilespmem:s20+$0x90]  }
0x399: {  	v14 =	vld [tilespmem:s20+$0x40]  }
0x39a: {  	v15 =	vld [tilespmem:s20+$0x50]  }
0x39b: {  	v16 =	vld [tilespmem:s20+$0x0]  }
0x39c: {  	v17 =	vld [tilespmem:s20+$0x10]  }
0x39d: {  	v18 =	vld [tilespmem:s20+$0xFFFFFFC0]  }
0x39e: {  	v19 =	vld [tilespmem:s20+$0xFFFFFFD0]  }
0x39f: {  	v20 =	vld [tilespmem:s20+$0xFFFFFF80]  }
0x3a0: {  	v21 =	vld [tilespmem:s20+$0xFFFFFF90]  }
0x3a1: {  	v22 =	vld [tilespmem:s20+$0xFFFFFF40]  }
0x3a2: {  	v23 =	vld [tilespmem:s20+$0xFFFFFF50]  }
0x3a3: {  	v24 =	vld [tilespmem:s20+$0xFFFFFF00]  }
0x3a4: {  	v25 =	vld [tilespmem:s20+$0xFFFFFF10]  }
0x3a5: {  	v26 =	vld [tilespmem:s20+$0xFFFFFEC0]  }
0x3a6: {  	v27 =	vld [tilespmem:s20+$0xFFFFFED0]  }
0x3a7: {  	v32 =	vld [tilespmem:s20+$0xFFFFFE80]  }
0x3a8: {  	v33 =	vld [tilespmem:s20+$0xFFFFFE90]  }
0x3a9: {  	p0 =	sne.s32 s17, $0x1;
	v34 =	vld [tilespmem:s20+$0xFFFFFE40]  }
.Ltmp36:
0x3aa: {  	v35 =	vld [tilespmem:s20+$0xFFFFFE50];
	(pc) =	sbr.rel @!p0 .LBB2_41-.Ltmp36, $4  }
0x3ab: {  	v36 =	vld [tilespmem:s20+$0xFFFFFE00]  }
0x3ac: {  	v37 =	vld [tilespmem:s20+$0xFFFFFE10]  }
0x3ad: {  	v28 =	vimm.f32 $0.0e+00;
	v38 =	vld [tilespmem:s20+$0xFFFFFE20]  }
0x3ae: {  	s17 =	sadd.s32 $0xFFFFFFFF, s17;
	v31 =	vimm.f32 $0.0e+00;
	v29 =	vimm.f32 $0.0e+00;
	v30 =	vimm.f32 $0.0e+00;
	v39 =	vld [tilespmem:s20+$0xFFFFFE30]  }
.LBB2_40:
0x3af: {  	p0 =	sne.s32 s17, $0x1;
	v40 =	vld [tilespmem:s20+$0xFFFFFE60]  }
0x3b0: {  	v41 =	vld [tilespmem:s20+$0xFFFFFE70]  }
0x3b1: {  	v42 =	vld [tilespmem:s20+$0xFFFFFEA0]  }
0x3b2: {  	v28 =	vadd.f32 v36, v28;
	v31 =	vadd.f32 v37, v31;
	v36 =	vld [tilespmem:s20+$0xFFFFFEB0]  }
0x3b3: {  	v29 =	vadd.f32 v38, v29;
	v30 =	vadd.f32 v39, v30;
	v37 =	vld [tilespmem:s20+$0xFFFFFEE0]  }
0x3b4: {  	v28 =	vadd.f32 v34, v28;
	v31 =	vadd.f32 v35, v31;
	v34 =	vld [tilespmem:s20+$0xFFFFFEF0]  }
0x3b5: {  	v29 =	vadd.f32 v40, v29;
	v30 =	vadd.f32 v41, v30;
	v35 =	vld [tilespmem:s20+$0xFFFFFF20]  }
0x3b6: {  	v28 =	vadd.f32 v32, v28;
	v31 =	vadd.f32 v33, v31;
	v32 =	vld [tilespmem:s20+$0xFFFFFF30]  }
0x3b7: {  	v29 =	vadd.f32 v42, v29;
	v30 =	vadd.f32 v36, v30;
	v33 =	vld [tilespmem:s20+$0xFFFFFF60]  }
0x3b8: {  	v26 =	vadd.f32 v26, v28;
	v27 =	vadd.f32 v27, v31;
	v28 =	vld [tilespmem:s20+$0xFFFFFF70]  }
0x3b9: {  	v29 =	vadd.f32 v37, v29;
	v30 =	vadd.f32 v34, v30;
	v31 =	vld [tilespmem:s20+$0xFFFFFFA0]  }
0x3ba: {  	v24 =	vadd.f32 v24, v26;
	v25 =	vadd.f32 v25, v27;
	v26 =	vld [tilespmem:s20+$0xFFFFFFB0]  }
0x3bb: {  	v27 =	vadd.f32 v35, v29;
	v29 =	vadd.f32 v32, v30;
	v30 =	vld [tilespmem:s20+$0xFFFFFFE0]  }
0x3bc: {  	v22 =	vadd.f32 v22, v24;
	v23 =	vadd.f32 v23, v25;
	v24 =	vld [tilespmem:s20+$0xFFFFFFF0]  }
0x3bd: {  	v25 =	vadd.f32 v33, v27;
	v27 =	vadd.f32 v28, v29;
	v28 =	vld [tilespmem:s20+$0x20]  }
0x3be: {  	v20 =	vadd.f32 v20, v22;
	v21 =	vadd.f32 v21, v23;
	v22 =	vld [tilespmem:s20+$0x30]  }
0x3bf: {  	v23 =	vadd.f32 v31, v25;
	v25 =	vadd.f32 v26, v27;
	v26 =	vld [tilespmem:s20+$0x60]  }
0x3c0: {  	v18 =	vadd.f32 v18, v20;
	v19 =	vadd.f32 v19, v21;
	v20 =	vld [tilespmem:s20+$0x70]  }
0x3c1: {  	v21 =	vadd.f32 v30, v23;
	v23 =	vadd.f32 v24, v25;
	v24 =	vld [tilespmem:s20+$0xA0]  }
0x3c2: {  	v16 =	vadd.f32 v16, v18;
	v17 =	vadd.f32 v17, v19;
	v18 =	vld [tilespmem:s20+$0xB0]  }
0x3c3: {  	v19 =	vadd.f32 v28, v21;
	v21 =	vadd.f32 v22, v23;
	v22 =	vld [tilespmem:s20+$0xE0]  }
0x3c4: {  	v14 =	vadd.f32 v14, v16;
	v15 =	vadd.f32 v15, v17;
	v16 =	vld [tilespmem:s20+$0xF0]  }
0x3c5: {  	v17 =	vadd.f32 v26, v19;
	v19 =	vadd.f32 v20, v21;
	v20 =	vld [tilespmem:s20+$0x120]  }
0x3c6: {  	v12 =	vadd.f32 v12, v14;
	v13 =	vadd.f32 v13, v15;
	v14 =	vld [tilespmem:s20+$0x130]  }
0x3c7: {  	v15 =	vadd.f32 v24, v17;
	v17 =	vadd.f32 v18, v19;
	v18 =	vld [tilespmem:s20+$0x160]  }
0x3c8: {  	v10 =	vadd.f32 v10, v12;
	v11 =	vadd.f32 v11, v13;
	v12 =	vld [tilespmem:s20+$0x170]  }
0x3c9: {  	v13 =	vadd.f32 v22, v15;
	v15 =	vadd.f32 v16, v17;
	v16 =	vld [tilespmem:s20+$0x1A0]  }
0x3ca: {  	v8 =	vadd.f32 v8, v10;
	v9 =	vadd.f32 v9, v11;
	v10 =	vld [tilespmem:s20+$0x1B0]  }
0x3cb: {  	v11 =	vadd.f32 v20, v13;
	v13 =	vadd.f32 v14, v15;
	v14 =	vld [tilespmem:s20+$0x1E0]  }
0x3cc: {  	v6 =	vadd.f32 v6, v8;
	v7 =	vadd.f32 v7, v9;
	v8 =	vld [tilespmem:s20+$0x1F0];
	s20 =	sadd.s32 $0x400, s20  }
0x3cd: {  	v11 =	vadd.f32 v18, v11;
	v9 =	vld [tilespmem:s20+$0x1C0];
	v12 =	vadd.f32 v12, v13  }
0x3ce: {  	v6 =	vadd.f32 v3, v6;
	v7 =	vadd.f32 v5, v7;
	v13 =	vld [tilespmem:s20+$0x1D0]  }
0x3cf: {  	v11 =	vadd.f32 v16, v11;
	v3 =	vld [tilespmem:s20+$0x180];
	v10 =	vadd.f32 v10, v12  }
0x3d0: {  	v28 =	vadd.f32 v2, v6;
	v31 =	vadd.f32 v4, v7;
	v5 =	vld [tilespmem:s20+$0x190]  }
0x3d1: {  	v29 =	vadd.f32 v14, v11;
	v6 =	vld [tilespmem:s20+$0x140];
	v30 =	vadd.f32 v8, v10  }
0x3d2: {  	v7 =	vld [tilespmem:s20+$0x150];
	v2 =	vmov v9  }
0x3d3: {  	v8 =	vld [tilespmem:s20+$0x100];
	v4 =	vmov v13  }
0x3d4: {  	v9 =	vld [tilespmem:s20+$0x110]  }
0x3d5: {  	v10 =	vld [tilespmem:s20+$0xC0]  }
0x3d6: {  	v11 =	vld [tilespmem:s20+$0xD0]  }
0x3d7: {  	v12 =	vld [tilespmem:s20+$0x80]  }
0x3d8: {  	v13 =	vld [tilespmem:s20+$0x90]  }
0x3d9: {  	v14 =	vld [tilespmem:s20+$0x40]  }
0x3da: {  	v15 =	vld [tilespmem:s20+$0x50]  }
0x3db: {  	v16 =	vld [tilespmem:s20+$0x0]  }
0x3dc: {  	v17 =	vld [tilespmem:s20+$0x10]  }
0x3dd: {  	v18 =	vld [tilespmem:s20+$0xFFFFFFC0]  }
0x3de: {  	v19 =	vld [tilespmem:s20+$0xFFFFFFD0]  }
0x3df: {  	v20 =	vld [tilespmem:s20+$0xFFFFFF80]  }
0x3e0: {  	v21 =	vld [tilespmem:s20+$0xFFFFFF90]  }
0x3e1: {  	v22 =	vld [tilespmem:s20+$0xFFFFFF40]  }
0x3e2: {  	v23 =	vld [tilespmem:s20+$0xFFFFFF50]  }
0x3e3: {  	v24 =	vld [tilespmem:s20+$0xFFFFFF00]  }
0x3e4: {  	v25 =	vld [tilespmem:s20+$0xFFFFFF10]  }
0x3e5: {  	v26 =	vld [tilespmem:s20+$0xFFFFFEC0]  }
0x3e6: {  	v27 =	vld [tilespmem:s20+$0xFFFFFED0]  }
0x3e7: {  	v32 =	vld [tilespmem:s20+$0xFFFFFE80]  }
0x3e8: {  	v33 =	vld [tilespmem:s20+$0xFFFFFE90]  }
0x3e9: {  	v34 =	vld [tilespmem:s20+$0xFFFFFE40]  }
.Ltmp37:
0x3ea: {  	v35 =	vld [tilespmem:s20+$0xFFFFFE50];
	(pc) =	sbr.rel @p0 .LBB2_40-.Ltmp37, $4  }
0x3eb: {  	v36 =	vld [tilespmem:s20+$0xFFFFFE00]  }
0x3ec: {  	v37 =	vld [tilespmem:s20+$0xFFFFFE10]  }
0x3ed: {  	v38 =	vld [tilespmem:s20+$0xFFFFFE20]  }
0x3ee: {  	s17 =	sadd.s32 $0xFFFFFFFF, s17;
	v39 =	vld [tilespmem:s20+$0xFFFFFE30]  }
.LBB2_41:
0x3ef: {  	v40 =	vld [tilespmem:s20+$0xFFFFFE60]  }
0x3f0: {  	v41 =	vld [tilespmem:s20+$0xFFFFFE70]  }
0x3f1: {  	v42 =	vld [tilespmem:s20+$0xFFFFFEA0]  }
0x3f2: {  	v49 =	vld [tilespmem:s20+$0xFFFFFEB0];
	v28 =	vadd.f32 v36, v28;
	v31 =	vadd.f32 v37, v31  }
0x3f3: {  	v50 =	vld [tilespmem:s20+$0xFFFFFEE0];
	v29 =	vadd.f32 v38, v29;
	v30 =	vadd.f32 v39, v30  }
0x3f4: {  	v51 =	vld [tilespmem:s20+$0xFFFFFEF0];
	v28 =	vadd.f32 v34, v28;
	v31 =	vadd.f32 v35, v31  }
0x3f5: {  	v52 =	vld [tilespmem:s20+$0xFFFFFF20];
	v29 =	vadd.f32 v40, v29;
	v30 =	vadd.f32 v41, v30  }
0x3f6: {  	v53 =	vld [tilespmem:s20+$0xFFFFFF30];
	v28 =	vadd.f32 v32, v28;
	v31 =	vadd.f32 v33, v31  }
0x3f7: {  	v54 =	vld [tilespmem:s20+$0xFFFFFF60];
	v29 =	vadd.f32 v42, v29;
	v30 =	vadd.f32 v49, v30  }
0x3f8: {  	v55 =	vld [tilespmem:s20+$0xFFFFFF70];
	v26 =	vadd.f32 v26, v28;
	v27 =	vadd.f32 v27, v31  }
0x3f9: {  	v56 =	vld [tilespmem:s20+$0xFFFFFFA0];
	v29 =	vadd.f32 v50, v29;
	v30 =	vadd.f32 v51, v30  }
0x3fa: {  	v57 =	vld [tilespmem:s20+$0xFFFFFFB0];
	v24 =	vadd.f32 v24, v26;
	v25 =	vadd.f32 v25, v27  }
0x3fb: {  	v60 =	vld [tilespmem:s20+$0xFFFFFFE0];
	v58 =	vadd.f32 v52, v29;
	v59 =	vadd.f32 v53, v30  }
0x3fc: {  	v61 =	vld [tilespmem:s20+$0xFFFFFFF0];
	v22 =	vadd.f32 v22, v24;
	v23 =	vadd.f32 v23, v25  }
0x3fd: {  	v32 =	vld [tilespmem:s20+$0x20];
	v62 =	vadd.f32 v54, v58;
	v63 =	vadd.f32 v55, v59  }
0x3fe: {  	v33 =	vld [tilespmem:s20+$0x30];
	v20 =	vadd.f32 v20, v22;
	v21 =	vadd.f32 v21, v23  }
0x3ff: {  	v36 =	vld [tilespmem:s20+$0x60];
	v34 =	vadd.f32 v56, v62;
	v35 =	vadd.f32 v57, v63  }
0x400: {  	v37 =	vld [tilespmem:s20+$0x70];
	v18 =	vadd.f32 v18, v20;
	v19 =	vadd.f32 v19, v21  }
0x401: {  	v40 =	vld [tilespmem:s20+$0xA0];
	v38 =	vadd.f32 v60, v34;
	v39 =	vadd.f32 v61, v35  }
0x402: {  	v41 =	vld [tilespmem:s20+$0xB0];
	v16 =	vadd.f32 v16, v18;
	v17 =	vadd.f32 v17, v19  }
0x403: {  	v44 =	vld [tilespmem:s20+$0xE0];
	v42 =	vadd.f32 v32, v38;
	v43 =	vadd.f32 v33, v39  }
0x404: {  	v45 =	vld [tilespmem:s20+$0xF0];
	v14 =	vadd.f32 v14, v16;
	v15 =	vadd.f32 v15, v17  }
0x405: {  	v48 =	vld [tilespmem:s20+$0x120];
	v46 =	vadd.f32 v36, v42;
	v47 =	vadd.f32 v37, v43  }
0x406: {  	v49 =	vld [tilespmem:s20+$0x130];
	v12 =	vadd.f32 v12, v14;
	v13 =	vadd.f32 v13, v15  }
0x407: {  	v52 =	vld [tilespmem:s20+$0x160];
	v50 =	vadd.f32 v40, v46;
	v51 =	vadd.f32 v41, v47  }
0x408: {  	v53 =	vld [tilespmem:s20+$0x170];
	v10 =	vadd.f32 v10, v12;
	v11 =	vadd.f32 v11, v13  }
0x409: {  	v56 =	vld [tilespmem:s20+$0x1A0];
	v54 =	vadd.f32 v44, v50;
	v55 =	vadd.f32 v45, v51  }
0x40a: {  	v57 =	vld [tilespmem:s20+$0x1B0];
	v8 =	vadd.f32 v8, v10;
	v9 =	vadd.f32 v9, v11  }
0x40b: {  	v60 =	vld [tilespmem:s20+$0x1E0];
	v58 =	vadd.f32 v48, v54;
	v59 =	vadd.f32 v49, v55  }
0x40c: {  	v61 =	vld [tilespmem:s20+$0x1F0];
	v6 =	vadd.f32 v6, v8;
	v7 =	vadd.f32 v7, v9  }
0x40d: {  	v62 =	vadd.f32 v52, v58;
	v63 =	vadd.f32 v53, v59  }
0x40e: {  	v3 =	vadd.f32 v3, v6;
	v5 =	vadd.f32 v5, v7  }
0x40f: {  	v6 =	vadd.f32 v56, v62;
	v7 =	vadd.f32 v57, v63  }
0x410: {  	v2 =	vadd.f32 v2, v3;
	v5 =	vadd.f32 v4, v5  }
0x411: {  	v3 =	vadd.f32 v60, v6;
	v4 =	vadd.f32 v61, v7  }
.LBB2_42:
0x412: {  	v6 =	vld [tilespmem:$0x8AC0]  }
0x413: {  	s17 =	sand.u32 $0xFFFFFFF0, s22;
	v7 =	vld [tilespmem:$0x8AD0]  }
0x414: {  	v8 =	vld [tilespmem:$0x8AE0];
	s17 =	ssub.s32 $0xC8, s17  }
0x415: {  	v9 =	vld [tilespmem:$0x8AF0];
	s17 =	scvt.s32.f32 s17;
	_ =	sdelay $0x1  }
0x416: {  	v6 =	vmul.f32 s17, v6  }
0x417: {  	v7 =	vmul.f32 s17, v7  }
0x418: {  	p0 =	slt.s32 s19, $0x1;
	v2 =	vadd.f32 v6, v2;
	v6 =	vmul.f32 s17, v8  }
.Ltmp38:
0x419: {  	v5 =	vadd.f32 v7, v5;
	v7 =	vmul.f32 s17, v9;
	(pc) =	sbr.rel @p0 .LBB2_47-.Ltmp38, $4  }
0x41a: {  	[tilespmem:$0x8A40] =	vst v2;
	v2 =	vadd.f32 v6, v3  }
0x41b: {  	[tilespmem:$0x8A50] =	vst v5;
	v3 =	vadd.f32 v7, v4  }
0x41c: {  	[tilespmem:$0x8A60] =	vst v2  }
0x41d: {  	s17 =	smov.u32 s19;
	v4 =	vimm.f32 $0.0e+00;
	[tilespmem:$0x8A70] =	vst v3;
	v2 =	vimm.f32 $0.0e+00;
	v3 =	vimm.f32 $0.0e+00  }
.LBB2_43:
0x41e: {  	p0 =	sne.s32 s17, $0x1  }
.Ltmp39:
0x41f: {  	_ = 	snop;
	(pc) =	sbr.rel @p0 .LBB2_43-.Ltmp39, $4  }
0x420: {  	_ = 	snop  }
0x421: {  	_ =	swait.ge [sflag:s14], $0x400  }
0x422: {  	[sflag:s14] =	ssyncset.done $0x0  }
0x423: {  	s17 =	sadd.s32 $0xFFFFFFFF, s17;
	[sflag:s14] =	ssyncadd.s32 $0xFFFFFC00  }
0x424: {  	s17 =	simm.s32 $0x50C0  }
0x425: {  	v1 =	vld [tilespmem:s17+$0x1C0]  }
0x426: {  	v3 =	vld [tilespmem:s17+$0x1D0]  }
0x427: {  	v2 =	vld [tilespmem:s17+$0x180]  }
0x428: {  	v4 =	vld [tilespmem:s17+$0x190]  }
0x429: {  	v5 =	vld [tilespmem:s17+$0x140]  }
0x42a: {  	v6 =	vld [tilespmem:s17+$0x150]  }
0x42b: {  	v7 =	vld [tilespmem:s17+$0x100]  }
0x42c: {  	v8 =	vld [tilespmem:s17+$0x110]  }
0x42d: {  	v9 =	vld [tilespmem:s17+$0xC0]  }
0x42e: {  	v10 =	vld [tilespmem:s17+$0xD0]  }
0x42f: {  	v11 =	vld [tilespmem:s17+$0x80]  }
0x430: {  	v12 =	vld [tilespmem:s17+$0x90]  }
0x431: {  	v13 =	vld [tilespmem:s17+$0x40]  }
0x432: {  	v14 =	vld [tilespmem:s17+$0x50]  }
0x433: {  	v15 =	vld [tilespmem:s17+$0x0]  }
0x434: {  	v16 =	vld [tilespmem:s17+$0x10]  }
0x435: {  	v17 =	vld [tilespmem:s17+$0xFFFFFFC0]  }
0x436: {  	v18 =	vld [tilespmem:s17+$0xFFFFFFD0]  }
0x437: {  	v19 =	vld [tilespmem:s17+$0xFFFFFF80]  }
0x438: {  	v20 =	vld [tilespmem:s17+$0xFFFFFF90]  }
0x439: {  	v21 =	vld [tilespmem:s17+$0xFFFFFF40]  }
0x43a: {  	v22 =	vld [tilespmem:s17+$0xFFFFFF50]  }
0x43b: {  	v23 =	vld [tilespmem:s17+$0xFFFFFF00]  }
0x43c: {  	v24 =	vld [tilespmem:s17+$0xFFFFFF10]  }
0x43d: {  	v25 =	vld [tilespmem:s17+$0xFFFFFEC0]  }
0x43e: {  	v26 =	vld [tilespmem:s17+$0xFFFFFED0]  }
0x43f: {  	v31 =	vld [tilespmem:s17+$0xFFFFFE80]  }
0x440: {  	v32 =	vld [tilespmem:s17+$0xFFFFFE90]  }
0x441: {  	p0 =	sne.s32 s19, $0x1;
	v33 =	vld [tilespmem:s17+$0xFFFFFE40]  }
.Ltmp40:
0x442: {  	v34 =	vld [tilespmem:s17+$0xFFFFFE50];
	(pc) =	sbr.rel @!p0 .LBB2_46-.Ltmp40, $4  }
0x443: {  	v35 =	vld [tilespmem:s17+$0xFFFFFE00]  }
0x444: {  	v36 =	vld [tilespmem:s17+$0xFFFFFE10]  }
0x445: {  	v27 =	vimm.f32 $0.0e+00;
	v37 =	vld [tilespmem:s17+$0xFFFFFE20]  }
0x446: {  	s19 =	sadd.s32 $0xFFFFFFFF, s19;
	v30 =	vimm.f32 $0.0e+00;
	v28 =	vimm.f32 $0.0e+00;
	v29 =	vimm.f32 $0.0e+00;
	v38 =	vld [tilespmem:s17+$0xFFFFFE30]  }
.LBB2_45:
0x447: {  	p0 =	sne.s32 s19, $0x1;
	v39 =	vld [tilespmem:s17+$0xFFFFFE60]  }
0x448: {  	v40 =	vld [tilespmem:s17+$0xFFFFFE70]  }
0x449: {  	v41 =	vld [tilespmem:s17+$0xFFFFFEA0]  }
0x44a: {  	v27 =	vadd.f32 v35, v27;
	v30 =	vadd.f32 v36, v30;
	v35 =	vld [tilespmem:s17+$0xFFFFFEB0]  }
0x44b: {  	v28 =	vadd.f32 v37, v28;
	v29 =	vadd.f32 v38, v29;
	v36 =	vld [tilespmem:s17+$0xFFFFFEE0]  }
0x44c: {  	v27 =	vadd.f32 v33, v27;
	v30 =	vadd.f32 v34, v30;
	v33 =	vld [tilespmem:s17+$0xFFFFFEF0]  }
0x44d: {  	v28 =	vadd.f32 v39, v28;
	v29 =	vadd.f32 v40, v29;
	v34 =	vld [tilespmem:s17+$0xFFFFFF20]  }
0x44e: {  	v27 =	vadd.f32 v31, v27;
	v30 =	vadd.f32 v32, v30;
	v31 =	vld [tilespmem:s17+$0xFFFFFF30]  }
0x44f: {  	v28 =	vadd.f32 v41, v28;
	v29 =	vadd.f32 v35, v29;
	v32 =	vld [tilespmem:s17+$0xFFFFFF60]  }
0x450: {  	v25 =	vadd.f32 v25, v27;
	v26 =	vadd.f32 v26, v30;
	v27 =	vld [tilespmem:s17+$0xFFFFFF70]  }
0x451: {  	v28 =	vadd.f32 v36, v28;
	v29 =	vadd.f32 v33, v29;
	v30 =	vld [tilespmem:s17+$0xFFFFFFA0]  }
0x452: {  	v23 =	vadd.f32 v23, v25;
	v24 =	vadd.f32 v24, v26;
	v25 =	vld [tilespmem:s17+$0xFFFFFFB0]  }
0x453: {  	v26 =	vadd.f32 v34, v28;
	v28 =	vadd.f32 v31, v29;
	v29 =	vld [tilespmem:s17+$0xFFFFFFE0]  }
0x454: {  	v21 =	vadd.f32 v21, v23;
	v22 =	vadd.f32 v22, v24;
	v23 =	vld [tilespmem:s17+$0xFFFFFFF0]  }
0x455: {  	v24 =	vadd.f32 v32, v26;
	v26 =	vadd.f32 v27, v28;
	v27 =	vld [tilespmem:s17+$0x20]  }
0x456: {  	v19 =	vadd.f32 v19, v21;
	v20 =	vadd.f32 v20, v22;
	v21 =	vld [tilespmem:s17+$0x30]  }
0x457: {  	v22 =	vadd.f32 v30, v24;
	v24 =	vadd.f32 v25, v26;
	v25 =	vld [tilespmem:s17+$0x60]  }
0x458: {  	v17 =	vadd.f32 v17, v19;
	v18 =	vadd.f32 v18, v20;
	v19 =	vld [tilespmem:s17+$0x70]  }
0x459: {  	v20 =	vadd.f32 v29, v22;
	v22 =	vadd.f32 v23, v24;
	v23 =	vld [tilespmem:s17+$0xA0]  }
0x45a: {  	v15 =	vadd.f32 v15, v17;
	v16 =	vadd.f32 v16, v18;
	v17 =	vld [tilespmem:s17+$0xB0]  }
0x45b: {  	v18 =	vadd.f32 v27, v20;
	v20 =	vadd.f32 v21, v22;
	v21 =	vld [tilespmem:s17+$0xE0]  }
0x45c: {  	v13 =	vadd.f32 v13, v15;
	v14 =	vadd.f32 v14, v16;
	v15 =	vld [tilespmem:s17+$0xF0]  }
0x45d: {  	v16 =	vadd.f32 v25, v18;
	v18 =	vadd.f32 v19, v20;
	v19 =	vld [tilespmem:s17+$0x120]  }
0x45e: {  	v11 =	vadd.f32 v11, v13;
	v12 =	vadd.f32 v12, v14;
	v13 =	vld [tilespmem:s17+$0x130]  }
0x45f: {  	v14 =	vadd.f32 v23, v16;
	v16 =	vadd.f32 v17, v18;
	v17 =	vld [tilespmem:s17+$0x160]  }
0x460: {  	v9 =	vadd.f32 v9, v11;
	v10 =	vadd.f32 v10, v12;
	v11 =	vld [tilespmem:s17+$0x170]  }
0x461: {  	v12 =	vadd.f32 v21, v14;
	v14 =	vadd.f32 v15, v16;
	v15 =	vld [tilespmem:s17+$0x1A0]  }
0x462: {  	v7 =	vadd.f32 v7, v9;
	v8 =	vadd.f32 v8, v10;
	v9 =	vld [tilespmem:s17+$0x1B0]  }
0x463: {  	v10 =	vadd.f32 v19, v12;
	v12 =	vadd.f32 v13, v14;
	v13 =	vld [tilespmem:s17+$0x1E0]  }
0x464: {  	v5 =	vadd.f32 v5, v7;
	v6 =	vadd.f32 v6, v8;
	v7 =	vld [tilespmem:s17+$0x1F0];
	s17 =	sadd.s32 $0x400, s17  }
0x465: {  	v10 =	vadd.f32 v17, v10;
	v8 =	vld [tilespmem:s17+$0x1C0];
	v11 =	vadd.f32 v11, v12  }
0x466: {  	v5 =	vadd.f32 v2, v5;
	v6 =	vadd.f32 v4, v6;
	v12 =	vld [tilespmem:s17+$0x1D0]  }
0x467: {  	v10 =	vadd.f32 v15, v10;
	v2 =	vld [tilespmem:s17+$0x180];
	v9 =	vadd.f32 v9, v11  }
0x468: {  	v27 =	vadd.f32 v1, v5;
	v30 =	vadd.f32 v3, v6;
	v4 =	vld [tilespmem:s17+$0x190]  }
0x469: {  	v28 =	vadd.f32 v13, v10;
	v5 =	vld [tilespmem:s17+$0x140];
	v29 =	vadd.f32 v7, v9  }
0x46a: {  	v6 =	vld [tilespmem:s17+$0x150];
	v1 =	vmov v8  }
0x46b: {  	v7 =	vld [tilespmem:s17+$0x100];
	v3 =	vmov v12  }
0x46c: {  	v8 =	vld [tilespmem:s17+$0x110]  }
0x46d: {  	v9 =	vld [tilespmem:s17+$0xC0]  }
0x46e: {  	v10 =	vld [tilespmem:s17+$0xD0]  }
0x46f: {  	v11 =	vld [tilespmem:s17+$0x80]  }
0x470: {  	v12 =	vld [tilespmem:s17+$0x90]  }
0x471: {  	v13 =	vld [tilespmem:s17+$0x40]  }
0x472: {  	v14 =	vld [tilespmem:s17+$0x50]  }
0x473: {  	v15 =	vld [tilespmem:s17+$0x0]  }
0x474: {  	v16 =	vld [tilespmem:s17+$0x10]  }
0x475: {  	v17 =	vld [tilespmem:s17+$0xFFFFFFC0]  }
0x476: {  	v18 =	vld [tilespmem:s17+$0xFFFFFFD0]  }
0x477: {  	v19 =	vld [tilespmem:s17+$0xFFFFFF80]  }
0x478: {  	v20 =	vld [tilespmem:s17+$0xFFFFFF90]  }
0x479: {  	v21 =	vld [tilespmem:s17+$0xFFFFFF40]  }
0x47a: {  	v22 =	vld [tilespmem:s17+$0xFFFFFF50]  }
0x47b: {  	v23 =	vld [tilespmem:s17+$0xFFFFFF00]  }
0x47c: {  	v24 =	vld [tilespmem:s17+$0xFFFFFF10]  }
0x47d: {  	v25 =	vld [tilespmem:s17+$0xFFFFFEC0]  }
0x47e: {  	v26 =	vld [tilespmem:s17+$0xFFFFFED0]  }
0x47f: {  	v31 =	vld [tilespmem:s17+$0xFFFFFE80]  }
0x480: {  	v32 =	vld [tilespmem:s17+$0xFFFFFE90]  }
0x481: {  	v33 =	vld [tilespmem:s17+$0xFFFFFE40]  }
.Ltmp41:
0x482: {  	v34 =	vld [tilespmem:s17+$0xFFFFFE50];
	(pc) =	sbr.rel @p0 .LBB2_45-.Ltmp41, $4  }
0x483: {  	v35 =	vld [tilespmem:s17+$0xFFFFFE00]  }
0x484: {  	v36 =	vld [tilespmem:s17+$0xFFFFFE10]  }
0x485: {  	v37 =	vld [tilespmem:s17+$0xFFFFFE20]  }
0x486: {  	s19 =	sadd.s32 $0xFFFFFFFF, s19;
	v38 =	vld [tilespmem:s17+$0xFFFFFE30]  }
.Ltmp42:
0x487: {  	_ = 	snop;
	(pc) =	sbr.rel .LBB2_46-.Ltmp42, $1  }
0x488: {  	_ =	sdelay $0x3  }
.LBB2_3:
.Ltmp43:
0x489: {  	(pc) =	sbr.rel .LBB2_7-.Ltmp43, $2  }
0x48a: {  	_ =	sdelay $0x2  }
0x48b: {  	s18 =	simm.s32 $0x1AC0  }
.LBB2_50:
.Ltmp44:
0x48c: {  	(pc) =	sbr.rel .LBB2_54-.Ltmp44, $2  }
0x48d: {  	_ =	sdelay $0x2  }
0x48e: {  	s20 =	simm.s32 $0x4EC0  }
.LBB2_5:
.Ltmp45:
0x48f: {  	(pc) =	sbr.rel .LBB2_7-.Ltmp45, $2  }
0x490: {  	_ =	sdelay $0x2  }
0x491: {  	s18 =	simm.s32 $0x1AC0  }
.LBB2_52:
.Ltmp46:
0x492: {  	(pc) =	sbr.rel .LBB2_54-.Ltmp46, $2  }
0x493: {  	_ =	sdelay $0x2  }
0x494: {  	s20 =	simm.s32 $0x4EC0  }
.LBB2_48:
0x495: {  	_ =	sfence.sel $0x180000  }
0x496: {  	[bflag:$0x0] =	sbarrier.arrive $0xFFFF  }
0x497: {  	p0 =	sne.s32 s1, $0x0;
	_ =	strace $0x90000047  }
0x498: {  	s0 =	sadd.s32 @!p0 $0x100000, s0;
	[bflag:$0x2] =	sbarrier.arrive $0xFFFF  }
0x499: {  	[sflag:s0] =	ssyncadd.tile.s32 @!p0 $0x1;
	_ =	shalt  }
.Lfunc_end2:
_tile_overlayer_lowered:
.L_overlay_start_2:
0x49a: {  	(tag) =	ssettag $0x2  }
0x49b: {  	s0 =	rddreg [dreg:$0x0];
	s2 =	stileid.u32  }
0x49c: {  	s1 =	rddreg [dreg:$0x1];
	p0 =	sne.s32 s2, $0x0  }
0x49d: {  	s3 =	rddreg [dreg:$0x2];
	[bflag:$0x3] =	sbarrier.arrive $0xFFFF;
	s2 =	simm.s32 @!p0 $0x1C03  }
0x49e: {  	[timem:s3], [sflag:s2] =	dma.local @!p0 [hbm:s0], s1  }
0x49f: {  	s0 =	simm.s32 @!p0 $0x3  }
0x4a0: {  	_ =	swait.ge @!p0 [sflag:s0], s1  }
0x4a1: {  	s1 =	ssub.s32 @!p0 $0x0, s1;
	[sflag:s0] =	ssyncset.done @!p0 $0x0  }
0x4a2: {  	[sflag:s0] =	ssyncadd.s32 @!p0 s1  }
0x4a3: {  	[bflag:$0x3] =	sbarrier.arrive $0xFFFF  }
0x4a4: {  	_ =	shalt  }

</sc_bundles>
